<compile_context>
chip_gen: v7x
topology: tpu7x:2x2x1
jax: 0.10.2.dev20260603
libtpu: 0.0.44.dev20260713+nightly
codegen_flags: <defaults>
</compile_context>

<pallas_src>
import functools

import jax
import jax.numpy as jnp
from jax import lax
from jax.experimental import pallas as pl
from jax.experimental.pallas import tpu as pltpu
from jax.experimental.pallas import tpu_sc as plsc

N = 10000
E = 160000
D = 128
L = 3

NWORKERS = 32
CH = 128
EPAD = 163840
EPW = EPAD // NWORKERS
NCHUNK = EPW // CH
NPAD = 10240
ROWS_PW = NPAD // 16

BN = 1000
GRID = N // BN



def _sc_edges_body(src_hbm, dst_hbm, ea_hbm, hw_hbm, asrc_hbm, adst_hbm, out_hbm,
              src_v, dst_v, ea_v, cf_v, rows_v, asrc_v, adst_v, acc, sem):
    cid = lax.axis_index("c")
    sid = lax.axis_index("s")
    wid = cid * 16 + sid

    def _zrow(r, carry):
        for j in range(8):
            rows_v[r, pl.ds(j * 16, 16)] = jnp.zeros((16,), jnp.float32)
        return carry
    lax.fori_loop(0, CH, _zrow, 0)

    row0 = sid * ROWS_PW
    for k in range(ROWS_PW // CH):
        pltpu.sync_copy(rows_v, acc.at[pl.ds(row0 + k * CH, CH)])

    pltpu.sync_copy(asrc_hbm, asrc_v)
    pltpu.sync_copy(adst_hbm, adst_v)
    nrow0 = wid * NCHUNK
    pltpu.sync_copy(src_hbm.at[pl.ds(nrow0, NCHUNK)], src_v)
    pltpu.sync_copy(dst_hbm.at[pl.ds(nrow0, NCHUNK)], dst_v)

    plsc.subcore_barrier()

    def _chunk(t, carry):
        pltpu.sync_copy(ea_hbm.at[nrow0 + t], ea_v)
        pltpu.async_copy(hw_hbm.at[src_v.at[t]], rows_v, sem).wait()
        for g in range(CH // 16):
            si = src_v[t, pl.ds(g * 16, 16)]
            di = dst_v[t, pl.ds(g * 16, 16)]
            z = plsc.load_gather(asrc_v, [si]) + plsc.load_gather(adst_v, [di])
            att = 1.0 / (1.0 + jnp.exp(-z))
            cf_v[pl.ds(g * 16, 16)] = ea_v[pl.ds(g * 16, 16)] * att

        def _scale(e, c2):
            cfs = plsc.load_gather(cf_v, [jnp.full((16,), e, jnp.int32)])
            for j in range(8):
                rows_v[e, pl.ds(j * 16, 16)] = rows_v[e, pl.ds(j * 16, 16)] * cfs
            return c2
        lax.fori_loop(0, CH, _scale, 0)

        pltpu.sync_copy(rows_v, acc.at[dst_v.at[t]], add=True)
        return carry
    lax.fori_loop(0, NCHUNK, _chunk, 0)

    plsc.subcore_barrier()

    for k in range(ROWS_PW // CH):
        pltpu.sync_copy(acc.at[pl.ds(row0 + k * CH, CH)], rows_v)
        pltpu.sync_copy(rows_v, out_hbm.at[cid, pl.ds(row0 + k * CH, CH)])


@functools.lru_cache(maxsize=1)
def _get_sc_edges():
    mesh = plsc.VectorSubcoreMesh(core_axis_name="c", subcore_axis_name="s")
    return pl.kernel(
        _sc_edges_body,
        mesh=mesh,
        compiler_params=pltpu.CompilerParams(needs_layout_passes=False),
        out_type=jax.ShapeDtypeStruct((2, NPAD, D), jnp.float32),
        scratch_types=[
            pltpu.VMEM((NCHUNK, CH), jnp.int32),
            pltpu.VMEM((NCHUNK, CH), jnp.int32),
            pltpu.VMEM((CH,), jnp.float32),
            pltpu.VMEM((CH,), jnp.float32),
            pltpu.VMEM((CH, D), jnp.float32),
            pltpu.VMEM((N,), jnp.float32),
            pltpu.VMEM((N,), jnp.float32),
            pltpu.VMEM_SHARED((NPAD, D), jnp.float32),
            pltpu.SemaphoreType.DMA,
        ],
    )



def _tc_in_body(x_ref, win_ref, bin_ref, wl_ref, bl_ref, wa_ref, ba_ref,
                h_ref, hw_ref, az_ref):
    h = jnp.dot(x_ref[...], win_ref[...], preferred_element_type=jnp.float32) + bin_ref[...]
    h_ref[...] = h
    hw_ref[...] = jnp.dot(h, wl_ref[...], preferred_element_type=jnp.float32) + bl_ref[...]
    az_ref[...] = jnp.dot(h, wa_ref[...], preferred_element_type=jnp.float32) + ba_ref[...]


def _ln_relu_res(h, hw, p0, p1, g, b):
    h2 = p0 + p1 + hw
    mu = jnp.mean(h2, axis=-1, keepdims=True)
    xc = h2 - mu
    var = jnp.mean(xc * xc, axis=-1, keepdims=True)
    y = xc * lax.rsqrt(var + 1e-5) * g + b
    return jnp.maximum(y, 0.0) + h


def _tc_mid_body(h_ref, hw_ref, p0_ref, p1_ref, g_ref, b_ref,
                 wl_ref, bl_ref, wa_ref, ba_ref,
                 hn_ref, hwn_ref, azn_ref):
    hn = _ln_relu_res(h_ref[...], hw_ref[...], p0_ref[0], p1_ref[0],
                      g_ref[...], b_ref[...])
    hn_ref[...] = hn
    hwn_ref[...] = jnp.dot(hn, wl_ref[...], preferred_element_type=jnp.float32) + bl_ref[...]
    azn_ref[...] = jnp.dot(hn, wa_ref[...], preferred_element_type=jnp.float32) + ba_ref[...]


def _tc_fin_body(h_ref, hw_ref, p0_ref, p1_ref, g_ref, b_ref,
                 p1w_ref, p1b_ref, p2w_ref, p2b_ref,
                 hn_ref, gout_ref, pout_ref, acc_ref):
    i = pl.program_id(0)
    hn = _ln_relu_res(h_ref[...], hw_ref[...], p0_ref[0], p1_ref[0],
                      g_ref[...], b_ref[...])
    hn_ref[...] = hn
    part = jnp.sum(hn, axis=0, keepdims=True)

    @pl.when(i == 0)
    def _():
        acc_ref[...] = part

    @pl.when(i > 0)
    def _():
        acc_ref[...] = acc_ref[...] + part

    @pl.when(i == GRID - 1)
    def _():
        g = acc_ref[...] * (1.0 / N)
        gout_ref[...] = g
        t = jnp.maximum(
            jnp.dot(g, p1w_ref[...], preferred_element_type=jnp.float32) + p1b_ref[...], 0.0)
        z = jnp.dot(t, p2w_ref[...], preferred_element_type=jnp.float32) + p2b_ref[...]
        pout_ref[...] = 1.0 / (1.0 + jnp.exp(-z))


_ROW = lambda i: (i, 0)
_FIX = lambda i: (0, 0)
_B_ROW = pl.BlockSpec((BN, D), _ROW)
_B_W = pl.BlockSpec((D, D), _FIX)
_B_B = pl.BlockSpec((1, D), _FIX)
_B_P0 = pl.BlockSpec((1, BN, D), lambda i: (0, i, 0))
_B_P1 = pl.BlockSpec((1, BN, D), lambda i: (1, i, 0))
_SDS = jax.ShapeDtypeStruct

_tc_in = pl.pallas_call(
    _tc_in_body,
    grid=(GRID,),
    in_specs=[_B_ROW, _B_W, _B_B, _B_W, _B_B, _B_W, _B_B],
    out_specs=[_B_ROW, _B_ROW, _B_ROW],
    out_shape=[_SDS((N, D), jnp.float32)] * 3,
)

_tc_mid = pl.pallas_call(
    _tc_mid_body,
    grid=(GRID,),
    in_specs=[_B_ROW, _B_ROW, _B_P0, _B_P1, _B_B, _B_B, _B_W, _B_B, _B_W, _B_B],
    out_specs=[_B_ROW, _B_ROW, _B_ROW],
    out_shape=[_SDS((N, D), jnp.float32)] * 3,
)

_tc_fin = pl.pallas_call(
    _tc_fin_body,
    grid=(GRID,),
    in_specs=[_B_ROW, _B_ROW, _B_P0, _B_P1, _B_B, _B_B, _B_W, _B_B, _B_W, _B_B],
    out_specs=[_B_ROW, _B_B, _B_B],
    out_shape=[_SDS((N, D), jnp.float32), _SDS((1, D), jnp.float32), _SDS((1, D), jnp.float32)],
    scratch_shapes=[pltpu.VMEM((1, D), jnp.float32)],
)


def kernel(x, edge_index, edge_attr, W_in, b_in, lin_W, lin_b, att_W, att_b,
           ln_g, ln_b, p1_W, p1_b, p2_W, p2_b):
    f32 = jnp.float32
    pad = EPAD - E
    src2d = jnp.concatenate([edge_index[0], jnp.zeros((pad,), jnp.int32)]).reshape(EPAD // CH, CH)
    dst2d = jnp.concatenate([edge_index[1], jnp.zeros((pad,), jnp.int32)]).reshape(EPAD // CH, CH)
    ea2d = jnp.concatenate([edge_attr, jnp.zeros((pad,), f32)]).reshape(EPAD // CH, CH)

    wa = jnp.concatenate(
        [att_W[:, :D], att_W[:, D:], jnp.zeros((L, D, D - 2), f32)], axis=2)
    ba = jnp.zeros((L, 1, D), f32).at[:, 0, 0].set(att_b[:, 0])

    H = p1_W.shape[1]
    p1w = jnp.zeros((D, D), f32).at[:, :H].set(p1_W)
    p1b = jnp.zeros((1, D), f32).at[0, :H].set(p1_b)
    p2w = jnp.zeros((D, D), f32).at[:H, :1].set(p2_W)
    p2b = jnp.zeros((1, D), f32).at[0, 0].set(p2_b[0])

    h, hw, az = _tc_in(x, W_in, b_in.reshape(1, D), lin_W[0], lin_b[0].reshape(1, D),
                       wa[0], ba[0])
    for i in range(L):
        adst = az[:, 0]
        asrc = az[:, 1]
        parts = _get_sc_edges()(src2d, dst2d, ea2d, hw, asrc, adst)
        lg = ln_g[i].reshape(1, D)
        lb = ln_b[i].reshape(1, D)
        if i < L - 1:
            h, hw, az = _tc_mid(h, hw, parts, parts, lg, lb,
                                lin_W[i + 1], lin_b[i + 1].reshape(1, D),
                                wa[i + 1], ba[i + 1])
        else:
            h, g, ppad = _tc_fin(h, hw, parts, parts, lg, lb, p1w, p1b, p2w, p2b)
    prob = ppad[:, :1]
    return (prob, h, g)

# --- scband reference (transcript-rebuilt; emitter-appended) ---
"""Pipeline reference for scband-simple-bottleneck-gnn-36498632082031 (READ-ONLY COPY).

The authoritative reference and input builder live on the scoring server;
editing this copy changes nothing except your own understanding.
"""

import jax, jax.numpy as jnp
import numpy as np

N = 10000
E = 160000
D = 128
H = D // 2
L = 3


def _layer_norm(x, g, b, eps=1e-5):
    mu = jnp.mean(x, axis=-1, keepdims=True)
    var = jnp.mean((x - mu) ** 2, axis=-1, keepdims=True)
    return (x - mu) / jnp.sqrt(var + eps) * g + b


def setup_inputs(seed: int = 0) -> dict:
    key = jax.random.key(seed)
    ks = jax.random.split(key, 16)
    s = 0.02
    inp = {}
    inp["x"] = jax.random.normal(ks[0], (N, D), dtype=jnp.float32)
    inp["edge_index"] = jax.random.randint(ks[1], (2, E), 0, N, dtype=jnp.int32)
    inp["edge_attr"] = jax.random.uniform(ks[2], (E,), dtype=jnp.float32)
    # input projection
    inp["W_in"] = s * jax.random.normal(ks[3], (D, D), dtype=jnp.float32)
    inp["b_in"] = jnp.zeros((D,), dtype=jnp.float32)
    # per-layer message passing params (stacked over L layers)
    inp["lin_W"] = s * jax.random.normal(ks[4], (L, D, D), dtype=jnp.float32)
    inp["lin_b"] = jnp.zeros((L, D), dtype=jnp.float32)
    inp["att_W"] = s * jax.random.normal(ks[5], (L, 2 * D, 1), dtype=jnp.float32)
    inp["att_b"] = jnp.zeros((L, 1), dtype=jnp.float32)
    inp["ln_g"] = jnp.ones((L, D), dtype=jnp.float32)
    inp["ln_b"] = jnp.zeros((L, D), dtype=jnp.float32)
    # bottleneck predictor
    inp["p1_W"] = s * jax.random.normal(ks[6], (D, H), dtype=jnp.float32)
    inp["p1_b"] = jnp.zeros((H,), dtype=jnp.float32)
    inp["p2_W"] = s * jax.random.normal(ks[7], (H, 1), dtype=jnp.float32)
    inp["p2_b"] = jnp.zeros((1,), dtype=jnp.float32)
    return inp


def reference(x, edge_index, edge_attr, W_in, b_in, lin_W, lin_b, att_W, att_b, ln_g, ln_b, p1_W, p1_b, p2_W, p2_b):
    src = edge_index[0]  # x_j (source / neighbor)
    dst = edge_index[1]  # x_i (target / aggregation index)
    h = x @ W_in + b_in
    for i in range(L):
        residual = h
        x_j = jnp.take(h, src, axis=0)
        x_i = jnp.take(h, dst, axis=0)
        x_cat = jnp.concatenate([x_i, x_j], axis=-1)
        att = jax.nn.sigmoid(x_cat @ att_W[i] + att_b[i])  # [E, 1]
        msg = (x_j @ lin_W[i] + lin_b[i]) * edge_attr[:, None] * att
        aggr = jax.ops.segment_sum(msg, dst, num_segments=N)
        h2 = aggr + (h @ lin_W[i] + lin_b[i])  # update: aggr_out + lin(x)
        h2 = _layer_norm(h2, ln_g[i], ln_b[i])
        h = jax.nn.relu(h2) + residual
    g = jnp.mean(h, axis=0, keepdims=True)  # [1, D]
    prob = jax.nn.sigmoid(jax.nn.relu(g @ p1_W + p1_b) @ p2_W + p2_b)  # [1, 1]
    return (prob, h, g)

if __name__ == "__main__":
    import jax
    _d = setup_inputs()
    print(jax.jit(kernel)(*tuple(_d.values())))

</pallas_src>

<mosaic_0001>
#map = affine_map<(d0, d1) -> (0, 0)>
#map1 = affine_map<(d0, d1) -> (0)>
#map2 = affine_map<(d0, d1) -> (0, 0, 0)>
module attributes {stable_mosaic.version = 14 : i64} {
  func.func @_sc_edges_body(%arg0: i32, %arg1: i32, %arg2: memref<1280x128xi32, #tpu.memory_space<hbm>>, %arg3: memref<1280x128xi32, #tpu.memory_space<hbm>>, %arg4: memref<1280x128xf32, #tpu.memory_space<hbm>>, %arg5: memref<10000x128xf32, #tpu.memory_space<hbm>>, %arg6: memref<10000xf32, #tpu.memory_space<hbm>>, %arg7: memref<10000xf32, #tpu.memory_space<hbm>>, %arg8: memref<2x10240x128xf32, #tpu.memory_space<hbm>>, %arg9: memref<40x128xi32, #tpu.memory_space<vmem>>, %arg10: memref<40x128xi32, #tpu.memory_space<vmem>>, %arg11: memref<128xf32, #tpu.memory_space<vmem>>, %arg12: memref<128xf32, #tpu.memory_space<vmem>>, %arg13: memref<128x128xf32, #tpu.memory_space<vmem>>, %arg14: memref<10000xf32, #tpu.memory_space<vmem>>, %arg15: memref<10000xf32, #tpu.memory_space<vmem>>, %arg16: memref<10240x128xf32, #tpu.memory_space<vmem_shared>>, %arg17: memref<!tpu.dma_semaphore, #tpu.memory_space<semaphore_mem>>) attributes {dimension_semantics = [#tpu.dimension_semantics<core_parallel>, #tpu.dimension_semantics<subcore_parallel>], iteration_bounds = array<i64: 2, 16>, scalar_prefetch = 0 : i64, scratch_operands = 9 : i64, tpu.core_type = #tpu.core_type<sc_vector_subcore>, window_params = [{transform_indices = #map}, {transform_indices = #map}, {transform_indices = #map}, {transform_indices = #map}, {transform_indices = #map1}, {transform_indices = #map1}, {transform_indices = #map2}]} {
    %mul3A = arith.constant 16 : i32
    %mul3A_0 = arith.muli %arg0, %mul3A : i32
    %add3A = arith.addi %mul3A_0, %arg1 : i32
    %scan3A = arith.constant 0 : i32
    %scan3A_1 = arith.constant 0 : i32
    %scan3A_2 = arith.constant 128 : i32
    %scan3A_3 = arith.addi %scan3A_1, %scan3A_2 : i32
    %scan3A_4 = arith.constant 1 : i32
    scf.for %scan3A_47 = %scan3A_1 to %scan3A_3 step %scan3A_4  : i32 {
      %broadcast_in_dim3A = arith.constant 0.000000e+00 : f32
      %broadcast_in_dim3A_48 = vector.broadcast %broadcast_in_dim3A : f32 to vector<16xf32>
      %swap3A = arith.index_cast %scan3A_47 : i32 to index
      %swap3A_49 = arith.constant 0 : index
      %swap3A_50 = tpu.vector_load %arg13[%swap3A, %swap3A_49] {strides = array<i32>} : memref<128x128xf32, #tpu.memory_space<vmem>>, vector<16xf32>,
      tpu.vector_store %arg13[%swap3A, %swap3A_49], %broadcast_in_dim3A_48 {strides = array<i32>} : memref<128x128xf32, #tpu.memory_space<vmem>>, vector<16xf32>,
      %broadcast_in_dim3A_51 = arith.constant 0.000000e+00 : f32
      %broadcast_in_dim3A_52 = vector.broadcast %broadcast_in_dim3A_51 : f32 to vector<16xf32>
      %swap3A_53 = arith.index_cast %scan3A_47 : i32 to index
      %swap3A_54 = arith.constant 16 : index
      %swap3A_55 = tpu.vector_load %arg13[%swap3A_53, %swap3A_54] {strides = array<i32>} : memref<128x128xf32, #tpu.memory_space<vmem>>, vector<16xf32>,
      tpu.vector_store %arg13[%swap3A_53, %swap3A_54], %broadcast_in_dim3A_52 {strides = array<i32>} : memref<128x128xf32, #tpu.memory_space<vmem>>, vector<16xf32>,
      %broadcast_in_dim3A_56 = arith.constant 0.000000e+00 : f32
      %broadcast_in_dim3A_57 = vector.broadcast %broadcast_in_dim3A_56 : f32 to vector<16xf32>
      %swap3A_58 = arith.index_cast %scan3A_47 : i32 to index
      %swap3A_59 = arith.constant 32 : index
      %swap3A_60 = tpu.vector_load %arg13[%swap3A_58, %swap3A_59] {strides = array<i32>} : memref<128x128xf32, #tpu.memory_space<vmem>>, vector<16xf32>,
      tpu.vector_store %arg13[%swap3A_58, %swap3A_59], %broadcast_in_dim3A_57 {strides = array<i32>} : memref<128x128xf32, #tpu.memory_space<vmem>>, vector<16xf32>,
      %broadcast_in_dim3A_61 = arith.constant 0.000000e+00 : f32
      %broadcast_in_dim3A_62 = vector.broadcast %broadcast_in_dim3A_61 : f32 to vector<16xf32>
      %swap3A_63 = arith.index_cast %scan3A_47 : i32 to index
      %swap3A_64 = arith.constant 48 : index
      %swap3A_65 = tpu.vector_load %arg13[%swap3A_63, %swap3A_64] {strides = array<i32>} : memref<128x128xf32, #tpu.memory_space<vmem>>, vector<16xf32>,
      tpu.vector_store %arg13[%swap3A_63, %swap3A_64], %broadcast_in_dim3A_62 {strides = array<i32>} : memref<128x128xf32, #tpu.memory_space<vmem>>, vector<16xf32>,
      %broadcast_in_dim3A_66 = arith.constant 0.000000e+00 : f32
      %broadcast_in_dim3A_67 = vector.broadcast %broadcast_in_dim3A_66 : f32 to vector<16xf32>
      %swap3A_68 = arith.index_cast %scan3A_47 : i32 to index
      %swap3A_69 = arith.constant 64 : index
      %swap3A_70 = tpu.vector_load %arg13[%swap3A_68, %swap3A_69] {strides = array<i32>} : memref<128x128xf32, #tpu.memory_space<vmem>>, vector<16xf32>,
      tpu.vector_store %arg13[%swap3A_68, %swap3A_69], %broadcast_in_dim3A_67 {strides = array<i32>} : memref<128x128xf32, #tpu.memory_space<vmem>>, vector<16xf32>,
      %broadcast_in_dim3A_71 = arith.constant 0.000000e+00 : f32
      %broadcast_in_dim3A_72 = vector.broadcast %broadcast_in_dim3A_71 : f32 to vector<16xf32>
      %swap3A_73 = arith.index_cast %scan3A_47 : i32 to index
      %swap3A_74 = arith.constant 80 : index
      %swap3A_75 = tpu.vector_load %arg13[%swap3A_73, %swap3A_74] {strides = array<i32>} : memref<128x128xf32, #tpu.memory_space<vmem>>, vector<16xf32>,
      tpu.vector_store %arg13[%swap3A_73, %swap3A_74], %broadcast_in_dim3A_72 {strides = array<i32>} : memref<128x128xf32, #tpu.memory_space<vmem>>, vector<16xf32>,
      %broadcast_in_dim3A_76 = arith.constant 0.000000e+00 : f32
      %broadcast_in_dim3A_77 = vector.broadcast %broadcast_in_dim3A_76 : f32 to vector<16xf32>
      %swap3A_78 = arith.index_cast %scan3A_47 : i32 to index
      %swap3A_79 = arith.constant 96 : index
      %swap3A_80 = tpu.vector_load %arg13[%swap3A_78, %swap3A_79] {strides = array<i32>} : memref<128x128xf32, #tpu.memory_space<vmem>>, vector<16xf32>,
      tpu.vector_store %arg13[%swap3A_78, %swap3A_79], %broadcast_in_dim3A_77 {strides = array<i32>} : memref<128x128xf32, #tpu.memory_space<vmem>>, vector<16xf32>,
      %broadcast_in_dim3A_81 = arith.constant 0.000000e+00 : f32
      %broadcast_in_dim3A_82 = vector.broadcast %broadcast_in_dim3A_81 : f32 to vector<16xf32>
      %swap3A_83 = arith.index_cast %scan3A_47 : i32 to index
      %swap3A_84 = arith.constant 112 : index
      %swap3A_85 = tpu.vector_load %arg13[%swap3A_83, %swap3A_84] {strides = array<i32>} : memref<128x128xf32, #tpu.memory_space<vmem>>, vector<16xf32>,
      tpu.vector_store %arg13[%swap3A_83, %swap3A_84], %broadcast_in_dim3A_82 {strides = array<i32>} : memref<128x128xf32, #tpu.memory_space<vmem>>, vector<16xf32>,
    }
    %scan3A_5 = arith.constant 128 : i32
    %mul3A_6 = arith.constant 640 : i32
    %mul3A_7 = arith.muli %arg1, %mul3A_6 : i32
    %add3A_8 = arith.constant 0 : i32
    %add3A_9 = arith.addi %mul3A_7, %add3A_8 : i32
    "tpu.region"() ({
      %run_scoped3A = tpu.sem_alloc : memref<!tpu.dma_semaphore, #tpu.memory_space<semaphore_mem>>
      %dma_start3A = arith.constant 0 : i32
      %dma_start3A_47 = tpu.memref_slice %arg16[%add3A_9, %dma_start3A] : memref<10240x128xf32, #tpu.memory_space<vmem_shared>> -> memref<128x128xf32, #tpu.memory_space<vmem_shared>>
      %dma_start3A_48 = arith.constant 0 : i32
      %dma_start3A_49 = tpu.memref_slice %arg16[%add3A_9, %dma_start3A_48] : memref<10240x128xf32, #tpu.memory_space<vmem_shared>> -> memref<128x128xf32, #tpu.memory_space<vmem_shared>>
      tpu.enqueue_dma source(%arg13 : memref<128x128xf32, #tpu.memory_space<vmem>>) target(%dma_start3A_49 : memref<128x128xf32, #tpu.memory_space<vmem_shared>>) target_semaphore(%run_scoped3A : memref<!tpu.dma_semaphore, #tpu.memory_space<semaphore_mem>>)
      %dma_wait3A = arith.constant 0 : i32
      %dma_wait3A_50 = tpu.memref_slice %arg16[%add3A_9, %dma_wait3A] : memref<10240x128xf32, #tpu.memory_space<vmem_shared>> -> memref<128x128xf32, #tpu.memory_space<vmem_shared>>
      %dma_wait3A_51 = arith.constant 0 : i32
      %dma_wait3A_52 = tpu.memref_slice %arg16[%add3A_9, %dma_wait3A_51] : memref<10240x128xf32, #tpu.memory_space<vmem_shared>> -> memref<128x128xf32, #tpu.memory_space<vmem_shared>>
      tpu.wait_dma2 semaphore(%run_scoped3A : memref<!tpu.dma_semaphore, #tpu.memory_space<semaphore_mem>>) src(%arg13 : memref<128x128xf32, #tpu.memory_space<vmem>>) dst(%dma_wait3A_52 : memref<128x128xf32, #tpu.memory_space<vmem_shared>>)
      tpu.yield
    }) : () -> ()
    %add3A_10 = arith.constant 128 : i32
    %add3A_11 = arith.addi %mul3A_7, %add3A_10 : i32
    "tpu.region"() ({
      %run_scoped3A = tpu.sem_alloc : memref<!tpu.dma_semaphore, #tpu.memory_space<semaphore_mem>>
      %dma_start3A = arith.constant 0 : i32
      %dma_start3A_47 = tpu.memref_slice %arg16[%add3A_11, %dma_start3A] : memref<10240x128xf32, #tpu.memory_space<vmem_shared>> -> memref<128x128xf32, #tpu.memory_space<vmem_shared>>
      %dma_start3A_48 = arith.constant 0 : i32
      %dma_start3A_49 = tpu.memref_slice %arg16[%add3A_11, %dma_start3A_48] : memref<10240x128xf32, #tpu.memory_space<vmem_shared>> -> memref<128x128xf32, #tpu.memory_space<vmem_shared>>
      tpu.enqueue_dma source(%arg13 : memref<128x128xf32, #tpu.memory_space<vmem>>) target(%dma_start3A_49 : memref<128x128xf32, #tpu.memory_space<vmem_shared>>) target_semaphore(%run_scoped3A : memref<!tpu.dma_semaphore, #tpu.memory_space<semaphore_mem>>)
      %dma_wait3A = arith.constant 0 : i32
      %dma_wait3A_50 = tpu.memref_slice %arg16[%add3A_11, %dma_wait3A] : memref<10240x128xf32, #tpu.memory_space<vmem_shared>> -> memref<128x128xf32, #tpu.memory_space<vmem_shared>>
      %dma_wait3A_51 = arith.constant 0 : i32
      %dma_wait3A_52 = tpu.memref_slice %arg16[%add3A_11, %dma_wait3A_51] : memref<10240x128xf32, #tpu.memory_space<vmem_shared>> -> memref<128x128xf32, #tpu.memory_space<vmem_shared>>
      tpu.wait_dma2 semaphore(%run_scoped3A : memref<!tpu.dma_semaphore, #tpu.memory_space<semaphore_mem>>) src(%arg13 : memref<128x128xf32, #tpu.memory_space<vmem>>) dst(%dma_wait3A_52 : memref<128x128xf32, #tpu.memory_space<vmem_shared>>)
      tpu.yield
    }) : () -> ()
    %add3A_12 = arith.constant 256 : i32
    %add3A_13 = arith.addi %mul3A_7, %add3A_12 : i32
    "tpu.region"() ({
      %run_scoped3A = tpu.sem_alloc : memref<!tpu.dma_semaphore, #tpu.memory_space<semaphore_mem>>
      %dma_start3A = arith.constant 0 : i32
      %dma_start3A_47 = tpu.memref_slice %arg16[%add3A_13, %dma_start3A] : memref<10240x128xf32, #tpu.memory_space<vmem_shared>> -> memref<128x128xf32, #tpu.memory_space<vmem_shared>>
      %dma_start3A_48 = arith.constant 0 : i32
      %dma_start3A_49 = tpu.memref_slice %arg16[%add3A_13, %dma_start3A_48] : memref<10240x128xf32, #tpu.memory_space<vmem_shared>> -> memref<128x128xf32, #tpu.memory_space<vmem_shared>>
      tpu.enqueue_dma source(%arg13 : memref<128x128xf32, #tpu.memory_space<vmem>>) target(%dma_start3A_49 : memref<128x128xf32, #tpu.memory_space<vmem_shared>>) target_semaphore(%run_scoped3A : memref<!tpu.dma_semaphore, #tpu.memory_space<semaphore_mem>>)
      %dma_wait3A = arith.constant 0 : i32
      %dma_wait3A_50 = tpu.memref_slice %arg16[%add3A_13, %dma_wait3A] : memref<10240x128xf32, #tpu.memory_space<vmem_shared>> -> memref<128x128xf32, #tpu.memory_space<vmem_shared>>
      %dma_wait3A_51 = arith.constant 0 : i32
      %dma_wait3A_52 = tpu.memref_slice %arg16[%add3A_13, %dma_wait3A_51] : memref<10240x128xf32, #tpu.memory_space<vmem_shared>> -> memref<128x128xf32, #tpu.memory_space<vmem_shared>>
      tpu.wait_dma2 semaphore(%run_scoped3A : memref<!tpu.dma_semaphore, #tpu.memory_space<semaphore_mem>>) src(%arg13 : memref<128x128xf32, #tpu.memory_space<vmem>>) dst(%dma_wait3A_52 : memref<128x128xf32, #tpu.memory_space<vmem_shared>>)
      tpu.yield
    }) : () -> ()
    %add3A_14 = arith.constant 384 : i32
    %add3A_15 = arith.addi %mul3A_7, %add3A_14 : i32
    "tpu.region"() ({
      %run_scoped3A = tpu.sem_alloc : memref<!tpu.dma_semaphore, #tpu.memory_space<semaphore_mem>>
      %dma_start3A = arith.constant 0 : i32
      %dma_start3A_47 = tpu.memref_slice %arg16[%add3A_15, %dma_start3A] : memref<10240x128xf32, #tpu.memory_space<vmem_shared>> -> memref<128x128xf32, #tpu.memory_space<vmem_shared>>
      %dma_start3A_48 = arith.constant 0 : i32
      %dma_start3A_49 = tpu.memref_slice %arg16[%add3A_15, %dma_start3A_48] : memref<10240x128xf32, #tpu.memory_space<vmem_shared>> -> memref<128x128xf32, #tpu.memory_space<vmem_shared>>
      tpu.enqueue_dma source(%arg13 : memref<128x128xf32, #tpu.memory_space<vmem>>) target(%dma_start3A_49 : memref<128x128xf32, #tpu.memory_space<vmem_shared>>) target_semaphore(%run_scoped3A : memref<!tpu.dma_semaphore, #tpu.memory_space<semaphore_mem>>)
      %dma_wait3A = arith.constant 0 : i32
      %dma_wait3A_50 = tpu.memref_slice %arg16[%add3A_15, %dma_wait3A] : memref<10240x128xf32, #tpu.memory_space<vmem_shared>> -> memref<128x128xf32, #tpu.memory_space<vmem_shared>>
      %dma_wait3A_51 = arith.constant 0 : i32
      %dma_wait3A_52 = tpu.memref_slice %arg16[%add3A_15, %dma_wait3A_51] : memref<10240x128xf32, #tpu.memory_space<vmem_shared>> -> memref<128x128xf32, #tpu.memory_space<vmem_shared>>
      tpu.wait_dma2 semaphore(%run_scoped3A : memref<!tpu.dma_semaphore, #tpu.memory_space<semaphore_mem>>) src(%arg13 : memref<128x128xf32, #tpu.memory_space<vmem>>) dst(%dma_wait3A_52 : memref<128x128xf32, #tpu.memory_space<vmem_shared>>)
      tpu.yield
    }) : () -> ()
    %add3A_16 = arith.constant 512 : i32
    %add3A_17 = arith.addi %mul3A_7, %add3A_16 : i32
    "tpu.region"() ({
      %run_scoped3A = tpu.sem_alloc : memref<!tpu.dma_semaphore, #tpu.memory_space<semaphore_mem>>
      %dma_start3A = arith.constant 0 : i32
      %dma_start3A_47 = tpu.memref_slice %arg16[%add3A_17, %dma_start3A] : memref<10240x128xf32, #tpu.memory_space<vmem_shared>> -> memref<128x128xf32, #tpu.memory_space<vmem_shared>>
      %dma_start3A_48 = arith.constant 0 : i32
      %dma_start3A_49 = tpu.memref_slice %arg16[%add3A_17, %dma_start3A_48] : memref<10240x128xf32, #tpu.memory_space<vmem_shared>> -> memref<128x128xf32, #tpu.memory_space<vmem_shared>>
      tpu.enqueue_dma source(%arg13 : memref<128x128xf32, #tpu.memory_space<vmem>>) target(%dma_start3A_49 : memref<128x128xf32, #tpu.memory_space<vmem_shared>>) target_semaphore(%run_scoped3A : memref<!tpu.dma_semaphore, #tpu.memory_space<semaphore_mem>>)
      %dma_wait3A = arith.constant 0 : i32
      %dma_wait3A_50 = tpu.memref_slice %arg16[%add3A_17, %dma_wait3A] : memref<10240x128xf32, #tpu.memory_space<vmem_shared>> -> memref<128x128xf32, #tpu.memory_space<vmem_shared>>
      %dma_wait3A_51 = arith.constant 0 : i32
      %dma_wait3A_52 = tpu.memref_slice %arg16[%add3A_17, %dma_wait3A_51] : memref<10240x128xf32, #tpu.memory_space<vmem_shared>> -> memref<128x128xf32, #tpu.memory_space<vmem_shared>>
      tpu.wait_dma2 semaphore(%run_scoped3A : memref<!tpu.dma_semaphore, #tpu.memory_space<semaphore_mem>>) src(%arg13 : memref<128x128xf32, #tpu.memory_space<vmem>>) dst(%dma_wait3A_52 : memref<128x128xf32, #tpu.memory_space<vmem_shared>>)
      tpu.yield
    }) : () -> ()
    "tpu.region"() ({
      %run_scoped3A = tpu.sem_alloc : memref<!tpu.dma_semaphore, #tpu.memory_space<semaphore_mem>>
      tpu.enqueue_dma source(%arg6 : memref<10000xf32, #tpu.memory_space<hbm>>) target(%arg14 : memref<10000xf32, #tpu.memory_space<vmem>>) target_semaphore(%run_scoped3A : memref<!tpu.dma_semaphore, #tpu.memory_space<semaphore_mem>>)
      tpu.wait_dma2 semaphore(%run_scoped3A : memref<!tpu.dma_semaphore, #tpu.memory_space<semaphore_mem>>) src(%arg6 : memref<10000xf32, #tpu.memory_space<hbm>>) dst(%arg14 : memref<10000xf32, #tpu.memory_space<vmem>>)
      tpu.yield
    }) : () -> ()
    "tpu.region"() ({
      %run_scoped3A = tpu.sem_alloc : memref<!tpu.dma_semaphore, #tpu.memory_space<semaphore_mem>>
      tpu.enqueue_dma source(%arg7 : memref<10000xf32, #tpu.memory_space<hbm>>) target(%arg15 : memref<10000xf32, #tpu.memory_space<vmem>>) target_semaphore(%run_scoped3A : memref<!tpu.dma_semaphore, #tpu.memory_space<semaphore_mem>>)
      tpu.wait_dma2 semaphore(%run_scoped3A : memref<!tpu.dma_semaphore, #tpu.memory_space<semaphore_mem>>) src(%arg7 : memref<10000xf32, #tpu.memory_space<hbm>>) dst(%arg15 : memref<10000xf32, #tpu.memory_space<vmem>>)
      tpu.yield
    }) : () -> ()
    %mul3A_18 = arith.constant 40 : i32
    %mul3A_19 = arith.muli %add3A, %mul3A_18 : i32
    "tpu.region"() ({
      %run_scoped3A = tpu.sem_alloc : memref<!tpu.dma_semaphore, #tpu.memory_space<semaphore_mem>>
      %dma_start3A = arith.constant 0 : i32
      %dma_start3A_47 = tpu.memref_slice %arg2[%mul3A_19, %dma_start3A] : memref<1280x128xi32, #tpu.memory_space<hbm>> -> memref<40x128xi32, #tpu.memory_space<hbm>>
      %dma_start3A_48 = arith.constant 0 : i32
      %dma_start3A_49 = tpu.memref_slice %arg2[%mul3A_19, %dma_start3A_48] : memref<1280x128xi32, #tpu.memory_space<hbm>> -> memref<40x128xi32, #tpu.memory_space<hbm>>
      tpu.enqueue_dma source(%dma_start3A_49 : memref<40x128xi32, #tpu.memory_space<hbm>>) target(%arg9 : memref<40x128xi32, #tpu.memory_space<vmem>>) target_semaphore(%run_scoped3A : memref<!tpu.dma_semaphore, #tpu.memory_space<semaphore_mem>>)
      %dma_wait3A = arith.constant 0 : i32
      %dma_wait3A_50 = tpu.memref_slice %arg2[%mul3A_19, %dma_wait3A] : memref<1280x128xi32, #tpu.memory_space<hbm>> -> memref<40x128xi32, #tpu.memory_space<hbm>>
      %dma_wait3A_51 = arith.constant 0 : i32
      %dma_wait3A_52 = tpu.memref_slice %arg2[%mul3A_19, %dma_wait3A_51] : memref<1280x128xi32, #tpu.memory_space<hbm>> -> memref<40x128xi32, #tpu.memory_space<hbm>>
      tpu.wait_dma2 semaphore(%run_scoped3A : memref<!tpu.dma_semaphore, #tpu.memory_space<semaphore_mem>>) src(%dma_wait3A_52 : memref<40x128xi32, #tpu.memory_space<hbm>>) dst(%arg9 : memref<40x128xi32, #tpu.memory_space<vmem>>)
      tpu.yield
    }) : () -> ()
    "tpu.region"() ({
      %run_scoped3A = tpu.sem_alloc : memref<!tpu.dma_semaphore, #tpu.memory_space<semaphore_mem>>
      %dma_start3A = arith.constant 0 : i32
      %dma_start3A_47 = tpu.memref_slice %arg3[%mul3A_19, %dma_start3A] : memref<1280x128xi32, #tpu.memory_space<hbm>> -> memref<40x128xi32, #tpu.memory_space<hbm>>
      %dma_start3A_48 = arith.constant 0 : i32
      %dma_start3A_49 = tpu.memref_slice %arg3[%mul3A_19, %dma_start3A_48] : memref<1280x128xi32, #tpu.memory_space<hbm>> -> memref<40x128xi32, #tpu.memory_space<hbm>>
      tpu.enqueue_dma source(%dma_start3A_49 : memref<40x128xi32, #tpu.memory_space<hbm>>) target(%arg10 : memref<40x128xi32, #tpu.memory_space<vmem>>) target_semaphore(%run_scoped3A : memref<!tpu.dma_semaphore, #tpu.memory_space<semaphore_mem>>)
      %dma_wait3A = arith.constant 0 : i32
      %dma_wait3A_50 = tpu.memref_slice %arg3[%mul3A_19, %dma_wait3A] : memref<1280x128xi32, #tpu.memory_space<hbm>> -> memref<40x128xi32, #tpu.memory_space<hbm>>
      %dma_wait3A_51 = arith.constant 0 : i32
      %dma_wait3A_52 = tpu.memref_slice %arg3[%mul3A_19, %dma_wait3A_51] : memref<1280x128xi32, #tpu.memory_space<hbm>> -> memref<40x128xi32, #tpu.memory_space<hbm>>
      tpu.wait_dma2 semaphore(%run_scoped3A : memref<!tpu.dma_semaphore, #tpu.memory_space<semaphore_mem>>) src(%dma_wait3A_52 : memref<40x128xi32, #tpu.memory_space<hbm>>) dst(%arg10 : memref<40x128xi32, #tpu.memory_space<vmem>>)
      tpu.yield
    }) : () -> ()
    %barrier3A = arith.constant 0 : index
    tpu.barrier barrier_id(%barrier3A)
    %scan3A_20 = arith.constant 0 : i32
    %scan3A_21 = arith.constant 0 : i32
    %scan3A_22 = arith.constant 40 : i32
    %scan3A_23 = arith.addi %scan3A_21, %scan3A_22 : i32
    %scan3A_24 = arith.constant 1 : i32
    scf.for %scan3A_47 = %scan3A_21 to %scan3A_23 step %scan3A_24  : i32 {
      %add3A_48 = arith.addi %mul3A_19, %scan3A_47 : i32
      "tpu.region"() ({
        %run_scoped3A = tpu.sem_alloc : memref<!tpu.dma_semaphore, #tpu.memory_space<semaphore_mem>>
        %dma_start3A_251 = arith.constant 0 : i32
        %dma_start3A_252 = tpu.memref_slice %arg4[%add3A_48, %dma_start3A_251] : memref<1280x128xf32, #tpu.memory_space<hbm>> -> memref<1x128xf32, #tpu.memory_space<hbm>>
        %dma_start3A_253 = tpu.memref_squeeze %dma_start3A_252 : memref<1x128xf32, #tpu.memory_space<hbm>> -> memref<128xf32, #tpu.memory_space<hbm>>
        %dma_start3A_254 = arith.constant 0 : i32
        %dma_start3A_255 = tpu.memref_slice %arg4[%add3A_48, %dma_start3A_254] : memref<1280x128xf32, #tpu.memory_space<hbm>> -> memref<1x128xf32, #tpu.memory_space<hbm>>
        %dma_start3A_256 = tpu.memref_squeeze %dma_start3A_255 : memref<1x128xf32, #tpu.memory_space<hbm>> -> memref<128xf32, #tpu.memory_space<hbm>>
        tpu.enqueue_dma source(%dma_start3A_256 : memref<128xf32, #tpu.memory_space<hbm>>) target(%arg11 : memref<128xf32, #tpu.memory_space<vmem>>) target_semaphore(%run_scoped3A : memref<!tpu.dma_semaphore, #tpu.memory_space<semaphore_mem>>)
        %dma_wait3A_257 = arith.constant 0 : i32
        %dma_wait3A_258 = tpu.memref_slice %arg4[%add3A_48, %dma_wait3A_257] : memref<1280x128xf32, #tpu.memory_space<hbm>> -> memref<1x128xf32, #tpu.memory_space<hbm>>
        %dma_wait3A_259 = tpu.memref_squeeze %dma_wait3A_258 : memref<1x128xf32, #tpu.memory_space<hbm>> -> memref<128xf32, #tpu.memory_space<hbm>>
        %dma_wait3A_260 = arith.constant 0 : i32
        %dma_wait3A_261 = tpu.memref_slice %arg4[%add3A_48, %dma_wait3A_260] : memref<1280x128xf32, #tpu.memory_space<hbm>> -> memref<1x128xf32, #tpu.memory_space<hbm>>
        %dma_wait3A_262 = tpu.memref_squeeze %dma_wait3A_261 : memref<1x128xf32, #tpu.memory_space<hbm>> -> memref<128xf32, #tpu.memory_space<hbm>>
        tpu.wait_dma2 semaphore(%run_scoped3A : memref<!tpu.dma_semaphore, #tpu.memory_space<semaphore_mem>>) src(%dma_wait3A_262 : memref<128xf32, #tpu.memory_space<hbm>>) dst(%arg11 : memref<128xf32, #tpu.memory_space<vmem>>)
        tpu.yield
      }) : () -> ()
      %dma_start3A = arith.constant 0 : i32
      %dma_start3A_49 = tpu.memref_slice %arg9[%scan3A_47, %dma_start3A] : memref<40x128xi32, #tpu.memory_space<vmem>> -> memref<1x128xi32, #tpu.memory_space<vmem>>
      %dma_start3A_50 = tpu.memref_squeeze %dma_start3A_49 : memref<1x128xi32, #tpu.memory_space<vmem>> -> memref<128xi32, #tpu.memory_space<vmem>>
      %dma_start3A_51 = arith.constant 0 : i32
      %dma_start3A_52 = arith.constant 0 : i32
      %dma_start3A_53 = tpu.memref_slice %arg5[%dma_start3A_51, %dma_start3A_52] : memref<10000x128xf32, #tpu.memory_space<hbm>> -> memref<10000x128xf32, #tpu.memory_space<hbm>>
      tpu.enqueue_indirect_dma source(%dma_start3A_53 : memref<10000x128xf32, #tpu.memory_space<hbm>>) target(%arg13 : memref<128x128xf32, #tpu.memory_space<vmem>>) offsets(%dma_start3A_50 : memref<128xi32, #tpu.memory_space<vmem>>) semaphore(%arg17 : memref<!tpu.dma_semaphore, #tpu.memory_space<semaphore_mem>>)
      %dma_wait3A = arith.constant 0 : i32
      %dma_wait3A_54 = tpu.memref_slice %arg9[%scan3A_47, %dma_wait3A] : memref<40x128xi32, #tpu.memory_space<vmem>> -> memref<1x128xi32, #tpu.memory_space<vmem>>
      %dma_wait3A_55 = tpu.memref_squeeze %dma_wait3A_54 : memref<1x128xi32, #tpu.memory_space<vmem>> -> memref<128xi32, #tpu.memory_space<vmem>>
      %dma_wait3A_56 = arith.constant 0 : i32
      %dma_wait3A_57 = arith.constant 0 : i32
      %dma_wait3A_58 = tpu.memref_slice %arg5[%dma_wait3A_56, %dma_wait3A_57] : memref<10000x128xf32, #tpu.memory_space<hbm>> -> memref<10000x128xf32, #tpu.memory_space<hbm>>
      tpu.wait_indirect_dma semaphore(%arg17 : memref<!tpu.dma_semaphore, #tpu.memory_space<semaphore_mem>>) src(%dma_wait3A_58 : memref<10000x128xf32, #tpu.memory_space<hbm>>) dst(%arg13 : memref<128x128xf32, #tpu.memory_space<vmem>>)
      %get3A = arith.index_cast %scan3A_47 : i32 to index
      %get3A_59 = arith.constant 0 : index
      %get3A_60 = tpu.vector_load %arg9[%get3A, %get3A_59] {strides = array<i32>} : memref<40x128xi32, #tpu.memory_space<vmem>>, vector<16xi32>,
      %get3A_61 = arith.index_cast %scan3A_47 : i32 to index
      %get3A_62 = arith.constant 0 : index
      %get3A_63 = tpu.vector_load %arg10[%get3A_61, %get3A_62] {strides = array<i32>} : memref<40x128xi32, #tpu.memory_space<vmem>>, vector<16xi32>,
      %gather3A = tpu.vector_load_idx %arg14[%get3A_60] : memref<10000xf32, #tpu.memory_space<vmem>>[vector<16xi32>], vector<16xf32>,
      %gather3A_64 = tpu.vector_load_idx %arg15[%get3A_63] : memref<10000xf32, #tpu.memory_space<vmem>>[vector<16xi32>], vector<16xf32>,
      %add3A_65 = arith.addf %gather3A, %gather3A_64 : vector<16xf32>
      %neg3A = arith.constant 0.000000e+00 : f32
      %neg3A_66 = vector.broadcast %neg3A : f32 to vector<16xf32>
      %neg3A_67 = arith.subf %neg3A_66, %add3A_65 : vector<16xf32>
      %exp3A = math.exp %neg3A_67 : vector<16xf32>
      %add3A_68 = arith.constant 1.000000e+00 : f32
      %add3A_69 = vector.broadcast %add3A_68 : f32 to vector<16xf32>
      %add3A_70 = arith.addf %add3A_69, %exp3A : vector<16xf32>
      %div3A = arith.constant 1.000000e+00 : f32
      %div3A_71 = vector.broadcast %div3A : f32 to vector<16xf32>
      %div3A_72 = arith.divf %div3A_71, %add3A_70 : vector<16xf32>
      %get3A_73 = arith.constant 0 : index
      %get3A_74 = tpu.vector_load %arg11[%get3A_73] {strides = array<i32>} : memref<128xf32, #tpu.memory_space<vmem>>, vector<16xf32>,
      %mul3A_75 = arith.mulf %get3A_74, %div3A_72 : vector<16xf32>
      %swap3A = arith.constant 0 : index
      %swap3A_76 = tpu.vector_load %arg12[%swap3A] {strides = array<i32>} : memref<128xf32, #tpu.memory_space<vmem>>, vector<16xf32>,
      tpu.vector_store %arg12[%swap3A], %mul3A_75 {strides = array<i32>} : memref<128xf32, #tpu.memory_space<vmem>>, vector<16xf32>,
      %get3A_77 = arith.index_cast %scan3A_47 : i32 to index
      %get3A_78 = arith.constant 16 : index
      %get3A_79 = tpu.vector_load %arg9[%get3A_77, %get3A_78] {strides = array<i32>} : memref<40x128xi32, #tpu.memory_space<vmem>>, vector<16xi32>,
      %get3A_80 = arith.index_cast %scan3A_47 : i32 to index
      %get3A_81 = arith.constant 16 : index
      %get3A_82 = tpu.vector_load %arg10[%get3A_80, %get3A_81] {strides = array<i32>} : memref<40x128xi32, #tpu.memory_space<vmem>>, vector<16xi32>,
      %gather3A_83 = tpu.vector_load_idx %arg14[%get3A_79] : memref<10000xf32, #tpu.memory_space<vmem>>[vector<16xi32>], vector<16xf32>,
      %gather3A_84 = tpu.vector_load_idx %arg15[%get3A_82] : memref<10000xf32, #tpu.memory_space<vmem>>[vector<16xi32>], vector<16xf32>,
      %add3A_85 = arith.addf %gather3A_83, %gather3A_84 : vector<16xf32>
      %neg3A_86 = arith.constant 0.000000e+00 : f32
      %neg3A_87 = vector.broadcast %neg3A_86 : f32 to vector<16xf32>
      %neg3A_88 = arith.subf %neg3A_87, %add3A_85 : vector<16xf32>
      %exp3A_89 = math.exp %neg3A_88 : vector<16xf32>
      %add3A_90 = arith.constant 1.000000e+00 : f32
      %add3A_91 = vector.broadcast %add3A_90 : f32 to vector<16xf32>
      %add3A_92 = arith.addf %add3A_91, %exp3A_89 : vector<16xf32>
      %div3A_93 = arith.constant 1.000000e+00 : f32
      %div3A_94 = vector.broadcast %div3A_93 : f32 to vector<16xf32>
      %div3A_95 = arith.divf %div3A_94, %add3A_92 : vector<16xf32>
      %get3A_96 = arith.constant 16 : index
      %get3A_97 = tpu.vector_load %arg11[%get3A_96] {strides = array<i32>} : memref<128xf32, #tpu.memory_space<vmem>>, vector<16xf32>,
      %mul3A_98 = arith.mulf %get3A_97, %div3A_95 : vector<16xf32>
      %swap3A_99 = arith.constant 16 : index
      %swap3A_100 = tpu.vector_load %arg12[%swap3A_99] {strides = array<i32>} : memref<128xf32, #tpu.memory_space<vmem>>, vector<16xf32>,
      tpu.vector_store %arg12[%swap3A_99], %mul3A_98 {strides = array<i32>} : memref<128xf32, #tpu.memory_space<vmem>>, vector<16xf32>,
      %get3A_101 = arith.index_cast %scan3A_47 : i32 to index
      %get3A_102 = arith.constant 32 : index
      %get3A_103 = tpu.vector_load %arg9[%get3A_101, %get3A_102] {strides = array<i32>} : memref<40x128xi32, #tpu.memory_space<vmem>>, vector<16xi32>,
      %get3A_104 = arith.index_cast %scan3A_47 : i32 to index
      %get3A_105 = arith.constant 32 : index
      %get3A_106 = tpu.vector_load %arg10[%get3A_104, %get3A_105] {strides = array<i32>} : memref<40x128xi32, #tpu.memory_space<vmem>>, vector<16xi32>,
      %gather3A_107 = tpu.vector_load_idx %arg14[%get3A_103] : memref<10000xf32, #tpu.memory_space<vmem>>[vector<16xi32>], vector<16xf32>,
      %gather3A_108 = tpu.vector_load_idx %arg15[%get3A_106] : memref<10000xf32, #tpu.memory_space<vmem>>[vector<16xi32>], vector<16xf32>,
      %add3A_109 = arith.addf %gather3A_107, %gather3A_108 : vector<16xf32>
      %neg3A_110 = arith.constant 0.000000e+00 : f32
      %neg3A_111 = vector.broadcast %neg3A_110 : f32 to vector<16xf32>
      %neg3A_112 = arith.subf %neg3A_111, %add3A_109 : vector<16xf32>
      %exp3A_113 = math.exp %neg3A_112 : vector<16xf32>
      %add3A_114 = arith.constant 1.000000e+00 : f32
      %add3A_115 = vector.broadcast %add3A_114 : f32 to vector<16xf32>
      %add3A_116 = arith.addf %add3A_115, %exp3A_113 : vector<16xf32>
      %div3A_117 = arith.constant 1.000000e+00 : f32
      %div3A_118 = vector.broadcast %div3A_117 : f32 to vector<16xf32>
      %div3A_119 = arith.divf %div3A_118, %add3A_116 : vector<16xf32>
      %get3A_120 = arith.constant 32 : index
      %get3A_121 = tpu.vector_load %arg11[%get3A_120] {strides = array<i32>} : memref<128xf32, #tpu.memory_space<vmem>>, vector<16xf32>,
      %mul3A_122 = arith.mulf %get3A_121, %div3A_119 : vector<16xf32>
      %swap3A_123 = arith.constant 32 : index
      %swap3A_124 = tpu.vector_load %arg12[%swap3A_123] {strides = array<i32>} : memref<128xf32, #tpu.memory_space<vmem>>, vector<16xf32>,
      tpu.vector_store %arg12[%swap3A_123], %mul3A_122 {strides = array<i32>} : memref<128xf32, #tpu.memory_space<vmem>>, vector<16xf32>,
      %get3A_125 = arith.index_cast %scan3A_47 : i32 to index
      %get3A_126 = arith.constant 48 : index
      %get3A_127 = tpu.vector_load %arg9[%get3A_125, %get3A_126] {strides = array<i32>} : memref<40x128xi32, #tpu.memory_space<vmem>>, vector<16xi32>,
      %get3A_128 = arith.index_cast %scan3A_47 : i32 to index
      %get3A_129 = arith.constant 48 : index
      %get3A_130 = tpu.vector_load %arg10[%get3A_128, %get3A_129] {strides = array<i32>} : memref<40x128xi32, #tpu.memory_space<vmem>>, vector<16xi32>,
      %gather3A_131 = tpu.vector_load_idx %arg14[%get3A_127] : memref<10000xf32, #tpu.memory_space<vmem>>[vector<16xi32>], vector<16xf32>,
      %gather3A_132 = tpu.vector_load_idx %arg15[%get3A_130] : memref<10000xf32, #tpu.memory_space<vmem>>[vector<16xi32>], vector<16xf32>,
      %add3A_133 = arith.addf %gather3A_131, %gather3A_132 : vector<16xf32>
      %neg3A_134 = arith.constant 0.000000e+00 : f32
      %neg3A_135 = vector.broadcast %neg3A_134 : f32 to vector<16xf32>
      %neg3A_136 = arith.subf %neg3A_135, %add3A_133 : vector<16xf32>
      %exp3A_137 = math.exp %neg3A_136 : vector<16xf32>
      %add3A_138 = arith.constant 1.000000e+00 : f32
      %add3A_139 = vector.broadcast %add3A_138 : f32 to vector<16xf32>
      %add3A_140 = arith.addf %add3A_139, %exp3A_137 : vector<16xf32>
      %div3A_141 = arith.constant 1.000000e+00 : f32
      %div3A_142 = vector.broadcast %div3A_141 : f32 to vector<16xf32>
      %div3A_143 = arith.divf %div3A_142, %add3A_140 : vector<16xf32>
      %get3A_144 = arith.constant 48 : index
      %get3A_145 = tpu.vector_load %arg11[%get3A_144] {strides = array<i32>} : memref<128xf32, #tpu.memory_space<vmem>>, vector<16xf32>,
      %mul3A_146 = arith.mulf %get3A_145, %div3A_143 : vector<16xf32>
      %swap3A_147 = arith.constant 48 : index
      %swap3A_148 = tpu.vector_load %arg12[%swap3A_147] {strides = array<i32>} : memref<128xf32, #tpu.memory_space<vmem>>, vector<16xf32>,
      tpu.vector_store %arg12[%swap3A_147], %mul3A_146 {strides = array<i32>} : memref<128xf32, #tpu.memory_space<vmem>>, vector<16xf32>,
      %get3A_149 = arith.index_cast %scan3A_47 : i32 to index
      %get3A_150 = arith.constant 64 : index
      %get3A_151 = tpu.vector_load %arg9[%get3A_149, %get3A_150] {strides = array<i32>} : memref<40x128xi32, #tpu.memory_space<vmem>>, vector<16xi32>,
      %get3A_152 = arith.index_cast %scan3A_47 : i32 to index
      %get3A_153 = arith.constant 64 : index
      %get3A_154 = tpu.vector_load %arg10[%get3A_152, %get3A_153] {strides = array<i32>} : memref<40x128xi32, #tpu.memory_space<vmem>>, vector<16xi32>,
      %gather3A_155 = tpu.vector_load_idx %arg14[%get3A_151] : memref<10000xf32, #tpu.memory_space<vmem>>[vector<16xi32>], vector<16xf32>,
      %gather3A_156 = tpu.vector_load_idx %arg15[%get3A_154] : memref<10000xf32, #tpu.memory_space<vmem>>[vector<16xi32>], vector<16xf32>,
      %add3A_157 = arith.addf %gather3A_155, %gather3A_156 : vector<16xf32>
      %neg3A_158 = arith.constant 0.000000e+00 : f32
      %neg3A_159 = vector.broadcast %neg3A_158 : f32 to vector<16xf32>
      %neg3A_160 = arith.subf %neg3A_159, %add3A_157 : vector<16xf32>
      %exp3A_161 = math.exp %neg3A_160 : vector<16xf32>
      %add3A_162 = arith.constant 1.000000e+00 : f32
      %add3A_163 = vector.broadcast %add3A_162 : f32 to vector<16xf32>
      %add3A_164 = arith.addf %add3A_163, %exp3A_161 : vector<16xf32>
      %div3A_165 = arith.constant 1.000000e+00 : f32
      %div3A_166 = vector.broadcast %div3A_165 : f32 to vector<16xf32>
      %div3A_167 = arith.divf %div3A_166, %add3A_164 : vector<16xf32>
      %get3A_168 = arith.constant 64 : index
      %get3A_169 = tpu.vector_load %arg11[%get3A_168] {strides = array<i32>} : memref<128xf32, #tpu.memory_space<vmem>>, vector<16xf32>,
      %mul3A_170 = arith.mulf %get3A_169, %div3A_167 : vector<16xf32>
      %swap3A_171 = arith.constant 64 : index
      %swap3A_172 = tpu.vector_load %arg12[%swap3A_171] {strides = array<i32>} : memref<128xf32, #tpu.memory_space<vmem>>, vector<16xf32>,
      tpu.vector_store %arg12[%swap3A_171], %mul3A_170 {strides = array<i32>} : memref<128xf32, #tpu.memory_space<vmem>>, vector<16xf32>,
      %get3A_173 = arith.index_cast %scan3A_47 : i32 to index
      %get3A_174 = arith.constant 80 : index
      %get3A_175 = tpu.vector_load %arg9[%get3A_173, %get3A_174] {strides = array<i32>} : memref<40x128xi32, #tpu.memory_space<vmem>>, vector<16xi32>,
      %get3A_176 = arith.index_cast %scan3A_47 : i32 to index
      %get3A_177 = arith.constant 80 : index
      %get3A_178 = tpu.vector_load %arg10[%get3A_176, %get3A_177] {strides = array<i32>} : memref<40x128xi32, #tpu.memory_space<vmem>>, vector<16xi32>,
      %gather3A_179 = tpu.vector_load_idx %arg14[%get3A_175] : memref<10000xf32, #tpu.memory_space<vmem>>[vector<16xi32>], vector<16xf32>,
      %gather3A_180 = tpu.vector_load_idx %arg15[%get3A_178] : memref<10000xf32, #tpu.memory_space<vmem>>[vector<16xi32>], vector<16xf32>,
      %add3A_181 = arith.addf %gather3A_179, %gather3A_180 : vector<16xf32>
      %neg3A_182 = arith.constant 0.000000e+00 : f32
      %neg3A_183 = vector.broadcast %neg3A_182 : f32 to vector<16xf32>
      %neg3A_184 = arith.subf %neg3A_183, %add3A_181 : vector<16xf32>
      %exp3A_185 = math.exp %neg3A_184 : vector<16xf32>
      %add3A_186 = arith.constant 1.000000e+00 : f32
      %add3A_187 = vector.broadcast %add3A_186 : f32 to vector<16xf32>
      %add3A_188 = arith.addf %add3A_187, %exp3A_185 : vector<16xf32>
      %div3A_189 = arith.constant 1.000000e+00 : f32
      %div3A_190 = vector.broadcast %div3A_189 : f32 to vector<16xf32>
      %div3A_191 = arith.divf %div3A_190, %add3A_188 : vector<16xf32>
      %get3A_192 = arith.constant 80 : index
      %get3A_193 = tpu.vector_load %arg11[%get3A_192] {strides = array<i32>} : memref<128xf32, #tpu.memory_space<vmem>>, vector<16xf32>,
      %mul3A_194 = arith.mulf %get3A_193, %div3A_191 : vector<16xf32>
      %swap3A_195 = arith.constant 80 : index
      %swap3A_196 = tpu.vector_load %arg12[%swap3A_195] {strides = array<i32>} : memref<128xf32, #tpu.memory_space<vmem>>, vector<16xf32>,
      tpu.vector_store %arg12[%swap3A_195], %mul3A_194 {strides = array<i32>} : memref<128xf32, #tpu.memory_space<vmem>>, vector<16xf32>,
      %get3A_197 = arith.index_cast %scan3A_47 : i32 to index
      %get3A_198 = arith.constant 96 : index
      %get3A_199 = tpu.vector_load %arg9[%get3A_197, %get3A_198] {strides = array<i32>} : memref<40x128xi32, #tpu.memory_space<vmem>>, vector<16xi32>,
      %get3A_200 = arith.index_cast %scan3A_47 : i32 to index
      %get3A_201 = arith.constant 96 : index
      %get3A_202 = tpu.vector_load %arg10[%get3A_200, %get3A_201] {strides = array<i32>} : memref<40x128xi32, #tpu.memory_space<vmem>>, vector<16xi32>,
      %gather3A_203 = tpu.vector_load_idx %arg14[%get3A_199] : memref<10000xf32, #tpu.memory_space<vmem>>[vector<16xi32>], vector<16xf32>,
      %gather3A_204 = tpu.vector_load_idx %arg15[%get3A_202] : memref<10000xf32, #tpu.memory_space<vmem>>[vector<16xi32>], vector<16xf32>,
      %add3A_205 = arith.addf %gather3A_203, %gather3A_204 : vector<16xf32>
      %neg3A_206 = arith.constant 0.000000e+00 : f32
      %neg3A_207 = vector.broadcast %neg3A_206 : f32 to vector<16xf32>
      %neg3A_208 = arith.subf %neg3A_207, %add3A_205 : vector<16xf32>
      %exp3A_209 = math.exp %neg3A_208 : vector<16xf32>
      %add3A_210 = arith.constant 1.000000e+00 : f32
      %add3A_211 = vector.broadcast %add3A_210 : f32 to vector<16xf32>
      %add3A_212 = arith.addf %add3A_211, %exp3A_209 : vector<16xf32>
      %div3A_213 = arith.constant 1.000000e+00 : f32
      %div3A_214 = vector.broadcast %div3A_213 : f32 to vector<16xf32>
      %div3A_215 = arith.divf %div3A_214, %add3A_212 : vector<16xf32>
      %get3A_216 = arith.constant 96 : index
      %get3A_217 = tpu.vector_load %arg11[%get3A_216] {strides = array<i32>} : memref<128xf32, #tpu.memory_space<vmem>>, vector<16xf32>,
      %mul3A_218 = arith.mulf %get3A_217, %div3A_215 : vector<16xf32>
      %swap3A_219 = arith.constant 96 : index
      %swap3A_220 = tpu.vector_load %arg12[%swap3A_219] {strides = array<i32>} : memref<128xf32, #tpu.memory_space<vmem>>, vector<16xf32>,
      tpu.vector_store %arg12[%swap3A_219], %mul3A_218 {strides = array<i32>} : memref<128xf32, #tpu.memory_space<vmem>>, vector<16xf32>,
      %get3A_221 = arith.index_cast %scan3A_47 : i32 to index
      %get3A_222 = arith.constant 112 : index
      %get3A_223 = tpu.vector_load %arg9[%get3A_221, %get3A_222] {strides = array<i32>} : memref<40x128xi32, #tpu.memory_space<vmem>>, vector<16xi32>,
      %get3A_224 = arith.index_cast %scan3A_47 : i32 to index
      %get3A_225 = arith.constant 112 : index
      %get3A_226 = tpu.vector_load %arg10[%get3A_224, %get3A_225] {strides = array<i32>} : memref<40x128xi32, #tpu.memory_space<vmem>>, vector<16xi32>,
      %gather3A_227 = tpu.vector_load_idx %arg14[%get3A_223] : memref<10000xf32, #tpu.memory_space<vmem>>[vector<16xi32>], vector<16xf32>,
      %gather3A_228 = tpu.vector_load_idx %arg15[%get3A_226] : memref<10000xf32, #tpu.memory_space<vmem>>[vector<16xi32>], vector<16xf32>,
      %add3A_229 = arith.addf %gather3A_227, %gather3A_228 : vector<16xf32>
      %neg3A_230 = arith.constant 0.000000e+00 : f32
      %neg3A_231 = vector.broadcast %neg3A_230 : f32 to vector<16xf32>
      %neg3A_232 = arith.subf %neg3A_231, %add3A_229 : vector<16xf32>
      %exp3A_233 = math.exp %neg3A_232 : vector<16xf32>
      %add3A_234 = arith.constant 1.000000e+00 : f32
      %add3A_235 = vector.broadcast %add3A_234 : f32 to vector<16xf32>
      %add3A_236 = arith.addf %add3A_235, %exp3A_233 : vector<16xf32>
      %div3A_237 = arith.constant 1.000000e+00 : f32
      %div3A_238 = vector.broadcast %div3A_237 : f32 to vector<16xf32>
      %div3A_239 = arith.divf %div3A_238, %add3A_236 : vector<16xf32>
      %get3A_240 = arith.constant 112 : index
      %get3A_241 = tpu.vector_load %arg11[%get3A_240] {strides = array<i32>} : memref<128xf32, #tpu.memory_space<vmem>>, vector<16xf32>,
      %mul3A_242 = arith.mulf %get3A_241, %div3A_239 : vector<16xf32>
      %swap3A_243 = arith.constant 112 : index
      %swap3A_244 = tpu.vector_load %arg12[%swap3A_243] {strides = array<i32>} : memref<128xf32, #tpu.memory_space<vmem>>, vector<16xf32>,
      tpu.vector_store %arg12[%swap3A_243], %mul3A_242 {strides = array<i32>} : memref<128xf32, #tpu.memory_space<vmem>>, vector<16xf32>,
      %scan3A_245 = arith.constant 0 : i32
      %scan3A_246 = arith.constant 0 : i32
      %scan3A_247 = arith.constant 128 : i32
      %scan3A_248 = arith.addi %scan3A_246, %scan3A_247 : i32
      %scan3A_249 = arith.constant 1 : i32
      scf.for %scan3A_251 = %scan3A_246 to %scan3A_248 step %scan3A_249  : i32 {
        %broadcast_in_dim3A = vector.broadcast %scan3A_251 : i32 to vector<16xi32>
        %gather3A_252 = tpu.vector_load_idx %arg12[%broadcast_in_dim3A] : memref<128xf32, #tpu.memory_space<vmem>>[vector<16xi32>], vector<16xf32>,
        %get3A_253 = arith.index_cast %scan3A_251 : i32 to index
        %get3A_254 = arith.constant 0 : index
        %get3A_255 = tpu.vector_load %arg13[%get3A_253, %get3A_254] {strides = array<i32>} : memref<128x128xf32, #tpu.memory_space<vmem>>, vector<16xf32>,
        %mul3A_256 = arith.mulf %get3A_255, %gather3A_252 : vector<16xf32>
        %swap3A_257 = arith.index_cast %scan3A_251 : i32 to index
        %swap3A_258 = arith.constant 0 : index
        %swap3A_259 = tpu.vector_load %arg13[%swap3A_257, %swap3A_258] {strides = array<i32>} : memref<128x128xf32, #tpu.memory_space<vmem>>, vector<16xf32>,
        tpu.vector_store %arg13[%swap3A_257, %swap3A_258], %mul3A_256 {strides = array<i32>} : memref<128x128xf32, #tpu.memory_space<vmem>>, vector<16xf32>,
        %get3A_260 = arith.index_cast %scan3A_251 : i32 to index
        %get3A_261 = arith.constant 16 : index
        %get3A_262 = tpu.vector_load %arg13[%get3A_260, %get3A_261] {strides = array<i32>} : memref<128x128xf32, #tpu.memory_space<vmem>>, vector<16xf32>,
        %mul3A_263 = arith.mulf %get3A_262, %gather3A_252 : vector<16xf32>
        %swap3A_264 = arith.index_cast %scan3A_251 : i32 to index
        %swap3A_265 = arith.constant 16 : index
        %swap3A_266 = tpu.vector_load %arg13[%swap3A_264, %swap3A_265] {strides = array<i32>} : memref<128x128xf32, #tpu.memory_space<vmem>>, vector<16xf32>,
        tpu.vector_store %arg13[%swap3A_264, %swap3A_265], %mul3A_263 {strides = array<i32>} : memref<128x128xf32, #tpu.memory_space<vmem>>, vector<16xf32>,
        %get3A_267 = arith.index_cast %scan3A_251 : i32 to index
        %get3A_268 = arith.constant 32 : index
        %get3A_269 = tpu.vector_load %arg13[%get3A_267, %get3A_268] {strides = array<i32>} : memref<128x128xf32, #tpu.memory_space<vmem>>, vector<16xf32>,
        %mul3A_270 = arith.mulf %get3A_269, %gather3A_252 : vector<16xf32>
        %swap3A_271 = arith.index_cast %scan3A_251 : i32 to index
        %swap3A_272 = arith.constant 32 : index
        %swap3A_273 = tpu.vector_load %arg13[%swap3A_271, %swap3A_272] {strides = array<i32>} : memref<128x128xf32, #tpu.memory_space<vmem>>, vector<16xf32>,
        tpu.vector_store %arg13[%swap3A_271, %swap3A_272], %mul3A_270 {strides = array<i32>} : memref<128x128xf32, #tpu.memory_space<vmem>>, vector<16xf32>,
        %get3A_274 = arith.index_cast %scan3A_251 : i32 to index
        %get3A_275 = arith.constant 48 : index
        %get3A_276 = tpu.vector_load %arg13[%get3A_274, %get3A_275] {strides = array<i32>} : memref<128x128xf32, #tpu.memory_space<vmem>>, vector<16xf32>,
        %mul3A_277 = arith.mulf %get3A_276, %gather3A_252 : vector<16xf32>
        %swap3A_278 = arith.index_cast %scan3A_251 : i32 to index
        %swap3A_279 = arith.constant 48 : index
        %swap3A_280 = tpu.vector_load %arg13[%swap3A_278, %swap3A_279] {strides = array<i32>} : memref<128x128xf32, #tpu.memory_space<vmem>>, vector<16xf32>,
        tpu.vector_store %arg13[%swap3A_278, %swap3A_279], %mul3A_277 {strides = array<i32>} : memref<128x128xf32, #tpu.memory_space<vmem>>, vector<16xf32>,
        %get3A_281 = arith.index_cast %scan3A_251 : i32 to index
        %get3A_282 = arith.constant 64 : index
        %get3A_283 = tpu.vector_load %arg13[%get3A_281, %get3A_282] {strides = array<i32>} : memref<128x128xf32, #tpu.memory_space<vmem>>, vector<16xf32>,
        %mul3A_284 = arith.mulf %get3A_283, %gather3A_252 : vector<16xf32>
        %swap3A_285 = arith.index_cast %scan3A_251 : i32 to index
        %swap3A_286 = arith.constant 64 : index
        %swap3A_287 = tpu.vector_load %arg13[%swap3A_285, %swap3A_286] {strides = array<i32>} : memref<128x128xf32, #tpu.memory_space<vmem>>, vector<16xf32>,
        tpu.vector_store %arg13[%swap3A_285, %swap3A_286], %mul3A_284 {strides = array<i32>} : memref<128x128xf32, #tpu.memory_space<vmem>>, vector<16xf32>,
        %get3A_288 = arith.index_cast %scan3A_251 : i32 to index
        %get3A_289 = arith.constant 80 : index
        %get3A_290 = tpu.vector_load %arg13[%get3A_288, %get3A_289] {strides = array<i32>} : memref<128x128xf32, #tpu.memory_space<vmem>>, vector<16xf32>,
        %mul3A_291 = arith.mulf %get3A_290, %gather3A_252 : vector<16xf32>
        %swap3A_292 = arith.index_cast %scan3A_251 : i32 to index
        %swap3A_293 = arith.constant 80 : index
        %swap3A_294 = tpu.vector_load %arg13[%swap3A_292, %swap3A_293] {strides = array<i32>} : memref<128x128xf32, #tpu.memory_space<vmem>>, vector<16xf32>,
        tpu.vector_store %arg13[%swap3A_292, %swap3A_293], %mul3A_291 {strides = array<i32>} : memref<128x128xf32, #tpu.memory_space<vmem>>, vector<16xf32>,
        %get3A_295 = arith.index_cast %scan3A_251 : i32 to index
        %get3A_296 = arith.constant 96 : index
        %get3A_297 = tpu.vector_load %arg13[%get3A_295, %get3A_296] {strides = array<i32>} : memref<128x128xf32, #tpu.memory_space<vmem>>, vector<16xf32>,
        %mul3A_298 = arith.mulf %get3A_297, %gather3A_252 : vector<16xf32>
        %swap3A_299 = arith.index_cast %scan3A_251 : i32 to index
        %swap3A_300 = arith.constant 96 : index
        %swap3A_301 = tpu.vector_load %arg13[%swap3A_299, %swap3A_300] {strides = array<i32>} : memref<128x128xf32, #tpu.memory_space<vmem>>, vector<16xf32>,
        tpu.vector_store %arg13[%swap3A_299, %swap3A_300], %mul3A_298 {strides = array<i32>} : memref<128x128xf32, #tpu.memory_space<vmem>>, vector<16xf32>,
        %get3A_302 = arith.index_cast %scan3A_251 : i32 to index
        %get3A_303 = arith.constant 112 : index
        %get3A_304 = tpu.vector_load %arg13[%get3A_302, %get3A_303] {strides = array<i32>} : memref<128x128xf32, #tpu.memory_space<vmem>>, vector<16xf32>,
        %mul3A_305 = arith.mulf %get3A_304, %gather3A_252 : vector<16xf32>
        %swap3A_306 = arith.index_cast %scan3A_251 : i32 to index
        %swap3A_307 = arith.constant 112 : index
        %swap3A_308 = tpu.vector_load %arg13[%swap3A_306, %swap3A_307] {strides = array<i32>} : memref<128x128xf32, #tpu.memory_space<vmem>>, vector<16xf32>,
        tpu.vector_store %arg13[%swap3A_306, %swap3A_307], %mul3A_305 {strides = array<i32>} : memref<128x128xf32, #tpu.memory_space<vmem>>, vector<16xf32>,
      }
      %scan3A_250 = arith.constant 128 : i32
      "tpu.region"() ({
        %run_scoped3A = tpu.sem_alloc : memref<!tpu.dma_semaphore, #tpu.memory_space<semaphore_mem>>
        %dma_start3A_251 = arith.constant 0 : i32
        %dma_start3A_252 = tpu.memref_slice %arg10[%scan3A_47, %dma_start3A_251] : memref<40x128xi32, #tpu.memory_space<vmem>> -> memref<1x128xi32, #tpu.memory_space<vmem>>
        %dma_start3A_253 = tpu.memref_squeeze %dma_start3A_252 : memref<1x128xi32, #tpu.memory_space<vmem>> -> memref<128xi32, #tpu.memory_space<vmem>>
        %dma_start3A_254 = arith.constant 0 : i32
        %dma_start3A_255 = arith.constant 0 : i32
        %dma_start3A_256 = tpu.memref_slice %arg16[%dma_start3A_254, %dma_start3A_255] : memref<10240x128xf32, #tpu.memory_space<vmem_shared>> -> memref<10240x128xf32, #tpu.memory_space<vmem_shared>>
        tpu.enqueue_indirect_dma source(%arg13 : memref<128x128xf32, #tpu.memory_space<vmem>>) target(%dma_start3A_256 : memref<10240x128xf32, #tpu.memory_space<vmem_shared>>) offsets(%dma_start3A_253 : memref<128xi32, #tpu.memory_space<vmem>>) semaphore(%run_scoped3A : memref<!tpu.dma_semaphore, #tpu.memory_space<semaphore_mem>>) {add = true}
        %dma_wait3A_257 = arith.constant 0 : i32
        %dma_wait3A_258 = tpu.memref_slice %arg10[%scan3A_47, %dma_wait3A_257] : memref<40x128xi32, #tpu.memory_space<vmem>> -> memref<1x128xi32, #tpu.memory_space<vmem>>
        %dma_wait3A_259 = tpu.memref_squeeze %dma_wait3A_258 : memref<1x128xi32, #tpu.memory_space<vmem>> -> memref<128xi32, #tpu.memory_space<vmem>>
        %dma_wait3A_260 = arith.constant 0 : i32
        %dma_wait3A_261 = arith.constant 0 : i32
        %dma_wait3A_262 = tpu.memref_slice %arg16[%dma_wait3A_260, %dma_wait3A_261] : memref<10240x128xf32, #tpu.memory_space<vmem_shared>> -> memref<10240x128xf32, #tpu.memory_space<vmem_shared>>
        tpu.wait_indirect_dma semaphore(%run_scoped3A : memref<!tpu.dma_semaphore, #tpu.memory_space<semaphore_mem>>) src(%arg13 : memref<128x128xf32, #tpu.memory_space<vmem>>) dst(%dma_wait3A_262 : memref<10240x128xf32, #tpu.memory_space<vmem_shared>>)
        tpu.yield
      }) : () -> ()
    }
    %scan3A_25 = arith.constant 40 : i32
    %barrier3A_26 = arith.constant 0 : index
    tpu.barrier barrier_id(%barrier3A_26)
    %add3A_27 = arith.constant 0 : i32
    %add3A_28 = arith.addi %mul3A_7, %add3A_27 : i32
    "tpu.region"() ({
      %run_scoped3A = tpu.sem_alloc : memref<!tpu.dma_semaphore, #tpu.memory_space<semaphore_mem>>
      %dma_start3A = arith.constant 0 : i32
      %dma_start3A_47 = tpu.memref_slice %arg16[%add3A_28, %dma_start3A] : memref<10240x128xf32, #tpu.memory_space<vmem_shared>> -> memref<128x128xf32, #tpu.memory_space<vmem_shared>>
      %dma_start3A_48 = arith.constant 0 : i32
      %dma_start3A_49 = tpu.memref_slice %arg16[%add3A_28, %dma_start3A_48] : memref<10240x128xf32, #tpu.memory_space<vmem_shared>> -> memref<128x128xf32, #tpu.memory_space<vmem_shared>>
      tpu.enqueue_dma source(%dma_start3A_49 : memref<128x128xf32, #tpu.memory_space<vmem_shared>>) target(%arg13 : memref<128x128xf32, #tpu.memory_space<vmem>>) target_semaphore(%run_scoped3A : memref<!tpu.dma_semaphore, #tpu.memory_space<semaphore_mem>>)
      %dma_wait3A = arith.constant 0 : i32
      %dma_wait3A_50 = tpu.memref_slice %arg16[%add3A_28, %dma_wait3A] : memref<10240x128xf32, #tpu.memory_space<vmem_shared>> -> memref<128x128xf32, #tpu.memory_space<vmem_shared>>
      %dma_wait3A_51 = arith.constant 0 : i32
      %dma_wait3A_52 = tpu.memref_slice %arg16[%add3A_28, %dma_wait3A_51] : memref<10240x128xf32, #tpu.memory_space<vmem_shared>> -> memref<128x128xf32, #tpu.memory_space<vmem_shared>>
      tpu.wait_dma2 semaphore(%run_scoped3A : memref<!tpu.dma_semaphore, #tpu.memory_space<semaphore_mem>>) src(%dma_wait3A_52 : memref<128x128xf32, #tpu.memory_space<vmem_shared>>) dst(%arg13 : memref<128x128xf32, #tpu.memory_space<vmem>>)
      tpu.yield
    }) : () -> ()
    %add3A_29 = arith.constant 0 : i32
    %add3A_30 = arith.addi %mul3A_7, %add3A_29 : i32
    "tpu.region"() ({
      %run_scoped3A = tpu.sem_alloc : memref<!tpu.dma_semaphore, #tpu.memory_space<semaphore_mem>>
      %dma_start3A = arith.constant 0 : i32
      %dma_start3A_47 = tpu.memref_slice %arg8[%arg0, %add3A_30, %dma_start3A] : memref<2x10240x128xf32, #tpu.memory_space<hbm>> -> memref<1x128x128xf32, #tpu.memory_space<hbm>>
      %dma_start3A_48 = tpu.memref_squeeze %dma_start3A_47 : memref<1x128x128xf32, #tpu.memory_space<hbm>> -> memref<128x128xf32, #tpu.memory_space<hbm>>
      %dma_start3A_49 = arith.constant 0 : i32
      %dma_start3A_50 = tpu.memref_slice %arg8[%arg0, %add3A_30, %dma_start3A_49] : memref<2x10240x128xf32, #tpu.memory_space<hbm>> -> memref<1x128x128xf32, #tpu.memory_space<hbm>>
      %dma_start3A_51 = tpu.memref_squeeze %dma_start3A_50 : memref<1x128x128xf32, #tpu.memory_space<hbm>> -> memref<128x128xf32, #tpu.memory_space<hbm>>
      tpu.enqueue_dma source(%arg13 : memref<128x128xf32, #tpu.memory_space<vmem>>) target(%dma_start3A_51 : memref<128x128xf32, #tpu.memory_space<hbm>>) target_semaphore(%run_scoped3A : memref<!tpu.dma_semaphore, #tpu.memory_space<semaphore_mem>>)
      %dma_wait3A = arith.constant 0 : i32
      %dma_wait3A_52 = tpu.memref_slice %arg8[%arg0, %add3A_30, %dma_wait3A] : memref<2x10240x128xf32, #tpu.memory_space<hbm>> -> memref<1x128x128xf32, #tpu.memory_space<hbm>>
      %dma_wait3A_53 = tpu.memref_squeeze %dma_wait3A_52 : memref<1x128x128xf32, #tpu.memory_space<hbm>> -> memref<128x128xf32, #tpu.memory_space<hbm>>
      %dma_wait3A_54 = arith.constant 0 : i32
      %dma_wait3A_55 = tpu.memref_slice %arg8[%arg0, %add3A_30, %dma_wait3A_54] : memref<2x10240x128xf32, #tpu.memory_space<hbm>> -> memref<1x128x128xf32, #tpu.memory_space<hbm>>
      %dma_wait3A_56 = tpu.memref_squeeze %dma_wait3A_55 : memref<1x128x128xf32, #tpu.memory_space<hbm>> -> memref<128x128xf32, #tpu.memory_space<hbm>>
      tpu.wait_dma2 semaphore(%run_scoped3A : memref<!tpu.dma_semaphore, #tpu.memory_space<semaphore_mem>>) src(%arg13 : memref<128x128xf32, #tpu.memory_space<vmem>>) dst(%dma_wait3A_56 : memref<128x128xf32, #tpu.memory_space<hbm>>)
      tpu.yield
    }) : () -> ()
    %add3A_31 = arith.constant 128 : i32
    %add3A_32 = arith.addi %mul3A_7, %add3A_31 : i32
    "tpu.region"() ({
      %run_scoped3A = tpu.sem_alloc : memref<!tpu.dma_semaphore, #tpu.memory_space<semaphore_mem>>
      %dma_start3A = arith.constant 0 : i32
      %dma_start3A_47 = tpu.memref_slice %arg16[%add3A_32, %dma_start3A] : memref<10240x128xf32, #tpu.memory_space<vmem_shared>> -> memref<128x128xf32, #tpu.memory_space<vmem_shared>>
      %dma_start3A_48 = arith.constant 0 : i32
      %dma_start3A_49 = tpu.memref_slice %arg16[%add3A_32, %dma_start3A_48] : memref<10240x128xf32, #tpu.memory_space<vmem_shared>> -> memref<128x128xf32, #tpu.memory_space<vmem_shared>>
      tpu.enqueue_dma source(%dma_start3A_49 : memref<128x128xf32, #tpu.memory_space<vmem_shared>>) target(%arg13 : memref<128x128xf32, #tpu.memory_space<vmem>>) target_semaphore(%run_scoped3A : memref<!tpu.dma_semaphore, #tpu.memory_space<semaphore_mem>>)
      %dma_wait3A = arith.constant 0 : i32
      %dma_wait3A_50 = tpu.memref_slice %arg16[%add3A_32, %dma_wait3A] : memref<10240x128xf32, #tpu.memory_space<vmem_shared>> -> memref<128x128xf32, #tpu.memory_space<vmem_shared>>
      %dma_wait3A_51 = arith.constant 0 : i32
      %dma_wait3A_52 = tpu.memref_slice %arg16[%add3A_32, %dma_wait3A_51] : memref<10240x128xf32, #tpu.memory_space<vmem_shared>> -> memref<128x128xf32, #tpu.memory_space<vmem_shared>>
      tpu.wait_dma2 semaphore(%run_scoped3A : memref<!tpu.dma_semaphore, #tpu.memory_space<semaphore_mem>>) src(%dma_wait3A_52 : memref<128x128xf32, #tpu.memory_space<vmem_shared>>) dst(%arg13 : memref<128x128xf32, #tpu.memory_space<vmem>>)
      tpu.yield
    }) : () -> ()
    %add3A_33 = arith.constant 128 : i32
    %add3A_34 = arith.addi %mul3A_7, %add3A_33 : i32
    "tpu.region"() ({
      %run_scoped3A = tpu.sem_alloc : memref<!tpu.dma_semaphore, #tpu.memory_space<semaphore_mem>>
      %dma_start3A = arith.constant 0 : i32
      %dma_start3A_47 = tpu.memref_slice %arg8[%arg0, %add3A_34, %dma_start3A] : memref<2x10240x128xf32, #tpu.memory_space<hbm>> -> memref<1x128x128xf32, #tpu.memory_space<hbm>>
      %dma_start3A_48 = tpu.memref_squeeze %dma_start3A_47 : memref<1x128x128xf32, #tpu.memory_space<hbm>> -> memref<128x128xf32, #tpu.memory_space<hbm>>
      %dma_start3A_49 = arith.constant 0 : i32
      %dma_start3A_50 = tpu.memref_slice %arg8[%arg0, %add3A_34, %dma_start3A_49] : memref<2x10240x128xf32, #tpu.memory_space<hbm>> -> memref<1x128x128xf32, #tpu.memory_space<hbm>>
      %dma_start3A_51 = tpu.memref_squeeze %dma_start3A_50 : memref<1x128x128xf32, #tpu.memory_space<hbm>> -> memref<128x128xf32, #tpu.memory_space<hbm>>
      tpu.enqueue_dma source(%arg13 : memref<128x128xf32, #tpu.memory_space<vmem>>) target(%dma_start3A_51 : memref<128x128xf32, #tpu.memory_space<hbm>>) target_semaphore(%run_scoped3A : memref<!tpu.dma_semaphore, #tpu.memory_space<semaphore_mem>>)
      %dma_wait3A = arith.constant 0 : i32
      %dma_wait3A_52 = tpu.memref_slice %arg8[%arg0, %add3A_34, %dma_wait3A] : memref<2x10240x128xf32, #tpu.memory_space<hbm>> -> memref<1x128x128xf32, #tpu.memory_space<hbm>>
      %dma_wait3A_53 = tpu.memref_squeeze %dma_wait3A_52 : memref<1x128x128xf32, #tpu.memory_space<hbm>> -> memref<128x128xf32, #tpu.memory_space<hbm>>
      %dma_wait3A_54 = arith.constant 0 : i32
      %dma_wait3A_55 = tpu.memref_slice %arg8[%arg0, %add3A_34, %dma_wait3A_54] : memref<2x10240x128xf32, #tpu.memory_space<hbm>> -> memref<1x128x128xf32, #tpu.memory_space<hbm>>
      %dma_wait3A_56 = tpu.memref_squeeze %dma_wait3A_55 : memref<1x128x128xf32, #tpu.memory_space<hbm>> -> memref<128x128xf32, #tpu.memory_space<hbm>>
      tpu.wait_dma2 semaphore(%run_scoped3A : memref<!tpu.dma_semaphore, #tpu.memory_space<semaphore_mem>>) src(%arg13 : memref<128x128xf32, #tpu.memory_space<vmem>>) dst(%dma_wait3A_56 : memref<128x128xf32, #tpu.memory_space<hbm>>)
      tpu.yield
    }) : () -> ()
    %add3A_35 = arith.constant 256 : i32
    %add3A_36 = arith.addi %mul3A_7, %add3A_35 : i32
    "tpu.region"() ({
      %run_scoped3A = tpu.sem_alloc : memref<!tpu.dma_semaphore, #tpu.memory_space<semaphore_mem>>
      %dma_start3A = arith.constant 0 : i32
      %dma_start3A_47 = tpu.memref_slice %arg16[%add3A_36, %dma_start3A] : memref<10240x128xf32, #tpu.memory_space<vmem_shared>> -> memref<128x128xf32, #tpu.memory_space<vmem_shared>>
      %dma_start3A_48 = arith.constant 0 : i32
      %dma_start3A_49 = tpu.memref_slice %arg16[%add3A_36, %dma_start3A_48] : memref<10240x128xf32, #tpu.memory_space<vmem_shared>> -> memref<128x128xf32, #tpu.memory_space<vmem_shared>>
      tpu.enqueue_dma source(%dma_start3A_49 : memref<128x128xf32, #tpu.memory_space<vmem_shared>>) target(%arg13 : memref<128x128xf32, #tpu.memory_space<vmem>>) target_semaphore(%run_scoped3A : memref<!tpu.dma_semaphore, #tpu.memory_space<semaphore_mem>>)
      %dma_wait3A = arith.constant 0 : i32
      %dma_wait3A_50 = tpu.memref_slice %arg16[%add3A_36, %dma_wait3A] : memref<10240x128xf32, #tpu.memory_space<vmem_shared>> -> memref<128x128xf32, #tpu.memory_space<vmem_shared>>
      %dma_wait3A_51 = arith.constant 0 : i32
      %dma_wait3A_52 = tpu.memref_slice %arg16[%add3A_36, %dma_wait3A_51] : memref<10240x128xf32, #tpu.memory_space<vmem_shared>> -> memref<128x128xf32, #tpu.memory_space<vmem_shared>>
      tpu.wait_dma2 semaphore(%run_scoped3A : memref<!tpu.dma_semaphore, #tpu.memory_space<semaphore_mem>>) src(%dma_wait3A_52 : memref<128x128xf32, #tpu.memory_space<vmem_shared>>) dst(%arg13 : memref<128x128xf32, #tpu.memory_space<vmem>>)
      tpu.yield
    }) : () -> ()
    %add3A_37 = arith.constant 256 : i32
    %add3A_38 = arith.addi %mul3A_7, %add3A_37 : i32
    "tpu.region"() ({
      %run_scoped3A = tpu.sem_alloc : memref<!tpu.dma_semaphore, #tpu.memory_space<semaphore_mem>>
      %dma_start3A = arith.constant 0 : i32
      %dma_start3A_47 = tpu.memref_slice %arg8[%arg0, %add3A_38, %dma_start3A] : memref<2x10240x128xf32, #tpu.memory_space<hbm>> -> memref<1x128x128xf32, #tpu.memory_space<hbm>>
      %dma_start3A_48 = tpu.memref_squeeze %dma_start3A_47 : memref<1x128x128xf32, #tpu.memory_space<hbm>> -> memref<128x128xf32, #tpu.memory_space<hbm>>
      %dma_start3A_49 = arith.constant 0 : i32
      %dma_start3A_50 = tpu.memref_slice %arg8[%arg0, %add3A_38, %dma_start3A_49] : memref<2x10240x128xf32, #tpu.memory_space<hbm>> -> memref<1x128x128xf32, #tpu.memory_space<hbm>>
      %dma_start3A_51 = tpu.memref_squeeze %dma_start3A_50 : memref<1x128x128xf32, #tpu.memory_space<hbm>> -> memref<128x128xf32, #tpu.memory_space<hbm>>
      tpu.enqueue_dma source(%arg13 : memref<128x128xf32, #tpu.memory_space<vmem>>) target(%dma_start3A_51 : memref<128x128xf32, #tpu.memory_space<hbm>>) target_semaphore(%run_scoped3A : memref<!tpu.dma_semaphore, #tpu.memory_space<semaphore_mem>>)
      %dma_wait3A = arith.constant 0 : i32
      %dma_wait3A_52 = tpu.memref_slice %arg8[%arg0, %add3A_38, %dma_wait3A] : memref<2x10240x128xf32, #tpu.memory_space<hbm>> -> memref<1x128x128xf32, #tpu.memory_space<hbm>>
      %dma_wait3A_53 = tpu.memref_squeeze %dma_wait3A_52 : memref<1x128x128xf32, #tpu.memory_space<hbm>> -> memref<128x128xf32, #tpu.memory_space<hbm>>
      %dma_wait3A_54 = arith.constant 0 : i32
      %dma_wait3A_55 = tpu.memref_slice %arg8[%arg0, %add3A_38, %dma_wait3A_54] : memref<2x10240x128xf32, #tpu.memory_space<hbm>> -> memref<1x128x128xf32, #tpu.memory_space<hbm>>
      %dma_wait3A_56 = tpu.memref_squeeze %dma_wait3A_55 : memref<1x128x128xf32, #tpu.memory_space<hbm>> -> memref<128x128xf32, #tpu.memory_space<hbm>>
      tpu.wait_dma2 semaphore(%run_scoped3A : memref<!tpu.dma_semaphore, #tpu.memory_space<semaphore_mem>>) src(%arg13 : memref<128x128xf32, #tpu.memory_space<vmem>>) dst(%dma_wait3A_56 : memref<128x128xf32, #tpu.memory_space<hbm>>)
      tpu.yield
    }) : () -> ()
    %add3A_39 = arith.constant 384 : i32
    %add3A_40 = arith.addi %mul3A_7, %add3A_39 : i32
    "tpu.region"() ({
      %run_scoped3A = tpu.sem_alloc : memref<!tpu.dma_semaphore, #tpu.memory_space<semaphore_mem>>
      %dma_start3A = arith.constant 0 : i32
      %dma_start3A_47 = tpu.memref_slice %arg16[%add3A_40, %dma_start3A] : memref<10240x128xf32, #tpu.memory_space<vmem_shared>> -> memref<128x128xf32, #tpu.memory_space<vmem_shared>>
      %dma_start3A_48 = arith.constant 0 : i32
      %dma_start3A_49 = tpu.memref_slice %arg16[%add3A_40, %dma_start3A_48] : memref<10240x128xf32, #tpu.memory_space<vmem_shared>> -> memref<128x128xf32, #tpu.memory_space<vmem_shared>>
      tpu.enqueue_dma source(%dma_start3A_49 : memref<128x128xf32, #tpu.memory_space<vmem_shared>>) target(%arg13 : memref<128x128xf32, #tpu.memory_space<vmem>>) target_semaphore(%run_scoped3A : memref<!tpu.dma_semaphore, #tpu.memory_space<semaphore_mem>>)
      %dma_wait3A = arith.constant 0 : i32
      %dma_wait3A_50 = tpu.memref_slice %arg16[%add3A_40, %dma_wait3A] : memref<10240x128xf32, #tpu.memory_space<vmem_shared>> -> memref<128x128xf32, #tpu.memory_space<vmem_shared>>
      %dma_wait3A_51 = arith.constant 0 : i32
      %dma_wait3A_52 = tpu.memref_slice %arg16[%add3A_40, %dma_wait3A_51] : memref<10240x128xf32, #tpu.memory_space<vmem_shared>> -> memref<128x128xf32, #tpu.memory_space<vmem_shared>>
      tpu.wait_dma2 semaphore(%run_scoped3A : memref<!tpu.dma_semaphore, #tpu.memory_space<semaphore_mem>>) src(%dma_wait3A_52 : memref<128x128xf32, #tpu.memory_space<vmem_shared>>) dst(%arg13 : memref<128x128xf32, #tpu.memory_space<vmem>>)
      tpu.yield
    }) : () -> ()
    %add3A_41 = arith.constant 384 : i32
    %add3A_42 = arith.addi %mul3A_7, %add3A_41 : i32
    "tpu.region"() ({
      %run_scoped3A = tpu.sem_alloc : memref<!tpu.dma_semaphore, #tpu.memory_space<semaphore_mem>>
      %dma_start3A = arith.constant 0 : i32
      %dma_start3A_47 = tpu.memref_slice %arg8[%arg0, %add3A_42, %dma_start3A] : memref<2x10240x128xf32, #tpu.memory_space<hbm>> -> memref<1x128x128xf32, #tpu.memory_space<hbm>>
      %dma_start3A_48 = tpu.memref_squeeze %dma_start3A_47 : memref<1x128x128xf32, #tpu.memory_space<hbm>> -> memref<128x128xf32, #tpu.memory_space<hbm>>
      %dma_start3A_49 = arith.constant 0 : i32
      %dma_start3A_50 = tpu.memref_slice %arg8[%arg0, %add3A_42, %dma_start3A_49] : memref<2x10240x128xf32, #tpu.memory_space<hbm>> -> memref<1x128x128xf32, #tpu.memory_space<hbm>>
      %dma_start3A_51 = tpu.memref_squeeze %dma_start3A_50 : memref<1x128x128xf32, #tpu.memory_space<hbm>> -> memref<128x128xf32, #tpu.memory_space<hbm>>
      tpu.enqueue_dma source(%arg13 : memref<128x128xf32, #tpu.memory_space<vmem>>) target(%dma_start3A_51 : memref<128x128xf32, #tpu.memory_space<hbm>>) target_semaphore(%run_scoped3A : memref<!tpu.dma_semaphore, #tpu.memory_space<semaphore_mem>>)
      %dma_wait3A = arith.constant 0 : i32
      %dma_wait3A_52 = tpu.memref_slice %arg8[%arg0, %add3A_42, %dma_wait3A] : memref<2x10240x128xf32, #tpu.memory_space<hbm>> -> memref<1x128x128xf32, #tpu.memory_space<hbm>>
      %dma_wait3A_53 = tpu.memref_squeeze %dma_wait3A_52 : memref<1x128x128xf32, #tpu.memory_space<hbm>> -> memref<128x128xf32, #tpu.memory_space<hbm>>
      %dma_wait3A_54 = arith.constant 0 : i32
      %dma_wait3A_55 = tpu.memref_slice %arg8[%arg0, %add3A_42, %dma_wait3A_54] : memref<2x10240x128xf32, #tpu.memory_space<hbm>> -> memref<1x128x128xf32, #tpu.memory_space<hbm>>
      %dma_wait3A_56 = tpu.memref_squeeze %dma_wait3A_55 : memref<1x128x128xf32, #tpu.memory_space<hbm>> -> memref<128x128xf32, #tpu.memory_space<hbm>>
      tpu.wait_dma2 semaphore(%run_scoped3A : memref<!tpu.dma_semaphore, #tpu.memory_space<semaphore_mem>>) src(%arg13 : memref<128x128xf32, #tpu.memory_space<vmem>>) dst(%dma_wait3A_56 : memref<128x128xf32, #tpu.memory_space<hbm>>)
      tpu.yield
    }) : () -> ()
    %add3A_43 = arith.constant 512 : i32
    %add3A_44 = arith.addi %mul3A_7, %add3A_43 : i32
    "tpu.region"() ({
      %run_scoped3A = tpu.sem_alloc : memref<!tpu.dma_semaphore, #tpu.memory_space<semaphore_mem>>
      %dma_start3A = arith.constant 0 : i32
      %dma_start3A_47 = tpu.memref_slice %arg16[%add3A_44, %dma_start3A] : memref<10240x128xf32, #tpu.memory_space<vmem_shared>> -> memref<128x128xf32, #tpu.memory_space<vmem_shared>>
      %dma_start3A_48 = arith.constant 0 : i32
      %dma_start3A_49 = tpu.memref_slice %arg16[%add3A_44, %dma_start3A_48] : memref<10240x128xf32, #tpu.memory_space<vmem_shared>> -> memref<128x128xf32, #tpu.memory_space<vmem_shared>>
      tpu.enqueue_dma source(%dma_start3A_49 : memref<128x128xf32, #tpu.memory_space<vmem_shared>>) target(%arg13 : memref<128x128xf32, #tpu.memory_space<vmem>>) target_semaphore(%run_scoped3A : memref<!tpu.dma_semaphore, #tpu.memory_space<semaphore_mem>>)
      %dma_wait3A = arith.constant 0 : i32
      %dma_wait3A_50 = tpu.memref_slice %arg16[%add3A_44, %dma_wait3A] : memref<10240x128xf32, #tpu.memory_space<vmem_shared>> -> memref<128x128xf32, #tpu.memory_space<vmem_shared>>
      %dma_wait3A_51 = arith.constant 0 : i32
      %dma_wait3A_52 = tpu.memref_slice %arg16[%add3A_44, %dma_wait3A_51] : memref<10240x128xf32, #tpu.memory_space<vmem_shared>> -> memref<128x128xf32, #tpu.memory_space<vmem_shared>>
      tpu.wait_dma2 semaphore(%run_scoped3A : memref<!tpu.dma_semaphore, #tpu.memory_space<semaphore_mem>>) src(%dma_wait3A_52 : memref<128x128xf32, #tpu.memory_space<vmem_shared>>) dst(%arg13 : memref<128x128xf32, #tpu.memory_space<vmem>>)
      tpu.yield
    }) : () -> ()
    %add3A_45 = arith.constant 512 : i32
    %add3A_46 = arith.addi %mul3A_7, %add3A_45 : i32
    "tpu.region"() ({
      %run_scoped3A = tpu.sem_alloc : memref<!tpu.dma_semaphore, #tpu.memory_space<semaphore_mem>>
      %dma_start3A = arith.constant 0 : i32
      %dma_start3A_47 = tpu.memref_slice %arg8[%arg0, %add3A_46, %dma_start3A] : memref<2x10240x128xf32, #tpu.memory_space<hbm>> -> memref<1x128x128xf32, #tpu.memory_space<hbm>>
      %dma_start3A_48 = tpu.memref_squeeze %dma_start3A_47 : memref<1x128x128xf32, #tpu.memory_space<hbm>> -> memref<128x128xf32, #tpu.memory_space<hbm>>
      %dma_start3A_49 = arith.constant 0 : i32
      %dma_start3A_50 = tpu.memref_slice %arg8[%arg0, %add3A_46, %dma_start3A_49] : memref<2x10240x128xf32, #tpu.memory_space<hbm>> -> memref<1x128x128xf32, #tpu.memory_space<hbm>>
      %dma_start3A_51 = tpu.memref_squeeze %dma_start3A_50 : memref<1x128x128xf32, #tpu.memory_space<hbm>> -> memref<128x128xf32, #tpu.memory_space<hbm>>
      tpu.enqueue_dma source(%arg13 : memref<128x128xf32, #tpu.memory_space<vmem>>) target(%dma_start3A_51 : memref<128x128xf32, #tpu.memory_space<hbm>>) target_semaphore(%run_scoped3A : memref<!tpu.dma_semaphore, #tpu.memory_space<semaphore_mem>>)
      %dma_wait3A = arith.constant 0 : i32
      %dma_wait3A_52 = tpu.memref_slice %arg8[%arg0, %add3A_46, %dma_wait3A] : memref<2x10240x128xf32, #tpu.memory_space<hbm>> -> memref<1x128x128xf32, #tpu.memory_space<hbm>>
      %dma_wait3A_53 = tpu.memref_squeeze %dma_wait3A_52 : memref<1x128x128xf32, #tpu.memory_space<hbm>> -> memref<128x128xf32, #tpu.memory_space<hbm>>
      %dma_wait3A_54 = arith.constant 0 : i32
      %dma_wait3A_55 = tpu.memref_slice %arg8[%arg0, %add3A_46, %dma_wait3A_54] : memref<2x10240x128xf32, #tpu.memory_space<hbm>> -> memref<1x128x128xf32, #tpu.memory_space<hbm>>
      %dma_wait3A_56 = tpu.memref_squeeze %dma_wait3A_55 : memref<1x128x128xf32, #tpu.memory_space<hbm>> -> memref<128x128xf32, #tpu.memory_space<hbm>>
      tpu.wait_dma2 semaphore(%run_scoped3A : memref<!tpu.dma_semaphore, #tpu.memory_space<semaphore_mem>>) src(%arg13 : memref<128x128xf32, #tpu.memory_space<vmem>>) dst(%dma_wait3A_56 : memref<128x128xf32, #tpu.memory_space<hbm>>)
      tpu.yield
    }) : () -> ()
    return
  }
}

#map = affine_map<(d0, d1) -> (0, 0)>
#map1 = affine_map<(d0, d1) -> (0)>
#map2 = affine_map<(d0, d1) -> (0, 0, 0)>
module attributes {stable_mosaic.version = 14 : i64} {
  func.func @_sc_edges_body(%arg0: i32, %arg1: i32, %arg2: memref<1280x128xi32, #tpu.memory_space<hbm>>, %arg3: memref<1280x128xi32, #tpu.memory_space<hbm>>, %arg4: memref<1280x128xf32, #tpu.memory_space<hbm>>, %arg5: memref<10000x128xf32, #tpu.memory_space<hbm>>, %arg6: memref<10000xf32, #tpu.memory_space<hbm>>, %arg7: memref<10000xf32, #tpu.memory_space<hbm>>, %arg8: memref<2x10240x128xf32, #tpu.memory_space<hbm>>, %arg9: memref<40x128xi32, #tpu.memory_space<vmem>>, %arg10: memref<40x128xi32, #tpu.memory_space<vmem>>, %arg11: memref<128xf32, #tpu.memory_space<vmem>>, %arg12: memref<128xf32, #tpu.memory_space<vmem>>, %arg13: memref<128x128xf32, #tpu.memory_space<vmem>>, %arg14: memref<10000xf32, #tpu.memory_space<vmem>>, %arg15: memref<10000xf32, #tpu.memory_space<vmem>>, %arg16: memref<10240x128xf32, #tpu.memory_space<vmem_shared>>, %arg17: memref<!tpu.dma_semaphore, #tpu.memory_space<semaphore_mem>>) attributes {dimension_semantics = [#tpu.dimension_semantics<core_parallel>, #tpu.dimension_semantics<subcore_parallel>], iteration_bounds = array<i64: 2, 16>, scalar_prefetch = 0 : i64, scratch_operands = 9 : i64, tpu.core_type = #tpu.core_type<sc_vector_subcore>, window_params = [{transform_indices = #map}, {transform_indices = #map}, {transform_indices = #map}, {transform_indices = #map}, {transform_indices = #map1}, {transform_indices = #map1}, {transform_indices = #map2}]} {
    %mul3A = arith.constant 16 : i32
    %mul3A_0 = arith.muli %arg0, %mul3A : i32
    %add3A = arith.addi %mul3A_0, %arg1 : i32
    %scan3A = arith.constant 0 : i32
    %scan3A_1 = arith.constant 0 : i32
    %scan3A_2 = arith.constant 128 : i32
    %scan3A_3 = arith.addi %scan3A_1, %scan3A_2 : i32
    %scan3A_4 = arith.constant 1 : i32
    scf.for %scan3A_47 = %scan3A_1 to %scan3A_3 step %scan3A_4  : i32 {
      %broadcast_in_dim3A = arith.constant 0.000000e+00 : f32
      %broadcast_in_dim3A_48 = vector.broadcast %broadcast_in_dim3A : f32 to vector<16xf32>
      %swap3A = arith.index_cast %scan3A_47 : i32 to index
      %swap3A_49 = arith.constant 0 : index
      %swap3A_50 = tpu.vector_load %arg13[%swap3A, %swap3A_49] {strides = array<i32>} : memref<128x128xf32, #tpu.memory_space<vmem>>, vector<16xf32>,
      tpu.vector_store %arg13[%swap3A, %swap3A_49], %broadcast_in_dim3A_48 {strides = array<i32>} : memref<128x128xf32, #tpu.memory_space<vmem>>, vector<16xf32>,
      %broadcast_in_dim3A_51 = arith.constant 0.000000e+00 : f32
      %broadcast_in_dim3A_52 = vector.broadcast %broadcast_in_dim3A_51 : f32 to vector<16xf32>
      %swap3A_53 = arith.index_cast %scan3A_47 : i32 to index
      %swap3A_54 = arith.constant 16 : index
      %swap3A_55 = tpu.vector_load %arg13[%swap3A_53, %swap3A_54] {strides = array<i32>} : memref<128x128xf32, #tpu.memory_space<vmem>>, vector<16xf32>,
      tpu.vector_store %arg13[%swap3A_53, %swap3A_54], %broadcast_in_dim3A_52 {strides = array<i32>} : memref<128x128xf32, #tpu.memory_space<vmem>>, vector<16xf32>,
      %broadcast_in_dim3A_56 = arith.constant 0.000000e+00 : f32
      %broadcast_in_dim3A_57 = vector.broadcast %broadcast_in_dim3A_56 : f32 to vector<16xf32>
      %swap3A_58 = arith.index_cast %scan3A_47 : i32 to index
      %swap3A_59 = arith.constant 32 : index
      %swap3A_60 = tpu.vector_load %arg13[%swap3A_58, %swap3A_59] {strides = array<i32>} : memref<128x128xf32, #tpu.memory_space<vmem>>, vector<16xf32>,
      tpu.vector_store %arg13[%swap3A_58, %swap3A_59], %broadcast_in_dim3A_57 {strides = array<i32>} : memref<128x128xf32, #tpu.memory_space<vmem>>, vector<16xf32>,
      %broadcast_in_dim3A_61 = arith.constant 0.000000e+00 : f32
      %broadcast_in_dim3A_62 = vector.broadcast %broadcast_in_dim3A_61 : f32 to vector<16xf32>
      %swap3A_63 = arith.index_cast %scan3A_47 : i32 to index
      %swap3A_64 = arith.constant 48 : index
      %swap3A_65 = tpu.vector_load %arg13[%swap3A_63, %swap3A_64] {strides = array<i32>} : memref<128x128xf32, #tpu.memory_space<vmem>>, vector<16xf32>,
      tpu.vector_store %arg13[%swap3A_63, %swap3A_64], %broadcast_in_dim3A_62 {strides = array<i32>} : memref<128x128xf32, #tpu.memory_space<vmem>>, vector<16xf32>,
      %broadcast_in_dim3A_66 = arith.constant 0.000000e+00 : f32
      %broadcast_in_dim3A_67 = vector.broadcast %broadcast_in_dim3A_66 : f32 to vector<16xf32>
      %swap3A_68 = arith.index_cast %scan3A_47 : i32 to index
      %swap3A_69 = arith.constant 64 : index
      %swap3A_70 = tpu.vector_load %arg13[%swap3A_68, %swap3A_69] {strides = array<i32>} : memref<128x128xf32, #tpu.memory_space<vmem>>, vector<16xf32>,
      tpu.vector_store %arg13[%swap3A_68, %swap3A_69], %broadcast_in_dim3A_67 {strides = array<i32>} : memref<128x128xf32, #tpu.memory_space<vmem>>, vector<16xf32>,
      %broadcast_in_dim3A_71 = arith.constant 0.000000e+00 : f32
      %broadcast_in_dim3A_72 = vector.broadcast %broadcast_in_dim3A_71 : f32 to vector<16xf32>
      %swap3A_73 = arith.index_cast %scan3A_47 : i32 to index
      %swap3A_74 = arith.constant 80 : index
      %swap3A_75 = tpu.vector_load %arg13[%swap3A_73, %swap3A_74] {strides = array<i32>} : memref<128x128xf32, #tpu.memory_space<vmem>>, vector<16xf32>,
      tpu.vector_store %arg13[%swap3A_73, %swap3A_74], %broadcast_in_dim3A_72 {strides = array<i32>} : memref<128x128xf32, #tpu.memory_space<vmem>>, vector<16xf32>,
      %broadcast_in_dim3A_76 = arith.constant 0.000000e+00 : f32
      %broadcast_in_dim3A_77 = vector.broadcast %broadcast_in_dim3A_76 : f32 to vector<16xf32>
      %swap3A_78 = arith.index_cast %scan3A_47 : i32 to index
      %swap3A_79 = arith.constant 96 : index
      %swap3A_80 = tpu.vector_load %arg13[%swap3A_78, %swap3A_79] {strides = array<i32>} : memref<128x128xf32, #tpu.memory_space<vmem>>, vector<16xf32>,
      tpu.vector_store %arg13[%swap3A_78, %swap3A_79], %broadcast_in_dim3A_77 {strides = array<i32>} : memref<128x128xf32, #tpu.memory_space<vmem>>, vector<16xf32>,
      %broadcast_in_dim3A_81 = arith.constant 0.000000e+00 : f32
      %broadcast_in_dim3A_82 = vector.broadcast %broadcast_in_dim3A_81 : f32 to vector<16xf32>
      %swap3A_83 = arith.index_cast %scan3A_47 : i32 to index
      %swap3A_84 = arith.constant 112 : index
      %swap3A_85 = tpu.vector_load %arg13[%swap3A_83, %swap3A_84] {strides = array<i32>} : memref<128x128xf32, #tpu.memory_space<vmem>>, vector<16xf32>,
      tpu.vector_store %arg13[%swap3A_83, %swap3A_84], %broadcast_in_dim3A_82 {strides = array<i32>} : memref<128x128xf32, #tpu.memory_space<vmem>>, vector<16xf32>,
    }
    %scan3A_5 = arith.constant 128 : i32
    %mul3A_6 = arith.constant 640 : i32
    %mul3A_7 = arith.muli %arg1, %mul3A_6 : i32
    %add3A_8 = arith.constant 0 : i32
    %add3A_9 = arith.addi %mul3A_7, %add3A_8 : i32
    "tpu.region"() ({
      %run_scoped3A = tpu.sem_alloc : memref<!tpu.dma_semaphore, #tpu.memory_space<semaphore_mem>>
      %dma_start3A = arith.constant 0 : i32
      %dma_start3A_47 = tpu.memref_slice %arg16[%add3A_9, %dma_start3A] : memref<10240x128xf32, #tpu.memory_space<vmem_shared>> -> memref<128x128xf32, #tpu.memory_space<vmem_shared>>
      %dma_start3A_48 = arith.constant 0 : i32
      %dma_start3A_49 = tpu.memref_slice %arg16[%add3A_9, %dma_start3A_48] : memref<10240x128xf32, #tpu.memory_space<vmem_shared>> -> memref<128x128xf32, #tpu.memory_space<vmem_shared>>
      tpu.enqueue_dma source(%arg13 : memref<128x128xf32, #tpu.memory_space<vmem>>) target(%dma_start3A_49 : memref<128x128xf32, #tpu.memory_space<vmem_shared>>) target_semaphore(%run_scoped3A : memref<!tpu.dma_semaphore, #tpu.memory_space<semaphore_mem>>)
      %dma_wait3A = arith.constant 0 : i32
      %dma_wait3A_50 = tpu.memref_slice %arg16[%add3A_9, %dma_wait3A] : memref<10240x128xf32, #tpu.memory_space<vmem_shared>> -> memref<128x128xf32, #tpu.memory_space<vmem_shared>>
      %dma_wait3A_51 = arith.constant 0 : i32
      %dma_wait3A_52 = tpu.memref_slice %arg16[%add3A_9, %dma_wait3A_51] : memref<10240x128xf32, #tpu.memory_space<vmem_shared>> -> memref<128x128xf32, #tpu.memory_space<vmem_shared>>
      tpu.wait_dma2 semaphore(%run_scoped3A : memref<!tpu.dma_semaphore, #tpu.memory_space<semaphore_mem>>) src(%arg13 : memref<128x128xf32, #tpu.memory_space<vmem>>) dst(%dma_wait3A_52 : memref<128x128xf32, #tpu.memory_space<vmem_shared>>)
      tpu.yield
    }) : () -> ()
    %add3A_10 = arith.constant 128 : i32
    %add3A_11 = arith.addi %mul3A_7, %add3A_10 : i32
    "tpu.region"() ({
      %run_scoped3A = tpu.sem_alloc : memref<!tpu.dma_semaphore, #tpu.memory_space<semaphore_mem>>
      %dma_start3A = arith.constant 0 : i32
      %dma_start3A_47 = tpu.memref_slice %arg16[%add3A_11, %dma_start3A] : memref<10240x128xf32, #tpu.memory_space<vmem_shared>> -> memref<128x128xf32, #tpu.memory_space<vmem_shared>>
      %dma_start3A_48 = arith.constant 0 : i32
      %dma_start3A_49 = tpu.memref_slice %arg16[%add3A_11, %dma_start3A_48] : memref<10240x128xf32, #tpu.memory_space<vmem_shared>> -> memref<128x128xf32, #tpu.memory_space<vmem_shared>>
      tpu.enqueue_dma source(%arg13 : memref<128x128xf32, #tpu.memory_space<vmem>>) target(%dma_start3A_49 : memref<128x128xf32, #tpu.memory_space<vmem_shared>>) target_semaphore(%run_scoped3A : memref<!tpu.dma_semaphore, #tpu.memory_space<semaphore_mem>>)
      %dma_wait3A = arith.constant 0 : i32
      %dma_wait3A_50 = tpu.memref_slice %arg16[%add3A_11, %dma_wait3A] : memref<10240x128xf32, #tpu.memory_space<vmem_shared>> -> memref<128x128xf32, #tpu.memory_space<vmem_shared>>
      %dma_wait3A_51 = arith.constant 0 : i32
      %dma_wait3A_52 = tpu.memref_slice %arg16[%add3A_11, %dma_wait3A_51] : memref<10240x128xf32, #tpu.memory_space<vmem_shared>> -> memref<128x128xf32, #tpu.memory_space<vmem_shared>>
      tpu.wait_dma2 semaphore(%run_scoped3A : memref<!tpu.dma_semaphore, #tpu.memory_space<semaphore_mem>>) src(%arg13 : memref<128x128xf32, #tpu.memory_space<vmem>>) dst(%dma_wait3A_52 : memref<128x128xf32, #tpu.memory_space<vmem_shared>>)
      tpu.yield
    }) : () -> ()
    %add3A_12 = arith.constant 256 : i32
    %add3A_13 = arith.addi %mul3A_7, %add3A_12 : i32
    "tpu.region"() ({
      %run_scoped3A = tpu.sem_alloc : memref<!tpu.dma_semaphore, #tpu.memory_space<semaphore_mem>>
      %dma_start3A = arith.constant 0 : i32
      %dma_start3A_47 = tpu.memref_slice %arg16[%add3A_13, %dma_start3A] : memref<10240x128xf32, #tpu.memory_space<vmem_shared>> -> memref<128x128xf32, #tpu.memory_space<vmem_shared>>
      %dma_start3A_48 = arith.constant 0 : i32
      %dma_start3A_49 = tpu.memref_slice %arg16[%add3A_13, %dma_start3A_48] : memref<10240x128xf32, #tpu.memory_space<vmem_shared>> -> memref<128x128xf32, #tpu.memory_space<vmem_shared>>
      tpu.enqueue_dma source(%arg13 : memref<128x128xf32, #tpu.memory_space<vmem>>) target(%dma_start3A_49 : memref<128x128xf32, #tpu.memory_space<vmem_shared>>) target_semaphore(%run_scoped3A : memref<!tpu.dma_semaphore, #tpu.memory_space<semaphore_mem>>)
      %dma_wait3A = arith.constant 0 : i32
      %dma_wait3A_50 = tpu.memref_slice %arg16[%add3A_13, %dma_wait3A] : memref<10240x128xf32, #tpu.memory_space<vmem_shared>> -> memref<128x128xf32, #tpu.memory_space<vmem_shared>>
      %dma_wait3A_51 = arith.constant 0 : i32
      %dma_wait3A_52 = tpu.memref_slice %arg16[%add3A_13, %dma_wait3A_51] : memref<10240x128xf32, #tpu.memory_space<vmem_shared>> -> memref<128x128xf32, #tpu.memory_space<vmem_shared>>
      tpu.wait_dma2 semaphore(%run_scoped3A : memref<!tpu.dma_semaphore, #tpu.memory_space<semaphore_mem>>) src(%arg13 : memref<128x128xf32, #tpu.memory_space<vmem>>) dst(%dma_wait3A_52 : memref<128x128xf32, #tpu.memory_space<vmem_shared>>)
      tpu.yield
    }) : () -> ()
    %add3A_14 = arith.constant 384 : i32
    %add3A_15 = arith.addi %mul3A_7, %add3A_14 : i32
    "tpu.region"() ({
      %run_scoped3A = tpu.sem_alloc : memref<!tpu.dma_semaphore, #tpu.memory_space<semaphore_mem>>
      %dma_start3A = arith.constant 0 : i32
      %dma_start3A_47 = tpu.memref_slice %arg16[%add3A_15, %dma_start3A] : memref<10240x128xf32, #tpu.memory_space<vmem_shared>> -> memref<128x128xf32, #tpu.memory_space<vmem_shared>>
      %dma_start3A_48 = arith.constant 0 : i32
      %dma_start3A_49 = tpu.memref_slice %arg16[%add3A_15, %dma_start3A_48] : memref<10240x128xf32, #tpu.memory_space<vmem_shared>> -> memref<128x128xf32, #tpu.memory_space<vmem_shared>>
      tpu.enqueue_dma source(%arg13 : memref<128x128xf32, #tpu.memory_space<vmem>>) target(%dma_start3A_49 : memref<128x128xf32, #tpu.memory_space<vmem_shared>>) target_semaphore(%run_scoped3A : memref<!tpu.dma_semaphore, #tpu.memory_space<semaphore_mem>>)
      %dma_wait3A = arith.constant 0 : i32
      %dma_wait3A_50 = tpu.memref_slice %arg16[%add3A_15, %dma_wait3A] : memref<10240x128xf32, #tpu.memory_space<vmem_shared>> -> memref<128x128xf32, #tpu.memory_space<vmem_shared>>
      %dma_wait3A_51 = arith.constant 0 : i32
      %dma_wait3A_52 = tpu.memref_slice %arg16[%add3A_15, %dma_wait3A_51] : memref<10240x128xf32, #tpu.memory_space<vmem_shared>> -> memref<128x128xf32, #tpu.memory_space<vmem_shared>>
      tpu.wait_dma2 semaphore(%run_scoped3A : memref<!tpu.dma_semaphore, #tpu.memory_space<semaphore_mem>>) src(%arg13 : memref<128x128xf32, #tpu.memory_space<vmem>>) dst(%dma_wait3A_52 : memref<128x128xf32, #tpu.memory_space<vmem_shared>>)
      tpu.yield
    }) : () -> ()
    %add3A_16 = arith.constant 512 : i32
    %add3A_17 = arith.addi %mul3A_7, %add3A_16 : i32
    "tpu.region"() ({
      %run_scoped3A = tpu.sem_alloc : memref<!tpu.dma_semaphore, #tpu.memory_space<semaphore_mem>>
      %dma_start3A = arith.constant 0 : i32
      %dma_start3A_47 = tpu.memref_slice %arg16[%add3A_17, %dma_start3A] : memref<10240x128xf32, #tpu.memory_space<vmem_shared>> -> memref<128x128xf32, #tpu.memory_space<vmem_shared>>
      %dma_start3A_48 = arith.constant 0 : i32
      %dma_start3A_49 = tpu.memref_slice %arg16[%add3A_17, %dma_start3A_48] : memref<10240x128xf32, #tpu.memory_space<vmem_shared>> -> memref<128x128xf32, #tpu.memory_space<vmem_shared>>
      tpu.enqueue_dma source(%arg13 : memref<128x128xf32, #tpu.memory_space<vmem>>) target(%dma_start3A_49 : memref<128x128xf32, #tpu.memory_space<vmem_shared>>) target_semaphore(%run_scoped3A : memref<!tpu.dma_semaphore, #tpu.memory_space<semaphore_mem>>)
      %dma_wait3A = arith.constant 0 : i32
      %dma_wait3A_50 = tpu.memref_slice %arg16[%add3A_17, %dma_wait3A] : memref<10240x128xf32, #tpu.memory_space<vmem_shared>> -> memref<128x128xf32, #tpu.memory_space<vmem_shared>>
      %dma_wait3A_51 = arith.constant 0 : i32
      %dma_wait3A_52 = tpu.memref_slice %arg16[%add3A_17, %dma_wait3A_51] : memref<10240x128xf32, #tpu.memory_space<vmem_shared>> -> memref<128x128xf32, #tpu.memory_space<vmem_shared>>
      tpu.wait_dma2 semaphore(%run_scoped3A : memref<!tpu.dma_semaphore, #tpu.memory_space<semaphore_mem>>) src(%arg13 : memref<128x128xf32, #tpu.memory_space<vmem>>) dst(%dma_wait3A_52 : memref<128x128xf32, #tpu.memory_space<vmem_shared>>)
      tpu.yield
    }) : () -> ()
    "tpu.region"() ({
      %run_scoped3A = tpu.sem_alloc : memref<!tpu.dma_semaphore, #tpu.memory_space<semaphore_mem>>
      tpu.enqueue_dma source(%arg6 : memref<10000xf32, #tpu.memory_space<hbm>>) target(%arg14 : memref<10000xf32, #tpu.memory_space<vmem>>) target_semaphore(%run_scoped3A : memref<!tpu.dma_semaphore, #tpu.memory_space<semaphore_mem>>)
      tpu.wait_dma2 semaphore(%run_scoped3A : memref<!tpu.dma_semaphore, #tpu.memory_space<semaphore_mem>>) src(%arg6 : memref<10000xf32, #tpu.memory_space<hbm>>) dst(%arg14 : memref<10000xf32, #tpu.memory_space<vmem>>)
      tpu.yield
    }) : () -> ()
    "tpu.region"() ({
      %run_scoped3A = tpu.sem_alloc : memref<!tpu.dma_semaphore, #tpu.memory_space<semaphore_mem>>
      tpu.enqueue_dma source(%arg7 : memref<10000xf32, #tpu.memory_space<hbm>>) target(%arg15 : memref<10000xf32, #tpu.memory_space<vmem>>) target_semaphore(%run_scoped3A : memref<!tpu.dma_semaphore, #tpu.memory_space<semaphore_mem>>)
      tpu.wait_dma2 semaphore(%run_scoped3A : memref<!tpu.dma_semaphore, #tpu.memory_space<semaphore_mem>>) src(%arg7 : memref<10000xf32, #tpu.memory_space<hbm>>) dst(%arg15 : memref<10000xf32, #tpu.memory_space<vmem>>)
      tpu.yield
    }) : () -> ()
    %mul3A_18 = arith.constant 40 : i32
    %mul3A_19 = arith.muli %add3A, %mul3A_18 : i32
    "tpu.region"() ({
      %run_scoped3A = tpu.sem_alloc : memref<!tpu.dma_semaphore, #tpu.memory_space<semaphore_mem>>
      %dma_start3A = arith.constant 0 : i32
      %dma_start3A_47 = tpu.memref_slice %arg2[%mul3A_19, %dma_start3A] : memref<1280x128xi32, #tpu.memory_space<hbm>> -> memref<40x128xi32, #tpu.memory_space<hbm>>
      %dma_start3A_48 = arith.constant 0 : i32
      %dma_start3A_49 = tpu.memref_slice %arg2[%mul3A_19, %dma_start3A_48] : memref<1280x128xi32, #tpu.memory_space<hbm>> -> memref<40x128xi32, #tpu.memory_space<hbm>>
      tpu.enqueue_dma source(%dma_start3A_49 : memref<40x128xi32, #tpu.memory_space<hbm>>) target(%arg9 : memref<40x128xi32, #tpu.memory_space<vmem>>) target_semaphore(%run_scoped3A : memref<!tpu.dma_semaphore, #tpu.memory_space<semaphore_mem>>)
      %dma_wait3A = arith.constant 0 : i32
      %dma_wait3A_50 = tpu.memref_slice %arg2[%mul3A_19, %dma_wait3A] : memref<1280x128xi32, #tpu.memory_space<hbm>> -> memref<40x128xi32, #tpu.memory_space<hbm>>
      %dma_wait3A_51 = arith.constant 0 : i32
      %dma_wait3A_52 = tpu.memref_slice %arg2[%mul3A_19, %dma_wait3A_51] : memref<1280x128xi32, #tpu.memory_space<hbm>> -> memref<40x128xi32, #tpu.memory_space<hbm>>
      tpu.wait_dma2 semaphore(%run_scoped3A : memref<!tpu.dma_semaphore, #tpu.memory_space<semaphore_mem>>) src(%dma_wait3A_52 : memref<40x128xi32, #tpu.memory_space<hbm>>) dst(%arg9 : memref<40x128xi32, #tpu.memory_space<vmem>>)
      tpu.yield
    }) : () -> ()
    "tpu.region"() ({
      %run_scoped3A = tpu.sem_alloc : memref<!tpu.dma_semaphore, #tpu.memory_space<semaphore_mem>>
      %dma_start3A = arith.constant 0 : i32
      %dma_start3A_47 = tpu.memref_slice %arg3[%mul3A_19, %dma_start3A] : memref<1280x128xi32, #tpu.memory_space<hbm>> -> memref<40x128xi32, #tpu.memory_space<hbm>>
      %dma_start3A_48 = arith.constant 0 : i32
      %dma_start3A_49 = tpu.memref_slice %arg3[%mul3A_19, %dma_start3A_48] : memref<1280x128xi32, #tpu.memory_space<hbm>> -> memref<40x128xi32, #tpu.memory_space<hbm>>
      tpu.enqueue_dma source(%dma_start3A_49 : memref<40x128xi32, #tpu.memory_space<hbm>>) target(%arg10 : memref<40x128xi32, #tpu.memory_space<vmem>>) target_semaphore(%run_scoped3A : memref<!tpu.dma_semaphore, #tpu.memory_space<semaphore_mem>>)
      %dma_wait3A = arith.constant 0 : i32
      %dma_wait3A_50 = tpu.memref_slice %arg3[%mul3A_19, %dma_wait3A] : memref<1280x128xi32, #tpu.memory_space<hbm>> -> memref<40x128xi32, #tpu.memory_space<hbm>>
      %dma_wait3A_51 = arith.constant 0 : i32
      %dma_wait3A_52 = tpu.memref_slice %arg3[%mul3A_19, %dma_wait3A_51] : memref<1280x128xi32, #tpu.memory_space<hbm>> -> memref<40x128xi32, #tpu.memory_space<hbm>>
      tpu.wait_dma2 semaphore(%run_scoped3A : memref<!tpu.dma_semaphore, #tpu.memory_space<semaphore_mem>>) src(%dma_wait3A_52 : memref<40x128xi32, #tpu.memory_space<hbm>>) dst(%arg10 : memref<40x128xi32, #tpu.memory_space<vmem>>)
      tpu.yield
    }) : () -> ()
    %barrier3A = arith.constant 0 : index
    tpu.barrier barrier_id(%barrier3A)
    %scan3A_20 = arith.constant 0 : i32
    %scan3A_21 = arith.constant 0 : i32
    %scan3A_22 = arith.constant 40 : i32
    %scan3A_23 = arith.addi %scan3A_21, %scan3A_22 : i32
    %scan3A_24 = arith.constant 1 : i32
    scf.for %scan3A_47 = %scan3A_21 to %scan3A_23 step %scan3A_24  : i32 {
      %add3A_48 = arith.addi %mul3A_19, %scan3A_47 : i32
      "tpu.region"() ({
        %run_scoped3A = tpu.sem_alloc : memref<!tpu.dma_semaphore, #tpu.memory_space<semaphore_mem>>
        %dma_start3A_251 = arith.constant 0 : i32
        %dma_start3A_252 = tpu.memref_slice %arg4[%add3A_48, %dma_start3A_251] : memref<1280x128xf32, #tpu.memory_space<hbm>> -> memref<1x128xf32, #tpu.memory_space<hbm>>
        %dma_start3A_253 = tpu.memref_squeeze %dma_start3A_252 : memref<1x128xf32, #tpu.memory_space<hbm>> -> memref<128xf32, #tpu.memory_space<hbm>>
        %dma_start3A_254 = arith.constant 0 : i32
        %dma_start3A_255 = tpu.memref_slice %arg4[%add3A_48, %dma_start3A_254] : memref<1280x128xf32, #tpu.memory_space<hbm>> -> memref<1x128xf32, #tpu.memory_space<hbm>>
        %dma_start3A_256 = tpu.memref_squeeze %dma_start3A_255 : memref<1x128xf32, #tpu.memory_space<hbm>> -> memref<128xf32, #tpu.memory_space<hbm>>
        tpu.enqueue_dma source(%dma_start3A_256 : memref<128xf32, #tpu.memory_space<hbm>>) target(%arg11 : memref<128xf32, #tpu.memory_space<vmem>>) target_semaphore(%run_scoped3A : memref<!tpu.dma_semaphore, #tpu.memory_space<semaphore_mem>>)
        %dma_wait3A_257 = arith.constant 0 : i32
        %dma_wait3A_258 = tpu.memref_slice %arg4[%add3A_48, %dma_wait3A_257] : memref<1280x128xf32, #tpu.memory_space<hbm>> -> memref<1x128xf32, #tpu.memory_space<hbm>>
        %dma_wait3A_259 = tpu.memref_squeeze %dma_wait3A_258 : memref<1x128xf32, #tpu.memory_space<hbm>> -> memref<128xf32, #tpu.memory_space<hbm>>
        %dma_wait3A_260 = arith.constant 0 : i32
        %dma_wait3A_261 = tpu.memref_slice %arg4[%add3A_48, %dma_wait3A_260] : memref<1280x128xf32, #tpu.memory_space<hbm>> -> memref<1x128xf32, #tpu.memory_space<hbm>>
        %dma_wait3A_262 = tpu.memref_squeeze %dma_wait3A_261 : memref<1x128xf32, #tpu.memory_space<hbm>> -> memref<128xf32, #tpu.memory_space<hbm>>
        tpu.wait_dma2 semaphore(%run_scoped3A : memref<!tpu.dma_semaphore, #tpu.memory_space<semaphore_mem>>) src(%dma_wait3A_262 : memref<128xf32, #tpu.memory_space<hbm>>) dst(%arg11 : memref<128xf32, #tpu.memory_space<vmem>>)
        tpu.yield
      }) : () -> ()
      %dma_start3A = arith.constant 0 : i32
      %dma_start3A_49 = tpu.memref_slice %arg9[%scan3A_47, %dma_start3A] : memref<40x128xi32, #tpu.memory_space<vmem>> -> memref<1x128xi32, #tpu.memory_space<vmem>>
      %dma_start3A_50 = tpu.memref_squeeze %dma_start3A_49 : memref<1x128xi32, #tpu.memory_space<vmem>> -> memref<128xi32, #tpu.memory_space<vmem>>
      %dma_start3A_51 = arith.constant 0 : i32
      %dma_start3A_52 = arith.constant 0 : i32
      %dma_start3A_53 = tpu.memref_slice %arg5[%dma_start3A_51, %dma_start3A_52] : memref<10000x128xf32, #tpu.memory_space<hbm>> -> memref<10000x128xf32, #tpu.memory_space<hbm>>
      tpu.enqueue_indirect_dma source(%dma_start3A_53 : memref<10000x128xf32, #tpu.memory_space<hbm>>) target(%arg13 : memref<128x128xf32, #tpu.memory_space<vmem>>) offsets(%dma_start3A_50 : memref<128xi32, #tpu.memory_space<vmem>>) semaphore(%arg17 : memref<!tpu.dma_semaphore, #tpu.memory_space<semaphore_mem>>)
      %dma_wait3A = arith.constant 0 : i32
      %dma_wait3A_54 = tpu.memref_slice %arg9[%scan3A_47, %dma_wait3A] : memref<40x128xi32, #tpu.memory_space<vmem>> -> memref<1x128xi32, #tpu.memory_space<vmem>>
      %dma_wait3A_55 = tpu.memref_squeeze %dma_wait3A_54 : memref<1x128xi32, #tpu.memory_space<vmem>> -> memref<128xi32, #tpu.memory_space<vmem>>
      %dma_wait3A_56 = arith.constant 0 : i32
      %dma_wait3A_57 = arith.constant 0 : i32
      %dma_wait3A_58 = tpu.memref_slice %arg5[%dma_wait3A_56, %dma_wait3A_57] : memref<10000x128xf32, #tpu.memory_space<hbm>> -> memref<10000x128xf32, #tpu.memory_space<hbm>>
      tpu.wait_indirect_dma semaphore(%arg17 : memref<!tpu.dma_semaphore, #tpu.memory_space<semaphore_mem>>) src(%dma_wait3A_58 : memref<10000x128xf32, #tpu.memory_space<hbm>>) dst(%arg13 : memref<128x128xf32, #tpu.memory_space<vmem>>)
      %get3A = arith.index_cast %scan3A_47 : i32 to index
      %get3A_59 = arith.constant 0 : index
      %get3A_60 = tpu.vector_load %arg9[%get3A, %get3A_59] {strides = array<i32>} : memref<40x128xi32, #tpu.memory_space<vmem>>, vector<16xi32>,
      %get3A_61 = arith.index_cast %scan3A_47 : i32 to index
      %get3A_62 = arith.constant 0 : index
      %get3A_63 = tpu.vector_load %arg10[%get3A_61, %get3A_62] {strides = array<i32>} : memref<40x128xi32, #tpu.memory_space<vmem>>, vector<16xi32>,
      %gather3A = tpu.vector_load_idx %arg14[%get3A_60] : memref<10000xf32, #tpu.memory_space<vmem>>[vector<16xi32>], vector<16xf32>,
      %gather3A_64 = tpu.vector_load_idx %arg15[%get3A_63] : memref<10000xf32, #tpu.memory_space<vmem>>[vector<16xi32>], vector<16xf32>,
      %add3A_65 = arith.addf %gather3A, %gather3A_64 : vector<16xf32>
      %neg3A = arith.constant 0.000000e+00 : f32
      %neg3A_66 = vector.broadcast %neg3A : f32 to vector<16xf32>
      %neg3A_67 = arith.subf %neg3A_66, %add3A_65 : vector<16xf32>
      %exp3A = math.exp %neg3A_67 : vector<16xf32>
      %add3A_68 = arith.constant 1.000000e+00 : f32
      %add3A_69 = vector.broadcast %add3A_68 : f32 to vector<16xf32>
      %add3A_70 = arith.addf %add3A_69, %exp3A : vector<16xf32>
      %div3A = arith.constant 1.000000e+00 : f32
      %div3A_71 = vector.broadcast %div3A : f32 to vector<16xf32>
      %div3A_72 = arith.divf %div3A_71, %add3A_70 : vector<16xf32>
      %get3A_73 = arith.constant 0 : index
      %get3A_74 = tpu.vector_load %arg11[%get3A_73] {strides = array<i32>} : memref<128xf32, #tpu.memory_space<vmem>>, vector<16xf32>,
      %mul3A_75 = arith.mulf %get3A_74, %div3A_72 : vector<16xf32>
      %swap3A = arith.constant 0 : index
      %swap3A_76 = tpu.vector_load %arg12[%swap3A] {strides = array<i32>} : memref<128xf32, #tpu.memory_space<vmem>>, vector<16xf32>,
      tpu.vector_store %arg12[%swap3A], %mul3A_75 {strides = array<i32>} : memref<128xf32, #tpu.memory_space<vmem>>, vector<16xf32>,
      %get3A_77 = arith.index_cast %scan3A_47 : i32 to index
      %get3A_78 = arith.constant 16 : index
      %get3A_79 = tpu.vector_load %arg9[%get3A_77, %get3A_78] {strides = array<i32>} : memref<40x128xi32, #tpu.memory_space<vmem>>, vector<16xi32>,
      %get3A_80 = arith.index_cast %scan3A_47 : i32 to index
      %get3A_81 = arith.constant 16 : index
      %get3A_82 = tpu.vector_load %arg10[%get3A_80, %get3A_81] {strides = array<i32>} : memref<40x128xi32, #tpu.memory_space<vmem>>, vector<16xi32>,
      %gather3A_83 = tpu.vector_load_idx %arg14[%get3A_79] : memref<10000xf32, #tpu.memory_space<vmem>>[vector<16xi32>], vector<16xf32>,
      %gather3A_84 = tpu.vector_load_idx %arg15[%get3A_82] : memref<10000xf32, #tpu.memory_space<vmem>>[vector<16xi32>], vector<16xf32>,
      %add3A_85 = arith.addf %gather3A_83, %gather3A_84 : vector<16xf32>
      %neg3A_86 = arith.constant 0.000000e+00 : f32
      %neg3A_87 = vector.broadcast %neg3A_86 : f32 to vector<16xf32>
      %neg3A_88 = arith.subf %neg3A_87, %add3A_85 : vector<16xf32>
      %exp3A_89 = math.exp %neg3A_88 : vector<16xf32>
      %add3A_90 = arith.constant 1.000000e+00 : f32
      %add3A_91 = vector.broadcast %add3A_90 : f32 to vector<16xf32>
      %add3A_92 = arith.addf %add3A_91, %exp3A_89 : vector<16xf32>
      %div3A_93 = arith.constant 1.000000e+00 : f32
      %div3A_94 = vector.broadcast %div3A_93 : f32 to vector<16xf32>
      %div3A_95 = arith.divf %div3A_94, %add3A_92 : vector<16xf32>
      %get3A_96 = arith.constant 16 : index
      %get3A_97 = tpu.vector_load %arg11[%get3A_96] {strides = array<i32>} : memref<128xf32, #tpu.memory_space<vmem>>, vector<16xf32>,
      %mul3A_98 = arith.mulf %get3A_97, %div3A_95 : vector<16xf32>
      %swap3A_99 = arith.constant 16 : index
      %swap3A_100 = tpu.vector_load %arg12[%swap3A_99] {strides = array<i32>} : memref<128xf32, #tpu.memory_space<vmem>>, vector<16xf32>,
      tpu.vector_store %arg12[%swap3A_99], %mul3A_98 {strides = array<i32>} : memref<128xf32, #tpu.memory_space<vmem>>, vector<16xf32>,
      %get3A_101 = arith.index_cast %scan3A_47 : i32 to index
      %get3A_102 = arith.constant 32 : index
      %get3A_103 = tpu.vector_load %arg9[%get3A_101, %get3A_102] {strides = array<i32>} : memref<40x128xi32, #tpu.memory_space<vmem>>, vector<16xi32>,
      %get3A_104 = arith.index_cast %scan3A_47 : i32 to index
      %get3A_105 = arith.constant 32 : index
      %get3A_106 = tpu.vector_load %arg10[%get3A_104, %get3A_105] {strides = array<i32>} : memref<40x128xi32, #tpu.memory_space<vmem>>, vector<16xi32>,
      %gather3A_107 = tpu.vector_load_idx %arg14[%get3A_103] : memref<10000xf32, #tpu.memory_space<vmem>>[vector<16xi32>], vector<16xf32>,
      %gather3A_108 = tpu.vector_load_idx %arg15[%get3A_106] : memref<10000xf32, #tpu.memory_space<vmem>>[vector<16xi32>], vector<16xf32>,
      %add3A_109 = arith.addf %gather3A_107, %gather3A_108 : vector<16xf32>
      %neg3A_110 = arith.constant 0.000000e+00 : f32
      %neg3A_111 = vector.broadcast %neg3A_110 : f32 to vector<16xf32>
      %neg3A_112 = arith.subf %neg3A_111, %add3A_109 : vector<16xf32>
      %exp3A_113 = math.exp %neg3A_112 : vector<16xf32>
      %add3A_114 = arith.constant 1.000000e+00 : f32
      %add3A_115 = vector.broadcast %add3A_114 : f32 to vector<16xf32>
      %add3A_116 = arith.addf %add3A_115, %exp3A_113 : vector<16xf32>
      %div3A_117 = arith.constant 1.000000e+00 : f32
      %div3A_118 = vector.broadcast %div3A_117 : f32 to vector<16xf32>
      %div3A_119 = arith.divf %div3A_118, %add3A_116 : vector<16xf32>
      %get3A_120 = arith.constant 32 : index
      %get3A_121 = tpu.vector_load %arg11[%get3A_120] {strides = array<i32>} : memref<128xf32, #tpu.memory_space<vmem>>, vector<16xf32>,
      %mul3A_122 = arith.mulf %get3A_121, %div3A_119 : vector<16xf32>
      %swap3A_123 = arith.constant 32 : index
      %swap3A_124 = tpu.vector_load %arg12[%swap3A_123] {strides = array<i32>} : memref<128xf32, #tpu.memory_space<vmem>>, vector<16xf32>,
      tpu.vector_store %arg12[%swap3A_123], %mul3A_122 {strides = array<i32>} : memref<128xf32, #tpu.memory_space<vmem>>, vector<16xf32>,
      %get3A_125 = arith.index_cast %scan3A_47 : i32 to index
      %get3A_126 = arith.constant 48 : index
      %get3A_127 = tpu.vector_load %arg9[%get3A_125, %get3A_126] {strides = array<i32>} : memref<40x128xi32, #tpu.memory_space<vmem>>, vector<16xi32>,
      %get3A_128 = arith.index_cast %scan3A_47 : i32 to index
      %get3A_129 = arith.constant 48 : index
      %get3A_130 = tpu.vector_load %arg10[%get3A_128, %get3A_129] {strides = array<i32>} : memref<40x128xi32, #tpu.memory_space<vmem>>, vector<16xi32>,
      %gather3A_131 = tpu.vector_load_idx %arg14[%get3A_127] : memref<10000xf32, #tpu.memory_space<vmem>>[vector<16xi32>], vector<16xf32>,
      %gather3A_132 = tpu.vector_load_idx %arg15[%get3A_130] : memref<10000xf32, #tpu.memory_space<vmem>>[vector<16xi32>], vector<16xf32>,
      %add3A_133 = arith.addf %gather3A_131, %gather3A_132 : vector<16xf32>
      %neg3A_134 = arith.constant 0.000000e+00 : f32
      %neg3A_135 = vector.broadcast %neg3A_134 : f32 to vector<16xf32>
      %neg3A_136 = arith.subf %neg3A_135, %add3A_133 : vector<16xf32>
      %exp3A_137 = math.exp %neg3A_136 : vector<16xf32>
      %add3A_138 = arith.constant 1.000000e+00 : f32
      %add3A_139 = vector.broadcast %add3A_138 : f32 to vector<16xf32>
      %add3A_140 = arith.addf %add3A_139, %exp3A_137 : vector<16xf32>
      %div3A_141 = arith.constant 1.000000e+00 : f32
      %div3A_142 = vector.broadcast %div3A_141 : f32 to vector<16xf32>
      %div3A_143 = arith.divf %div3A_142, %add3A_140 : vector<16xf32>
      %get3A_144 = arith.constant 48 : index
      %get3A_145 = tpu.vector_load %arg11[%get3A_144] {strides = array<i32>} : memref<128xf32, #tpu.memory_space<vmem>>, vector<16xf32>,
      %mul3A_146 = arith.mulf %get3A_145, %div3A_143 : vector<16xf32>
      %swap3A_147 = arith.constant 48 : index
      %swap3A_148 = tpu.vector_load %arg12[%swap3A_147] {strides = array<i32>} : memref<128xf32, #tpu.memory_space<vmem>>, vector<16xf32>,
      tpu.vector_store %arg12[%swap3A_147], %mul3A_146 {strides = array<i32>} : memref<128xf32, #tpu.memory_space<vmem>>, vector<16xf32>,
      %get3A_149 = arith.index_cast %scan3A_47 : i32 to index
      %get3A_150 = arith.constant 64 : index
      %get3A_151 = tpu.vector_load %arg9[%get3A_149, %get3A_150] {strides = array<i32>} : memref<40x128xi32, #tpu.memory_space<vmem>>, vector<16xi32>,
      %get3A_152 = arith.index_cast %scan3A_47 : i32 to index
      %get3A_153 = arith.constant 64 : index
      %get3A_154 = tpu.vector_load %arg10[%get3A_152, %get3A_153] {strides = array<i32>} : memref<40x128xi32, #tpu.memory_space<vmem>>, vector<16xi32>,
      %gather3A_155 = tpu.vector_load_idx %arg14[%get3A_151] : memref<10000xf32, #tpu.memory_space<vmem>>[vector<16xi32>], vector<16xf32>,
      %gather3A_156 = tpu.vector_load_idx %arg15[%get3A_154] : memref<10000xf32, #tpu.memory_space<vmem>>[vector<16xi32>], vector<16xf32>,
      %add3A_157 = arith.addf %gather3A_155, %gather3A_156 : vector<16xf32>
      %neg3A_158 = arith.constant 0.000000e+00 : f32
      %neg3A_159 = vector.broadcast %neg3A_158 : f32 to vector<16xf32>
      %neg3A_160 = arith.subf %neg3A_159, %add3A_157 : vector<16xf32>
      %exp3A_161 = math.exp %neg3A_160 : vector<16xf32>
      %add3A_162 = arith.constant 1.000000e+00 : f32
      %add3A_163 = vector.broadcast %add3A_162 : f32 to vector<16xf32>
      %add3A_164 = arith.addf %add3A_163, %exp3A_161 : vector<16xf32>
      %div3A_165 = arith.constant 1.000000e+00 : f32
      %div3A_166 = vector.broadcast %div3A_165 : f32 to vector<16xf32>
      %div3A_167 = arith.divf %div3A_166, %add3A_164 : vector<16xf32>
      %get3A_168 = arith.constant 64 : index
      %get3A_169 = tpu.vector_load %arg11[%get3A_168] {strides = array<i32>} : memref<128xf32, #tpu.memory_space<vmem>>, vector<16xf32>,
      %mul3A_170 = arith.mulf %get3A_169, %div3A_167 : vector<16xf32>
      %swap3A_171 = arith.constant 64 : index
      %swap3A_172 = tpu.vector_load %arg12[%swap3A_171] {strides = array<i32>} : memref<128xf32, #tpu.memory_space<vmem>>, vector<16xf32>,
      tpu.vector_store %arg12[%swap3A_171], %mul3A_170 {strides = array<i32>} : memref<128xf32, #tpu.memory_space<vmem>>, vector<16xf32>,
      %get3A_173 = arith.index_cast %scan3A_47 : i32 to index
      %get3A_174 = arith.constant 80 : index
      %get3A_175 = tpu.vector_load %arg9[%get3A_173, %get3A_174] {strides = array<i32>} : memref<40x128xi32, #tpu.memory_space<vmem>>, vector<16xi32>,
      %get3A_176 = arith.index_cast %scan3A_47 : i32 to index
      %get3A_177 = arith.constant 80 : index
      %get3A_178 = tpu.vector_load %arg10[%get3A_176, %get3A_177] {strides = array<i32>} : memref<40x128xi32, #tpu.memory_space<vmem>>, vector<16xi32>,
      %gather3A_179 = tpu.vector_load_idx %arg14[%get3A_175] : memref<10000xf32, #tpu.memory_space<vmem>>[vector<16xi32>], vector<16xf32>,
      %gather3A_180 = tpu.vector_load_idx %arg15[%get3A_178] : memref<10000xf32, #tpu.memory_space<vmem>>[vector<16xi32>], vector<16xf32>,
      %add3A_181 = arith.addf %gather3A_179, %gather3A_180 : vector<16xf32>
      %neg3A_182 = arith.constant 0.000000e+00 : f32
      %neg3A_183 = vector.broadcast %neg3A_182 : f32 to vector<16xf32>
      %neg3A_184 = arith.subf %neg3A_183, %add3A_181 : vector<16xf32>
      %exp3A_185 = math.exp %neg3A_184 : vector<16xf32>
      %add3A_186 = arith.constant 1.000000e+00 : f32
      %add3A_187 = vector.broadcast %add3A_186 : f32 to vector<16xf32>
      %add3A_188 = arith.addf %add3A_187, %exp3A_185 : vector<16xf32>
      %div3A_189 = arith.constant 1.000000e+00 : f32
      %div3A_190 = vector.broadcast %div3A_189 : f32 to vector<16xf32>
      %div3A_191 = arith.divf %div3A_190, %add3A_188 : vector<16xf32>
      %get3A_192 = arith.constant 80 : index
      %get3A_193 = tpu.vector_load %arg11[%get3A_192] {strides = array<i32>} : memref<128xf32, #tpu.memory_space<vmem>>, vector<16xf32>,
      %mul3A_194 = arith.mulf %get3A_193, %div3A_191 : vector<16xf32>
      %swap3A_195 = arith.constant 80 : index
      %swap3A_196 = tpu.vector_load %arg12[%swap3A_195] {strides = array<i32>} : memref<128xf32, #tpu.memory_space<vmem>>, vector<16xf32>,
      tpu.vector_store %arg12[%swap3A_195], %mul3A_194 {strides = array<i32>} : memref<128xf32, #tpu.memory_space<vmem>>, vector<16xf32>,
      %get3A_197 = arith.index_cast %scan3A_47 : i32 to index
      %get3A_198 = arith.constant 96 : index
      %get3A_199 = tpu.vector_load %arg9[%get3A_197, %get3A_198] {strides = array<i32>} : memref<40x128xi32, #tpu.memory_space<vmem>>, vector<16xi32>,
      %get3A_200 = arith.index_cast %scan3A_47 : i32 to index
      %get3A_201 = arith.constant 96 : index
      %get3A_202 = tpu.vector_load %arg10[%get3A_200, %get3A_201] {strides = array<i32>} : memref<40x128xi32, #tpu.memory_space<vmem>>, vector<16xi32>,
      %gather3A_203 = tpu.vector_load_idx %arg14[%get3A_199] : memref<10000xf32, #tpu.memory_space<vmem>>[vector<16xi32>], vector<16xf32>,
      %gather3A_204 = tpu.vector_load_idx %arg15[%get3A_202] : memref<10000xf32, #tpu.memory_space<vmem>>[vector<16xi32>], vector<16xf32>,
      %add3A_205 = arith.addf %gather3A_203, %gather3A_204 : vector<16xf32>
      %neg3A_206 = arith.constant 0.000000e+00 : f32
      %neg3A_207 = vector.broadcast %neg3A_206 : f32 to vector<16xf32>
      %neg3A_208 = arith.subf %neg3A_207, %add3A_205 : vector<16xf32>
      %exp3A_209 = math.exp %neg3A_208 : vector<16xf32>
      %add3A_210 = arith.constant 1.000000e+00 : f32
      %add3A_211 = vector.broadcast %add3A_210 : f32 to vector<16xf32>
      %add3A_212 = arith.addf %add3A_211, %exp3A_209 : vector<16xf32>
      %div3A_213 = arith.constant 1.000000e+00 : f32
      %div3A_214 = vector.broadcast %div3A_213 : f32 to vector<16xf32>
      %div3A_215 = arith.divf %div3A_214, %add3A_212 : vector<16xf32>
      %get3A_216 = arith.constant 96 : index
      %get3A_217 = tpu.vector_load %arg11[%get3A_216] {strides = array<i32>} : memref<128xf32, #tpu.memory_space<vmem>>, vector<16xf32>,
      %mul3A_218 = arith.mulf %get3A_217, %div3A_215 : vector<16xf32>
      %swap3A_219 = arith.constant 96 : index
      %swap3A_220 = tpu.vector_load %arg12[%swap3A_219] {strides = array<i32>} : memref<128xf32, #tpu.memory_space<vmem>>, vector<16xf32>,
      tpu.vector_store %arg12[%swap3A_219], %mul3A_218 {strides = array<i32>} : memref<128xf32, #tpu.memory_space<vmem>>, vector<16xf32>,
      %get3A_221 = arith.index_cast %scan3A_47 : i32 to index
      %get3A_222 = arith.constant 112 : index
      %get3A_223 = tpu.vector_load %arg9[%get3A_221, %get3A_222] {strides = array<i32>} : memref<40x128xi32, #tpu.memory_space<vmem>>, vector<16xi32>,
      %get3A_224 = arith.index_cast %scan3A_47 : i32 to index
      %get3A_225 = arith.constant 112 : index
      %get3A_226 = tpu.vector_load %arg10[%get3A_224, %get3A_225] {strides = array<i32>} : memref<40x128xi32, #tpu.memory_space<vmem>>, vector<16xi32>,
      %gather3A_227 = tpu.vector_load_idx %arg14[%get3A_223] : memref<10000xf32, #tpu.memory_space<vmem>>[vector<16xi32>], vector<16xf32>,
      %gather3A_228 = tpu.vector_load_idx %arg15[%get3A_226] : memref<10000xf32, #tpu.memory_space<vmem>>[vector<16xi32>], vector<16xf32>,
      %add3A_229 = arith.addf %gather3A_227, %gather3A_228 : vector<16xf32>
      %neg3A_230 = arith.constant 0.000000e+00 : f32
      %neg3A_231 = vector.broadcast %neg3A_230 : f32 to vector<16xf32>
      %neg3A_232 = arith.subf %neg3A_231, %add3A_229 : vector<16xf32>
      %exp3A_233 = math.exp %neg3A_232 : vector<16xf32>
      %add3A_234 = arith.constant 1.000000e+00 : f32
      %add3A_235 = vector.broadcast %add3A_234 : f32 to vector<16xf32>
      %add3A_236 = arith.addf %add3A_235, %exp3A_233 : vector<16xf32>
      %div3A_237 = arith.constant 1.000000e+00 : f32
      %div3A_238 = vector.broadcast %div3A_237 : f32 to vector<16xf32>
      %div3A_239 = arith.divf %div3A_238, %add3A_236 : vector<16xf32>
      %get3A_240 = arith.constant 112 : index
      %get3A_241 = tpu.vector_load %arg11[%get3A_240] {strides = array<i32>} : memref<128xf32, #tpu.memory_space<vmem>>, vector<16xf32>,
      %mul3A_242 = arith.mulf %get3A_241, %div3A_239 : vector<16xf32>
      %swap3A_243 = arith.constant 112 : index
      %swap3A_244 = tpu.vector_load %arg12[%swap3A_243] {strides = array<i32>} : memref<128xf32, #tpu.memory_space<vmem>>, vector<16xf32>,
      tpu.vector_store %arg12[%swap3A_243], %mul3A_242 {strides = array<i32>} : memref<128xf32, #tpu.memory_space<vmem>>, vector<16xf32>,
      %scan3A_245 = arith.constant 0 : i32
      %scan3A_246 = arith.constant 0 : i32
      %scan3A_247 = arith.constant 128 : i32
      %scan3A_248 = arith.addi %scan3A_246, %scan3A_247 : i32
      %scan3A_249 = arith.constant 1 : i32
      scf.for %scan3A_251 = %scan3A_246 to %scan3A_248 step %scan3A_249  : i32 {
        %broadcast_in_dim3A = vector.broadcast %scan3A_251 : i32 to vector<16xi32>
        %gather3A_252 = tpu.vector_load_idx %arg12[%broadcast_in_dim3A] : memref<128xf32, #tpu.memory_space<vmem>>[vector<16xi32>], vector<16xf32>,
        %get3A_253 = arith.index_cast %scan3A_251 : i32 to index
        %get3A_254 = arith.constant 0 : index
        %get3A_255 = tpu.vector_load %arg13[%get3A_253, %get3A_254] {strides = array<i32>} : memref<128x128xf32, #tpu.memory_space<vmem>>, vector<16xf32>,
        %mul3A_256 = arith.mulf %get3A_255, %gather3A_252 : vector<16xf32>
        %swap3A_257 = arith.index_cast %scan3A_251 : i32 to index
        %swap3A_258 = arith.constant 0 : index
        %swap3A_259 = tpu.vector_load %arg13[%swap3A_257, %swap3A_258] {strides = array<i32>} : memref<128x128xf32, #tpu.memory_space<vmem>>, vector<16xf32>,
        tpu.vector_store %arg13[%swap3A_257, %swap3A_258], %mul3A_256 {strides = array<i32>} : memref<128x128xf32, #tpu.memory_space<vmem>>, vector<16xf32>,
        %get3A_260 = arith.index_cast %scan3A_251 : i32 to index
        %get3A_261 = arith.constant 16 : index
        %get3A_262 = tpu.vector_load %arg13[%get3A_260, %get3A_261] {strides = array<i32>} : memref<128x128xf32, #tpu.memory_space<vmem>>, vector<16xf32>,
        %mul3A_263 = arith.mulf %get3A_262, %gather3A_252 : vector<16xf32>
        %swap3A_264 = arith.index_cast %scan3A_251 : i32 to index
        %swap3A_265 = arith.constant 16 : index
        %swap3A_266 = tpu.vector_load %arg13[%swap3A_264, %swap3A_265] {strides = array<i32>} : memref<128x128xf32, #tpu.memory_space<vmem>>, vector<16xf32>,
        tpu.vector_store %arg13[%swap3A_264, %swap3A_265], %mul3A_263 {strides = array<i32>} : memref<128x128xf32, #tpu.memory_space<vmem>>, vector<16xf32>,
        %get3A_267 = arith.index_cast %scan3A_251 : i32 to index
        %get3A_268 = arith.constant 32 : index
        %get3A_269 = tpu.vector_load %arg13[%get3A_267, %get3A_268] {strides = array<i32>} : memref<128x128xf32, #tpu.memory_space<vmem>>, vector<16xf32>,
        %mul3A_270 = arith.mulf %get3A_269, %gather3A_252 : vector<16xf32>
        %swap3A_271 = arith.index_cast %scan3A_251 : i32 to index
        %swap3A_272 = arith.constant 32 : index
        %swap3A_273 = tpu.vector_load %arg13[%swap3A_271, %swap3A_272] {strides = array<i32>} : memref<128x128xf32, #tpu.memory_space<vmem>>, vector<16xf32>,
        tpu.vector_store %arg13[%swap3A_271, %swap3A_272], %mul3A_270 {strides = array<i32>} : memref<128x128xf32, #tpu.memory_space<vmem>>, vector<16xf32>,
        %get3A_274 = arith.index_cast %scan3A_251 : i32 to index
        %get3A_275 = arith.constant 48 : index
        %get3A_276 = tpu.vector_load %arg13[%get3A_274, %get3A_275] {strides = array<i32>} : memref<128x128xf32, #tpu.memory_space<vmem>>, vector<16xf32>,
        %mul3A_277 = arith.mulf %get3A_276, %gather3A_252 : vector<16xf32>
        %swap3A_278 = arith.index_cast %scan3A_251 : i32 to index
        %swap3A_279 = arith.constant 48 : index
        %swap3A_280 = tpu.vector_load %arg13[%swap3A_278, %swap3A_279] {strides = array<i32>} : memref<128x128xf32, #tpu.memory_space<vmem>>, vector<16xf32>,
        tpu.vector_store %arg13[%swap3A_278, %swap3A_279], %mul3A_277 {strides = array<i32>} : memref<128x128xf32, #tpu.memory_space<vmem>>, vector<16xf32>,
        %get3A_281 = arith.index_cast %scan3A_251 : i32 to index
        %get3A_282 = arith.constant 64 : index
        %get3A_283 = tpu.vector_load %arg13[%get3A_281, %get3A_282] {strides = array<i32>} : memref<128x128xf32, #tpu.memory_space<vmem>>, vector<16xf32>,
        %mul3A_284 = arith.mulf %get3A_283, %gather3A_252 : vector<16xf32>
        %swap3A_285 = arith.index_cast %scan3A_251 : i32 to index
        %swap3A_286 = arith.constant 64 : index
        %swap3A_287 = tpu.vector_load %arg13[%swap3A_285, %swap3A_286] {strides = array<i32>} : memref<128x128xf32, #tpu.memory_space<vmem>>, vector<16xf32>,
        tpu.vector_store %arg13[%swap3A_285, %swap3A_286], %mul3A_284 {strides = array<i32>} : memref<128x128xf32, #tpu.memory_space<vmem>>, vector<16xf32>,
        %get3A_288 = arith.index_cast %scan3A_251 : i32 to index
        %get3A_289 = arith.constant 80 : index
        %get3A_290 = tpu.vector_load %arg13[%get3A_288, %get3A_289] {strides = array<i32>} : memref<128x128xf32, #tpu.memory_space<vmem>>, vector<16xf32>,
        %mul3A_291 = arith.mulf %get3A_290, %gather3A_252 : vector<16xf32>
        %swap3A_292 = arith.index_cast %scan3A_251 : i32 to index
        %swap3A_293 = arith.constant 80 : index
        %swap3A_294 = tpu.vector_load %arg13[%swap3A_292, %swap3A_293] {strides = array<i32>} : memref<128x128xf32, #tpu.memory_space<vmem>>, vector<16xf32>,
        tpu.vector_store %arg13[%swap3A_292, %swap3A_293], %mul3A_291 {strides = array<i32>} : memref<128x128xf32, #tpu.memory_space<vmem>>, vector<16xf32>,
        %get3A_295 = arith.index_cast %scan3A_251 : i32 to index
        %get3A_296 = arith.constant 96 : index
        %get3A_297 = tpu.vector_load %arg13[%get3A_295, %get3A_296] {strides = array<i32>} : memref<128x128xf32, #tpu.memory_space<vmem>>, vector<16xf32>,
        %mul3A_298 = arith.mulf %get3A_297, %gather3A_252 : vector<16xf32>
        %swap3A_299 = arith.index_cast %scan3A_251 : i32 to index
        %swap3A_300 = arith.constant 96 : index
        %swap3A_301 = tpu.vector_load %arg13[%swap3A_299, %swap3A_300] {strides = array<i32>} : memref<128x128xf32, #tpu.memory_space<vmem>>, vector<16xf32>,
        tpu.vector_store %arg13[%swap3A_299, %swap3A_300], %mul3A_298 {strides = array<i32>} : memref<128x128xf32, #tpu.memory_space<vmem>>, vector<16xf32>,
        %get3A_302 = arith.index_cast %scan3A_251 : i32 to index
        %get3A_303 = arith.constant 112 : index
        %get3A_304 = tpu.vector_load %arg13[%get3A_302, %get3A_303] {strides = array<i32>} : memref<128x128xf32, #tpu.memory_space<vmem>>, vector<16xf32>,
        %mul3A_305 = arith.mulf %get3A_304, %gather3A_252 : vector<16xf32>
        %swap3A_306 = arith.index_cast %scan3A_251 : i32 to index
        %swap3A_307 = arith.constant 112 : index
        %swap3A_308 = tpu.vector_load %arg13[%swap3A_306, %swap3A_307] {strides = array<i32>} : memref<128x128xf32, #tpu.memory_space<vmem>>, vector<16xf32>,
        tpu.vector_store %arg13[%swap3A_306, %swap3A_307], %mul3A_305 {strides = array<i32>} : memref<128x128xf32, #tpu.memory_space<vmem>>, vector<16xf32>,
      }
      %scan3A_250 = arith.constant 128 : i32
      "tpu.region"() ({
        %run_scoped3A = tpu.sem_alloc : memref<!tpu.dma_semaphore, #tpu.memory_space<semaphore_mem>>
        %dma_start3A_251 = arith.constant 0 : i32
        %dma_start3A_252 = tpu.memref_slice %arg10[%scan3A_47, %dma_start3A_251] : memref<40x128xi32, #tpu.memory_space<vmem>> -> memref<1x128xi32, #tpu.memory_space<vmem>>
        %dma_start3A_253 = tpu.memref_squeeze %dma_start3A_252 : memref<1x128xi32, #tpu.memory_space<vmem>> -> memref<128xi32, #tpu.memory_space<vmem>>
        %dma_start3A_254 = arith.constant 0 : i32
        %dma_start3A_255 = arith.constant 0 : i32
        %dma_start3A_256 = tpu.memref_slice %arg16[%dma_start3A_254, %dma_start3A_255] : memref<10240x128xf32, #tpu.memory_space<vmem_shared>> -> memref<10240x128xf32, #tpu.memory_space<vmem_shared>>
        tpu.enqueue_indirect_dma source(%arg13 : memref<128x128xf32, #tpu.memory_space<vmem>>) target(%dma_start3A_256 : memref<10240x128xf32, #tpu.memory_space<vmem_shared>>) offsets(%dma_start3A_253 : memref<128xi32, #tpu.memory_space<vmem>>) semaphore(%run_scoped3A : memref<!tpu.dma_semaphore, #tpu.memory_space<semaphore_mem>>) {add = true}
        %dma_wait3A_257 = arith.constant 0 : i32
        %dma_wait3A_258 = tpu.memref_slice %arg10[%scan3A_47, %dma_wait3A_257] : memref<40x128xi32, #tpu.memory_space<vmem>> -> memref<1x128xi32, #tpu.memory_space<vmem>>
        %dma_wait3A_259 = tpu.memref_squeeze %dma_wait3A_258 : memref<1x128xi32, #tpu.memory_space<vmem>> -> memref<128xi32, #tpu.memory_space<vmem>>
        %dma_wait3A_260 = arith.constant 0 : i32
        %dma_wait3A_261 = arith.constant 0 : i32
        %dma_wait3A_262 = tpu.memref_slice %arg16[%dma_wait3A_260, %dma_wait3A_261] : memref<10240x128xf32, #tpu.memory_space<vmem_shared>> -> memref<10240x128xf32, #tpu.memory_space<vmem_shared>>
        tpu.wait_indirect_dma semaphore(%run_scoped3A : memref<!tpu.dma_semaphore, #tpu.memory_space<semaphore_mem>>) src(%arg13 : memref<128x128xf32, #tpu.memory_space<vmem>>) dst(%dma_wait3A_262 : memref<10240x128xf32, #tpu.memory_space<vmem_shared>>)
        tpu.yield
      }) : () -> ()
    }
    %scan3A_25 = arith.constant 40 : i32
    %barrier3A_26 = arith.constant 0 : index
    tpu.barrier barrier_id(%barrier3A_26)
    %add3A_27 = arith.constant 0 : i32
    %add3A_28 = arith.addi %mul3A_7, %add3A_27 : i32
    "tpu.region"() ({
      %run_scoped3A = tpu.sem_alloc : memref<!tpu.dma_semaphore, #tpu.memory_space<semaphore_mem>>
      %dma_start3A = arith.constant 0 : i32
      %dma_start3A_47 = tpu.memref_slice %arg16[%add3A_28, %dma_start3A] : memref<10240x128xf32, #tpu.memory_space<vmem_shared>> -> memref<128x128xf32, #tpu.memory_space<vmem_shared>>
      %dma_start3A_48 = arith.constant 0 : i32
      %dma_start3A_49 = tpu.memref_slice %arg16[%add3A_28, %dma_start3A_48] : memref<10240x128xf32, #tpu.memory_space<vmem_shared>> -> memref<128x128xf32, #tpu.memory_space<vmem_shared>>
      tpu.enqueue_dma source(%dma_start3A_49 : memref<128x128xf32, #tpu.memory_space<vmem_shared>>) target(%arg13 : memref<128x128xf32, #tpu.memory_space<vmem>>) target_semaphore(%run_scoped3A : memref<!tpu.dma_semaphore, #tpu.memory_space<semaphore_mem>>)
      %dma_wait3A = arith.constant 0 : i32
      %dma_wait3A_50 = tpu.memref_slice %arg16[%add3A_28, %dma_wait3A] : memref<10240x128xf32, #tpu.memory_space<vmem_shared>> -> memref<128x128xf32, #tpu.memory_space<vmem_shared>>
      %dma_wait3A_51 = arith.constant 0 : i32
      %dma_wait3A_52 = tpu.memref_slice %arg16[%add3A_28, %dma_wait3A_51] : memref<10240x128xf32, #tpu.memory_space<vmem_shared>> -> memref<128x128xf32, #tpu.memory_space<vmem_shared>>
      tpu.wait_dma2 semaphore(%run_scoped3A : memref<!tpu.dma_semaphore, #tpu.memory_space<semaphore_mem>>) src(%dma_wait3A_52 : memref<128x128xf32, #tpu.memory_space<vmem_shared>>) dst(%arg13 : memref<128x128xf32, #tpu.memory_space<vmem>>)
      tpu.yield
    }) : () -> ()
    %add3A_29 = arith.constant 0 : i32
    %add3A_30 = arith.addi %mul3A_7, %add3A_29 : i32
    "tpu.region"() ({
      %run_scoped3A = tpu.sem_alloc : memref<!tpu.dma_semaphore, #tpu.memory_space<semaphore_mem>>
      %dma_start3A = arith.constant 0 : i32
      %dma_start3A_47 = tpu.memref_slice %arg8[%arg0, %add3A_30, %dma_start3A] : memref<2x10240x128xf32, #tpu.memory_space<hbm>> -> memref<1x128x128xf32, #tpu.memory_space<hbm>>
      %dma_start3A_48 = tpu.memref_squeeze %dma_start3A_47 : memref<1x128x128xf32, #tpu.memory_space<hbm>> -> memref<128x128xf32, #tpu.memory_space<hbm>>
      %dma_start3A_49 = arith.constant 0 : i32
      %dma_start3A_50 = tpu.memref_slice %arg8[%arg0, %add3A_30, %dma_start3A_49] : memref<2x10240x128xf32, #tpu.memory_space<hbm>> -> memref<1x128x128xf32, #tpu.memory_space<hbm>>
      %dma_start3A_51 = tpu.memref_squeeze %dma_start3A_50 : memref<1x128x128xf32, #tpu.memory_space<hbm>> -> memref<128x128xf32, #tpu.memory_space<hbm>>
      tpu.enqueue_dma source(%arg13 : memref<128x128xf32, #tpu.memory_space<vmem>>) target(%dma_start3A_51 : memref<128x128xf32, #tpu.memory_space<hbm>>) target_semaphore(%run_scoped3A : memref<!tpu.dma_semaphore, #tpu.memory_space<semaphore_mem>>)
      %dma_wait3A = arith.constant 0 : i32
      %dma_wait3A_52 = tpu.memref_slice %arg8[%arg0, %add3A_30, %dma_wait3A] : memref<2x10240x128xf32, #tpu.memory_space<hbm>> -> memref<1x128x128xf32, #tpu.memory_space<hbm>>
      %dma_wait3A_53 = tpu.memref_squeeze %dma_wait3A_52 : memref<1x128x128xf32, #tpu.memory_space<hbm>> -> memref<128x128xf32, #tpu.memory_space<hbm>>
      %dma_wait3A_54 = arith.constant 0 : i32
      %dma_wait3A_55 = tpu.memref_slice %arg8[%arg0, %add3A_30, %dma_wait3A_54] : memref<2x10240x128xf32, #tpu.memory_space<hbm>> -> memref<1x128x128xf32, #tpu.memory_space<hbm>>
      %dma_wait3A_56 = tpu.memref_squeeze %dma_wait3A_55 : memref<1x128x128xf32, #tpu.memory_space<hbm>> -> memref<128x128xf32, #tpu.memory_space<hbm>>
      tpu.wait_dma2 semaphore(%run_scoped3A : memref<!tpu.dma_semaphore, #tpu.memory_space<semaphore_mem>>) src(%arg13 : memref<128x128xf32, #tpu.memory_space<vmem>>) dst(%dma_wait3A_56 : memref<128x128xf32, #tpu.memory_space<hbm>>)
      tpu.yield
    }) : () -> ()
    %add3A_31 = arith.constant 128 : i32
    %add3A_32 = arith.addi %mul3A_7, %add3A_31 : i32
    "tpu.region"() ({
      %run_scoped3A = tpu.sem_alloc : memref<!tpu.dma_semaphore, #tpu.memory_space<semaphore_mem>>
      %dma_start3A = arith.constant 0 : i32
      %dma_start3A_47 = tpu.memref_slice %arg16[%add3A_32, %dma_start3A] : memref<10240x128xf32, #tpu.memory_space<vmem_shared>> -> memref<128x128xf32, #tpu.memory_space<vmem_shared>>
      %dma_start3A_48 = arith.constant 0 : i32
      %dma_start3A_49 = tpu.memref_slice %arg16[%add3A_32, %dma_start3A_48] : memref<10240x128xf32, #tpu.memory_space<vmem_shared>> -> memref<128x128xf32, #tpu.memory_space<vmem_shared>>
      tpu.enqueue_dma source(%dma_start3A_49 : memref<128x128xf32, #tpu.memory_space<vmem_shared>>) target(%arg13 : memref<128x128xf32, #tpu.memory_space<vmem>>) target_semaphore(%run_scoped3A : memref<!tpu.dma_semaphore, #tpu.memory_space<semaphore_mem>>)
      %dma_wait3A = arith.constant 0 : i32
      %dma_wait3A_50 = tpu.memref_slice %arg16[%add3A_32, %dma_wait3A] : memref<10240x128xf32, #tpu.memory_space<vmem_shared>> -> memref<128x128xf32, #tpu.memory_space<vmem_shared>>
      %dma_wait3A_51 = arith.constant 0 : i32
      %dma_wait3A_52 = tpu.memref_slice %arg16[%add3A_32, %dma_wait3A_51] : memref<10240x128xf32, #tpu.memory_space<vmem_shared>> -> memref<128x128xf32, #tpu.memory_space<vmem_shared>>
      tpu.wait_dma2 semaphore(%run_scoped3A : memref<!tpu.dma_semaphore, #tpu.memory_space<semaphore_mem>>) src(%dma_wait3A_52 : memref<128x128xf32, #tpu.memory_space<vmem_shared>>) dst(%arg13 : memref<128x128xf32, #tpu.memory_space<vmem>>)
      tpu.yield
    }) : () -> ()
    %add3A_33 = arith.constant 128 : i32
    %add3A_34 = arith.addi %mul3A_7, %add3A_33 : i32
    "tpu.region"() ({
      %run_scoped3A = tpu.sem_alloc : memref<!tpu.dma_semaphore, #tpu.memory_space<semaphore_mem>>
      %dma_start3A = arith.constant 0 : i32
      %dma_start3A_47 = tpu.memref_slice %arg8[%arg0, %add3A_34, %dma_start3A] : memref<2x10240x128xf32, #tpu.memory_space<hbm>> -> memref<1x128x128xf32, #tpu.memory_space<hbm>>
      %dma_start3A_48 = tpu.memref_squeeze %dma_start3A_47 : memref<1x128x128xf32, #tpu.memory_space<hbm>> -> memref<128x128xf32, #tpu.memory_space<hbm>>
      %dma_start3A_49 = arith.constant 0 : i32
      %dma_start3A_50 = tpu.memref_slice %arg8[%arg0, %add3A_34, %dma_start3A_49] : memref<2x10240x128xf32, #tpu.memory_space<hbm>> -> memref<1x128x128xf32, #tpu.memory_space<hbm>>
      %dma_start3A_51 = tpu.memref_squeeze %dma_start3A_50 : memref<1x128x128xf32, #tpu.memory_space<hbm>> -> memref<128x128xf32, #tpu.memory_space<hbm>>
      tpu.enqueue_dma source(%arg13 : memref<128x128xf32, #tpu.memory_space<vmem>>) target(%dma_start3A_51 : memref<128x128xf32, #tpu.memory_space<hbm>>) target_semaphore(%run_scoped3A : memref<!tpu.dma_semaphore, #tpu.memory_space<semaphore_mem>>)
      %dma_wait3A = arith.constant 0 : i32
      %dma_wait3A_52 = tpu.memref_slice %arg8[%arg0, %add3A_34, %dma_wait3A] : memref<2x10240x128xf32, #tpu.memory_space<hbm>> -> memref<1x128x128xf32, #tpu.memory_space<hbm>>
      %dma_wait3A_53 = tpu.memref_squeeze %dma_wait3A_52 : memref<1x128x128xf32, #tpu.memory_space<hbm>> -> memref<128x128xf32, #tpu.memory_space<hbm>>
      %dma_wait3A_54 = arith.constant 0 : i32
      %dma_wait3A_55 = tpu.memref_slice %arg8[%arg0, %add3A_34, %dma_wait3A_54] : memref<2x10240x128xf32, #tpu.memory_space<hbm>> -> memref<1x128x128xf32, #tpu.memory_space<hbm>>
      %dma_wait3A_56 = tpu.memref_squeeze %dma_wait3A_55 : memref<1x128x128xf32, #tpu.memory_space<hbm>> -> memref<128x128xf32, #tpu.memory_space<hbm>>
      tpu.wait_dma2 semaphore(%run_scoped3A : memref<!tpu.dma_semaphore, #tpu.memory_space<semaphore_mem>>) src(%arg13 : memref<128x128xf32, #tpu.memory_space<vmem>>) dst(%dma_wait3A_56 : memref<128x128xf32, #tpu.memory_space<hbm>>)
      tpu.yield
    }) : () -> ()
    %add3A_35 = arith.constant 256 : i32
    %add3A_36 = arith.addi %mul3A_7, %add3A_35 : i32
    "tpu.region"() ({
      %run_scoped3A = tpu.sem_alloc : memref<!tpu.dma_semaphore, #tpu.memory_space<semaphore_mem>>
      %dma_start3A = arith.constant 0 : i32
      %dma_start3A_47 = tpu.memref_slice %arg16[%add3A_36, %dma_start3A] : memref<10240x128xf32, #tpu.memory_space<vmem_shared>> -> memref<128x128xf32, #tpu.memory_space<vmem_shared>>
      %dma_start3A_48 = arith.constant 0 : i32
      %dma_start3A_49 = tpu.memref_slice %arg16[%add3A_36, %dma_start3A_48] : memref<10240x128xf32, #tpu.memory_space<vmem_shared>> -> memref<128x128xf32, #tpu.memory_space<vmem_shared>>
      tpu.enqueue_dma source(%dma_start3A_49 : memref<128x128xf32, #tpu.memory_space<vmem_shared>>) target(%arg13 : memref<128x128xf32, #tpu.memory_space<vmem>>) target_semaphore(%run_scoped3A : memref<!tpu.dma_semaphore, #tpu.memory_space<semaphore_mem>>)
      %dma_wait3A = arith.constant 0 : i32
      %dma_wait3A_50 = tpu.memref_slice %arg16[%add3A_36, %dma_wait3A] : memref<10240x128xf32, #tpu.memory_space<vmem_shared>> -> memref<128x128xf32, #tpu.memory_space<vmem_shared>>
      %dma_wait3A_51 = arith.constant 0 : i32
      %dma_wait3A_52 = tpu.memref_slice %arg16[%add3A_36, %dma_wait3A_51] : memref<10240x128xf32, #tpu.memory_space<vmem_shared>> -> memref<128x128xf32, #tpu.memory_space<vmem_shared>>
      tpu.wait_dma2 semaphore(%run_scoped3A : memref<!tpu.dma_semaphore, #tpu.memory_space<semaphore_mem>>) src(%dma_wait3A_52 : memref<128x128xf32, #tpu.memory_space<vmem_shared>>) dst(%arg13 : memref<128x128xf32, #tpu.memory_space<vmem>>)
      tpu.yield
    }) : () -> ()
    %add3A_37 = arith.constant 256 : i32
    %add3A_38 = arith.addi %mul3A_7, %add3A_37 : i32
    "tpu.region"() ({
      %run_scoped3A = tpu.sem_alloc : memref<!tpu.dma_semaphore, #tpu.memory_space<semaphore_mem>>
      %dma_start3A = arith.constant 0 : i32
      %dma_start3A_47 = tpu.memref_slice %arg8[%arg0, %add3A_38, %dma_start3A] : memref<2x10240x128xf32, #tpu.memory_space<hbm>> -> memref<1x128x128xf32, #tpu.memory_space<hbm>>
      %dma_start3A_48 = tpu.memref_squeeze %dma_start3A_47 : memref<1x128x128xf32, #tpu.memory_space<hbm>> -> memref<128x128xf32, #tpu.memory_space<hbm>>
      %dma_start3A_49 = arith.constant 0 : i32
      %dma_start3A_50 = tpu.memref_slice %arg8[%arg0, %add3A_38, %dma_start3A_49] : memref<2x10240x128xf32, #tpu.memory_space<hbm>> -> memref<1x128x128xf32, #tpu.memory_space<hbm>>
      %dma_start3A_51 = tpu.memref_squeeze %dma_start3A_50 : memref<1x128x128xf32, #tpu.memory_space<hbm>> -> memref<128x128xf32, #tpu.memory_space<hbm>>
      tpu.enqueue_dma source(%arg13 : memref<128x128xf32, #tpu.memory_space<vmem>>) target(%dma_start3A_51 : memref<128x128xf32, #tpu.memory_space<hbm>>) target_semaphore(%run_scoped3A : memref<!tpu.dma_semaphore, #tpu.memory_space<semaphore_mem>>)
      %dma_wait3A = arith.constant 0 : i32
      %dma_wait3A_52 = tpu.memref_slice %arg8[%arg0, %add3A_38, %dma_wait3A] : memref<2x10240x128xf32, #tpu.memory_space<hbm>> -> memref<1x128x128xf32, #tpu.memory_space<hbm>>
      %dma_wait3A_53 = tpu.memref_squeeze %dma_wait3A_52 : memref<1x128x128xf32, #tpu.memory_space<hbm>> -> memref<128x128xf32, #tpu.memory_space<hbm>>
      %dma_wait3A_54 = arith.constant 0 : i32
      %dma_wait3A_55 = tpu.memref_slice %arg8[%arg0, %add3A_38, %dma_wait3A_54] : memref<2x10240x128xf32, #tpu.memory_space<hbm>> -> memref<1x128x128xf32, #tpu.memory_space<hbm>>
      %dma_wait3A_56 = tpu.memref_squeeze %dma_wait3A_55 : memref<1x128x128xf32, #tpu.memory_space<hbm>> -> memref<128x128xf32, #tpu.memory_space<hbm>>
      tpu.wait_dma2 semaphore(%run_scoped3A : memref<!tpu.dma_semaphore, #tpu.memory_space<semaphore_mem>>) src(%arg13 : memref<128x128xf32, #tpu.memory_space<vmem>>) dst(%dma_wait3A_56 : memref<128x128xf32, #tpu.memory_space<hbm>>)
      tpu.yield
    }) : () -> ()
    %add3A_39 = arith.constant 384 : i32
    %add3A_40 = arith.addi %mul3A_7, %add3A_39 : i32
    "tpu.region"() ({
      %run_scoped3A = tpu.sem_alloc : memref<!tpu.dma_semaphore, #tpu.memory_space<semaphore_mem>>
      %dma_start3A = arith.constant 0 : i32
      %dma_start3A_47 = tpu.memref_slice %arg16[%add3A_40, %dma_start3A] : memref<10240x128xf32, #tpu.memory_space<vmem_shared>> -> memref<128x128xf32, #tpu.memory_space<vmem_shared>>
      %dma_start3A_48 = arith.constant 0 : i32
      %dma_start3A_49 = tpu.memref_slice %arg16[%add3A_40, %dma_start3A_48] : memref<10240x128xf32, #tpu.memory_space<vmem_shared>> -> memref<128x128xf32, #tpu.memory_space<vmem_shared>>
      tpu.enqueue_dma source(%dma_start3A_49 : memref<128x128xf32, #tpu.memory_space<vmem_shared>>) target(%arg13 : memref<128x128xf32, #tpu.memory_space<vmem>>) target_semaphore(%run_scoped3A : memref<!tpu.dma_semaphore, #tpu.memory_space<semaphore_mem>>)
      %dma_wait3A = arith.constant 0 : i32
      %dma_wait3A_50 = tpu.memref_slice %arg16[%add3A_40, %dma_wait3A] : memref<10240x128xf32, #tpu.memory_space<vmem_shared>> -> memref<128x128xf32, #tpu.memory_space<vmem_shared>>
      %dma_wait3A_51 = arith.constant 0 : i32
      %dma_wait3A_52 = tpu.memref_slice %arg16[%add3A_40, %dma_wait3A_51] : memref<10240x128xf32, #tpu.memory_space<vmem_shared>> -> memref<128x128xf32, #tpu.memory_space<vmem_shared>>
      tpu.wait_dma2 semaphore(%run_scoped3A : memref<!tpu.dma_semaphore, #tpu.memory_space<semaphore_mem>>) src(%dma_wait3A_52 : memref<128x128xf32, #tpu.memory_space<vmem_shared>>) dst(%arg13 : memref<128x128xf32, #tpu.memory_space<vmem>>)
      tpu.yield
    }) : () -> ()
    %add3A_41 = arith.constant 384 : i32
    %add3A_42 = arith.addi %mul3A_7, %add3A_41 : i32
    "tpu.region"() ({
      %run_scoped3A = tpu.sem_alloc : memref<!tpu.dma_semaphore, #tpu.memory_space<semaphore_mem>>
      %dma_start3A = arith.constant 0 : i32
      %dma_start3A_47 = tpu.memref_slice %arg8[%arg0, %add3A_42, %dma_start3A] : memref<2x10240x128xf32, #tpu.memory_space<hbm>> -> memref<1x128x128xf32, #tpu.memory_space<hbm>>
      %dma_start3A_48 = tpu.memref_squeeze %dma_start3A_47 : memref<1x128x128xf32, #tpu.memory_space<hbm>> -> memref<128x128xf32, #tpu.memory_space<hbm>>
      %dma_start3A_49 = arith.constant 0 : i32
      %dma_start3A_50 = tpu.memref_slice %arg8[%arg0, %add3A_42, %dma_start3A_49] : memref<2x10240x128xf32, #tpu.memory_space<hbm>> -> memref<1x128x128xf32, #tpu.memory_space<hbm>>
      %dma_start3A_51 = tpu.memref_squeeze %dma_start3A_50 : memref<1x128x128xf32, #tpu.memory_space<hbm>> -> memref<128x128xf32, #tpu.memory_space<hbm>>
      tpu.enqueue_dma source(%arg13 : memref<128x128xf32, #tpu.memory_space<vmem>>) target(%dma_start3A_51 : memref<128x128xf32, #tpu.memory_space<hbm>>) target_semaphore(%run_scoped3A : memref<!tpu.dma_semaphore, #tpu.memory_space<semaphore_mem>>)
      %dma_wait3A = arith.constant 0 : i32
      %dma_wait3A_52 = tpu.memref_slice %arg8[%arg0, %add3A_42, %dma_wait3A] : memref<2x10240x128xf32, #tpu.memory_space<hbm>> -> memref<1x128x128xf32, #tpu.memory_space<hbm>>
      %dma_wait3A_53 = tpu.memref_squeeze %dma_wait3A_52 : memref<1x128x128xf32, #tpu.memory_space<hbm>> -> memref<128x128xf32, #tpu.memory_space<hbm>>
      %dma_wait3A_54 = arith.constant 0 : i32
      %dma_wait3A_55 = tpu.memref_slice %arg8[%arg0, %add3A_42, %dma_wait3A_54] : memref<2x10240x128xf32, #tpu.memory_space<hbm>> -> memref<1x128x128xf32, #tpu.memory_space<hbm>>
      %dma_wait3A_56 = tpu.memref_squeeze %dma_wait3A_55 : memref<1x128x128xf32, #tpu.memory_space<hbm>> -> memref<128x128xf32, #tpu.memory_space<hbm>>
      tpu.wait_dma2 semaphore(%run_scoped3A : memref<!tpu.dma_semaphore, #tpu.memory_space<semaphore_mem>>) src(%arg13 : memref<128x128xf32, #tpu.memory_space<vmem>>) dst(%dma_wait3A_56 : memref<128x128xf32, #tpu.memory_space<hbm>>)
      tpu.yield
    }) : () -> ()
    %add3A_43 = arith.constant 512 : i32
    %add3A_44 = arith.addi %mul3A_7, %add3A_43 : i32
    "tpu.region"() ({
      %run_scoped3A = tpu.sem_alloc : memref<!tpu.dma_semaphore, #tpu.memory_space<semaphore_mem>>
      %dma_start3A = arith.constant 0 : i32
      %dma_start3A_47 = tpu.memref_slice %arg16[%add3A_44, %dma_start3A] : memref<10240x128xf32, #tpu.memory_space<vmem_shared>> -> memref<128x128xf32, #tpu.memory_space<vmem_shared>>
      %dma_start3A_48 = arith.constant 0 : i32
      %dma_start3A_49 = tpu.memref_slice %arg16[%add3A_44, %dma_start3A_48] : memref<10240x128xf32, #tpu.memory_space<vmem_shared>> -> memref<128x128xf32, #tpu.memory_space<vmem_shared>>
      tpu.enqueue_dma source(%dma_start3A_49 : memref<128x128xf32, #tpu.memory_space<vmem_shared>>) target(%arg13 : memref<128x128xf32, #tpu.memory_space<vmem>>) target_semaphore(%run_scoped3A : memref<!tpu.dma_semaphore, #tpu.memory_space<semaphore_mem>>)
      %dma_wait3A = arith.constant 0 : i32
      %dma_wait3A_50 = tpu.memref_slice %arg16[%add3A_44, %dma_wait3A] : memref<10240x128xf32, #tpu.memory_space<vmem_shared>> -> memref<128x128xf32, #tpu.memory_space<vmem_shared>>
      %dma_wait3A_51 = arith.constant 0 : i32
      %dma_wait3A_52 = tpu.memref_slice %arg16[%add3A_44, %dma_wait3A_51] : memref<10240x128xf32, #tpu.memory_space<vmem_shared>> -> memref<128x128xf32, #tpu.memory_space<vmem_shared>>
      tpu.wait_dma2 semaphore(%run_scoped3A : memref<!tpu.dma_semaphore, #tpu.memory_space<semaphore_mem>>) src(%dma_wait3A_52 : memref<128x128xf32, #tpu.memory_space<vmem_shared>>) dst(%arg13 : memref<128x128xf32, #tpu.memory_space<vmem>>)
      tpu.yield
    }) : () -> ()
    %add3A_45 = arith.constant 512 : i32
    %add3A_46 = arith.addi %mul3A_7, %add3A_45 : i32
    "tpu.region"() ({
      %run_scoped3A = tpu.sem_alloc : memref<!tpu.dma_semaphore, #tpu.memory_space<semaphore_mem>>
      %dma_start3A = arith.constant 0 : i32
      %dma_start3A_47 = tpu.memref_slice %arg8[%arg0, %add3A_46, %dma_start3A] : memref<2x10240x128xf32, #tpu.memory_space<hbm>> -> memref<1x128x128xf32, #tpu.memory_space<hbm>>
      %dma_start3A_48 = tpu.memref_squeeze %dma_start3A_47 : memref<1x128x128xf32, #tpu.memory_space<hbm>> -> memref<128x128xf32, #tpu.memory_space<hbm>>
      %dma_start3A_49 = arith.constant 0 : i32
      %dma_start3A_50 = tpu.memref_slice %arg8[%arg0, %add3A_46, %dma_start3A_49] : memref<2x10240x128xf32, #tpu.memory_space<hbm>> -> memref<1x128x128xf32, #tpu.memory_space<hbm>>
      %dma_start3A_51 = tpu.memref_squeeze %dma_start3A_50 : memref<1x128x128xf32, #tpu.memory_space<hbm>> -> memref<128x128xf32, #tpu.memory_space<hbm>>
      tpu.enqueue_dma source(%arg13 : memref<128x128xf32, #tpu.memory_space<vmem>>) target(%dma_start3A_51 : memref<128x128xf32, #tpu.memory_space<hbm>>) target_semaphore(%run_scoped3A : memref<!tpu.dma_semaphore, #tpu.memory_space<semaphore_mem>>)
      %dma_wait3A = arith.constant 0 : i32
      %dma_wait3A_52 = tpu.memref_slice %arg8[%arg0, %add3A_46, %dma_wait3A] : memref<2x10240x128xf32, #tpu.memory_space<hbm>> -> memref<1x128x128xf32, #tpu.memory_space<hbm>>
      %dma_wait3A_53 = tpu.memref_squeeze %dma_wait3A_52 : memref<1x128x128xf32, #tpu.memory_space<hbm>> -> memref<128x128xf32, #tpu.memory_space<hbm>>
      %dma_wait3A_54 = arith.constant 0 : i32
      %dma_wait3A_55 = tpu.memref_slice %arg8[%arg0, %add3A_46, %dma_wait3A_54] : memref<2x10240x128xf32, #tpu.memory_space<hbm>> -> memref<1x128x128xf32, #tpu.memory_space<hbm>>
      %dma_wait3A_56 = tpu.memref_squeeze %dma_wait3A_55 : memref<1x128x128xf32, #tpu.memory_space<hbm>> -> memref<128x128xf32, #tpu.memory_space<hbm>>
      tpu.wait_dma2 semaphore(%run_scoped3A : memref<!tpu.dma_semaphore, #tpu.memory_space<semaphore_mem>>) src(%arg13 : memref<128x128xf32, #tpu.memory_space<vmem>>) dst(%dma_wait3A_56 : memref<128x128xf32, #tpu.memory_space<hbm>>)
      tpu.yield
    }) : () -> ()
    return
  }
}

#map = affine_map<(d0, d1) -> (0, 0)>
#map1 = affine_map<(d0, d1) -> (0)>
#map2 = affine_map<(d0, d1) -> (0, 0, 0)>
module attributes {stable_mosaic.version = 14 : i64} {
  func.func @_sc_edges_body(%arg0: i32, %arg1: i32, %arg2: memref<1280x128xi32, #tpu.memory_space<hbm>>, %arg3: memref<1280x128xi32, #tpu.memory_space<hbm>>, %arg4: memref<1280x128xf32, #tpu.memory_space<hbm>>, %arg5: memref<10000x128xf32, #tpu.memory_space<hbm>>, %arg6: memref<10000xf32, #tpu.memory_space<hbm>>, %arg7: memref<10000xf32, #tpu.memory_space<hbm>>, %arg8: memref<2x10240x128xf32, #tpu.memory_space<hbm>>, %arg9: memref<40x128xi32, #tpu.memory_space<vmem>>, %arg10: memref<40x128xi32, #tpu.memory_space<vmem>>, %arg11: memref<128xf32, #tpu.memory_space<vmem>>, %arg12: memref<128xf32, #tpu.memory_space<vmem>>, %arg13: memref<128x128xf32, #tpu.memory_space<vmem>>, %arg14: memref<10000xf32, #tpu.memory_space<vmem>>, %arg15: memref<10000xf32, #tpu.memory_space<vmem>>, %arg16: memref<10240x128xf32, #tpu.memory_space<vmem_shared>>, %arg17: memref<!tpu.dma_semaphore, #tpu.memory_space<semaphore_mem>>) attributes {dimension_semantics = [#tpu.dimension_semantics<core_parallel>, #tpu.dimension_semantics<subcore_parallel>], iteration_bounds = array<i64: 2, 16>, scalar_prefetch = 0 : i64, scratch_operands = 9 : i64, tpu.core_type = #tpu.core_type<sc_vector_subcore>, window_params = [{transform_indices = #map}, {transform_indices = #map}, {transform_indices = #map}, {transform_indices = #map}, {transform_indices = #map1}, {transform_indices = #map1}, {transform_indices = #map2}]} {
    %mul3A = arith.constant 16 : i32
    %mul3A_0 = arith.muli %arg0, %mul3A : i32
    %add3A = arith.addi %mul3A_0, %arg1 : i32
    %scan3A = arith.constant 0 : i32
    %scan3A_1 = arith.constant 0 : i32
    %scan3A_2 = arith.constant 128 : i32
    %scan3A_3 = arith.addi %scan3A_1, %scan3A_2 : i32
    %scan3A_4 = arith.constant 1 : i32
    scf.for %scan3A_47 = %scan3A_1 to %scan3A_3 step %scan3A_4  : i32 {
      %broadcast_in_dim3A = arith.constant 0.000000e+00 : f32
      %broadcast_in_dim3A_48 = vector.broadcast %broadcast_in_dim3A : f32 to vector<16xf32>
      %swap3A = arith.index_cast %scan3A_47 : i32 to index
      %swap3A_49 = arith.constant 0 : index
      %swap3A_50 = tpu.vector_load %arg13[%swap3A, %swap3A_49] {strides = array<i32>} : memref<128x128xf32, #tpu.memory_space<vmem>>, vector<16xf32>,
      tpu.vector_store %arg13[%swap3A, %swap3A_49], %broadcast_in_dim3A_48 {strides = array<i32>} : memref<128x128xf32, #tpu.memory_space<vmem>>, vector<16xf32>,
      %broadcast_in_dim3A_51 = arith.constant 0.000000e+00 : f32
      %broadcast_in_dim3A_52 = vector.broadcast %broadcast_in_dim3A_51 : f32 to vector<16xf32>
      %swap3A_53 = arith.index_cast %scan3A_47 : i32 to index
      %swap3A_54 = arith.constant 16 : index
      %swap3A_55 = tpu.vector_load %arg13[%swap3A_53, %swap3A_54] {strides = array<i32>} : memref<128x128xf32, #tpu.memory_space<vmem>>, vector<16xf32>,
      tpu.vector_store %arg13[%swap3A_53, %swap3A_54], %broadcast_in_dim3A_52 {strides = array<i32>} : memref<128x128xf32, #tpu.memory_space<vmem>>, vector<16xf32>,
      %broadcast_in_dim3A_56 = arith.constant 0.000000e+00 : f32
      %broadcast_in_dim3A_57 = vector.broadcast %broadcast_in_dim3A_56 : f32 to vector<16xf32>
      %swap3A_58 = arith.index_cast %scan3A_47 : i32 to index
      %swap3A_59 = arith.constant 32 : index
      %swap3A_60 = tpu.vector_load %arg13[%swap3A_58, %swap3A_59] {strides = array<i32>} : memref<128x128xf32, #tpu.memory_space<vmem>>, vector<16xf32>,
      tpu.vector_store %arg13[%swap3A_58, %swap3A_59], %broadcast_in_dim3A_57 {strides = array<i32>} : memref<128x128xf32, #tpu.memory_space<vmem>>, vector<16xf32>,
      %broadcast_in_dim3A_61 = arith.constant 0.000000e+00 : f32
      %broadcast_in_dim3A_62 = vector.broadcast %broadcast_in_dim3A_61 : f32 to vector<16xf32>
      %swap3A_63 = arith.index_cast %scan3A_47 : i32 to index
      %swap3A_64 = arith.constant 48 : index
      %swap3A_65 = tpu.vector_load %arg13[%swap3A_63, %swap3A_64] {strides = array<i32>} : memref<128x128xf32, #tpu.memory_space<vmem>>, vector<16xf32>,
      tpu.vector_store %arg13[%swap3A_63, %swap3A_64], %broadcast_in_dim3A_62 {strides = array<i32>} : memref<128x128xf32, #tpu.memory_space<vmem>>, vector<16xf32>,
      %broadcast_in_dim3A_66 = arith.constant 0.000000e+00 : f32
      %broadcast_in_dim3A_67 = vector.broadcast %broadcast_in_dim3A_66 : f32 to vector<16xf32>
      %swap3A_68 = arith.index_cast %scan3A_47 : i32 to index
      %swap3A_69 = arith.constant 64 : index
      %swap3A_70 = tpu.vector_load %arg13[%swap3A_68, %swap3A_69] {strides = array<i32>} : memref<128x128xf32, #tpu.memory_space<vmem>>, vector<16xf32>,
      tpu.vector_store %arg13[%swap3A_68, %swap3A_69], %broadcast_in_dim3A_67 {strides = array<i32>} : memref<128x128xf32, #tpu.memory_space<vmem>>, vector<16xf32>,
      %broadcast_in_dim3A_71 = arith.constant 0.000000e+00 : f32
      %broadcast_in_dim3A_72 = vector.broadcast %broadcast_in_dim3A_71 : f32 to vector<16xf32>
      %swap3A_73 = arith.index_cast %scan3A_47 : i32 to index
      %swap3A_74 = arith.constant 80 : index
      %swap3A_75 = tpu.vector_load %arg13[%swap3A_73, %swap3A_74] {strides = array<i32>} : memref<128x128xf32, #tpu.memory_space<vmem>>, vector<16xf32>,
      tpu.vector_store %arg13[%swap3A_73, %swap3A_74], %broadcast_in_dim3A_72 {strides = array<i32>} : memref<128x128xf32, #tpu.memory_space<vmem>>, vector<16xf32>,
      %broadcast_in_dim3A_76 = arith.constant 0.000000e+00 : f32
      %broadcast_in_dim3A_77 = vector.broadcast %broadcast_in_dim3A_76 : f32 to vector<16xf32>
      %swap3A_78 = arith.index_cast %scan3A_47 : i32 to index
      %swap3A_79 = arith.constant 96 : index
      %swap3A_80 = tpu.vector_load %arg13[%swap3A_78, %swap3A_79] {strides = array<i32>} : memref<128x128xf32, #tpu.memory_space<vmem>>, vector<16xf32>,
      tpu.vector_store %arg13[%swap3A_78, %swap3A_79], %broadcast_in_dim3A_77 {strides = array<i32>} : memref<128x128xf32, #tpu.memory_space<vmem>>, vector<16xf32>,
      %broadcast_in_dim3A_81 = arith.constant 0.000000e+00 : f32
      %broadcast_in_dim3A_82 = vector.broadcast %broadcast_in_dim3A_81 : f32 to vector<16xf32>
      %swap3A_83 = arith.index_cast %scan3A_47 : i32 to index
      %swap3A_84 = arith.constant 112 : index
      %swap3A_85 = tpu.vector_load %arg13[%swap3A_83, %swap3A_84] {strides = array<i32>} : memref<128x128xf32, #tpu.memory_space<vmem>>, vector<16xf32>,
      tpu.vector_store %arg13[%swap3A_83, %swap3A_84], %broadcast_in_dim3A_82 {strides = array<i32>} : memref<128x128xf32, #tpu.memory_space<vmem>>, vector<16xf32>,
    }
    %scan3A_5 = arith.constant 128 : i32
    %mul3A_6 = arith.constant 640 : i32
    %mul3A_7 = arith.muli %arg1, %mul3A_6 : i32
    %add3A_8 = arith.constant 0 : i32
    %add3A_9 = arith.addi %mul3A_7, %add3A_8 : i32
    "tpu.region"() ({
      %run_scoped3A = tpu.sem_alloc : memref<!tpu.dma_semaphore, #tpu.memory_space<semaphore_mem>>
      %dma_start3A = arith.constant 0 : i32
      %dma_start3A_47 = tpu.memref_slice %arg16[%add3A_9, %dma_start3A] : memref<10240x128xf32, #tpu.memory_space<vmem_shared>> -> memref<128x128xf32, #tpu.memory_space<vmem_shared>>
      %dma_start3A_48 = arith.constant 0 : i32
      %dma_start3A_49 = tpu.memref_slice %arg16[%add3A_9, %dma_start3A_48] : memref<10240x128xf32, #tpu.memory_space<vmem_shared>> -> memref<128x128xf32, #tpu.memory_space<vmem_shared>>
      tpu.enqueue_dma source(%arg13 : memref<128x128xf32, #tpu.memory_space<vmem>>) target(%dma_start3A_49 : memref<128x128xf32, #tpu.memory_space<vmem_shared>>) target_semaphore(%run_scoped3A : memref<!tpu.dma_semaphore, #tpu.memory_space<semaphore_mem>>)
      %dma_wait3A = arith.constant 0 : i32
      %dma_wait3A_50 = tpu.memref_slice %arg16[%add3A_9, %dma_wait3A] : memref<10240x128xf32, #tpu.memory_space<vmem_shared>> -> memref<128x128xf32, #tpu.memory_space<vmem_shared>>
      %dma_wait3A_51 = arith.constant 0 : i32
      %dma_wait3A_52 = tpu.memref_slice %arg16[%add3A_9, %dma_wait3A_51] : memref<10240x128xf32, #tpu.memory_space<vmem_shared>> -> memref<128x128xf32, #tpu.memory_space<vmem_shared>>
      tpu.wait_dma2 semaphore(%run_scoped3A : memref<!tpu.dma_semaphore, #tpu.memory_space<semaphore_mem>>) src(%arg13 : memref<128x128xf32, #tpu.memory_space<vmem>>) dst(%dma_wait3A_52 : memref<128x128xf32, #tpu.memory_space<vmem_shared>>)
      tpu.yield
    }) : () -> ()
    %add3A_10 = arith.constant 128 : i32
    %add3A_11 = arith.addi %mul3A_7, %add3A_10 : i32
    "tpu.region"() ({
      %run_scoped3A = tpu.sem_alloc : memref<!tpu.dma_semaphore, #tpu.memory_space<semaphore_mem>>
      %dma_start3A = arith.constant 0 : i32
      %dma_start3A_47 = tpu.memref_slice %arg16[%add3A_11, %dma_start3A] : memref<10240x128xf32, #tpu.memory_space<vmem_shared>> -> memref<128x128xf32, #tpu.memory_space<vmem_shared>>
      %dma_start3A_48 = arith.constant 0 : i32
      %dma_start3A_49 = tpu.memref_slice %arg16[%add3A_11, %dma_start3A_48] : memref<10240x128xf32, #tpu.memory_space<vmem_shared>> -> memref<128x128xf32, #tpu.memory_space<vmem_shared>>
      tpu.enqueue_dma source(%arg13 : memref<128x128xf32, #tpu.memory_space<vmem>>) target(%dma_start3A_49 : memref<128x128xf32, #tpu.memory_space<vmem_shared>>) target_semaphore(%run_scoped3A : memref<!tpu.dma_semaphore, #tpu.memory_space<semaphore_mem>>)
      %dma_wait3A = arith.constant 0 : i32
      %dma_wait3A_50 = tpu.memref_slice %arg16[%add3A_11, %dma_wait3A] : memref<10240x128xf32, #tpu.memory_space<vmem_shared>> -> memref<128x128xf32, #tpu.memory_space<vmem_shared>>
      %dma_wait3A_51 = arith.constant 0 : i32
      %dma_wait3A_52 = tpu.memref_slice %arg16[%add3A_11, %dma_wait3A_51] : memref<10240x128xf32, #tpu.memory_space<vmem_shared>> -> memref<128x128xf32, #tpu.memory_space<vmem_shared>>
      tpu.wait_dma2 semaphore(%run_scoped3A : memref<!tpu.dma_semaphore, #tpu.memory_space<semaphore_mem>>) src(%arg13 : memref<128x128xf32, #tpu.memory_space<vmem>>) dst(%dma_wait3A_52 : memref<128x128xf32, #tpu.memory_space<vmem_shared>>)
      tpu.yield
    }) : () -> ()
    %add3A_12 = arith.constant 256 : i32
    %add3A_13 = arith.addi %mul3A_7, %add3A_12 : i32
    "tpu.region"() ({
      %run_scoped3A = tpu.sem_alloc : memref<!tpu.dma_semaphore, #tpu.memory_space<semaphore_mem>>
      %dma_start3A = arith.constant 0 : i32
      %dma_start3A_47 = tpu.memref_slice %arg16[%add3A_13, %dma_start3A] : memref<10240x128xf32, #tpu.memory_space<vmem_shared>> -> memref<128x128xf32, #tpu.memory_space<vmem_shared>>
      %dma_start3A_48 = arith.constant 0 : i32
      %dma_start3A_49 = tpu.memref_slice %arg16[%add3A_13, %dma_start3A_48] : memref<10240x128xf32, #tpu.memory_space<vmem_shared>> -> memref<128x128xf32, #tpu.memory_space<vmem_shared>>
      tpu.enqueue_dma source(%arg13 : memref<128x128xf32, #tpu.memory_space<vmem>>) target(%dma_start3A_49 : memref<128x128xf32, #tpu.memory_space<vmem_shared>>) target_semaphore(%run_scoped3A : memref<!tpu.dma_semaphore, #tpu.memory_space<semaphore_mem>>)
      %dma_wait3A = arith.constant 0 : i32
      %dma_wait3A_50 = tpu.memref_slice %arg16[%add3A_13, %dma_wait3A] : memref<10240x128xf32, #tpu.memory_space<vmem_shared>> -> memref<128x128xf32, #tpu.memory_space<vmem_shared>>
      %dma_wait3A_51 = arith.constant 0 : i32
      %dma_wait3A_52 = tpu.memref_slice %arg16[%add3A_13, %dma_wait3A_51] : memref<10240x128xf32, #tpu.memory_space<vmem_shared>> -> memref<128x128xf32, #tpu.memory_space<vmem_shared>>
      tpu.wait_dma2 semaphore(%run_scoped3A : memref<!tpu.dma_semaphore, #tpu.memory_space<semaphore_mem>>) src(%arg13 : memref<128x128xf32, #tpu.memory_space<vmem>>) dst(%dma_wait3A_52 : memref<128x128xf32, #tpu.memory_space<vmem_shared>>)
      tpu.yield
    }) : () -> ()
    %add3A_14 = arith.constant 384 : i32
    %add3A_15 = arith.addi %mul3A_7, %add3A_14 : i32
    "tpu.region"() ({
      %run_scoped3A = tpu.sem_alloc : memref<!tpu.dma_semaphore, #tpu.memory_space<semaphore_mem>>
      %dma_start3A = arith.constant 0 : i32
      %dma_start3A_47 = tpu.memref_slice %arg16[%add3A_15, %dma_start3A] : memref<10240x128xf32, #tpu.memory_space<vmem_shared>> -> memref<128x128xf32, #tpu.memory_space<vmem_shared>>
      %dma_start3A_48 = arith.constant 0 : i32
      %dma_start3A_49 = tpu.memref_slice %arg16[%add3A_15, %dma_start3A_48] : memref<10240x128xf32, #tpu.memory_space<vmem_shared>> -> memref<128x128xf32, #tpu.memory_space<vmem_shared>>
      tpu.enqueue_dma source(%arg13 : memref<128x128xf32, #tpu.memory_space<vmem>>) target(%dma_start3A_49 : memref<128x128xf32, #tpu.memory_space<vmem_shared>>) target_semaphore(%run_scoped3A : memref<!tpu.dma_semaphore, #tpu.memory_space<semaphore_mem>>)
      %dma_wait3A = arith.constant 0 : i32
      %dma_wait3A_50 = tpu.memref_slice %arg16[%add3A_15, %dma_wait3A] : memref<10240x128xf32, #tpu.memory_space<vmem_shared>> -> memref<128x128xf32, #tpu.memory_space<vmem_shared>>
      %dma_wait3A_51 = arith.constant 0 : i32
      %dma_wait3A_52 = tpu.memref_slice %arg16[%add3A_15, %dma_wait3A_51] : memref<10240x128xf32, #tpu.memory_space<vmem_shared>> -> memref<128x128xf32, #tpu.memory_space<vmem_shared>>
      tpu.wait_dma2 semaphore(%run_scoped3A : memref<!tpu.dma_semaphore, #tpu.memory_space<semaphore_mem>>) src(%arg13 : memref<128x128xf32, #tpu.memory_space<vmem>>) dst(%dma_wait3A_52 : memref<128x128xf32, #tpu.memory_space<vmem_shared>>)
      tpu.yield
    }) : () -> ()
    %add3A_16 = arith.constant 512 : i32
    %add3A_17 = arith.addi %mul3A_7, %add3A_16 : i32
    "tpu.region"() ({
      %run_scoped3A = tpu.sem_alloc : memref<!tpu.dma_semaphore, #tpu.memory_space<semaphore_mem>>
      %dma_start3A = arith.constant 0 : i32
      %dma_start3A_47 = tpu.memref_slice %arg16[%add3A_17, %dma_start3A] : memref<10240x128xf32, #tpu.memory_space<vmem_shared>> -> memref<128x128xf32, #tpu.memory_space<vmem_shared>>
      %dma_start3A_48 = arith.constant 0 : i32
      %dma_start3A_49 = tpu.memref_slice %arg16[%add3A_17, %dma_start3A_48] : memref<10240x128xf32, #tpu.memory_space<vmem_shared>> -> memref<128x128xf32, #tpu.memory_space<vmem_shared>>
      tpu.enqueue_dma source(%arg13 : memref<128x128xf32, #tpu.memory_space<vmem>>) target(%dma_start3A_49 : memref<128x128xf32, #tpu.memory_space<vmem_shared>>) target_semaphore(%run_scoped3A : memref<!tpu.dma_semaphore, #tpu.memory_space<semaphore_mem>>)
      %dma_wait3A = arith.constant 0 : i32
      %dma_wait3A_50 = tpu.memref_slice %arg16[%add3A_17, %dma_wait3A] : memref<10240x128xf32, #tpu.memory_space<vmem_shared>> -> memref<128x128xf32, #tpu.memory_space<vmem_shared>>
      %dma_wait3A_51 = arith.constant 0 : i32
      %dma_wait3A_52 = tpu.memref_slice %arg16[%add3A_17, %dma_wait3A_51] : memref<10240x128xf32, #tpu.memory_space<vmem_shared>> -> memref<128x128xf32, #tpu.memory_space<vmem_shared>>
      tpu.wait_dma2 semaphore(%run_scoped3A : memref<!tpu.dma_semaphore, #tpu.memory_space<semaphore_mem>>) src(%arg13 : memref<128x128xf32, #tpu.memory_space<vmem>>) dst(%dma_wait3A_52 : memref<128x128xf32, #tpu.memory_space<vmem_shared>>)
      tpu.yield
    }) : () -> ()
    "tpu.region"() ({
      %run_scoped3A = tpu.sem_alloc : memref<!tpu.dma_semaphore, #tpu.memory_space<semaphore_mem>>
      tpu.enqueue_dma source(%arg6 : memref<10000xf32, #tpu.memory_space<hbm>>) target(%arg14 : memref<10000xf32, #tpu.memory_space<vmem>>) target_semaphore(%run_scoped3A : memref<!tpu.dma_semaphore, #tpu.memory_space<semaphore_mem>>)
      tpu.wait_dma2 semaphore(%run_scoped3A : memref<!tpu.dma_semaphore, #tpu.memory_space<semaphore_mem>>) src(%arg6 : memref<10000xf32, #tpu.memory_space<hbm>>) dst(%arg14 : memref<10000xf32, #tpu.memory_space<vmem>>)
      tpu.yield
    }) : () -> ()
    "tpu.region"() ({
      %run_scoped3A = tpu.sem_alloc : memref<!tpu.dma_semaphore, #tpu.memory_space<semaphore_mem>>
      tpu.enqueue_dma source(%arg7 : memref<10000xf32, #tpu.memory_space<hbm>>) target(%arg15 : memref<10000xf32, #tpu.memory_space<vmem>>) target_semaphore(%run_scoped3A : memref<!tpu.dma_semaphore, #tpu.memory_space<semaphore_mem>>)
      tpu.wait_dma2 semaphore(%run_scoped3A : memref<!tpu.dma_semaphore, #tpu.memory_space<semaphore_mem>>) src(%arg7 : memref<10000xf32, #tpu.memory_space<hbm>>) dst(%arg15 : memref<10000xf32, #tpu.memory_space<vmem>>)
      tpu.yield
    }) : () -> ()
    %mul3A_18 = arith.constant 40 : i32
    %mul3A_19 = arith.muli %add3A, %mul3A_18 : i32
    "tpu.region"() ({
      %run_scoped3A = tpu.sem_alloc : memref<!tpu.dma_semaphore, #tpu.memory_space<semaphore_mem>>
      %dma_start3A = arith.constant 0 : i32
      %dma_start3A_47 = tpu.memref_slice %arg2[%mul3A_19, %dma_start3A] : memref<1280x128xi32, #tpu.memory_space<hbm>> -> memref<40x128xi32, #tpu.memory_space<hbm>>
      %dma_start3A_48 = arith.constant 0 : i32
      %dma_start3A_49 = tpu.memref_slice %arg2[%mul3A_19, %dma_start3A_48] : memref<1280x128xi32, #tpu.memory_space<hbm>> -> memref<40x128xi32, #tpu.memory_space<hbm>>
      tpu.enqueue_dma source(%dma_start3A_49 : memref<40x128xi32, #tpu.memory_space<hbm>>) target(%arg9 : memref<40x128xi32, #tpu.memory_space<vmem>>) target_semaphore(%run_scoped3A : memref<!tpu.dma_semaphore, #tpu.memory_space<semaphore_mem>>)
      %dma_wait3A = arith.constant 0 : i32
      %dma_wait3A_50 = tpu.memref_slice %arg2[%mul3A_19, %dma_wait3A] : memref<1280x128xi32, #tpu.memory_space<hbm>> -> memref<40x128xi32, #tpu.memory_space<hbm>>
      %dma_wait3A_51 = arith.constant 0 : i32
      %dma_wait3A_52 = tpu.memref_slice %arg2[%mul3A_19, %dma_wait3A_51] : memref<1280x128xi32, #tpu.memory_space<hbm>> -> memref<40x128xi32, #tpu.memory_space<hbm>>
      tpu.wait_dma2 semaphore(%run_scoped3A : memref<!tpu.dma_semaphore, #tpu.memory_space<semaphore_mem>>) src(%dma_wait3A_52 : memref<40x128xi32, #tpu.memory_space<hbm>>) dst(%arg9 : memref<40x128xi32, #tpu.memory_space<vmem>>)
      tpu.yield
    }) : () -> ()
    "tpu.region"() ({
      %run_scoped3A = tpu.sem_alloc : memref<!tpu.dma_semaphore, #tpu.memory_space<semaphore_mem>>
      %dma_start3A = arith.constant 0 : i32
      %dma_start3A_47 = tpu.memref_slice %arg3[%mul3A_19, %dma_start3A] : memref<1280x128xi32, #tpu.memory_space<hbm>> -> memref<40x128xi32, #tpu.memory_space<hbm>>
      %dma_start3A_48 = arith.constant 0 : i32
      %dma_start3A_49 = tpu.memref_slice %arg3[%mul3A_19, %dma_start3A_48] : memref<1280x128xi32, #tpu.memory_space<hbm>> -> memref<40x128xi32, #tpu.memory_space<hbm>>
      tpu.enqueue_dma source(%dma_start3A_49 : memref<40x128xi32, #tpu.memory_space<hbm>>) target(%arg10 : memref<40x128xi32, #tpu.memory_space<vmem>>) target_semaphore(%run_scoped3A : memref<!tpu.dma_semaphore, #tpu.memory_space<semaphore_mem>>)
      %dma_wait3A = arith.constant 0 : i32
      %dma_wait3A_50 = tpu.memref_slice %arg3[%mul3A_19, %dma_wait3A] : memref<1280x128xi32, #tpu.memory_space<hbm>> -> memref<40x128xi32, #tpu.memory_space<hbm>>
      %dma_wait3A_51 = arith.constant 0 : i32
      %dma_wait3A_52 = tpu.memref_slice %arg3[%mul3A_19, %dma_wait3A_51] : memref<1280x128xi32, #tpu.memory_space<hbm>> -> memref<40x128xi32, #tpu.memory_space<hbm>>
      tpu.wait_dma2 semaphore(%run_scoped3A : memref<!tpu.dma_semaphore, #tpu.memory_space<semaphore_mem>>) src(%dma_wait3A_52 : memref<40x128xi32, #tpu.memory_space<hbm>>) dst(%arg10 : memref<40x128xi32, #tpu.memory_space<vmem>>)
      tpu.yield
    }) : () -> ()
    %barrier3A = arith.constant 0 : index
    tpu.barrier barrier_id(%barrier3A)
    %scan3A_20 = arith.constant 0 : i32
    %scan3A_21 = arith.constant 0 : i32
    %scan3A_22 = arith.constant 40 : i32
    %scan3A_23 = arith.addi %scan3A_21, %scan3A_22 : i32
    %scan3A_24 = arith.constant 1 : i32
    scf.for %scan3A_47 = %scan3A_21 to %scan3A_23 step %scan3A_24  : i32 {
      %add3A_48 = arith.addi %mul3A_19, %scan3A_47 : i32
      "tpu.region"() ({
        %run_scoped3A = tpu.sem_alloc : memref<!tpu.dma_semaphore, #tpu.memory_space<semaphore_mem>>
        %dma_start3A_251 = arith.constant 0 : i32
        %dma_start3A_252 = tpu.memref_slice %arg4[%add3A_48, %dma_start3A_251] : memref<1280x128xf32, #tpu.memory_space<hbm>> -> memref<1x128xf32, #tpu.memory_space<hbm>>
        %dma_start3A_253 = tpu.memref_squeeze %dma_start3A_252 : memref<1x128xf32, #tpu.memory_space<hbm>> -> memref<128xf32, #tpu.memory_space<hbm>>
        %dma_start3A_254 = arith.constant 0 : i32
        %dma_start3A_255 = tpu.memref_slice %arg4[%add3A_48, %dma_start3A_254] : memref<1280x128xf32, #tpu.memory_space<hbm>> -> memref<1x128xf32, #tpu.memory_space<hbm>>
        %dma_start3A_256 = tpu.memref_squeeze %dma_start3A_255 : memref<1x128xf32, #tpu.memory_space<hbm>> -> memref<128xf32, #tpu.memory_space<hbm>>
        tpu.enqueue_dma source(%dma_start3A_256 : memref<128xf32, #tpu.memory_space<hbm>>) target(%arg11 : memref<128xf32, #tpu.memory_space<vmem>>) target_semaphore(%run_scoped3A : memref<!tpu.dma_semaphore, #tpu.memory_space<semaphore_mem>>)
        %dma_wait3A_257 = arith.constant 0 : i32
        %dma_wait3A_258 = tpu.memref_slice %arg4[%add3A_48, %dma_wait3A_257] : memref<1280x128xf32, #tpu.memory_space<hbm>> -> memref<1x128xf32, #tpu.memory_space<hbm>>
        %dma_wait3A_259 = tpu.memref_squeeze %dma_wait3A_258 : memref<1x128xf32, #tpu.memory_space<hbm>> -> memref<128xf32, #tpu.memory_space<hbm>>
        %dma_wait3A_260 = arith.constant 0 : i32
        %dma_wait3A_261 = tpu.memref_slice %arg4[%add3A_48, %dma_wait3A_260] : memref<1280x128xf32, #tpu.memory_space<hbm>> -> memref<1x128xf32, #tpu.memory_space<hbm>>
        %dma_wait3A_262 = tpu.memref_squeeze %dma_wait3A_261 : memref<1x128xf32, #tpu.memory_space<hbm>> -> memref<128xf32, #tpu.memory_space<hbm>>
        tpu.wait_dma2 semaphore(%run_scoped3A : memref<!tpu.dma_semaphore, #tpu.memory_space<semaphore_mem>>) src(%dma_wait3A_262 : memref<128xf32, #tpu.memory_space<hbm>>) dst(%arg11 : memref<128xf32, #tpu.memory_space<vmem>>)
        tpu.yield
      }) : () -> ()
      %dma_start3A = arith.constant 0 : i32
      %dma_start3A_49 = tpu.memref_slice %arg9[%scan3A_47, %dma_start3A] : memref<40x128xi32, #tpu.memory_space<vmem>> -> memref<1x128xi32, #tpu.memory_space<vmem>>
      %dma_start3A_50 = tpu.memref_squeeze %dma_start3A_49 : memref<1x128xi32, #tpu.memory_space<vmem>> -> memref<128xi32, #tpu.memory_space<vmem>>
      %dma_start3A_51 = arith.constant 0 : i32
      %dma_start3A_52 = arith.constant 0 : i32
      %dma_start3A_53 = tpu.memref_slice %arg5[%dma_start3A_51, %dma_start3A_52] : memref<10000x128xf32, #tpu.memory_space<hbm>> -> memref<10000x128xf32, #tpu.memory_space<hbm>>
      tpu.enqueue_indirect_dma source(%dma_start3A_53 : memref<10000x128xf32, #tpu.memory_space<hbm>>) target(%arg13 : memref<128x128xf32, #tpu.memory_space<vmem>>) offsets(%dma_start3A_50 : memref<128xi32, #tpu.memory_space<vmem>>) semaphore(%arg17 : memref<!tpu.dma_semaphore, #tpu.memory_space<semaphore_mem>>)
      %dma_wait3A = arith.constant 0 : i32
      %dma_wait3A_54 = tpu.memref_slice %arg9[%scan3A_47, %dma_wait3A] : memref<40x128xi32, #tpu.memory_space<vmem>> -> memref<1x128xi32, #tpu.memory_space<vmem>>
      %dma_wait3A_55 = tpu.memref_squeeze %dma_wait3A_54 : memref<1x128xi32, #tpu.memory_space<vmem>> -> memref<128xi32, #tpu.memory_space<vmem>>
      %dma_wait3A_56 = arith.constant 0 : i32
      %dma_wait3A_57 = arith.constant 0 : i32
      %dma_wait3A_58 = tpu.memref_slice %arg5[%dma_wait3A_56, %dma_wait3A_57] : memref<10000x128xf32, #tpu.memory_space<hbm>> -> memref<10000x128xf32, #tpu.memory_space<hbm>>
      tpu.wait_indirect_dma semaphore(%arg17 : memref<!tpu.dma_semaphore, #tpu.memory_space<semaphore_mem>>) src(%dma_wait3A_58 : memref<10000x128xf32, #tpu.memory_space<hbm>>) dst(%arg13 : memref<128x128xf32, #tpu.memory_space<vmem>>)
      %get3A = arith.index_cast %scan3A_47 : i32 to index
      %get3A_59 = arith.constant 0 : index
      %get3A_60 = tpu.vector_load %arg9[%get3A, %get3A_59] {strides = array<i32>} : memref<40x128xi32, #tpu.memory_space<vmem>>, vector<16xi32>,
      %get3A_61 = arith.index_cast %scan3A_47 : i32 to index
      %get3A_62 = arith.constant 0 : index
      %get3A_63 = tpu.vector_load %arg10[%get3A_61, %get3A_62] {strides = array<i32>} : memref<40x128xi32, #tpu.memory_space<vmem>>, vector<16xi32>,
      %gather3A = tpu.vector_load_idx %arg14[%get3A_60] : memref<10000xf32, #tpu.memory_space<vmem>>[vector<16xi32>], vector<16xf32>,
      %gather3A_64 = tpu.vector_load_idx %arg15[%get3A_63] : memref<10000xf32, #tpu.memory_space<vmem>>[vector<16xi32>], vector<16xf32>,
      %add3A_65 = arith.addf %gather3A, %gather3A_64 : vector<16xf32>
      %neg3A = arith.constant 0.000000e+00 : f32
      %neg3A_66 = vector.broadcast %neg3A : f32 to vector<16xf32>
      %neg3A_67 = arith.subf %neg3A_66, %add3A_65 : vector<16xf32>
      %exp3A = math.exp %neg3A_67 : vector<16xf32>
      %add3A_68 = arith.constant 1.000000e+00 : f32
      %add3A_69 = vector.broadcast %add3A_68 : f32 to vector<16xf32>
      %add3A_70 = arith.addf %add3A_69, %exp3A : vector<16xf32>
      %div3A = arith.constant 1.000000e+00 : f32
      %div3A_71 = vector.broadcast %div3A : f32 to vector<16xf32>
      %div3A_72 = arith.divf %div3A_71, %add3A_70 : vector<16xf32>
      %get3A_73 = arith.constant 0 : index
      %get3A_74 = tpu.vector_load %arg11[%get3A_73] {strides = array<i32>} : memref<128xf32, #tpu.memory_space<vmem>>, vector<16xf32>,
      %mul3A_75 = arith.mulf %get3A_74, %div3A_72 : vector<16xf32>
      %swap3A = arith.constant 0 : index
      %swap3A_76 = tpu.vector_load %arg12[%swap3A] {strides = array<i32>} : memref<128xf32, #tpu.memory_space<vmem>>, vector<16xf32>,
      tpu.vector_store %arg12[%swap3A], %mul3A_75 {strides = array<i32>} : memref<128xf32, #tpu.memory_space<vmem>>, vector<16xf32>,
      %get3A_77 = arith.index_cast %scan3A_47 : i32 to index
      %get3A_78 = arith.constant 16 : index
      %get3A_79 = tpu.vector_load %arg9[%get3A_77, %get3A_78] {strides = array<i32>} : memref<40x128xi32, #tpu.memory_space<vmem>>, vector<16xi32>,
      %get3A_80 = arith.index_cast %scan3A_47 : i32 to index
      %get3A_81 = arith.constant 16 : index
      %get3A_82 = tpu.vector_load %arg10[%get3A_80, %get3A_81] {strides = array<i32>} : memref<40x128xi32, #tpu.memory_space<vmem>>, vector<16xi32>,
      %gather3A_83 = tpu.vector_load_idx %arg14[%get3A_79] : memref<10000xf32, #tpu.memory_space<vmem>>[vector<16xi32>], vector<16xf32>,
      %gather3A_84 = tpu.vector_load_idx %arg15[%get3A_82] : memref<10000xf32, #tpu.memory_space<vmem>>[vector<16xi32>], vector<16xf32>,
      %add3A_85 = arith.addf %gather3A_83, %gather3A_84 : vector<16xf32>
      %neg3A_86 = arith.constant 0.000000e+00 : f32
      %neg3A_87 = vector.broadcast %neg3A_86 : f32 to vector<16xf32>
      %neg3A_88 = arith.subf %neg3A_87, %add3A_85 : vector<16xf32>
      %exp3A_89 = math.exp %neg3A_88 : vector<16xf32>
      %add3A_90 = arith.constant 1.000000e+00 : f32
      %add3A_91 = vector.broadcast %add3A_90 : f32 to vector<16xf32>
      %add3A_92 = arith.addf %add3A_91, %exp3A_89 : vector<16xf32>
      %div3A_93 = arith.constant 1.000000e+00 : f32
      %div3A_94 = vector.broadcast %div3A_93 : f32 to vector<16xf32>
      %div3A_95 = arith.divf %div3A_94, %add3A_92 : vector<16xf32>
      %get3A_96 = arith.constant 16 : index
      %get3A_97 = tpu.vector_load %arg11[%get3A_96] {strides = array<i32>} : memref<128xf32, #tpu.memory_space<vmem>>, vector<16xf32>,
      %mul3A_98 = arith.mulf %get3A_97, %div3A_95 : vector<16xf32>
      %swap3A_99 = arith.constant 16 : index
      %swap3A_100 = tpu.vector_load %arg12[%swap3A_99] {strides = array<i32>} : memref<128xf32, #tpu.memory_space<vmem>>, vector<16xf32>,
      tpu.vector_store %arg12[%swap3A_99], %mul3A_98 {strides = array<i32>} : memref<128xf32, #tpu.memory_space<vmem>>, vector<16xf32>,
      %get3A_101 = arith.index_cast %scan3A_47 : i32 to index
      %get3A_102 = arith.constant 32 : index
      %get3A_103 = tpu.vector_load %arg9[%get3A_101, %get3A_102] {strides = array<i32>} : memref<40x128xi32, #tpu.memory_space<vmem>>, vector<16xi32>,
      %get3A_104 = arith.index_cast %scan3A_47 : i32 to index
      %get3A_105 = arith.constant 32 : index
      %get3A_106 = tpu.vector_load %arg10[%get3A_104, %get3A_105] {strides = array<i32>} : memref<40x128xi32, #tpu.memory_space<vmem>>, vector<16xi32>,
      %gather3A_107 = tpu.vector_load_idx %arg14[%get3A_103] : memref<10000xf32, #tpu.memory_space<vmem>>[vector<16xi32>], vector<16xf32>,
      %gather3A_108 = tpu.vector_load_idx %arg15[%get3A_106] : memref<10000xf32, #tpu.memory_space<vmem>>[vector<16xi32>], vector<16xf32>,
      %add3A_109 = arith.addf %gather3A_107, %gather3A_108 : vector<16xf32>
      %neg3A_110 = arith.constant 0.000000e+00 : f32
      %neg3A_111 = vector.broadcast %neg3A_110 : f32 to vector<16xf32>
      %neg3A_112 = arith.subf %neg3A_111, %add3A_109 : vector<16xf32>
      %exp3A_113 = math.exp %neg3A_112 : vector<16xf32>
      %add3A_114 = arith.constant 1.000000e+00 : f32
      %add3A_115 = vector.broadcast %add3A_114 : f32 to vector<16xf32>
      %add3A_116 = arith.addf %add3A_115, %exp3A_113 : vector<16xf32>
      %div3A_117 = arith.constant 1.000000e+00 : f32
      %div3A_118 = vector.broadcast %div3A_117 : f32 to vector<16xf32>
      %div3A_119 = arith.divf %div3A_118, %add3A_116 : vector<16xf32>
      %get3A_120 = arith.constant 32 : index
      %get3A_121 = tpu.vector_load %arg11[%get3A_120] {strides = array<i32>} : memref<128xf32, #tpu.memory_space<vmem>>, vector<16xf32>,
      %mul3A_122 = arith.mulf %get3A_121, %div3A_119 : vector<16xf32>
      %swap3A_123 = arith.constant 32 : index
      %swap3A_124 = tpu.vector_load %arg12[%swap3A_123] {strides = array<i32>} : memref<128xf32, #tpu.memory_space<vmem>>, vector<16xf32>,
      tpu.vector_store %arg12[%swap3A_123], %mul3A_122 {strides = array<i32>} : memref<128xf32, #tpu.memory_space<vmem>>, vector<16xf32>,
      %get3A_125 = arith.index_cast %scan3A_47 : i32 to index
      %get3A_126 = arith.constant 48 : index
      %get3A_127 = tpu.vector_load %arg9[%get3A_125, %get3A_126] {strides = array<i32>} : memref<40x128xi32, #tpu.memory_space<vmem>>, vector<16xi32>,
      %get3A_128 = arith.index_cast %scan3A_47 : i32 to index
      %get3A_129 = arith.constant 48 : index
      %get3A_130 = tpu.vector_load %arg10[%get3A_128, %get3A_129] {strides = array<i32>} : memref<40x128xi32, #tpu.memory_space<vmem>>, vector<16xi32>,
      %gather3A_131 = tpu.vector_load_idx %arg14[%get3A_127] : memref<10000xf32, #tpu.memory_space<vmem>>[vector<16xi32>], vector<16xf32>,
      %gather3A_132 = tpu.vector_load_idx %arg15[%get3A_130] : memref<10000xf32, #tpu.memory_space<vmem>>[vector<16xi32>], vector<16xf32>,
      %add3A_133 = arith.addf %gather3A_131, %gather3A_132 : vector<16xf32>
      %neg3A_134 = arith.constant 0.000000e+00 : f32
      %neg3A_135 = vector.broadcast %neg3A_134 : f32 to vector<16xf32>
      %neg3A_136 = arith.subf %neg3A_135, %add3A_133 : vector<16xf32>
      %exp3A_137 = math.exp %neg3A_136 : vector<16xf32>
      %add3A_138 = arith.constant 1.000000e+00 : f32
      %add3A_139 = vector.broadcast %add3A_138 : f32 to vector<16xf32>
      %add3A_140 = arith.addf %add3A_139, %exp3A_137 : vector<16xf32>
      %div3A_141 = arith.constant 1.000000e+00 : f32
      %div3A_142 = vector.broadcast %div3A_141 : f32 to vector<16xf32>
      %div3A_143 = arith.divf %div3A_142, %add3A_140 : vector<16xf32>
      %get3A_144 = arith.constant 48 : index
      %get3A_145 = tpu.vector_load %arg11[%get3A_144] {strides = array<i32>} : memref<128xf32, #tpu.memory_space<vmem>>, vector<16xf32>,
      %mul3A_146 = arith.mulf %get3A_145, %div3A_143 : vector<16xf32>
      %swap3A_147 = arith.constant 48 : index
      %swap3A_148 = tpu.vector_load %arg12[%swap3A_147] {strides = array<i32>} : memref<128xf32, #tpu.memory_space<vmem>>, vector<16xf32>,
      tpu.vector_store %arg12[%swap3A_147], %mul3A_146 {strides = array<i32>} : memref<128xf32, #tpu.memory_space<vmem>>, vector<16xf32>,
      %get3A_149 = arith.index_cast %scan3A_47 : i32 to index
      %get3A_150 = arith.constant 64 : index
      %get3A_151 = tpu.vector_load %arg9[%get3A_149, %get3A_150] {strides = array<i32>} : memref<40x128xi32, #tpu.memory_space<vmem>>, vector<16xi32>,
      %get3A_152 = arith.index_cast %scan3A_47 : i32 to index
      %get3A_153 = arith.constant 64 : index
      %get3A_154 = tpu.vector_load %arg10[%get3A_152, %get3A_153] {strides = array<i32>} : memref<40x128xi32, #tpu.memory_space<vmem>>, vector<16xi32>,
      %gather3A_155 = tpu.vector_load_idx %arg14[%get3A_151] : memref<10000xf32, #tpu.memory_space<vmem>>[vector<16xi32>], vector<16xf32>,
      %gather3A_156 = tpu.vector_load_idx %arg15[%get3A_154] : memref<10000xf32, #tpu.memory_space<vmem>>[vector<16xi32>], vector<16xf32>,
      %add3A_157 = arith.addf %gather3A_155, %gather3A_156 : vector<16xf32>
      %neg3A_158 = arith.constant 0.000000e+00 : f32
      %neg3A_159 = vector.broadcast %neg3A_158 : f32 to vector<16xf32>
      %neg3A_160 = arith.subf %neg3A_159, %add3A_157 : vector<16xf32>
      %exp3A_161 = math.exp %neg3A_160 : vector<16xf32>
      %add3A_162 = arith.constant 1.000000e+00 : f32
      %add3A_163 = vector.broadcast %add3A_162 : f32 to vector<16xf32>
      %add3A_164 = arith.addf %add3A_163, %exp3A_161 : vector<16xf32>
      %div3A_165 = arith.constant 1.000000e+00 : f32
      %div3A_166 = vector.broadcast %div3A_165 : f32 to vector<16xf32>
      %div3A_167 = arith.divf %div3A_166, %add3A_164 : vector<16xf32>
      %get3A_168 = arith.constant 64 : index
      %get3A_169 = tpu.vector_load %arg11[%get3A_168] {strides = array<i32>} : memref<128xf32, #tpu.memory_space<vmem>>, vector<16xf32>,
      %mul3A_170 = arith.mulf %get3A_169, %div3A_167 : vector<16xf32>
      %swap3A_171 = arith.constant 64 : index
      %swap3A_172 = tpu.vector_load %arg12[%swap3A_171] {strides = array<i32>} : memref<128xf32, #tpu.memory_space<vmem>>, vector<16xf32>,
      tpu.vector_store %arg12[%swap3A_171], %mul3A_170 {strides = array<i32>} : memref<128xf32, #tpu.memory_space<vmem>>, vector<16xf32>,
      %get3A_173 = arith.index_cast %scan3A_47 : i32 to index
      %get3A_174 = arith.constant 80 : index
      %get3A_175 = tpu.vector_load %arg9[%get3A_173, %get3A_174] {strides = array<i32>} : memref<40x128xi32, #tpu.memory_space<vmem>>, vector<16xi32>,
      %get3A_176 = arith.index_cast %scan3A_47 : i32 to index
      %get3A_177 = arith.constant 80 : index
      %get3A_178 = tpu.vector_load %arg10[%get3A_176, %get3A_177] {strides = array<i32>} : memref<40x128xi32, #tpu.memory_space<vmem>>, vector<16xi32>,
      %gather3A_179 = tpu.vector_load_idx %arg14[%get3A_175] : memref<10000xf32, #tpu.memory_space<vmem>>[vector<16xi32>], vector<16xf32>,
      %gather3A_180 = tpu.vector_load_idx %arg15[%get3A_178] : memref<10000xf32, #tpu.memory_space<vmem>>[vector<16xi32>], vector<16xf32>,
      %add3A_181 = arith.addf %gather3A_179, %gather3A_180 : vector<16xf32>
      %neg3A_182 = arith.constant 0.000000e+00 : f32
      %neg3A_183 = vector.broadcast %neg3A_182 : f32 to vector<16xf32>
      %neg3A_184 = arith.subf %neg3A_183, %add3A_181 : vector<16xf32>
      %exp3A_185 = math.exp %neg3A_184 : vector<16xf32>
      %add3A_186 = arith.constant 1.000000e+00 : f32
      %add3A_187 = vector.broadcast %add3A_186 : f32 to vector<16xf32>
      %add3A_188 = arith.addf %add3A_187, %exp3A_185 : vector<16xf32>
      %div3A_189 = arith.constant 1.000000e+00 : f32
      %div3A_190 = vector.broadcast %div3A_189 : f32 to vector<16xf32>
      %div3A_191 = arith.divf %div3A_190, %add3A_188 : vector<16xf32>
      %get3A_192 = arith.constant 80 : index
      %get3A_193 = tpu.vector_load %arg11[%get3A_192] {strides = array<i32>} : memref<128xf32, #tpu.memory_space<vmem>>, vector<16xf32>,
      %mul3A_194 = arith.mulf %get3A_193, %div3A_191 : vector<16xf32>
      %swap3A_195 = arith.constant 80 : index
      %swap3A_196 = tpu.vector_load %arg12[%swap3A_195] {strides = array<i32>} : memref<128xf32, #tpu.memory_space<vmem>>, vector<16xf32>,
      tpu.vector_store %arg12[%swap3A_195], %mul3A_194 {strides = array<i32>} : memref<128xf32, #tpu.memory_space<vmem>>, vector<16xf32>,
      %get3A_197 = arith.index_cast %scan3A_47 : i32 to index
      %get3A_198 = arith.constant 96 : index
      %get3A_199 = tpu.vector_load %arg9[%get3A_197, %get3A_198] {strides = array<i32>} : memref<40x128xi32, #tpu.memory_space<vmem>>, vector<16xi32>,
      %get3A_200 = arith.index_cast %scan3A_47 : i32 to index
      %get3A_201 = arith.constant 96 : index
      %get3A_202 = tpu.vector_load %arg10[%get3A_200, %get3A_201] {strides = array<i32>} : memref<40x128xi32, #tpu.memory_space<vmem>>, vector<16xi32>,
      %gather3A_203 = tpu.vector_load_idx %arg14[%get3A_199] : memref<10000xf32, #tpu.memory_space<vmem>>[vector<16xi32>], vector<16xf32>,
      %gather3A_204 = tpu.vector_load_idx %arg15[%get3A_202] : memref<10000xf32, #tpu.memory_space<vmem>>[vector<16xi32>], vector<16xf32>,
      %add3A_205 = arith.addf %gather3A_203, %gather3A_204 : vector<16xf32>
      %neg3A_206 = arith.constant 0.000000e+00 : f32
      %neg3A_207 = vector.broadcast %neg3A_206 : f32 to vector<16xf32>
      %neg3A_208 = arith.subf %neg3A_207, %add3A_205 : vector<16xf32>
      %exp3A_209 = math.exp %neg3A_208 : vector<16xf32>
      %add3A_210 = arith.constant 1.000000e+00 : f32
      %add3A_211 = vector.broadcast %add3A_210 : f32 to vector<16xf32>
      %add3A_212 = arith.addf %add3A_211, %exp3A_209 : vector<16xf32>
      %div3A_213 = arith.constant 1.000000e+00 : f32
      %div3A_214 = vector.broadcast %div3A_213 : f32 to vector<16xf32>
      %div3A_215 = arith.divf %div3A_214, %add3A_212 : vector<16xf32>
      %get3A_216 = arith.constant 96 : index
      %get3A_217 = tpu.vector_load %arg11[%get3A_216] {strides = array<i32>} : memref<128xf32, #tpu.memory_space<vmem>>, vector<16xf32>,
      %mul3A_218 = arith.mulf %get3A_217, %div3A_215 : vector<16xf32>
      %swap3A_219 = arith.constant 96 : index
      %swap3A_220 = tpu.vector_load %arg12[%swap3A_219] {strides = array<i32>} : memref<128xf32, #tpu.memory_space<vmem>>, vector<16xf32>,
      tpu.vector_store %arg12[%swap3A_219], %mul3A_218 {strides = array<i32>} : memref<128xf32, #tpu.memory_space<vmem>>, vector<16xf32>,
      %get3A_221 = arith.index_cast %scan3A_47 : i32 to index
      %get3A_222 = arith.constant 112 : index
      %get3A_223 = tpu.vector_load %arg9[%get3A_221, %get3A_222] {strides = array<i32>} : memref<40x128xi32, #tpu.memory_space<vmem>>, vector<16xi32>,
      %get3A_224 = arith.index_cast %scan3A_47 : i32 to index
      %get3A_225 = arith.constant 112 : index
      %get3A_226 = tpu.vector_load %arg10[%get3A_224, %get3A_225] {strides = array<i32>} : memref<40x128xi32, #tpu.memory_space<vmem>>, vector<16xi32>,
      %gather3A_227 = tpu.vector_load_idx %arg14[%get3A_223] : memref<10000xf32, #tpu.memory_space<vmem>>[vector<16xi32>], vector<16xf32>,
      %gather3A_228 = tpu.vector_load_idx %arg15[%get3A_226] : memref<10000xf32, #tpu.memory_space<vmem>>[vector<16xi32>], vector<16xf32>,
      %add3A_229 = arith.addf %gather3A_227, %gather3A_228 : vector<16xf32>
      %neg3A_230 = arith.constant 0.000000e+00 : f32
      %neg3A_231 = vector.broadcast %neg3A_230 : f32 to vector<16xf32>
      %neg3A_232 = arith.subf %neg3A_231, %add3A_229 : vector<16xf32>
      %exp3A_233 = math.exp %neg3A_232 : vector<16xf32>
      %add3A_234 = arith.constant 1.000000e+00 : f32
      %add3A_235 = vector.broadcast %add3A_234 : f32 to vector<16xf32>
      %add3A_236 = arith.addf %add3A_235, %exp3A_233 : vector<16xf32>
      %div3A_237 = arith.constant 1.000000e+00 : f32
      %div3A_238 = vector.broadcast %div3A_237 : f32 to vector<16xf32>
      %div3A_239 = arith.divf %div3A_238, %add3A_236 : vector<16xf32>
      %get3A_240 = arith.constant 112 : index
      %get3A_241 = tpu.vector_load %arg11[%get3A_240] {strides = array<i32>} : memref<128xf32, #tpu.memory_space<vmem>>, vector<16xf32>,
      %mul3A_242 = arith.mulf %get3A_241, %div3A_239 : vector<16xf32>
      %swap3A_243 = arith.constant 112 : index
      %swap3A_244 = tpu.vector_load %arg12[%swap3A_243] {strides = array<i32>} : memref<128xf32, #tpu.memory_space<vmem>>, vector<16xf32>,
      tpu.vector_store %arg12[%swap3A_243], %mul3A_242 {strides = array<i32>} : memref<128xf32, #tpu.memory_space<vmem>>, vector<16xf32>,
      %scan3A_245 = arith.constant 0 : i32
      %scan3A_246 = arith.constant 0 : i32
      %scan3A_247 = arith.constant 128 : i32
      %scan3A_248 = arith.addi %scan3A_246, %scan3A_247 : i32
      %scan3A_249 = arith.constant 1 : i32
      scf.for %scan3A_251 = %scan3A_246 to %scan3A_248 step %scan3A_249  : i32 {
        %broadcast_in_dim3A = vector.broadcast %scan3A_251 : i32 to vector<16xi32>
        %gather3A_252 = tpu.vector_load_idx %arg12[%broadcast_in_dim3A] : memref<128xf32, #tpu.memory_space<vmem>>[vector<16xi32>], vector<16xf32>,
        %get3A_253 = arith.index_cast %scan3A_251 : i32 to index
        %get3A_254 = arith.constant 0 : index
        %get3A_255 = tpu.vector_load %arg13[%get3A_253, %get3A_254] {strides = array<i32>} : memref<128x128xf32, #tpu.memory_space<vmem>>, vector<16xf32>,
        %mul3A_256 = arith.mulf %get3A_255, %gather3A_252 : vector<16xf32>
        %swap3A_257 = arith.index_cast %scan3A_251 : i32 to index
        %swap3A_258 = arith.constant 0 : index
        %swap3A_259 = tpu.vector_load %arg13[%swap3A_257, %swap3A_258] {strides = array<i32>} : memref<128x128xf32, #tpu.memory_space<vmem>>, vector<16xf32>,
        tpu.vector_store %arg13[%swap3A_257, %swap3A_258], %mul3A_256 {strides = array<i32>} : memref<128x128xf32, #tpu.memory_space<vmem>>, vector<16xf32>,
        %get3A_260 = arith.index_cast %scan3A_251 : i32 to index
        %get3A_261 = arith.constant 16 : index
        %get3A_262 = tpu.vector_load %arg13[%get3A_260, %get3A_261] {strides = array<i32>} : memref<128x128xf32, #tpu.memory_space<vmem>>, vector<16xf32>,
        %mul3A_263 = arith.mulf %get3A_262, %gather3A_252 : vector<16xf32>
        %swap3A_264 = arith.index_cast %scan3A_251 : i32 to index
        %swap3A_265 = arith.constant 16 : index
        %swap3A_266 = tpu.vector_load %arg13[%swap3A_264, %swap3A_265] {strides = array<i32>} : memref<128x128xf32, #tpu.memory_space<vmem>>, vector<16xf32>,
        tpu.vector_store %arg13[%swap3A_264, %swap3A_265], %mul3A_263 {strides = array<i32>} : memref<128x128xf32, #tpu.memory_space<vmem>>, vector<16xf32>,
        %get3A_267 = arith.index_cast %scan3A_251 : i32 to index
        %get3A_268 = arith.constant 32 : index
        %get3A_269 = tpu.vector_load %arg13[%get3A_267, %get3A_268] {strides = array<i32>} : memref<128x128xf32, #tpu.memory_space<vmem>>, vector<16xf32>,
        %mul3A_270 = arith.mulf %get3A_269, %gather3A_252 : vector<16xf32>
        %swap3A_271 = arith.index_cast %scan3A_251 : i32 to index
        %swap3A_272 = arith.constant 32 : index
        %swap3A_273 = tpu.vector_load %arg13[%swap3A_271, %swap3A_272] {strides = array<i32>} : memref<128x128xf32, #tpu.memory_space<vmem>>, vector<16xf32>,
        tpu.vector_store %arg13[%swap3A_271, %swap3A_272], %mul3A_270 {strides = array<i32>} : memref<128x128xf32, #tpu.memory_space<vmem>>, vector<16xf32>,
        %get3A_274 = arith.index_cast %scan3A_251 : i32 to index
        %get3A_275 = arith.constant 48 : index
        %get3A_276 = tpu.vector_load %arg13[%get3A_274, %get3A_275] {strides = array<i32>} : memref<128x128xf32, #tpu.memory_space<vmem>>, vector<16xf32>,
        %mul3A_277 = arith.mulf %get3A_276, %gather3A_252 : vector<16xf32>
        %swap3A_278 = arith.index_cast %scan3A_251 : i32 to index
        %swap3A_279 = arith.constant 48 : index
        %swap3A_280 = tpu.vector_load %arg13[%swap3A_278, %swap3A_279] {strides = array<i32>} : memref<128x128xf32, #tpu.memory_space<vmem>>, vector<16xf32>,
        tpu.vector_store %arg13[%swap3A_278, %swap3A_279], %mul3A_277 {strides = array<i32>} : memref<128x128xf32, #tpu.memory_space<vmem>>, vector<16xf32>,
        %get3A_281 = arith.index_cast %scan3A_251 : i32 to index
        %get3A_282 = arith.constant 64 : index
        %get3A_283 = tpu.vector_load %arg13[%get3A_281, %get3A_282] {strides = array<i32>} : memref<128x128xf32, #tpu.memory_space<vmem>>, vector<16xf32>,
        %mul3A_284 = arith.mulf %get3A_283, %gather3A_252 : vector<16xf32>
        %swap3A_285 = arith.index_cast %scan3A_251 : i32 to index
        %swap3A_286 = arith.constant 64 : index
        %swap3A_287 = tpu.vector_load %arg13[%swap3A_285, %swap3A_286] {strides = array<i32>} : memref<128x128xf32, #tpu.memory_space<vmem>>, vector<16xf32>,
        tpu.vector_store %arg13[%swap3A_285, %swap3A_286], %mul3A_284 {strides = array<i32>} : memref<128x128xf32, #tpu.memory_space<vmem>>, vector<16xf32>,
        %get3A_288 = arith.index_cast %scan3A_251 : i32 to index
        %get3A_289 = arith.constant 80 : index
        %get3A_290 = tpu.vector_load %arg13[%get3A_288, %get3A_289] {strides = array<i32>} : memref<128x128xf32, #tpu.memory_space<vmem>>, vector<16xf32>,
        %mul3A_291 = arith.mulf %get3A_290, %gather3A_252 : vector<16xf32>
        %swap3A_292 = arith.index_cast %scan3A_251 : i32 to index
        %swap3A_293 = arith.constant 80 : index
        %swap3A_294 = tpu.vector_load %arg13[%swap3A_292, %swap3A_293] {strides = array<i32>} : memref<128x128xf32, #tpu.memory_space<vmem>>, vector<16xf32>,
        tpu.vector_store %arg13[%swap3A_292, %swap3A_293], %mul3A_291 {strides = array<i32>} : memref<128x128xf32, #tpu.memory_space<vmem>>, vector<16xf32>,
        %get3A_295 = arith.index_cast %scan3A_251 : i32 to index
        %get3A_296 = arith.constant 96 : index
        %get3A_297 = tpu.vector_load %arg13[%get3A_295, %get3A_296] {strides = array<i32>} : memref<128x128xf32, #tpu.memory_space<vmem>>, vector<16xf32>,
        %mul3A_298 = arith.mulf %get3A_297, %gather3A_252 : vector<16xf32>
        %swap3A_299 = arith.index_cast %scan3A_251 : i32 to index
        %swap3A_300 = arith.constant 96 : index
        %swap3A_301 = tpu.vector_load %arg13[%swap3A_299, %swap3A_300] {strides = array<i32>} : memref<128x128xf32, #tpu.memory_space<vmem>>, vector<16xf32>,
        tpu.vector_store %arg13[%swap3A_299, %swap3A_300], %mul3A_298 {strides = array<i32>} : memref<128x128xf32, #tpu.memory_space<vmem>>, vector<16xf32>,
        %get3A_302 = arith.index_cast %scan3A_251 : i32 to index
        %get3A_303 = arith.constant 112 : index
        %get3A_304 = tpu.vector_load %arg13[%get3A_302, %get3A_303] {strides = array<i32>} : memref<128x128xf32, #tpu.memory_space<vmem>>, vector<16xf32>,
        %mul3A_305 = arith.mulf %get3A_304, %gather3A_252 : vector<16xf32>
        %swap3A_306 = arith.index_cast %scan3A_251 : i32 to index
        %swap3A_307 = arith.constant 112 : index
        %swap3A_308 = tpu.vector_load %arg13[%swap3A_306, %swap3A_307] {strides = array<i32>} : memref<128x128xf32, #tpu.memory_space<vmem>>, vector<16xf32>,
        tpu.vector_store %arg13[%swap3A_306, %swap3A_307], %mul3A_305 {strides = array<i32>} : memref<128x128xf32, #tpu.memory_space<vmem>>, vector<16xf32>,
      }
      %scan3A_250 = arith.constant 128 : i32
      "tpu.region"() ({
        %run_scoped3A = tpu.sem_alloc : memref<!tpu.dma_semaphore, #tpu.memory_space<semaphore_mem>>
        %dma_start3A_251 = arith.constant 0 : i32
        %dma_start3A_252 = tpu.memref_slice %arg10[%scan3A_47, %dma_start3A_251] : memref<40x128xi32, #tpu.memory_space<vmem>> -> memref<1x128xi32, #tpu.memory_space<vmem>>
        %dma_start3A_253 = tpu.memref_squeeze %dma_start3A_252 : memref<1x128xi32, #tpu.memory_space<vmem>> -> memref<128xi32, #tpu.memory_space<vmem>>
        %dma_start3A_254 = arith.constant 0 : i32
        %dma_start3A_255 = arith.constant 0 : i32
        %dma_start3A_256 = tpu.memref_slice %arg16[%dma_start3A_254, %dma_start3A_255] : memref<10240x128xf32, #tpu.memory_space<vmem_shared>> -> memref<10240x128xf32, #tpu.memory_space<vmem_shared>>
        tpu.enqueue_indirect_dma source(%arg13 : memref<128x128xf32, #tpu.memory_space<vmem>>) target(%dma_start3A_256 : memref<10240x128xf32, #tpu.memory_space<vmem_shared>>) offsets(%dma_start3A_253 : memref<128xi32, #tpu.memory_space<vmem>>) semaphore(%run_scoped3A : memref<!tpu.dma_semaphore, #tpu.memory_space<semaphore_mem>>) {add = true}
        %dma_wait3A_257 = arith.constant 0 : i32
        %dma_wait3A_258 = tpu.memref_slice %arg10[%scan3A_47, %dma_wait3A_257] : memref<40x128xi32, #tpu.memory_space<vmem>> -> memref<1x128xi32, #tpu.memory_space<vmem>>
        %dma_wait3A_259 = tpu.memref_squeeze %dma_wait3A_258 : memref<1x128xi32, #tpu.memory_space<vmem>> -> memref<128xi32, #tpu.memory_space<vmem>>
        %dma_wait3A_260 = arith.constant 0 : i32
        %dma_wait3A_261 = arith.constant 0 : i32
        %dma_wait3A_262 = tpu.memref_slice %arg16[%dma_wait3A_260, %dma_wait3A_261] : memref<10240x128xf32, #tpu.memory_space<vmem_shared>> -> memref<10240x128xf32, #tpu.memory_space<vmem_shared>>
        tpu.wait_indirect_dma semaphore(%run_scoped3A : memref<!tpu.dma_semaphore, #tpu.memory_space<semaphore_mem>>) src(%arg13 : memref<128x128xf32, #tpu.memory_space<vmem>>) dst(%dma_wait3A_262 : memref<10240x128xf32, #tpu.memory_space<vmem_shared>>)
        tpu.yield
      }) : () -> ()
    }
    %scan3A_25 = arith.constant 40 : i32
    %barrier3A_26 = arith.constant 0 : index
    tpu.barrier barrier_id(%barrier3A_26)
    %add3A_27 = arith.constant 0 : i32
    %add3A_28 = arith.addi %mul3A_7, %add3A_27 : i32
    "tpu.region"() ({
      %run_scoped3A = tpu.sem_alloc : memref<!tpu.dma_semaphore, #tpu.memory_space<semaphore_mem>>
      %dma_start3A = arith.constant 0 : i32
      %dma_start3A_47 = tpu.memref_slice %arg16[%add3A_28, %dma_start3A] : memref<10240x128xf32, #tpu.memory_space<vmem_shared>> -> memref<128x128xf32, #tpu.memory_space<vmem_shared>>
      %dma_start3A_48 = arith.constant 0 : i32
      %dma_start3A_49 = tpu.memref_slice %arg16[%add3A_28, %dma_start3A_48] : memref<10240x128xf32, #tpu.memory_space<vmem_shared>> -> memref<128x128xf32, #tpu.memory_space<vmem_shared>>
      tpu.enqueue_dma source(%dma_start3A_49 : memref<128x128xf32, #tpu.memory_space<vmem_shared>>) target(%arg13 : memref<128x128xf32, #tpu.memory_space<vmem>>) target_semaphore(%run_scoped3A : memref<!tpu.dma_semaphore, #tpu.memory_space<semaphore_mem>>)
      %dma_wait3A = arith.constant 0 : i32
      %dma_wait3A_50 = tpu.memref_slice %arg16[%add3A_28, %dma_wait3A] : memref<10240x128xf32, #tpu.memory_space<vmem_shared>> -> memref<128x128xf32, #tpu.memory_space<vmem_shared>>
      %dma_wait3A_51 = arith.constant 0 : i32
      %dma_wait3A_52 = tpu.memref_slice %arg16[%add3A_28, %dma_wait3A_51] : memref<10240x128xf32, #tpu.memory_space<vmem_shared>> -> memref<128x128xf32, #tpu.memory_space<vmem_shared>>
      tpu.wait_dma2 semaphore(%run_scoped3A : memref<!tpu.dma_semaphore, #tpu.memory_space<semaphore_mem>>) src(%dma_wait3A_52 : memref<128x128xf32, #tpu.memory_space<vmem_shared>>) dst(%arg13 : memref<128x128xf32, #tpu.memory_space<vmem>>)
      tpu.yield
    }) : () -> ()
    %add3A_29 = arith.constant 0 : i32
    %add3A_30 = arith.addi %mul3A_7, %add3A_29 : i32
    "tpu.region"() ({
      %run_scoped3A = tpu.sem_alloc : memref<!tpu.dma_semaphore, #tpu.memory_space<semaphore_mem>>
      %dma_start3A = arith.constant 0 : i32
      %dma_start3A_47 = tpu.memref_slice %arg8[%arg0, %add3A_30, %dma_start3A] : memref<2x10240x128xf32, #tpu.memory_space<hbm>> -> memref<1x128x128xf32, #tpu.memory_space<hbm>>
      %dma_start3A_48 = tpu.memref_squeeze %dma_start3A_47 : memref<1x128x128xf32, #tpu.memory_space<hbm>> -> memref<128x128xf32, #tpu.memory_space<hbm>>
      %dma_start3A_49 = arith.constant 0 : i32
      %dma_start3A_50 = tpu.memref_slice %arg8[%arg0, %add3A_30, %dma_start3A_49] : memref<2x10240x128xf32, #tpu.memory_space<hbm>> -> memref<1x128x128xf32, #tpu.memory_space<hbm>>
      %dma_start3A_51 = tpu.memref_squeeze %dma_start3A_50 : memref<1x128x128xf32, #tpu.memory_space<hbm>> -> memref<128x128xf32, #tpu.memory_space<hbm>>
      tpu.enqueue_dma source(%arg13 : memref<128x128xf32, #tpu.memory_space<vmem>>) target(%dma_start3A_51 : memref<128x128xf32, #tpu.memory_space<hbm>>) target_semaphore(%run_scoped3A : memref<!tpu.dma_semaphore, #tpu.memory_space<semaphore_mem>>)
      %dma_wait3A = arith.constant 0 : i32
      %dma_wait3A_52 = tpu.memref_slice %arg8[%arg0, %add3A_30, %dma_wait3A] : memref<2x10240x128xf32, #tpu.memory_space<hbm>> -> memref<1x128x128xf32, #tpu.memory_space<hbm>>
      %dma_wait3A_53 = tpu.memref_squeeze %dma_wait3A_52 : memref<1x128x128xf32, #tpu.memory_space<hbm>> -> memref<128x128xf32, #tpu.memory_space<hbm>>
      %dma_wait3A_54 = arith.constant 0 : i32
      %dma_wait3A_55 = tpu.memref_slice %arg8[%arg0, %add3A_30, %dma_wait3A_54] : memref<2x10240x128xf32, #tpu.memory_space<hbm>> -> memref<1x128x128xf32, #tpu.memory_space<hbm>>
      %dma_wait3A_56 = tpu.memref_squeeze %dma_wait3A_55 : memref<1x128x128xf32, #tpu.memory_space<hbm>> -> memref<128x128xf32, #tpu.memory_space<hbm>>
      tpu.wait_dma2 semaphore(%run_scoped3A : memref<!tpu.dma_semaphore, #tpu.memory_space<semaphore_mem>>) src(%arg13 : memref<128x128xf32, #tpu.memory_space<vmem>>) dst(%dma_wait3A_56 : memref<128x128xf32, #tpu.memory_space<hbm>>)
      tpu.yield
    }) : () -> ()
    %add3A_31 = arith.constant 128 : i32
    %add3A_32 = arith.addi %mul3A_7, %add3A_31 : i32
    "tpu.region"() ({
      %run_scoped3A = tpu.sem_alloc : memref<!tpu.dma_semaphore, #tpu.memory_space<semaphore_mem>>
      %dma_start3A = arith.constant 0 : i32
      %dma_start3A_47 = tpu.memref_slice %arg16[%add3A_32, %dma_start3A] : memref<10240x128xf32, #tpu.memory_space<vmem_shared>> -> memref<128x128xf32, #tpu.memory_space<vmem_shared>>
      %dma_start3A_48 = arith.constant 0 : i32
      %dma_start3A_49 = tpu.memref_slice %arg16[%add3A_32, %dma_start3A_48] : memref<10240x128xf32, #tpu.memory_space<vmem_shared>> -> memref<128x128xf32, #tpu.memory_space<vmem_shared>>
      tpu.enqueue_dma source(%dma_start3A_49 : memref<128x128xf32, #tpu.memory_space<vmem_shared>>) target(%arg13 : memref<128x128xf32, #tpu.memory_space<vmem>>) target_semaphore(%run_scoped3A : memref<!tpu.dma_semaphore, #tpu.memory_space<semaphore_mem>>)
      %dma_wait3A = arith.constant 0 : i32
      %dma_wait3A_50 = tpu.memref_slice %arg16[%add3A_32, %dma_wait3A] : memref<10240x128xf32, #tpu.memory_space<vmem_shared>> -> memref<128x128xf32, #tpu.memory_space<vmem_shared>>
      %dma_wait3A_51 = arith.constant 0 : i32
      %dma_wait3A_52 = tpu.memref_slice %arg16[%add3A_32, %dma_wait3A_51] : memref<10240x128xf32, #tpu.memory_space<vmem_shared>> -> memref<128x128xf32, #tpu.memory_space<vmem_shared>>
      tpu.wait_dma2 semaphore(%run_scoped3A : memref<!tpu.dma_semaphore, #tpu.memory_space<semaphore_mem>>) src(%dma_wait3A_52 : memref<128x128xf32, #tpu.memory_space<vmem_shared>>) dst(%arg13 : memref<128x128xf32, #tpu.memory_space<vmem>>)
      tpu.yield
    }) : () -> ()
    %add3A_33 = arith.constant 128 : i32
    %add3A_34 = arith.addi %mul3A_7, %add3A_33 : i32
    "tpu.region"() ({
      %run_scoped3A = tpu.sem_alloc : memref<!tpu.dma_semaphore, #tpu.memory_space<semaphore_mem>>
      %dma_start3A = arith.constant 0 : i32
      %dma_start3A_47 = tpu.memref_slice %arg8[%arg0, %add3A_34, %dma_start3A] : memref<2x10240x128xf32, #tpu.memory_space<hbm>> -> memref<1x128x128xf32, #tpu.memory_space<hbm>>
      %dma_start3A_48 = tpu.memref_squeeze %dma_start3A_47 : memref<1x128x128xf32, #tpu.memory_space<hbm>> -> memref<128x128xf32, #tpu.memory_space<hbm>>
      %dma_start3A_49 = arith.constant 0 : i32
      %dma_start3A_50 = tpu.memref_slice %arg8[%arg0, %add3A_34, %dma_start3A_49] : memref<2x10240x128xf32, #tpu.memory_space<hbm>> -> memref<1x128x128xf32, #tpu.memory_space<hbm>>
      %dma_start3A_51 = tpu.memref_squeeze %dma_start3A_50 : memref<1x128x128xf32, #tpu.memory_space<hbm>> -> memref<128x128xf32, #tpu.memory_space<hbm>>
      tpu.enqueue_dma source(%arg13 : memref<128x128xf32, #tpu.memory_space<vmem>>) target(%dma_start3A_51 : memref<128x128xf32, #tpu.memory_space<hbm>>) target_semaphore(%run_scoped3A : memref<!tpu.dma_semaphore, #tpu.memory_space<semaphore_mem>>)
      %dma_wait3A = arith.constant 0 : i32
      %dma_wait3A_52 = tpu.memref_slice %arg8[%arg0, %add3A_34, %dma_wait3A] : memref<2x10240x128xf32, #tpu.memory_space<hbm>> -> memref<1x128x128xf32, #tpu.memory_space<hbm>>
      %dma_wait3A_53 = tpu.memref_squeeze %dma_wait3A_52 : memref<1x128x128xf32, #tpu.memory_space<hbm>> -> memref<128x128xf32, #tpu.memory_space<hbm>>
      %dma_wait3A_54 = arith.constant 0 : i32
      %dma_wait3A_55 = tpu.memref_slice %arg8[%arg0, %add3A_34, %dma_wait3A_54] : memref<2x10240x128xf32, #tpu.memory_space<hbm>> -> memref<1x128x128xf32, #tpu.memory_space<hbm>>
      %dma_wait3A_56 = tpu.memref_squeeze %dma_wait3A_55 : memref<1x128x128xf32, #tpu.memory_space<hbm>> -> memref<128x128xf32, #tpu.memory_space<hbm>>
      tpu.wait_dma2 semaphore(%run_scoped3A : memref<!tpu.dma_semaphore, #tpu.memory_space<semaphore_mem>>) src(%arg13 : memref<128x128xf32, #tpu.memory_space<vmem>>) dst(%dma_wait3A_56 : memref<128x128xf32, #tpu.memory_space<hbm>>)
      tpu.yield
    }) : () -> ()
    %add3A_35 = arith.constant 256 : i32
    %add3A_36 = arith.addi %mul3A_7, %add3A_35 : i32
    "tpu.region"() ({
      %run_scoped3A = tpu.sem_alloc : memref<!tpu.dma_semaphore, #tpu.memory_space<semaphore_mem>>
      %dma_start3A = arith.constant 0 : i32
      %dma_start3A_47 = tpu.memref_slice %arg16[%add3A_36, %dma_start3A] : memref<10240x128xf32, #tpu.memory_space<vmem_shared>> -> memref<128x128xf32, #tpu.memory_space<vmem_shared>>
      %dma_start3A_48 = arith.constant 0 : i32
      %dma_start3A_49 = tpu.memref_slice %arg16[%add3A_36, %dma_start3A_48] : memref<10240x128xf32, #tpu.memory_space<vmem_shared>> -> memref<128x128xf32, #tpu.memory_space<vmem_shared>>
      tpu.enqueue_dma source(%dma_start3A_49 : memref<128x128xf32, #tpu.memory_space<vmem_shared>>) target(%arg13 : memref<128x128xf32, #tpu.memory_space<vmem>>) target_semaphore(%run_scoped3A : memref<!tpu.dma_semaphore, #tpu.memory_space<semaphore_mem>>)
      %dma_wait3A = arith.constant 0 : i32
      %dma_wait3A_50 = tpu.memref_slice %arg16[%add3A_36, %dma_wait3A] : memref<10240x128xf32, #tpu.memory_space<vmem_shared>> -> memref<128x128xf32, #tpu.memory_space<vmem_shared>>
      %dma_wait3A_51 = arith.constant 0 : i32
      %dma_wait3A_52 = tpu.memref_slice %arg16[%add3A_36, %dma_wait3A_51] : memref<10240x128xf32, #tpu.memory_space<vmem_shared>> -> memref<128x128xf32, #tpu.memory_space<vmem_shared>>
      tpu.wait_dma2 semaphore(%run_scoped3A : memref<!tpu.dma_semaphore, #tpu.memory_space<semaphore_mem>>) src(%dma_wait3A_52 : memref<128x128xf32, #tpu.memory_space<vmem_shared>>) dst(%arg13 : memref<128x128xf32, #tpu.memory_space<vmem>>)
      tpu.yield
    }) : () -> ()
    %add3A_37 = arith.constant 256 : i32
    %add3A_38 = arith.addi %mul3A_7, %add3A_37 : i32
    "tpu.region"() ({
      %run_scoped3A = tpu.sem_alloc : memref<!tpu.dma_semaphore, #tpu.memory_space<semaphore_mem>>
      %dma_start3A = arith.constant 0 : i32
      %dma_start3A_47 = tpu.memref_slice %arg8[%arg0, %add3A_38, %dma_start3A] : memref<2x10240x128xf32, #tpu.memory_space<hbm>> -> memref<1x128x128xf32, #tpu.memory_space<hbm>>
      %dma_start3A_48 = tpu.memref_squeeze %dma_start3A_47 : memref<1x128x128xf32, #tpu.memory_space<hbm>> -> memref<128x128xf32, #tpu.memory_space<hbm>>
      %dma_start3A_49 = arith.constant 0 : i32
      %dma_start3A_50 = tpu.memref_slice %arg8[%arg0, %add3A_38, %dma_start3A_49] : memref<2x10240x128xf32, #tpu.memory_space<hbm>> -> memref<1x128x128xf32, #tpu.memory_space<hbm>>
      %dma_start3A_51 = tpu.memref_squeeze %dma_start3A_50 : memref<1x128x128xf32, #tpu.memory_space<hbm>> -> memref<128x128xf32, #tpu.memory_space<hbm>>
      tpu.enqueue_dma source(%arg13 : memref<128x128xf32, #tpu.memory_space<vmem>>) target(%dma_start3A_51 : memref<128x128xf32, #tpu.memory_space<hbm>>) target_semaphore(%run_scoped3A : memref<!tpu.dma_semaphore, #tpu.memory_space<semaphore_mem>>)
      %dma_wait3A = arith.constant 0 : i32
      %dma_wait3A_52 = tpu.memref_slice %arg8[%arg0, %add3A_38, %dma_wait3A] : memref<2x10240x128xf32, #tpu.memory_space<hbm>> -> memref<1x128x128xf32, #tpu.memory_space<hbm>>
      %dma_wait3A_53 = tpu.memref_squeeze %dma_wait3A_52 : memref<1x128x128xf32, #tpu.memory_space<hbm>> -> memref<128x128xf32, #tpu.memory_space<hbm>>
      %dma_wait3A_54 = arith.constant 0 : i32
      %dma_wait3A_55 = tpu.memref_slice %arg8[%arg0, %add3A_38, %dma_wait3A_54] : memref<2x10240x128xf32, #tpu.memory_space<hbm>> -> memref<1x128x128xf32, #tpu.memory_space<hbm>>
      %dma_wait3A_56 = tpu.memref_squeeze %dma_wait3A_55 : memref<1x128x128xf32, #tpu.memory_space<hbm>> -> memref<128x128xf32, #tpu.memory_space<hbm>>
      tpu.wait_dma2 semaphore(%run_scoped3A : memref<!tpu.dma_semaphore, #tpu.memory_space<semaphore_mem>>) src(%arg13 : memref<128x128xf32, #tpu.memory_space<vmem>>) dst(%dma_wait3A_56 : memref<128x128xf32, #tpu.memory_space<hbm>>)
      tpu.yield
    }) : () -> ()
    %add3A_39 = arith.constant 384 : i32
    %add3A_40 = arith.addi %mul3A_7, %add3A_39 : i32
    "tpu.region"() ({
      %run_scoped3A = tpu.sem_alloc : memref<!tpu.dma_semaphore, #tpu.memory_space<semaphore_mem>>
      %dma_start3A = arith.constant 0 : i32
      %dma_start3A_47 = tpu.memref_slice %arg16[%add3A_40, %dma_start3A] : memref<10240x128xf32, #tpu.memory_space<vmem_shared>> -> memref<128x128xf32, #tpu.memory_space<vmem_shared>>
      %dma_start3A_48 = arith.constant 0 : i32
      %dma_start3A_49 = tpu.memref_slice %arg16[%add3A_40, %dma_start3A_48] : memref<10240x128xf32, #tpu.memory_space<vmem_shared>> -> memref<128x128xf32, #tpu.memory_space<vmem_shared>>
      tpu.enqueue_dma source(%dma_start3A_49 : memref<128x128xf32, #tpu.memory_space<vmem_shared>>) target(%arg13 : memref<128x128xf32, #tpu.memory_space<vmem>>) target_semaphore(%run_scoped3A : memref<!tpu.dma_semaphore, #tpu.memory_space<semaphore_mem>>)
      %dma_wait3A = arith.constant 0 : i32
      %dma_wait3A_50 = tpu.memref_slice %arg16[%add3A_40, %dma_wait3A] : memref<10240x128xf32, #tpu.memory_space<vmem_shared>> -> memref<128x128xf32, #tpu.memory_space<vmem_shared>>
      %dma_wait3A_51 = arith.constant 0 : i32
      %dma_wait3A_52 = tpu.memref_slice %arg16[%add3A_40, %dma_wait3A_51] : memref<10240x128xf32, #tpu.memory_space<vmem_shared>> -> memref<128x128xf32, #tpu.memory_space<vmem_shared>>
      tpu.wait_dma2 semaphore(%run_scoped3A : memref<!tpu.dma_semaphore, #tpu.memory_space<semaphore_mem>>) src(%dma_wait3A_52 : memref<128x128xf32, #tpu.memory_space<vmem_shared>>) dst(%arg13 : memref<128x128xf32, #tpu.memory_space<vmem>>)
      tpu.yield
    }) : () -> ()
    %add3A_41 = arith.constant 384 : i32
    %add3A_42 = arith.addi %mul3A_7, %add3A_41 : i32
    "tpu.region"() ({
      %run_scoped3A = tpu.sem_alloc : memref<!tpu.dma_semaphore, #tpu.memory_space<semaphore_mem>>
      %dma_start3A = arith.constant 0 : i32
      %dma_start3A_47 = tpu.memref_slice %arg8[%arg0, %add3A_42, %dma_start3A] : memref<2x10240x128xf32, #tpu.memory_space<hbm>> -> memref<1x128x128xf32, #tpu.memory_space<hbm>>
      %dma_start3A_48 = tpu.memref_squeeze %dma_start3A_47 : memref<1x128x128xf32, #tpu.memory_space<hbm>> -> memref<128x128xf32, #tpu.memory_space<hbm>>
      %dma_start3A_49 = arith.constant 0 : i32
      %dma_start3A_50 = tpu.memref_slice %arg8[%arg0, %add3A_42, %dma_start3A_49] : memref<2x10240x128xf32, #tpu.memory_space<hbm>> -> memref<1x128x128xf32, #tpu.memory_space<hbm>>
      %dma_start3A_51 = tpu.memref_squeeze %dma_start3A_50 : memref<1x128x128xf32, #tpu.memory_space<hbm>> -> memref<128x128xf32, #tpu.memory_space<hbm>>
      tpu.enqueue_dma source(%arg13 : memref<128x128xf32, #tpu.memory_space<vmem>>) target(%dma_start3A_51 : memref<128x128xf32, #tpu.memory_space<hbm>>) target_semaphore(%run_scoped3A : memref<!tpu.dma_semaphore, #tpu.memory_space<semaphore_mem>>)
      %dma_wait3A = arith.constant 0 : i32
      %dma_wait3A_52 = tpu.memref_slice %arg8[%arg0, %add3A_42, %dma_wait3A] : memref<2x10240x128xf32, #tpu.memory_space<hbm>> -> memref<1x128x128xf32, #tpu.memory_space<hbm>>
      %dma_wait3A_53 = tpu.memref_squeeze %dma_wait3A_52 : memref<1x128x128xf32, #tpu.memory_space<hbm>> -> memref<128x128xf32, #tpu.memory_space<hbm>>
      %dma_wait3A_54 = arith.constant 0 : i32
      %dma_wait3A_55 = tpu.memref_slice %arg8[%arg0, %add3A_42, %dma_wait3A_54] : memref<2x10240x128xf32, #tpu.memory_space<hbm>> -> memref<1x128x128xf32, #tpu.memory_space<hbm>>
      %dma_wait3A_56 = tpu.memref_squeeze %dma_wait3A_55 : memref<1x128x128xf32, #tpu.memory_space<hbm>> -> memref<128x128xf32, #tpu.memory_space<hbm>>
      tpu.wait_dma2 semaphore(%run_scoped3A : memref<!tpu.dma_semaphore, #tpu.memory_space<semaphore_mem>>) src(%arg13 : memref<128x128xf32, #tpu.memory_space<vmem>>) dst(%dma_wait3A_56 : memref<128x128xf32, #tpu.memory_space<hbm>>)
      tpu.yield
    }) : () -> ()
    %add3A_43 = arith.constant 512 : i32
    %add3A_44 = arith.addi %mul3A_7, %add3A_43 : i32
    "tpu.region"() ({
      %run_scoped3A = tpu.sem_alloc : memref<!tpu.dma_semaphore, #tpu.memory_space<semaphore_mem>>
      %dma_start3A = arith.constant 0 : i32
      %dma_start3A_47 = tpu.memref_slice %arg16[%add3A_44, %dma_start3A] : memref<10240x128xf32, #tpu.memory_space<vmem_shared>> -> memref<128x128xf32, #tpu.memory_space<vmem_shared>>
      %dma_start3A_48 = arith.constant 0 : i32
      %dma_start3A_49 = tpu.memref_slice %arg16[%add3A_44, %dma_start3A_48] : memref<10240x128xf32, #tpu.memory_space<vmem_shared>> -> memref<128x128xf32, #tpu.memory_space<vmem_shared>>
      tpu.enqueue_dma source(%dma_start3A_49 : memref<128x128xf32, #tpu.memory_space<vmem_shared>>) target(%arg13 : memref<128x128xf32, #tpu.memory_space<vmem>>) target_semaphore(%run_scoped3A : memref<!tpu.dma_semaphore, #tpu.memory_space<semaphore_mem>>)
      %dma_wait3A = arith.constant 0 : i32
      %dma_wait3A_50 = tpu.memref_slice %arg16[%add3A_44, %dma_wait3A] : memref<10240x128xf32, #tpu.memory_space<vmem_shared>> -> memref<128x128xf32, #tpu.memory_space<vmem_shared>>
      %dma_wait3A_51 = arith.constant 0 : i32
      %dma_wait3A_52 = tpu.memref_slice %arg16[%add3A_44, %dma_wait3A_51] : memref<10240x128xf32, #tpu.memory_space<vmem_shared>> -> memref<128x128xf32, #tpu.memory_space<vmem_shared>>
      tpu.wait_dma2 semaphore(%run_scoped3A : memref<!tpu.dma_semaphore, #tpu.memory_space<semaphore_mem>>) src(%dma_wait3A_52 : memref<128x128xf32, #tpu.memory_space<vmem_shared>>) dst(%arg13 : memref<128x128xf32, #tpu.memory_space<vmem>>)
      tpu.yield
    }) : () -> ()
    %add3A_45 = arith.constant 512 : i32
    %add3A_46 = arith.addi %mul3A_7, %add3A_45 : i32
    "tpu.region"() ({
      %run_scoped3A = tpu.sem_alloc : memref<!tpu.dma_semaphore, #tpu.memory_space<semaphore_mem>>
      %dma_start3A = arith.constant 0 : i32
      %dma_start3A_47 = tpu.memref_slice %arg8[%arg0, %add3A_46, %dma_start3A] : memref<2x10240x128xf32, #tpu.memory_space<hbm>> -> memref<1x128x128xf32, #tpu.memory_space<hbm>>
      %dma_start3A_48 = tpu.memref_squeeze %dma_start3A_47 : memref<1x128x128xf32, #tpu.memory_space<hbm>> -> memref<128x128xf32, #tpu.memory_space<hbm>>
      %dma_start3A_49 = arith.constant 0 : i32
      %dma_start3A_50 = tpu.memref_slice %arg8[%arg0, %add3A_46, %dma_start3A_49] : memref<2x10240x128xf32, #tpu.memory_space<hbm>> -> memref<1x128x128xf32, #tpu.memory_space<hbm>>
      %dma_start3A_51 = tpu.memref_squeeze %dma_start3A_50 : memref<1x128x128xf32, #tpu.memory_space<hbm>> -> memref<128x128xf32, #tpu.memory_space<hbm>>
      tpu.enqueue_dma source(%arg13 : memref<128x128xf32, #tpu.memory_space<vmem>>) target(%dma_start3A_51 : memref<128x128xf32, #tpu.memory_space<hbm>>) target_semaphore(%run_scoped3A : memref<!tpu.dma_semaphore, #tpu.memory_space<semaphore_mem>>)
      %dma_wait3A = arith.constant 0 : i32
      %dma_wait3A_52 = tpu.memref_slice %arg8[%arg0, %add3A_46, %dma_wait3A] : memref<2x10240x128xf32, #tpu.memory_space<hbm>> -> memref<1x128x128xf32, #tpu.memory_space<hbm>>
      %dma_wait3A_53 = tpu.memref_squeeze %dma_wait3A_52 : memref<1x128x128xf32, #tpu.memory_space<hbm>> -> memref<128x128xf32, #tpu.memory_space<hbm>>
      %dma_wait3A_54 = arith.constant 0 : i32
      %dma_wait3A_55 = tpu.memref_slice %arg8[%arg0, %add3A_46, %dma_wait3A_54] : memref<2x10240x128xf32, #tpu.memory_space<hbm>> -> memref<1x128x128xf32, #tpu.memory_space<hbm>>
      %dma_wait3A_56 = tpu.memref_squeeze %dma_wait3A_55 : memref<1x128x128xf32, #tpu.memory_space<hbm>> -> memref<128x128xf32, #tpu.memory_space<hbm>>
      tpu.wait_dma2 semaphore(%run_scoped3A : memref<!tpu.dma_semaphore, #tpu.memory_space<semaphore_mem>>) src(%arg13 : memref<128x128xf32, #tpu.memory_space<vmem>>) dst(%dma_wait3A_56 : memref<128x128xf32, #tpu.memory_space<hbm>>)
      tpu.yield
    }) : () -> ()
    return
  }
}

module attributes {stable_mosaic.version = 14 : i64} {
  func.func @_tc_in_body(%arg0: i32, %arg1: memref<1000x128xf32, #tpu.memory_space<vmem>>, %arg2: memref<128x128xf32, #tpu.memory_space<vmem>>, %arg3: memref<1x128xf32, #tpu.memory_space<vmem>>, %arg4: memref<128x128xf32, #tpu.memory_space<vmem>>, %arg5: memref<1x128xf32, #tpu.memory_space<vmem>>, %arg6: memref<128x128xf32, #tpu.memory_space<vmem>>, %arg7: memref<1x128xf32, #tpu.memory_space<vmem>>, %arg8: memref<1000x128xf32, #tpu.memory_space<vmem>>, %arg9: memref<1000x128xf32, #tpu.memory_space<vmem>>, %arg10: memref<1000x128xf32, #tpu.memory_space<vmem>>) attributes {dimension_semantics = [#tpu.dimension_semantics<arbitrary>], iteration_bounds = array<i64: 10>, scalar_prefetch = 0 : i64, scratch_operands = 0 : i64, tpu.core_type = #tpu.core_type<tc>, window_params = [{transform_indices = @transform_0, window_bounds = array<i64: 1000, 128>}, {pipeline_mode = #tpu.pipeline_mode<synchronous>, transform_indices = @transform_1, window_bounds = array<i64: 128, 128>}, {pipeline_mode = #tpu.pipeline_mode<synchronous>, transform_indices = @transform_2, window_bounds = array<i64: 1, 128>}, {pipeline_mode = #tpu.pipeline_mode<synchronous>, transform_indices = @transform_3, window_bounds = array<i64: 128, 128>}, {pipeline_mode = #tpu.pipeline_mode<synchronous>, transform_indices = @transform_4, window_bounds = array<i64: 1, 128>}, {pipeline_mode = #tpu.pipeline_mode<synchronous>, transform_indices = @transform_5, window_bounds = array<i64: 128, 128>}, {pipeline_mode = #tpu.pipeline_mode<synchronous>, transform_indices = @transform_6, window_bounds = array<i64: 1, 128>}, {transform_indices = @transform_7, window_bounds = array<i64: 1000, 128>}, {transform_indices = @transform_8, window_bounds = array<i64: 1000, 128>}, {transform_indices = @transform_9, window_bounds = array<i64: 1000, 128>}]} {
    %get3A = arith.constant 0 : index
    %get3A_0 = arith.constant 0 : index
    %get3A_1 = vector.load %arg1[%get3A, %get3A_0] : memref<1000x128xf32, #tpu.memory_space<vmem>>, vector<1000x128xf32>
    %get3A_2 = arith.constant 0 : index
    %get3A_3 = arith.constant 0 : index
    %get3A_4 = vector.load %arg2[%get3A_2, %get3A_3] : memref<128x128xf32, #tpu.memory_space<vmem>>, vector<128x128xf32>
    %dot_general3A = arith.constant dense<0.000000e+00> : vector<1000x128xf32>
    %dot_general3A_5 = tpu.matmul %get3A_1, %get3A_4, %dot_general3A {dimension_numbers = #tpu.dot_dimension_numbers<[1], [0], [0], [1], [0, 0, 1, 1], [], []>, transpose_lhs_hint = false} : vector<1000x128xf32>, vector<128x128xf32>, vector<1000x128xf32> -> vector<1000x128xf32>
    %get3A_6 = arith.constant 0 : index
    %get3A_7 = arith.constant 0 : index
    %get3A_8 = vector.load %arg3[%get3A_6, %get3A_7] : memref<1x128xf32, #tpu.memory_space<vmem>>, vector<1x128xf32>
    %add3A = vector.broadcast %get3A_8 : vector<1x128xf32> to vector<1000x128xf32>
    %add3A_9 = arith.addf %dot_general3A_5, %add3A : vector<1000x128xf32>
    %swap3A = arith.constant 0 : index
    %swap3A_10 = arith.constant 0 : index
    %swap3A_11 = vector.load %arg8[%swap3A, %swap3A_10] : memref<1000x128xf32, #tpu.memory_space<vmem>>, vector<1000x128xf32>
    tpu.vector_store %arg8[%swap3A, %swap3A_10], %add3A_9 {strides = array<i32>} : memref<1000x128xf32, #tpu.memory_space<vmem>>, vector<1000x128xf32>,
    %get3A_12 = arith.constant 0 : index
    %get3A_13 = arith.constant 0 : index
    %get3A_14 = vector.load %arg4[%get3A_12, %get3A_13] : memref<128x128xf32, #tpu.memory_space<vmem>>, vector<128x128xf32>
    %dot_general3A_15 = arith.constant dense<0.000000e+00> : vector<1000x128xf32>
    %dot_general3A_16 = tpu.matmul %add3A_9, %get3A_14, %dot_general3A_15 {dimension_numbers = #tpu.dot_dimension_numbers<[1], [0], [0], [1], [0, 0, 1, 1], [], []>, transpose_lhs_hint = false} : vector<1000x128xf32>, vector<128x128xf32>, vector<1000x128xf32> -> vector<1000x128xf32>
    %get3A_17 = arith.constant 0 : index
    %get3A_18 = arith.constant 0 : index
    %get3A_19 = vector.load %arg5[%get3A_17, %get3A_18] : memref<1x128xf32, #tpu.memory_space<vmem>>, vector<1x128xf32>
    %add3A_20 = vector.broadcast %get3A_19 : vector<1x128xf32> to vector<1000x128xf32>
    %add3A_21 = arith.addf %dot_general3A_16, %add3A_20 : vector<1000x128xf32>
    %swap3A_22 = arith.constant 0 : index
    %swap3A_23 = arith.constant 0 : index
    %swap3A_24 = vector.load %arg9[%swap3A_22, %swap3A_23] : memref<1000x128xf32, #tpu.memory_space<vmem>>, vector<1000x128xf32>
    tpu.vector_store %arg9[%swap3A_22, %swap3A_23], %add3A_21 {strides = array<i32>} : memref<1000x128xf32, #tpu.memory_space<vmem>>, vector<1000x128xf32>,
    %get3A_25 = arith.constant 0 : index
    %get3A_26 = arith.constant 0 : index
    %get3A_27 = vector.load %arg6[%get3A_25, %get3A_26] : memref<128x128xf32, #tpu.memory_space<vmem>>, vector<128x128xf32>
    %dot_general3A_28 = arith.constant dense<0.000000e+00> : vector<1000x128xf32>
    %dot_general3A_29 = tpu.matmul %add3A_9, %get3A_27, %dot_general3A_28 {dimension_numbers = #tpu.dot_dimension_numbers<[1], [0], [0], [1], [0, 0, 1, 1], [], []>, transpose_lhs_hint = false} : vector<1000x128xf32>, vector<128x128xf32>, vector<1000x128xf32> -> vector<1000x128xf32>
    %get3A_30 = arith.constant 0 : index
    %get3A_31 = arith.constant 0 : index
    %get3A_32 = vector.load %arg7[%get3A_30, %get3A_31] : memref<1x128xf32, #tpu.memory_space<vmem>>, vector<1x128xf32>
    %add3A_33 = vector.broadcast %get3A_32 : vector<1x128xf32> to vector<1000x128xf32>
    %add3A_34 = arith.addf %dot_general3A_29, %add3A_33 : vector<1000x128xf32>
    %swap3A_35 = arith.constant 0 : index
    %swap3A_36 = arith.constant 0 : index
    %swap3A_37 = vector.load %arg10[%swap3A_35, %swap3A_36] : memref<1000x128xf32, #tpu.memory_space<vmem>>, vector<1000x128xf32>
    tpu.vector_store %arg10[%swap3A_35, %swap3A_36], %add3A_34 {strides = array<i32>} : memref<1000x128xf32, #tpu.memory_space<vmem>>, vector<1000x128xf32>,
    return
  }
  func.func @transform_0(%arg0: i32) -> (i32, i32) {
    %c0_i32 = arith.constant 0 : i32
    %c0_i32_0 = arith.constant 0 : i32
    return %arg0, %c0_i32 : i32, i32
  }
  func.func @transform_1(%arg0: i32) -> (i32, i32) {
    %c0_i32 = arith.constant 0 : i32
    %c0_i32_0 = arith.constant 0 : i32
    %c0_i32_1 = arith.constant 0 : i32
    return %c0_i32, %c0_i32_0 : i32, i32
  }
  func.func @transform_2(%arg0: i32) -> (i32, i32) {
    %c0_i32 = arith.constant 0 : i32
    %c0_i32_0 = arith.constant 0 : i32
    %c0_i32_1 = arith.constant 0 : i32
    return %c0_i32, %c0_i32_0 : i32, i32
  }
  func.func @transform_3(%arg0: i32) -> (i32, i32) {
    %c0_i32 = arith.constant 0 : i32
    %c0_i32_0 = arith.constant 0 : i32
    %c0_i32_1 = arith.constant 0 : i32
    return %c0_i32, %c0_i32_0 : i32, i32
  }
  func.func @transform_4(%arg0: i32) -> (i32, i32) {
    %c0_i32 = arith.constant 0 : i32
    %c0_i32_0 = arith.constant 0 : i32
    %c0_i32_1 = arith.constant 0 : i32
    return %c0_i32, %c0_i32_0 : i32, i32
  }
  func.func @transform_5(%arg0: i32) -> (i32, i32) {
    %c0_i32 = arith.constant 0 : i32
    %c0_i32_0 = arith.constant 0 : i32
    %c0_i32_1 = arith.constant 0 : i32
    return %c0_i32, %c0_i32_0 : i32, i32
  }
  func.func @transform_6(%arg0: i32) -> (i32, i32) {
    %c0_i32 = arith.constant 0 : i32
    %c0_i32_0 = arith.constant 0 : i32
    %c0_i32_1 = arith.constant 0 : i32
    return %c0_i32, %c0_i32_0 : i32, i32
  }
  func.func @transform_7(%arg0: i32) -> (i32, i32) {
    %c0_i32 = arith.constant 0 : i32
    %c0_i32_0 = arith.constant 0 : i32
    return %arg0, %c0_i32 : i32, i32
  }
  func.func @transform_8(%arg0: i32) -> (i32, i32) {
    %c0_i32 = arith.constant 0 : i32
    %c0_i32_0 = arith.constant 0 : i32
    return %arg0, %c0_i32 : i32, i32
  }
  func.func @transform_9(%arg0: i32) -> (i32, i32) {
    %c0_i32 = arith.constant 0 : i32
    %c0_i32_0 = arith.constant 0 : i32
    return %arg0, %c0_i32 : i32, i32
  }
}

module attributes {stable_mosaic.version = 14 : i64} {
  func.func @_tc_mid_body(%arg0: i32, %arg1: memref<1000x128xf32, #tpu.memory_space<vmem>>, %arg2: memref<1000x128xf32, #tpu.memory_space<vmem>>, %arg3: memref<1x1000x128xf32, #tpu.memory_space<vmem>>, %arg4: memref<1x1000x128xf32, #tpu.memory_space<vmem>>, %arg5: memref<1x128xf32, #tpu.memory_space<vmem>>, %arg6: memref<1x128xf32, #tpu.memory_space<vmem>>, %arg7: memref<128x128xf32, #tpu.memory_space<vmem>>, %arg8: memref<1x128xf32, #tpu.memory_space<vmem>>, %arg9: memref<128x128xf32, #tpu.memory_space<vmem>>, %arg10: memref<1x128xf32, #tpu.memory_space<vmem>>, %arg11: memref<1000x128xf32, #tpu.memory_space<vmem>>, %arg12: memref<1000x128xf32, #tpu.memory_space<vmem>>, %arg13: memref<1000x128xf32, #tpu.memory_space<vmem>>) attributes {dimension_semantics = [#tpu.dimension_semantics<arbitrary>], iteration_bounds = array<i64: 10>, scalar_prefetch = 0 : i64, scratch_operands = 0 : i64, tpu.core_type = #tpu.core_type<tc>, window_params = [{transform_indices = @transform_0, window_bounds = array<i64: 1000, 128>}, {transform_indices = @transform_1, window_bounds = array<i64: 1000, 128>}, {transform_indices = @transform_2, window_bounds = array<i64: 1, 1000, 128>}, {transform_indices = @transform_3, window_bounds = array<i64: 1, 1000, 128>}, {pipeline_mode = #tpu.pipeline_mode<synchronous>, transform_indices = @transform_4, window_bounds = array<i64: 1, 128>}, {pipeline_mode = #tpu.pipeline_mode<synchronous>, transform_indices = @transform_5, window_bounds = array<i64: 1, 128>}, {pipeline_mode = #tpu.pipeline_mode<synchronous>, transform_indices = @transform_6, window_bounds = array<i64: 128, 128>}, {pipeline_mode = #tpu.pipeline_mode<synchronous>, transform_indices = @transform_7, window_bounds = array<i64: 1, 128>}, {pipeline_mode = #tpu.pipeline_mode<synchronous>, transform_indices = @transform_8, window_bounds = array<i64: 128, 128>}, {pipeline_mode = #tpu.pipeline_mode<synchronous>, transform_indices = @transform_9, window_bounds = array<i64: 1, 128>}, {transform_indices = @transform_10, window_bounds = array<i64: 1000, 128>}, {transform_indices = @transform_11, window_bounds = array<i64: 1000, 128>}, {transform_indices = @transform_12, window_bounds = array<i64: 1000, 128>}]} {
    %get3A = arith.constant 0 : index
    %get3A_0 = arith.constant 0 : index
    %get3A_1 = vector.load %arg1[%get3A, %get3A_0] : memref<1000x128xf32, #tpu.memory_space<vmem>>, vector<1000x128xf32>
    %get3A_2 = arith.constant 0 : index
    %get3A_3 = arith.constant 0 : index
    %get3A_4 = vector.load %arg2[%get3A_2, %get3A_3] : memref<1000x128xf32, #tpu.memory_space<vmem>>, vector<1000x128xf32>
    %get3A_5 = arith.constant 0 : index
    %get3A_6 = arith.constant 0 : index
    %get3A_7 = arith.constant 0 : index
    %get3A_8 = vector.load %arg3[%get3A_5, %get3A_6, %get3A_7] : memref<1x1000x128xf32, #tpu.memory_space<vmem>>, vector<1x1000x128xf32>
    %get3A_9 = vector.shape_cast %get3A_8 : vector<1x1000x128xf32> to vector<1000x128xf32>
    %get3A_10 = arith.constant 0 : index
    %get3A_11 = arith.constant 0 : index
    %get3A_12 = arith.constant 0 : index
    %get3A_13 = vector.load %arg4[%get3A_10, %get3A_11, %get3A_12] : memref<1x1000x128xf32, #tpu.memory_space<vmem>>, vector<1x1000x128xf32>
    %get3A_14 = vector.shape_cast %get3A_13 : vector<1x1000x128xf32> to vector<1000x128xf32>
    %get3A_15 = arith.constant 0 : index
    %get3A_16 = arith.constant 0 : index
    %get3A_17 = vector.load %arg5[%get3A_15, %get3A_16] : memref<1x128xf32, #tpu.memory_space<vmem>>, vector<1x128xf32>
    %get3A_18 = arith.constant 0 : index
    %get3A_19 = arith.constant 0 : index
    %get3A_20 = vector.load %arg6[%get3A_18, %get3A_19] : memref<1x128xf32, #tpu.memory_space<vmem>>, vector<1x128xf32>
    %add3A = arith.addf %get3A_9, %get3A_14 : vector<1000x128xf32>
    %add3A_21 = arith.addf %add3A, %get3A_4 : vector<1000x128xf32>
    %reduce_sum3A = arith.constant dense<0.000000e+00> : vector<1000xf32>
    %reduce_sum3A_22 = vector.multi_reduction <add>, %add3A_21, %reduce_sum3A [1] : vector<1000x128xf32> to vector<1000xf32>
    %broadcast_in_dim3A = vector.shape_cast %reduce_sum3A_22 : vector<1000xf32> to vector<1000x1xf32>
    %div3A = arith.constant 1.280000e+02 : f32
    %div3A_23 = vector.broadcast %div3A : f32 to vector<1000x1xf32>
    %div3A_24 = arith.divf %broadcast_in_dim3A, %div3A_23 : vector<1000x1xf32>
    %sub3A = vector.broadcast %div3A_24 : vector<1000x1xf32> to vector<1000x128xf32>
    %sub3A_25 = arith.subf %add3A_21, %sub3A : vector<1000x128xf32>
    %mul3A = arith.mulf %sub3A_25, %sub3A_25 : vector<1000x128xf32>
    %reduce_sum3A_26 = arith.constant dense<0.000000e+00> : vector<1000xf32>
    %reduce_sum3A_27 = vector.multi_reduction <add>, %mul3A, %reduce_sum3A_26 [1] : vector<1000x128xf32> to vector<1000xf32>
    %broadcast_in_dim3A_28 = vector.shape_cast %reduce_sum3A_27 : vector<1000xf32> to vector<1000x1xf32>
    %div3A_29 = arith.constant 1.280000e+02 : f32
    %div3A_30 = vector.broadcast %div3A_29 : f32 to vector<1000x1xf32>
    %div3A_31 = arith.divf %broadcast_in_dim3A_28, %div3A_30 : vector<1000x1xf32>
    %add3A_32 = arith.constant 9.99999974E-6 : f32
    %add3A_33 = vector.broadcast %add3A_32 : f32 to vector<1000x1xf32>
    %add3A_34 = arith.addf %div3A_31, %add3A_33 : vector<1000x1xf32>
    %rsqrt3A = math.rsqrt %add3A_34 : vector<1000x1xf32>
    %mul3A_35 = vector.broadcast %rsqrt3A : vector<1000x1xf32> to vector<1000x128xf32>
    %mul3A_36 = arith.mulf %sub3A_25, %mul3A_35 : vector<1000x128xf32>
    %mul3A_37 = vector.broadcast %get3A_17 : vector<1x128xf32> to vector<1000x128xf32>
    %mul3A_38 = arith.mulf %mul3A_36, %mul3A_37 : vector<1000x128xf32>
    %add3A_39 = vector.broadcast %get3A_20 : vector<1x128xf32> to vector<1000x128xf32>
    %add3A_40 = arith.addf %mul3A_38, %add3A_39 : vector<1000x128xf32>
    %max3A = arith.constant 0.000000e+00 : f32
    %max3A_41 = vector.broadcast %max3A : f32 to vector<1000x128xf32>
    %max3A_42 = arith.maximumf %add3A_40, %max3A_41 : vector<1000x128xf32>
    %add3A_43 = arith.addf %max3A_42, %get3A_1 : vector<1000x128xf32>
    %swap3A = arith.constant 0 : index
    %swap3A_44 = arith.constant 0 : index
    %swap3A_45 = vector.load %arg11[%swap3A, %swap3A_44] : memref<1000x128xf32, #tpu.memory_space<vmem>>, vector<1000x128xf32>
    tpu.vector_store %arg11[%swap3A, %swap3A_44], %add3A_43 {strides = array<i32>} : memref<1000x128xf32, #tpu.memory_space<vmem>>, vector<1000x128xf32>,
    %get3A_46 = arith.constant 0 : index
    %get3A_47 = arith.constant 0 : index
    %get3A_48 = vector.load %arg7[%get3A_46, %get3A_47] : memref<128x128xf32, #tpu.memory_space<vmem>>, vector<128x128xf32>
    %dot_general3A = arith.constant dense<0.000000e+00> : vector<1000x128xf32>
    %dot_general3A_49 = tpu.matmul %add3A_43, %get3A_48, %dot_general3A {dimension_numbers = #tpu.dot_dimension_numbers<[1], [0], [0], [1], [0, 0, 1, 1], [], []>, transpose_lhs_hint = false} : vector<1000x128xf32>, vector<128x128xf32>, vector<1000x128xf32> -> vector<1000x128xf32>
    %get3A_50 = arith.constant 0 : index
    %get3A_51 = arith.constant 0 : index
    %get3A_52 = vector.load %arg8[%get3A_50, %get3A_51] : memref<1x128xf32, #tpu.memory_space<vmem>>, vector<1x128xf32>
    %add3A_53 = vector.broadcast %get3A_52 : vector<1x128xf32> to vector<1000x128xf32>
    %add3A_54 = arith.addf %dot_general3A_49, %add3A_53 : vector<1000x128xf32>
    %swap3A_55 = arith.constant 0 : index
    %swap3A_56 = arith.constant 0 : index
    %swap3A_57 = vector.load %arg12[%swap3A_55, %swap3A_56] : memref<1000x128xf32, #tpu.memory_space<vmem>>, vector<1000x128xf32>
    tpu.vector_store %arg12[%swap3A_55, %swap3A_56], %add3A_54 {strides = array<i32>} : memref<1000x128xf32, #tpu.memory_space<vmem>>, vector<1000x128xf32>,
    %get3A_58 = arith.constant 0 : index
    %get3A_59 = arith.constant 0 : index
    %get3A_60 = vector.load %arg9[%get3A_58, %get3A_59] : memref<128x128xf32, #tpu.memory_space<vmem>>, vector<128x128xf32>
    %dot_general3A_61 = arith.constant dense<0.000000e+00> : vector<1000x128xf32>
    %dot_general3A_62 = tpu.matmul %add3A_43, %get3A_60, %dot_general3A_61 {dimension_numbers = #tpu.dot_dimension_numbers<[1], [0], [0], [1], [0, 0, 1, 1], [], []>, transpose_lhs_hint = false} : vector<1000x128xf32>, vector<128x128xf32>, vector<1000x128xf32> -> vector<1000x128xf32>
    %get3A_63 = arith.constant 0 : index
    %get3A_64 = arith.constant 0 : index
    %get3A_65 = vector.load %arg10[%get3A_63, %get3A_64] : memref<1x128xf32, #tpu.memory_space<vmem>>, vector<1x128xf32>
    %add3A_66 = vector.broadcast %get3A_65 : vector<1x128xf32> to vector<1000x128xf32>
    %add3A_67 = arith.addf %dot_general3A_62, %add3A_66 : vector<1000x128xf32>
    %swap3A_68 = arith.constant 0 : index
    %swap3A_69 = arith.constant 0 : index
    %swap3A_70 = vector.load %arg13[%swap3A_68, %swap3A_69] : memref<1000x128xf32, #tpu.memory_space<vmem>>, vector<1000x128xf32>
    tpu.vector_store %arg13[%swap3A_68, %swap3A_69], %add3A_67 {strides = array<i32>} : memref<1000x128xf32, #tpu.memory_space<vmem>>, vector<1000x128xf32>,
    return
  }
  func.func @transform_0(%arg0: i32) -> (i32, i32) {
    %c0_i32 = arith.constant 0 : i32
    %c0_i32_0 = arith.constant 0 : i32
    return %arg0, %c0_i32 : i32, i32
  }
  func.func @transform_1(%arg0: i32) -> (i32, i32) {
    %c0_i32 = arith.constant 0 : i32
    %c0_i32_0 = arith.constant 0 : i32
    return %arg0, %c0_i32 : i32, i32
  }
  func.func @transform_2(%arg0: i32) -> (i32, i32, i32) {
    %c0_i32 = arith.constant 0 : i32
    %c0_i32_0 = arith.constant 0 : i32
    %c0_i32_1 = arith.constant 0 : i32
    return %c0_i32, %arg0, %c0_i32_0 : i32, i32, i32
  }
  func.func @transform_3(%arg0: i32) -> (i32, i32, i32) {
    %c1_i32 = arith.constant 1 : i32
    %c0_i32 = arith.constant 0 : i32
    %c0_i32_0 = arith.constant 0 : i32
    return %c1_i32, %arg0, %c0_i32 : i32, i32, i32
  }
  func.func @transform_4(%arg0: i32) -> (i32, i32) {
    %c0_i32 = arith.constant 0 : i32
    %c0_i32_0 = arith.constant 0 : i32
    %c0_i32_1 = arith.constant 0 : i32
    return %c0_i32, %c0_i32_0 : i32, i32
  }
  func.func @transform_5(%arg0: i32) -> (i32, i32) {
    %c0_i32 = arith.constant 0 : i32
    %c0_i32_0 = arith.constant 0 : i32
    %c0_i32_1 = arith.constant 0 : i32
    return %c0_i32, %c0_i32_0 : i32, i32
  }
  func.func @transform_6(%arg0: i32) -> (i32, i32) {
    %c0_i32 = arith.constant 0 : i32
    %c0_i32_0 = arith.constant 0 : i32
    %c0_i32_1 = arith.constant 0 : i32
    return %c0_i32, %c0_i32_0 : i32, i32
  }
  func.func @transform_7(%arg0: i32) -> (i32, i32) {
    %c0_i32 = arith.constant 0 : i32
    %c0_i32_0 = arith.constant 0 : i32
    %c0_i32_1 = arith.constant 0 : i32
    return %c0_i32, %c0_i32_0 : i32, i32
  }
  func.func @transform_8(%arg0: i32) -> (i32, i32) {
    %c0_i32 = arith.constant 0 : i32
    %c0_i32_0 = arith.constant 0 : i32
    %c0_i32_1 = arith.constant 0 : i32
    return %c0_i32, %c0_i32_0 : i32, i32
  }
  func.func @transform_9(%arg0: i32) -> (i32, i32) {
    %c0_i32 = arith.constant 0 : i32
    %c0_i32_0 = arith.constant 0 : i32
    %c0_i32_1 = arith.constant 0 : i32
    return %c0_i32, %c0_i32_0 : i32, i32
  }
  func.func @transform_10(%arg0: i32) -> (i32, i32) {
    %c0_i32 = arith.constant 0 : i32
    %c0_i32_0 = arith.constant 0 : i32
    return %arg0, %c0_i32 : i32, i32
  }
  func.func @transform_11(%arg0: i32) -> (i32, i32) {
    %c0_i32 = arith.constant 0 : i32
    %c0_i32_0 = arith.constant 0 : i32
    return %arg0, %c0_i32 : i32, i32
  }
  func.func @transform_12(%arg0: i32) -> (i32, i32) {
    %c0_i32 = arith.constant 0 : i32
    %c0_i32_0 = arith.constant 0 : i32
    return %arg0, %c0_i32 : i32, i32
  }
}

module attributes {stable_mosaic.version = 14 : i64} {
  func.func @_tc_fin_body(%arg0: i32, %arg1: memref<1000x128xf32, #tpu.memory_space<vmem>>, %arg2: memref<1000x128xf32, #tpu.memory_space<vmem>>, %arg3: memref<1x1000x128xf32, #tpu.memory_space<vmem>>, %arg4: memref<1x1000x128xf32, #tpu.memory_space<vmem>>, %arg5: memref<1x128xf32, #tpu.memory_space<vmem>>, %arg6: memref<1x128xf32, #tpu.memory_space<vmem>>, %arg7: memref<128x128xf32, #tpu.memory_space<vmem>>, %arg8: memref<1x128xf32, #tpu.memory_space<vmem>>, %arg9: memref<128x128xf32, #tpu.memory_space<vmem>>, %arg10: memref<1x128xf32, #tpu.memory_space<vmem>>, %arg11: memref<1000x128xf32, #tpu.memory_space<vmem>>, %arg12: memref<1x128xf32, #tpu.memory_space<vmem>>, %arg13: memref<1x128xf32, #tpu.memory_space<vmem>>, %arg14: memref<1x128xf32, #tpu.memory_space<vmem>>) attributes {dimension_semantics = [#tpu.dimension_semantics<arbitrary>], iteration_bounds = array<i64: 10>, scalar_prefetch = 0 : i64, scratch_operands = 1 : i64, tpu.core_type = #tpu.core_type<tc>, window_params = [{transform_indices = @transform_0, window_bounds = array<i64: 1000, 128>}, {transform_indices = @transform_1, window_bounds = array<i64: 1000, 128>}, {transform_indices = @transform_2, window_bounds = array<i64: 1, 1000, 128>}, {transform_indices = @transform_3, window_bounds = array<i64: 1, 1000, 128>}, {pipeline_mode = #tpu.pipeline_mode<synchronous>, transform_indices = @transform_4, window_bounds = array<i64: 1, 128>}, {pipeline_mode = #tpu.pipeline_mode<synchronous>, transform_indices = @transform_5, window_bounds = array<i64: 1, 128>}, {pipeline_mode = #tpu.pipeline_mode<synchronous>, transform_indices = @transform_6, window_bounds = array<i64: 128, 128>}, {pipeline_mode = #tpu.pipeline_mode<synchronous>, transform_indices = @transform_7, window_bounds = array<i64: 1, 128>}, {pipeline_mode = #tpu.pipeline_mode<synchronous>, transform_indices = @transform_8, window_bounds = array<i64: 128, 128>}, {pipeline_mode = #tpu.pipeline_mode<synchronous>, transform_indices = @transform_9, window_bounds = array<i64: 1, 128>}, {transform_indices = @transform_10, window_bounds = array<i64: 1000, 128>}, {pipeline_mode = #tpu.pipeline_mode<synchronous>, transform_indices = @transform_11, window_bounds = array<i64: 1, 128>}, {pipeline_mode = #tpu.pipeline_mode<synchronous>, transform_indices = @transform_12, window_bounds = array<i64: 1, 128>}]} {
    %get3A = arith.constant 0 : index
    %get3A_0 = arith.constant 0 : index
    %get3A_1 = vector.load %arg1[%get3A, %get3A_0] : memref<1000x128xf32, #tpu.memory_space<vmem>>, vector<1000x128xf32>
    %get3A_2 = arith.constant 0 : index
    %get3A_3 = arith.constant 0 : index
    %get3A_4 = vector.load %arg2[%get3A_2, %get3A_3] : memref<1000x128xf32, #tpu.memory_space<vmem>>, vector<1000x128xf32>
    %get3A_5 = arith.constant 0 : index
    %get3A_6 = arith.constant 0 : index
    %get3A_7 = arith.constant 0 : index
    %get3A_8 = vector.load %arg3[%get3A_5, %get3A_6, %get3A_7] : memref<1x1000x128xf32, #tpu.memory_space<vmem>>, vector<1x1000x128xf32>
    %get3A_9 = vector.shape_cast %get3A_8 : vector<1x1000x128xf32> to vector<1000x128xf32>
    %get3A_10 = arith.constant 0 : index
    %get3A_11 = arith.constant 0 : index
    %get3A_12 = arith.constant 0 : index
    %get3A_13 = vector.load %arg4[%get3A_10, %get3A_11, %get3A_12] : memref<1x1000x128xf32, #tpu.memory_space<vmem>>, vector<1x1000x128xf32>
    %get3A_14 = vector.shape_cast %get3A_13 : vector<1x1000x128xf32> to vector<1000x128xf32>
    %get3A_15 = arith.constant 0 : index
    %get3A_16 = arith.constant 0 : index
    %get3A_17 = vector.load %arg5[%get3A_15, %get3A_16] : memref<1x128xf32, #tpu.memory_space<vmem>>, vector<1x128xf32>
    %get3A_18 = arith.constant 0 : index
    %get3A_19 = arith.constant 0 : index
    %get3A_20 = vector.load %arg6[%get3A_18, %get3A_19] : memref<1x128xf32, #tpu.memory_space<vmem>>, vector<1x128xf32>
    %add3A = arith.addf %get3A_9, %get3A_14 : vector<1000x128xf32>
    %add3A_21 = arith.addf %add3A, %get3A_4 : vector<1000x128xf32>
    %reduce_sum3A = arith.constant dense<0.000000e+00> : vector<1000xf32>
    %reduce_sum3A_22 = vector.multi_reduction <add>, %add3A_21, %reduce_sum3A [1] : vector<1000x128xf32> to vector<1000xf32>
    %broadcast_in_dim3A = vector.shape_cast %reduce_sum3A_22 : vector<1000xf32> to vector<1000x1xf32>
    %div3A = arith.constant 1.280000e+02 : f32
    %div3A_23 = vector.broadcast %div3A : f32 to vector<1000x1xf32>
    %div3A_24 = arith.divf %broadcast_in_dim3A, %div3A_23 : vector<1000x1xf32>
    %sub3A = vector.broadcast %div3A_24 : vector<1000x1xf32> to vector<1000x128xf32>
    %sub3A_25 = arith.subf %add3A_21, %sub3A : vector<1000x128xf32>
    %mul3A = arith.mulf %sub3A_25, %sub3A_25 : vector<1000x128xf32>
    %reduce_sum3A_26 = arith.constant dense<0.000000e+00> : vector<1000xf32>
    %reduce_sum3A_27 = vector.multi_reduction <add>, %mul3A, %reduce_sum3A_26 [1] : vector<1000x128xf32> to vector<1000xf32>
    %broadcast_in_dim3A_28 = vector.shape_cast %reduce_sum3A_27 : vector<1000xf32> to vector<1000x1xf32>
    %div3A_29 = arith.constant 1.280000e+02 : f32
    %div3A_30 = vector.broadcast %div3A_29 : f32 to vector<1000x1xf32>
    %div3A_31 = arith.divf %broadcast_in_dim3A_28, %div3A_30 : vector<1000x1xf32>
    %add3A_32 = arith.constant 9.99999974E-6 : f32
    %add3A_33 = vector.broadcast %add3A_32 : f32 to vector<1000x1xf32>
    %add3A_34 = arith.addf %div3A_31, %add3A_33 : vector<1000x1xf32>
    %rsqrt3A = math.rsqrt %add3A_34 : vector<1000x1xf32>
    %mul3A_35 = vector.broadcast %rsqrt3A : vector<1000x1xf32> to vector<1000x128xf32>
    %mul3A_36 = arith.mulf %sub3A_25, %mul3A_35 : vector<1000x128xf32>
    %mul3A_37 = vector.broadcast %get3A_17 : vector<1x128xf32> to vector<1000x128xf32>
    %mul3A_38 = arith.mulf %mul3A_36, %mul3A_37 : vector<1000x128xf32>
    %add3A_39 = vector.broadcast %get3A_20 : vector<1x128xf32> to vector<1000x128xf32>
    %add3A_40 = arith.addf %mul3A_38, %add3A_39 : vector<1000x128xf32>
    %max3A = arith.constant 0.000000e+00 : f32
    %max3A_41 = vector.broadcast %max3A : f32 to vector<1000x128xf32>
    %max3A_42 = arith.maximumf %add3A_40, %max3A_41 : vector<1000x128xf32>
    %add3A_43 = arith.addf %max3A_42, %get3A_1 : vector<1000x128xf32>
    %swap3A = arith.constant 0 : index
    %swap3A_44 = arith.constant 0 : index
    %swap3A_45 = vector.load %arg11[%swap3A, %swap3A_44] : memref<1000x128xf32, #tpu.memory_space<vmem>>, vector<1000x128xf32>
    tpu.vector_store %arg11[%swap3A, %swap3A_44], %add3A_43 {strides = array<i32>} : memref<1000x128xf32, #tpu.memory_space<vmem>>, vector<1000x128xf32>,
    %reduce_sum3A_46 = arith.constant dense<0.000000e+00> : vector<128xf32>
    %reduce_sum3A_47 = vector.multi_reduction <add>, %add3A_43, %reduce_sum3A_46 [0] : vector<1000x128xf32> to vector<128xf32>
    %broadcast_in_dim3A_48 = vector.shape_cast %reduce_sum3A_47 : vector<128xf32> to vector<1x128xf32>
    %eq3A = arith.constant 0 : i32
    %eq3A_49 = arith.cmpi eq, %arg0, %eq3A : i32
    %convert_element_type3A = arith.extui %eq3A_49 : i1 to i32
    %cond3A = arith.constant 0 : i32
    %cond3A_50 = arith.cmpi ne, %convert_element_type3A, %cond3A : i32
    scf.if %cond3A_50 {
      %swap3A_60 = arith.constant 0 : index
      %swap3A_61 = arith.constant 0 : index
      %swap3A_62 = vector.load %arg14[%swap3A_60, %swap3A_61] : memref<1x128xf32, #tpu.memory_space<vmem>>, vector<1x128xf32>
      tpu.vector_store %arg14[%swap3A_60, %swap3A_61], %broadcast_in_dim3A_48 {strides = array<i32>} : memref<1x128xf32, #tpu.memory_space<vmem>>, vector<1x128xf32>,
    } else {
    }
    %gt3A = arith.constant 0 : i32
    %gt3A_51 = arith.cmpi sgt, %arg0, %gt3A : i32
    %convert_element_type3A_52 = arith.extui %gt3A_51 : i1 to i32
    %cond3A_53 = arith.constant 0 : i32
    %cond3A_54 = arith.cmpi ne, %convert_element_type3A_52, %cond3A_53 : i32
    scf.if %cond3A_54 {
      %get3A_60 = arith.constant 0 : index
      %get3A_61 = arith.constant 0 : index
      %get3A_62 = vector.load %arg14[%get3A_60, %get3A_61] : memref<1x128xf32, #tpu.memory_space<vmem>>, vector<1x128xf32>
      %add3A_63 = arith.addf %get3A_62, %broadcast_in_dim3A_48 : vector<1x128xf32>
      %swap3A_64 = arith.constant 0 : index
      %swap3A_65 = arith.constant 0 : index
      %swap3A_66 = vector.load %arg14[%swap3A_64, %swap3A_65] : memref<1x128xf32, #tpu.memory_space<vmem>>, vector<1x128xf32>
      tpu.vector_store %arg14[%swap3A_64, %swap3A_65], %add3A_63 {strides = array<i32>} : memref<1x128xf32, #tpu.memory_space<vmem>>, vector<1x128xf32>,
    } else {
    }
    %eq3A_55 = arith.constant 9 : i32
    %eq3A_56 = arith.cmpi eq, %arg0, %eq3A_55 : i32
    %convert_element_type3A_57 = arith.extui %eq3A_56 : i1 to i32
    %cond3A_58 = arith.constant 0 : i32
    %cond3A_59 = arith.cmpi ne, %convert_element_type3A_57, %cond3A_58 : i32
    scf.if %cond3A_59 {
      %get3A_60 = arith.constant 0 : index
      %get3A_61 = arith.constant 0 : index
      %get3A_62 = vector.load %arg14[%get3A_60, %get3A_61] : memref<1x128xf32, #tpu.memory_space<vmem>>, vector<1x128xf32>
      %mul3A_63 = arith.constant 9.99999974E-5 : f32
      %mul3A_64 = vector.broadcast %mul3A_63 : f32 to vector<1x128xf32>
      %mul3A_65 = arith.mulf %get3A_62, %mul3A_64 : vector<1x128xf32>
      %swap3A_66 = arith.constant 0 : index
      %swap3A_67 = arith.constant 0 : index
      %swap3A_68 = vector.load %arg12[%swap3A_66, %swap3A_67] : memref<1x128xf32, #tpu.memory_space<vmem>>, vector<1x128xf32>
      tpu.vector_store %arg12[%swap3A_66, %swap3A_67], %mul3A_65 {strides = array<i32>} : memref<1x128xf32, #tpu.memory_space<vmem>>, vector<1x128xf32>,
      %get3A_69 = arith.constant 0 : index
      %get3A_70 = arith.constant 0 : index
      %get3A_71 = vector.load %arg7[%get3A_69, %get3A_70] : memref<128x128xf32, #tpu.memory_space<vmem>>, vector<128x128xf32>
      %dot_general3A = arith.constant dense<0.000000e+00> : vector<1x128xf32>
      %dot_general3A_72 = tpu.matmul %mul3A_65, %get3A_71, %dot_general3A {dimension_numbers = #tpu.dot_dimension_numbers<[1], [0], [0], [1], [0, 0, 1, 1], [], []>, transpose_lhs_hint = false} : vector<1x128xf32>, vector<128x128xf32>, vector<1x128xf32> -> vector<1x128xf32>
      %get3A_73 = arith.constant 0 : index
      %get3A_74 = arith.constant 0 : index
      %get3A_75 = vector.load %arg8[%get3A_73, %get3A_74] : memref<1x128xf32, #tpu.memory_space<vmem>>, vector<1x128xf32>
      %add3A_76 = arith.addf %dot_general3A_72, %get3A_75 : vector<1x128xf32>
      %max3A_77 = arith.constant 0.000000e+00 : f32
      %max3A_78 = vector.broadcast %max3A_77 : f32 to vector<1x128xf32>
      %max3A_79 = arith.maximumf %add3A_76, %max3A_78 : vector<1x128xf32>
      %get3A_80 = arith.constant 0 : index
      %get3A_81 = arith.constant 0 : index
      %get3A_82 = vector.load %arg9[%get3A_80, %get3A_81] : memref<128x128xf32, #tpu.memory_space<vmem>>, vector<128x128xf32>
      %dot_general3A_83 = arith.constant dense<0.000000e+00> : vector<1x128xf32>
      %dot_general3A_84 = tpu.matmul %max3A_79, %get3A_82, %dot_general3A_83 {dimension_numbers = #tpu.dot_dimension_numbers<[1], [0], [0], [1], [0, 0, 1, 1], [], []>, transpose_lhs_hint = false} : vector<1x128xf32>, vector<128x128xf32>, vector<1x128xf32> -> vector<1x128xf32>
      %get3A_85 = arith.constant 0 : index
      %get3A_86 = arith.constant 0 : index
      %get3A_87 = vector.load %arg10[%get3A_85, %get3A_86] : memref<1x128xf32, #tpu.memory_space<vmem>>, vector<1x128xf32>
      %add3A_88 = arith.addf %dot_general3A_84, %get3A_87 : vector<1x128xf32>
      %neg3A = arith.constant 0.000000e+00 : f32
      %neg3A_89 = vector.broadcast %neg3A : f32 to vector<1x128xf32>
      %neg3A_90 = arith.subf %neg3A_89, %add3A_88 : vector<1x128xf32>
      %exp3A = math.exp %neg3A_90 : vector<1x128xf32>
      %add3A_91 = arith.constant 1.000000e+00 : f32
      %add3A_92 = vector.broadcast %add3A_91 : f32 to vector<1x128xf32>
      %add3A_93 = arith.addf %add3A_92, %exp3A : vector<1x128xf32>
      %div3A_94 = arith.constant 1.000000e+00 : f32
      %div3A_95 = vector.broadcast %div3A_94 : f32 to vector<1x128xf32>
      %div3A_96 = arith.divf %div3A_95, %add3A_93 : vector<1x128xf32>
      %swap3A_97 = arith.constant 0 : index
      %swap3A_98 = arith.constant 0 : index
      %swap3A_99 = vector.load %arg13[%swap3A_97, %swap3A_98] : memref<1x128xf32, #tpu.memory_space<vmem>>, vector<1x128xf32>
      tpu.vector_store %arg13[%swap3A_97, %swap3A_98], %div3A_96 {strides = array<i32>} : memref<1x128xf32, #tpu.memory_space<vmem>>, vector<1x128xf32>,
    } else {
    }
    return
  }
  func.func @transform_0(%arg0: i32) -> (i32, i32) {
    %c0_i32 = arith.constant 0 : i32
    %c0_i32_0 = arith.constant 0 : i32
    return %arg0, %c0_i32 : i32, i32
  }
  func.func @transform_1(%arg0: i32) -> (i32, i32) {
    %c0_i32 = arith.constant 0 : i32
    %c0_i32_0 = arith.constant 0 : i32
    return %arg0, %c0_i32 : i32, i32
  }
  func.func @transform_2(%arg0: i32) -> (i32, i32, i32) {
    %c0_i32 = arith.constant 0 : i32
    %c0_i32_0 = arith.constant 0 : i32
    %c0_i32_1 = arith.constant 0 : i32
    return %c0_i32, %arg0, %c0_i32_0 : i32, i32, i32
  }
  func.func @transform_3(%arg0: i32) -> (i32, i32, i32) {
    %c1_i32 = arith.constant 1 : i32
    %c0_i32 = arith.constant 0 : i32
    %c0_i32_0 = arith.constant 0 : i32
    return %c1_i32, %arg0, %c0_i32 : i32, i32, i32
  }
  func.func @transform_4(%arg0: i32) -> (i32, i32) {
    %c0_i32 = arith.constant 0 : i32
    %c0_i32_0 = arith.constant 0 : i32
    %c0_i32_1 = arith.constant 0 : i32
    return %c0_i32, %c0_i32_0 : i32, i32
  }
  func.func @transform_5(%arg0: i32) -> (i32, i32) {
    %c0_i32 = arith.constant 0 : i32
    %c0_i32_0 = arith.constant 0 : i32
    %c0_i32_1 = arith.constant 0 : i32
    return %c0_i32, %c0_i32_0 : i32, i32
  }
  func.func @transform_6(%arg0: i32) -> (i32, i32) {
    %c0_i32 = arith.constant 0 : i32
    %c0_i32_0 = arith.constant 0 : i32
    %c0_i32_1 = arith.constant 0 : i32
    return %c0_i32, %c0_i32_0 : i32, i32
  }
  func.func @transform_7(%arg0: i32) -> (i32, i32) {
    %c0_i32 = arith.constant 0 : i32
    %c0_i32_0 = arith.constant 0 : i32
    %c0_i32_1 = arith.constant 0 : i32
    return %c0_i32, %c0_i32_0 : i32, i32
  }
  func.func @transform_8(%arg0: i32) -> (i32, i32) {
    %c0_i32 = arith.constant 0 : i32
    %c0_i32_0 = arith.constant 0 : i32
    %c0_i32_1 = arith.constant 0 : i32
    return %c0_i32, %c0_i32_0 : i32, i32
  }
  func.func @transform_9(%arg0: i32) -> (i32, i32) {
    %c0_i32 = arith.constant 0 : i32
    %c0_i32_0 = arith.constant 0 : i32
    %c0_i32_1 = arith.constant 0 : i32
    return %c0_i32, %c0_i32_0 : i32, i32
  }
  func.func @transform_10(%arg0: i32) -> (i32, i32) {
    %c0_i32 = arith.constant 0 : i32
    %c0_i32_0 = arith.constant 0 : i32
    return %arg0, %c0_i32 : i32, i32
  }
  func.func @transform_11(%arg0: i32) -> (i32, i32) {
    %c0_i32 = arith.constant 0 : i32
    %c0_i32_0 = arith.constant 0 : i32
    %c0_i32_1 = arith.constant 0 : i32
    return %c0_i32, %c0_i32_0 : i32, i32
  }
  func.func @transform_12(%arg0: i32) -> (i32, i32) {
    %c0_i32 = arith.constant 0 : i32
    %c0_i32_0 = arith.constant 0 : i32
    %c0_i32_1 = arith.constant 0 : i32
    return %c0_i32, %c0_i32_0 : i32, i32
  }
}

</mosaic_0001>

<sc_bundles>
// kernel: kernel.12.cloned.1.call-start
scs
__scs_entry_jumppad:
0x0: {  	(pc) =	sbr.rel $0x88, $3  }
0x1: {  	(tag) =	ssettag $0x0;
	lr =	simm.s32 $0x1  }
0x2: {  	[smem:$0x3F92] =	sst lr;
	_ =	strace $0xD0000000  }
0x3: {  	_ = 	snop  }
0x4: {  	_ = 	snop  }
0x5: {  	_ = 	snop  }
0x6: {  	_ = 	snop  }
0x7: {  	_ = 	snop  }
__scs_overlays_trampoline_lowered:
0x8: {  	[smem:$0x3FA1] =	sst s0  }
0x9: {  	[smem:$0x3FA2] =	sst s1  }
0xa: {  	[smem:$0x3FA3] =	sst s2  }
0xb: {  	[smem:$0x3FA4] =	sst s3  }
0xc: {  	[smem:$0x3FA5] =	sst s4  }
0xd: {  	[smem:$0x3FA6] =	sst s5  }
0xe: {  	[smem:$0x3FA7] =	sst s6  }
0xf: {  	[smem:$0x3FA8] =	sst s7  }
0x10: {  	[smem:$0x3FA9] =	sst s8  }
0x11: {  	[smem:$0x3FAA] =	sst s9;
	s0 =	simm.s32 @!p0 $0x0  }
0x12: {  	s1 =	sld [smem:$0x3F90];
	s0 =	simm.s32 @p0 $0x1  }
0x13: {  	[smem:$0x3FAB] =	sst s0;
	s0 =	simm.s32 @!p1 $0x0  }
0x14: {  	s2 =	sld [smem:$0x3F8F];
	s0 =	simm.s32 @p1 $0x1  }
0x15: {  	[smem:$0x3FAC] =	sst s0;
	s0 =	simm.s32 @!p2 $0x0  }
0x16: {  	s3 =	sld [smem:$0x3FDB];
	s0 =	simm.s32 @p2 $0x1  }
0x17: {  	s4 =	simm.s32 $0x1BF5;
	[smem:$0x3FAE] =	sst s0  }
0x18: {  	s0 =	sld [smem:$0x3F91];
	_ =	swait.ge [sflag:s4], $0x0  }
0x19: {  	s7 =	sld [smem:$0x3F92]  }
0x1a: {  	s8 =	sadd.s32 $0xFFFFE003, lr  }
0x1b: {  	s9 =	sadd.s32 $0xFFFFFEF7, lr;
	s5 =	simm.s32 $0xFFFFFFFF;
	p2 =	slt.u32 s8, $0xFFFFF086  }
0x1c: {  	p1 =	slt.u32 s9, $0xF7A;
	s5 =	simm.s32 @!p2 $0x0  }
0x1d: {  	s5 =	simm.s32 @p1 $0x1;
	p0 =	seq.s32 s7, s2  }
0x1e: {  	s7 =	smul.u32 @!p0 $0xF7A, s2;
	p2 =	seq.s32 @!p0 s5, $0x0  }
0x1f: {  	s9 =	smul.u32 $0xF7A, s1;
	s8 =	simm.s32 @!p0 $0x1BF5;
	p2 =	por !p2, p0  }
0x20: {  	[sflag:s8] =	ssyncset.s32 @!p0 $0xFFFFF086;
	s6 =	sadd.s32 @!p0 s3, s7;
	s7 =	simm.s32 @!p0 $0x108  }
0x21: {  	s3 =	sadd.s32 s3, s9;
	s6 =	sadd.s32 @!p0 $0x88, s6;
	s7 =	simm.s32 @p2 $0x1082  }
0x22: {  	[simem:s7], [sflag:s8] =	dma.local @!p0 [hbm:s6], $0xF7A  }
0x23: {  	s9 =	sor.u32 $0xD0000000, s2;
	s6 =	simm.s32 $0x108;
	_ =	swait.ge @!p0 [sflag:s8], $0x0  }
0x24: {  	s3 =	sadd.s32 $0x88, s3;
	s6 =	simm.s32 @!p1 $0x1082;
	[sflag:s4] =	ssyncset.s32 $0xFFFFF086  }
0x25: {  	[simem:s6], [sflag:s4] =	dma.local [hbm:s3], $0xF7A  }
0x26: {  	[smem:$0x3F92] =	sst s1;
	(tag) =	ssettag s2;
	_ =	strace s9  }
0x27: {  	s1 =	sld [smem:$0x3FA2]  }
0x28: {  	s2 =	sld [smem:$0x3FA3]  }
0x29: {  	s4 =	sld [smem:$0x3FA5]  }
0x2a: {  	p0 =	seq.s32 s5, $0x0;
	s5 =	sld [smem:$0x3FA6]  }
0x2b: {  	s6 =	sld [smem:$0x3FA7]  }
0x2c: {  	s7 =	sld [smem:$0x3FA8]  }
0x2d: {  	s3 =	simm.s32 $0x108;
	s8 =	sld [smem:$0x3FA9]  }
0x2e: {  	s3 =	simm.s32 @!p0 $0x1082;
	s9 =	sld [smem:$0x3FAA]  }
0x2f: {  	lr =	sadd.s32 s0, s3;
	s0 =	sld [smem:$0x3FA1]  }
0x30: {  	s3 =	sld [smem:$0x3FA4]  }
0x31: {  	[smem:$0x3FAD] =	sst s10  }
0x32: {  	s10 =	sld [smem:$0x3FAB];
	_ =	sdelay $0x3  }
0x33: {  	p0 =	seq.s32 s10, $0x1;
	s10 =	sld [smem:$0x3FAD];
	_ =	sdelay $0x3  }
0x34: {  	[smem:$0x3FAD] =	sst s10  }
0x35: {  	s10 =	sld [smem:$0x3FAC];
	_ =	sdelay $0x3  }
0x36: {  	p1 =	seq.s32 s10, $0x1;
	s10 =	sld [smem:$0x3FAD];
	_ =	sdelay $0x3  }
0x37: {  	[smem:$0x3FAD] =	sst s10  }
0x38: {  	s10 =	sld [smem:$0x3FAE]  }
0x39: {  	_ = 	snop;
	(pc) =	sbr.ind lr, $3  }
0x3a: {  	_ = 	snop  }
0x3b: {  	_ = 	snop  }
0x3c: {  	p2 =	seq.s32 s10, $0x1;
	s10 =	sld [smem:$0x3FAD]  }
0x3d: {  	_ =	shalt  }
0x3e: {  	_ =	shalt  }
0x3f: {  	_ =	shalt  }
0x40: {  	_ =	shalt  }
0x41: {  	_ =	shalt  }
0x42: {  	_ =	shalt  }
0x43: {  	_ =	shalt  }
0x44: {  	_ =	shalt  }
0x45: {  	_ =	shalt  }
0x46: {  	_ =	shalt  }
0x47: {  	_ =	shalt  }
0x48: {  	_ =	shalt  }
0x49: {  	_ =	shalt  }
0x4a: {  	_ =	shalt  }
0x4b: {  	_ =	shalt  }
0x4c: {  	_ =	shalt  }
0x4d: {  	_ =	shalt  }
0x4e: {  	_ =	shalt  }
0x4f: {  	_ =	shalt  }
0x50: {  	_ =	shalt  }
0x51: {  	_ =	shalt  }
0x52: {  	_ =	shalt  }
0x53: {  	_ =	shalt  }
0x54: {  	_ =	shalt  }
0x55: {  	_ =	shalt  }
0x56: {  	_ =	shalt  }
0x57: {  	_ =	shalt  }
0x58: {  	_ =	shalt  }
0x59: {  	_ =	shalt  }
0x5a: {  	_ =	shalt  }
0x5b: {  	_ =	shalt  }
0x5c: {  	_ =	shalt  }
0x5d: {  	_ =	shalt  }
0x5e: {  	_ =	shalt  }
0x5f: {  	_ =	shalt  }
0x60: {  	_ =	shalt  }
0x61: {  	_ =	shalt  }
0x62: {  	_ =	shalt  }
0x63: {  	_ =	shalt  }
0x64: {  	_ =	shalt  }
0x65: {  	_ =	shalt  }
0x66: {  	_ =	shalt  }
0x67: {  	_ =	shalt  }
0x68: {  	_ =	shalt  }
0x69: {  	_ =	shalt  }
0x6a: {  	_ =	shalt  }
0x6b: {  	_ =	shalt  }
0x6c: {  	_ =	shalt  }
0x6d: {  	_ =	shalt  }
0x6e: {  	_ =	shalt  }
0x6f: {  	_ =	shalt  }
0x70: {  	_ =	shalt  }
0x71: {  	_ =	shalt  }
0x72: {  	_ =	shalt  }
0x73: {  	_ =	shalt  }
0x74: {  	_ =	shalt  }
0x75: {  	_ =	shalt  }
0x76: {  	_ =	shalt  }
0x77: {  	_ =	shalt  }
0x78: {  	_ =	shalt  }
0x79: {  	_ =	shalt  }
0x7a: {  	_ =	shalt  }
0x7b: {  	_ =	shalt  }
0x7c: {  	_ =	shalt  }
0x7d: {  	_ =	shalt  }
0x7e: {  	_ =	shalt  }
0x7f: {  	_ =	shalt  }
0x80: {  	_ =	shalt  }
0x81: {  	_ =	shalt  }
0x82: {  	_ =	shalt  }
0x83: {  	_ =	shalt  }
0x84: {  	_ =	shalt  }
0x85: {  	_ =	shalt  }
0x86: {  	_ =	shalt  }
0x87: {  	_ =	shalt  }
.Lfunc_end0:
.L_simem_size_0:
called_computation.1_lowered:
.L_overlay_start_0:
0x88: {  	s2 =	sld [smem:$0x3FD9]  }
0x89: {  	s3 =	sld [smem:$0x3FFE];
	_ =	sdelay $0x1  }
0x8a: {  	s1 =	srdreg.scid  }
0x8b: {  	s0 =	sand.u32 $0x1, s1  }
0x8c: {  	s14 =	sshll.u32 s0, $0xA;
	s2 =	sadd.s32 s3, s2  }
0x8d: {  	s2 =	sadd.s32 s2, s14  }
0x8e: {  	[smem:$0x3FB9] =	sst s2  }
0x8f: {  	_ = 	snop  }
0x90: {  	s2 =	sld [smem:$0x3FD0];
	_ =	sdelay $0x2  }
0x91: {  	s15 =	simm.s32 $0xA;
	s4 =	simm.s32 $0x10  }
0x92: {  	[smem:s4], [sflag:s15] =	dma.local [hbm:s2], $0x1  }
0x93: {  	_ =	swait.eq [sflag:s15], $0x1  }
0x94: {  	[sflag:s15] =	ssyncset.done $0x0  }
0x95: {  	[sflag:s15] =	ssyncadd.s32 $0xFFFFFFFF  }
0x96: {  	s16 =	sld [smem:$0x11];
	(tm) =	ssettm $0x1  }
0x97: {  	s17 =	sld [smem:$0x3FFB];
	_ =	sdelay $0x3  }
0x98: {  	_ =	strace s17  }
0x99: {  	s3 =	sld [smem:$0x3FFC];
	_ =	sdelay $0x3  }
0x9a: {  	_ =	strace s3  }
0x9b: {  	s3 =	sld [smem:$0x3FFD];
	_ =	sdelay $0x3  }
0x9c: {  	_ =	strace s3  }
0x9d: {  	_ =	strace $0x8FFFFFFF  }
0x9e: {  	s18 =	sld [smem:$0x3FDB];
	_ =	sdelay $0x1  }
0x9f: {  	s19 =	simm.s32 $_scs_section_size  }
0xa0: {  	s5 =	simm.s32 $_size__tile_overlayer_lowered;
	s6 =	simm.s32 $_tile_overlayer_lowered  }
0xa1: {  	s22 =	simm.s32 $0x1BFF;
	s21 =	sshll.u32 s6, $0x1;
	s3 =	sadd.s32 s19, s18  }
0xa2: {  	s7 =	simm.s32 $0x0;
	s20 =	sshll.u32 s5, $0x1;
	s5 =	sadd.s32 s21, s3  }
0xa3: {  	[timem:s7], [sflag:s22] =	dma.local [hbm:s5], s20  }
0xa4: {  	_ =	swait.ge [sflag:s22], s20  }
0xa5: {  	s4 =	ssub.s32 $0x0, s20;
	[sflag:s22] =	ssyncset.done $0x0  }
0xa6: {  	[sflag:s22] =	ssyncadd.s32 s4;
	_ =	sdelay $0x1  }
0xa7: {  	s23 =	simm.s32 $0x1B8B  }
0xa8: {  	_ =	swait.ge [sflag:s23], $0x1  }
0xa9: {  	[sflag:s23] =	ssyncset.done $0x0  }
0xaa: {  	s25 =	simm.s32 $0x1B8E;
	s24 =	sld [smem:$0x3FFE];
	[sflag:s23] =	ssyncadd.s32 $0xFFFFFFFF  }
0xab: {  	s26 =	simm.s32 $execute0_lowered;
	[smem:$0x3FD2] =	sst s25  }
0xac: {  	s5 =	sshll.u32 s26, $0x1;
	_ =	strace $0x80000049;
	[dreg:$0x1] =	wrdreg $0xFFFFFFFF  }
0xad: {  	s28 =	simm.s32 $_size_execute0_lowered;
	s3 =	sadd.s32 s3, s5;
	[dreg:$0x0] =	wrdreg $0x0  }
0xae: {  	s5 =	sshll.u32 s28, $0x1;
	[dreg:$0x2] =	wrdreg s3  }
0xaf: {  	[dreg:$0x3] =	wrdreg s5  }
0xb0: {  	[dreg:$0x4] =	wrdreg $0xC0  }
0xb1: {  	_ =	task [dreg:s7], $0x5FFFF  }
0xb2: {  	[dreg:$0x1] =	wrdreg $0xFFFFFFFF  }
0xb3: {  	[dreg:$0x0] =	wrdreg $0x60  }
0xb4: {  	[dreg:$0x2] =	wrdreg s24  }
0xb5: {  	[dreg:$0x3] =	wrdreg s16  }
0xb6: {  	[dreg:$0x4] =	wrdreg $0xB8000  }
0xb7: {  	[dreg:$0x5] =	wrdreg $0x9  }
0xb8: {  	_ =	task.clear_ibuf [dreg:s7], $0x6FFFF;
	_ =	strace $0x90000049  }
0xb9: {  	s29 =	simm.s32 $0x9;
	_ =	strace $0x8000004B  }
0xba: {  	_ =	swait.ge [sflag:s29], $0x1  }
0xbb: {  	[sflag:s29] =	ssyncadd.s32 $0xFFFFFFFF  }
0xbc: {  	_ =	strace $0x9000004B  }
0xbd: {  	_ =	sfence  }
0xbe: {  	s30 =	sld [smem:$0x0];
	_ =	sdelay $0x2  }
0xbf: {  	s31 =	sshll.u32 s1, $0xD;
	s1 =	sshrl.u32 s1, $0x2  }
0xc0: {  	s3 =	sand.u32 $0x4000, s31;
	s1 =	sadd.s32 s1, s30  }
0xc1: {  	s0 =	sor.u32 s3, s0;
	s1 =	sshll.u32 s1, $0x11  }
0xc2: {  	s0 =	sor.u32 s1, s0  }
0xc3: {  	s0 =	sadd.s32 $0x8F2B, s0  }
0xc4: {  	[sflag:s0] =	ssyncadd.remote.s32 $0x1  }
0xc5: {  	_ =	sfence.sel $0xFFFF  }
0xc6: {  	[dreg:$0x0] =	wrdreg $0xFFFFFFFF;
	(pc) =	sbr.abs _section_cstart, $3  }
0xc7: {  	[dreg:$0x1] =	wrdreg $0xFFFFFFFF  }
0xc8: {  	_ =	task.clear_ibuf [dreg:s7], $0x2FFFF;
	_ =	strace $0x9FFFFFFF  }
0xc9: {  	(tm) =	ssettm $0x7FFFFFFF  }
tec
execute0_lowered:
.L_overlay_start_1:
0x0: {  	(tag) =	ssettag $0x1  }
0x1: {  	s8 =	rddreg [dreg:$0x0]  }
0x2: {  	s3 =	rddreg [dreg:$0x1]  }
0x3: {  	s0 =	srdreg.scid;
	s4 =	rddreg [dreg:$0x2]  }
0x4: {  	s9 =	stileid.u32;
	s5 =	simm.s32 $0x0;
	s28 =	simm.s32 $0x2800  }
0x5: {  	s29 =	simm.s32 $0x80;
	s30 =	simm.s32 $0x1;
	s31 =	simm.s32 $0x2880  }
0x6: {  	s0 =	sand.u32 $0x1, s0;
	[smem:$0x7FF] =	sst s5;
	s7 =	smul.u32 $0x50000, s9  }
0x7: {  	s6 =	sadd.s32 $0xC00, s8;
	s14 =	smul.u32 $0x14000, s9;
	s23 =	sadd.s32 $0x600, s8  }
0x8: {  	s15 =	sadd.s32 $0xFC00, s8;
	s1 =	sshll.u32 s0, $0x4;
	_ =	strace $0x8000004A  }
0x9: {  	[dreg:$0x4] =	wrdreg s23;
	s24 =	ssub.s32 $0x2, s0;
	s0 =	smul.u32 $0x140000, s0  }
0xa: {  	s1 =	sor.u32 s9, s1;
	s25 =	sshrl.u32 s24, $0x1;
	s7 =	sshrl.u32 s7, $0x2  }
0xb: {  	s16 =	sadd.s32 $0x4000, s14;
	s26 =	sadd.s32 $0x8000, s14;
	s18 =	sadd.s32 $0xC000, s14  }
0xc: {  	s19 =	sadd.s32 $0x10000, s14;
	s2 =	smul.u32 $0x280, s1;
	s21 =	ssub.s32 s24, s25  }
0xd: {  	s9 =	sadd.s32 s16, s4;
	s10 =	sadd.s32 s26, s4;
	s11 =	sadd.s32 s18, s4  }
0xe: {  	s12 =	sadd.s32 s19, s4;
	s13 =	smul.u32 $0x28, s1;
	s20 =	sadd.s32 s14, s0  }
0xf: {  	s23 =	sadd.s32 s0, s16;
	s25 =	sadd.s32 s0, s26;
	s26 =	sadd.s32 s0, s18  }
0x10: {  	s0 =	sadd.s32 s0, s19;
	s1 =	sshrl.u32 s20, $0x3;
	s24 =	sshrl.u32 s23, $0x3  }
0x11: {  	s0 =	sshrl.u32 s0, $0x3;
	s21 =	smax.u32 s21, $0x1;
	s23 =	simm.s32 $0x2  }
0x12: {  	s2 =	sadd.s32 s2, s8;
	s8 =	sadd.s32 s7, s4;
	s1 =	sadd.s32 s15, s1  }
0x13: {  	s17 =	sadd.s32 s15, s24;
	s20 =	sadd.s32 s15, s0;
	s24 =	simm.s32 $0x6900  }
0x14: {  	s22 =	sadd.s32 $0xAC00, s2;
	s2 =	sadd.s32 $0x5C00, s2;
	[dreg:$0x7] =	wrdreg s1  }
0x15: {  	s1 =	sshrl.u32 s25, $0x3;
	s25 =	simm.s32 $0x9080;
	[dreg:$0x5] =	wrdreg s22  }
0x16: {  	[dreg:$0x6] =	wrdreg s2;
	s2 =	sshrl.u32 s26, $0x3;
	s18 =	sadd.s32 s15, s1  }
0x17: {  	v0 =	vimm.f32 $0.0e+00;
	s22 =	simm.s32 $0x2900;
	s1 =	simm.s32 $0x0;
	s19 =	sadd.s32 s15, s2  }
.LBB2_1:
0x18: {  	s0 =	simm.s32 $0x0;
	s2 =	simm.s32 $0x200  }
.LBB2_2:
0x19: {  	p0 =	sne.s32 s2, $0xFE00;
	[tilespmem:s0+$0x2970] =	vst v0  }
0x1a: {  	[tilespmem:s0+$0x2900] =	vst v0  }
0x1b: {  	[tilespmem:s0+$0x2910] =	vst v0  }
.Ltmp0:
0x1c: {  	[tilespmem:s0+$0x2920] =	vst v0;
	(pc) =	sbr.rel @p0 .LBB2_2-.Ltmp0, $4  }
0x1d: {  	[tilespmem:s0+$0x2930] =	vst v0  }
0x1e: {  	[tilespmem:s0+$0x2940] =	vst v0  }
0x1f: {  	[tilespmem:s0+$0x2950] =	vst v0  }
0x20: {  	[tilespmem:s0+$0x2960] =	vst v0;
	s0 =	sshra.s32 s2, $0x2;
	s2 =	sadd.s32 $0x200, s2  }
0x21: {  	[tilespmem:s0+$0x2970] =	vst v0  }
0x22: {  	[tilespmem:s0+$0x2900] =	vst v0  }
0x23: {  	[tilespmem:s0+$0x2910] =	vst v0  }
0x24: {  	[tilespmem:s0+$0x2920] =	vst v0  }
0x25: {  	[tilespmem:s0+$0x2930] =	vst v0  }
0x26: {  	[tilespmem:s0+$0x2940] =	vst v0  }
0x27: {  	[tilespmem:s0+$0x2950] =	vst v0  }
0x28: {  	[tilespmem:s0+$0x2960] =	vst v0  }
0x29: {  	[spmem:s8] =	stream.linear.scatter [tilespmem:s22], [sflag:$0x2], $0x4000, $0x38;
	[tilespmem:$0x1F800] =	vst v63  }
0x2a: {  	_ =	swait.ge [sflag:s23], $0x4000  }
0x2b: {  	[sflag:s23] =	ssyncset.done $0x0  }
0x2c: {  	[sflag:s23] =	ssyncadd.s32 $0xFFFFC000  }
0x2d: {  	[spmem:s9] =	stream.linear.scatter [tilespmem:s22], [sflag:$0x2], $0x4000, $0x38;
	[tilespmem:$0x1F800] =	vst v63  }
0x2e: {  	_ =	swait.ge [sflag:s23], $0x4000  }
0x2f: {  	[sflag:s23] =	ssyncset.done $0x0  }
0x30: {  	[sflag:s23] =	ssyncadd.s32 $0xFFFFC000  }
0x31: {  	[spmem:s10] =	stream.linear.scatter [tilespmem:s22], [sflag:$0x2], $0x4000, $0x38;
	[tilespmem:$0x1F800] =	vst v63  }
0x32: {  	_ =	swait.ge [sflag:s23], $0x4000  }
0x33: {  	[sflag:s23] =	ssyncset.done $0x0  }
0x34: {  	[sflag:s23] =	ssyncadd.s32 $0xFFFFC000  }
0x35: {  	[spmem:s11] =	stream.linear.scatter [tilespmem:s22], [sflag:$0x2], $0x4000, $0x38;
	[tilespmem:$0x1F800] =	vst v63  }
0x36: {  	_ =	swait.ge [sflag:s23], $0x4000  }
0x37: {  	[sflag:s23] =	ssyncset.done $0x0  }
0x38: {  	[sflag:s23] =	ssyncadd.s32 $0xFFFFC000  }
0x39: {  	[spmem:s12] =	stream.linear.scatter [tilespmem:s22], [sflag:$0x2], $0x4000, $0x38;
	[tilespmem:$0x1F800] =	vst v63  }
0x3a: {  	_ =	swait.ge [sflag:s23], $0x4000  }
0x3b: {  	[sflag:s23] =	ssyncset.done $0x0  }
0x3c: {  	s2 =	simm.s32 $0x0;
	s14 =	rddreg [dreg:$0x4];
	[sflag:s23] =	ssyncadd.s32 $0xFFFFC000  }
0x3d: {  	[tilespmem:s24], [sflag:$0x2] =	stream.linear.gather [hbm4b:s14+s2], $0x2780, $0x38;
	[tilespmem:$0x1F800] =	vst v63  }
0x3e: {  	_ =	swait.ge [sflag:s23], $0x2780  }
0x3f: {  	[sflag:s23] =	ssyncset.done $0x0  }
0x40: {  	[sflag:s23] =	ssyncadd.s32 $0xFFFFD880  }
0x41: {  	s15 =	rddreg [dreg:$0x0]  }
0x42: {  	[tilespmem:s25], [sflag:$0x2] =	stream.linear.gather [hbm4b:s15+s2], $0x2780, $0x38;
	[tilespmem:$0x1F800] =	vst v63  }
0x43: {  	_ =	swait.ge [sflag:s23], $0x2780  }
0x44: {  	[sflag:s23] =	ssyncset.done $0x0  }
0x45: {  	s16 =	rddreg [dreg:$0x5];
	[sflag:s23] =	ssyncadd.s32 $0xFFFFD880  }
0x46: {  	[tilespmem:s2], [sflag:$0x2] =	stream.linear.gather [hbm4b:s16+s2], $0x1400, $0x38;
	[tilespmem:$0x1F800] =	vst v63  }
0x47: {  	_ =	swait.ge [sflag:s23], $0x1400  }
0x48: {  	[sflag:s23] =	ssyncset.done $0x0  }
0x49: {  	s7 =	simm.s32 $0x1400;
	s26 =	rddreg [dreg:$0x6];
	[sflag:s23] =	ssyncadd.s32 $0xFFFFEC00  }
0x4a: {  	[tilespmem:s7], [sflag:$0x2] =	stream.linear.gather [hbm4b:s26+s2], $0x1400, $0x38;
	[tilespmem:$0x1F800] =	vst v63  }
0x4b: {  	_ =	swait.ge [sflag:s23], $0x1400  }
0x4c: {  	[sflag:s23] =	ssyncset.done $0x0  }
0x4d: {  	[sflag:s23] =	ssyncadd.s32 $0xFFFFEC00  }
0x4e: {  	s0 =	simm.s32 $0x0;
	[bflag:$0x0] =	sbarrier.arrive $0xFFFF  }
.LBB2_4:
0x4f: {  	s7 =	sadd.s32 s13, s0;
	s14 =	sshll.u32 s0, $0x4  }
0x50: {  	s7 =	sshll.u32 s7, $0x4;
	s14 =	sand.u32 $0x70, s14  }
0x51: {  	s7 =	sand.u32 $0xFFFFF80, s7;
	s14 =	sadd.s32 s6, s14  }
0x52: {  	s7 =	sadd.s32 s7, s14  }
0x53: {  	[tilespmem:s28], [sflag:$0x2] =	stream.linear.gather [hbm4b:s7+s2], $0x80, $0x38;
	[tilespmem:$0x1F800] =	vst v63  }
0x54: {  	_ =	swait.ge [sflag:s23], $0x80  }
0x55: {  	[sflag:s23] =	ssyncset.done $0x0  }
0x56: {  	s26 =	sshll.u32 s0, $0x7;
	[sflag:s23] =	ssyncadd.s32 $0xFFFFFF80  }
0x57: {  	[tilespmem:s22], [sflag:$0x1] =	stream.indirect.gather [hbm4b:s3+s29], $0x80, s26, s29, $0xb8;
	[tilespmem:$0x1F800] =	vst v63  }
0x58: {  	_ =	swait.ge [sflag:s30], $0x4000  }
0x59: {  	[sflag:s30] =	ssyncset.done $0x0  }
0x5a: {  	[sflag:s30] =	ssyncadd.s32 $0xFFFFC000  }
0x5b: {  	v1 =	vld [tilespmem:s26+$0x0]  }
0x5c: {  	v2 =	vld [tilespmem:s26+$0x1400];
	_ =	sdelay $0x6  }
0x5d: {  	v1 =	vld.idx.msk [tilespmem:v1+s24+$0x0], $0xffff  }
0x5e: {  	v2 =	vld.idx.msk [tilespmem:v2+s25+$0x0], $0xffff;
	_ =	sdelay $0x4  }
0x5f: {  	v1 =	vadd.f32 v2, v1;
	_ =	sdelay $0x1  }
0x60: {  	v1 =	vsub.f32 $0.0e+00, v1;
	_ =	sdelay $0x1  }
0x61: {  	v1 =	vmul.f32 $1.442695020e+00, v1;
	_ =	sdelay $0x1  }
0x62: {  	(erf) = vpow2.f32 v1;
	_ =	sdelay $0x8  }
0x63: {  	v1 =	vpop (erf)  }
0x64: {  	v1 =	vadd.f32 $1.000000000e+00, v1;
	_ =	sdelay $0x1  }
0x65: {  	(erf) = vrcp.f32 v1;
	_ =	sdelay $0x4  }
0x66: {  	v1 =	vld [tilespmem:$0x2800];
	_ =	sdelay $0x3  }
0x67: {  	v2 =	vpop (erf)  }
0x68: {  	v1 =	vmul.f32 v2, v1;
	_ =	sdelay $0x1  }
0x69: {  	[tilespmem:$0x2880] =	vst v1  }
0x6a: {  	v1 =	vld [tilespmem:s26+$0x10]  }
0x6b: {  	v2 =	vld [tilespmem:s26+$0x1410];
	_ =	sdelay $0x6  }
0x6c: {  	v1 =	vld.idx.msk [tilespmem:v1+s24+$0x0], $0xffff  }
0x6d: {  	v2 =	vld.idx.msk [tilespmem:v2+s25+$0x0], $0xffff;
	_ =	sdelay $0x4  }
0x6e: {  	v1 =	vadd.f32 v2, v1;
	_ =	sdelay $0x1  }
0x6f: {  	v1 =	vsub.f32 $0.0e+00, v1;
	_ =	sdelay $0x1  }
0x70: {  	v1 =	vmul.f32 $1.442695020e+00, v1;
	_ =	sdelay $0x1  }
0x71: {  	(erf) = vpow2.f32 v1;
	_ =	sdelay $0x8  }
0x72: {  	v1 =	vpop (erf)  }
0x73: {  	v1 =	vadd.f32 $1.000000000e+00, v1;
	_ =	sdelay $0x1  }
0x74: {  	(erf) = vrcp.f32 v1;
	_ =	sdelay $0x4  }
0x75: {  	v1 =	vld [tilespmem:$0x2810];
	_ =	sdelay $0x3  }
0x76: {  	v2 =	vpop (erf)  }
0x77: {  	v1 =	vmul.f32 v2, v1;
	_ =	sdelay $0x1  }
0x78: {  	[tilespmem:$0x2890] =	vst v1  }
0x79: {  	v1 =	vld [tilespmem:s26+$0x20]  }
0x7a: {  	v2 =	vld [tilespmem:s26+$0x1420];
	_ =	sdelay $0x6  }
0x7b: {  	v1 =	vld.idx.msk [tilespmem:v1+s24+$0x0], $0xffff  }
0x7c: {  	v2 =	vld.idx.msk [tilespmem:v2+s25+$0x0], $0xffff;
	_ =	sdelay $0x4  }
0x7d: {  	v1 =	vadd.f32 v2, v1;
	_ =	sdelay $0x1  }
0x7e: {  	v1 =	vsub.f32 $0.0e+00, v1;
	_ =	sdelay $0x1  }
0x7f: {  	v1 =	vmul.f32 $1.442695020e+00, v1;
	_ =	sdelay $0x1  }
0x80: {  	(erf) = vpow2.f32 v1;
	_ =	sdelay $0x8  }
0x81: {  	v1 =	vpop (erf)  }
0x82: {  	v1 =	vadd.f32 $1.000000000e+00, v1;
	_ =	sdelay $0x1  }
0x83: {  	(erf) = vrcp.f32 v1;
	_ =	sdelay $0x4  }
0x84: {  	v1 =	vld [tilespmem:$0x2820];
	_ =	sdelay $0x3  }
0x85: {  	v2 =	vpop (erf)  }
0x86: {  	v1 =	vmul.f32 v2, v1;
	_ =	sdelay $0x1  }
0x87: {  	[tilespmem:$0x28A0] =	vst v1  }
0x88: {  	v1 =	vld [tilespmem:s26+$0x30]  }
0x89: {  	v2 =	vld [tilespmem:s26+$0x1430];
	_ =	sdelay $0x6  }
0x8a: {  	v1 =	vld.idx.msk [tilespmem:v1+s24+$0x0], $0xffff  }
0x8b: {  	v2 =	vld.idx.msk [tilespmem:v2+s25+$0x0], $0xffff;
	_ =	sdelay $0x4  }
0x8c: {  	v1 =	vadd.f32 v2, v1;
	_ =	sdelay $0x1  }
0x8d: {  	v1 =	vsub.f32 $0.0e+00, v1;
	_ =	sdelay $0x1  }
0x8e: {  	v1 =	vmul.f32 $1.442695020e+00, v1;
	_ =	sdelay $0x1  }
0x8f: {  	(erf) = vpow2.f32 v1;
	_ =	sdelay $0x8  }
0x90: {  	v1 =	vpop (erf)  }
0x91: {  	v1 =	vadd.f32 $1.000000000e+00, v1;
	_ =	sdelay $0x1  }
0x92: {  	(erf) = vrcp.f32 v1;
	_ =	sdelay $0x4  }
0x93: {  	v1 =	vld [tilespmem:$0x2830];
	_ =	sdelay $0x3  }
0x94: {  	v2 =	vpop (erf)  }
0x95: {  	v1 =	vmul.f32 v2, v1;
	_ =	sdelay $0x1  }
0x96: {  	[tilespmem:$0x28B0] =	vst v1  }
0x97: {  	v1 =	vld [tilespmem:s26+$0x40]  }
0x98: {  	v2 =	vld [tilespmem:s26+$0x1440];
	_ =	sdelay $0x6  }
0x99: {  	v1 =	vld.idx.msk [tilespmem:v1+s24+$0x0], $0xffff  }
0x9a: {  	v2 =	vld.idx.msk [tilespmem:v2+s25+$0x0], $0xffff;
	_ =	sdelay $0x4  }
0x9b: {  	v1 =	vadd.f32 v2, v1;
	_ =	sdelay $0x1  }
0x9c: {  	v1 =	vsub.f32 $0.0e+00, v1;
	_ =	sdelay $0x1  }
0x9d: {  	v1 =	vmul.f32 $1.442695020e+00, v1;
	_ =	sdelay $0x1  }
0x9e: {  	(erf) = vpow2.f32 v1;
	_ =	sdelay $0x8  }
0x9f: {  	v1 =	vpop (erf)  }
0xa0: {  	v1 =	vadd.f32 $1.000000000e+00, v1;
	_ =	sdelay $0x1  }
0xa1: {  	(erf) = vrcp.f32 v1;
	_ =	sdelay $0x4  }
0xa2: {  	v1 =	vld [tilespmem:$0x2840];
	_ =	sdelay $0x3  }
0xa3: {  	v2 =	vpop (erf)  }
0xa4: {  	v1 =	vmul.f32 v2, v1;
	_ =	sdelay $0x1  }
0xa5: {  	[tilespmem:$0x28C0] =	vst v1  }
0xa6: {  	v1 =	vld [tilespmem:s26+$0x50]  }
0xa7: {  	v2 =	vld [tilespmem:s26+$0x1450];
	_ =	sdelay $0x6  }
0xa8: {  	v1 =	vld.idx.msk [tilespmem:v1+s24+$0x0], $0xffff  }
0xa9: {  	v2 =	vld.idx.msk [tilespmem:v2+s25+$0x0], $0xffff;
	_ =	sdelay $0x4  }
0xaa: {  	v1 =	vadd.f32 v2, v1;
	_ =	sdelay $0x1  }
0xab: {  	v1 =	vsub.f32 $0.0e+00, v1;
	_ =	sdelay $0x1  }
0xac: {  	v1 =	vmul.f32 $1.442695020e+00, v1;
	_ =	sdelay $0x1  }
0xad: {  	(erf) = vpow2.f32 v1;
	_ =	sdelay $0x8  }
0xae: {  	v1 =	vpop (erf)  }
0xaf: {  	v1 =	vadd.f32 $1.000000000e+00, v1;
	_ =	sdelay $0x1  }
0xb0: {  	(erf) = vrcp.f32 v1;
	_ =	sdelay $0x4  }
0xb1: {  	v1 =	vld [tilespmem:$0x2850];
	_ =	sdelay $0x3  }
0xb2: {  	v2 =	vpop (erf)  }
0xb3: {  	v1 =	vmul.f32 v2, v1;
	_ =	sdelay $0x1  }
0xb4: {  	[tilespmem:$0x28D0] =	vst v1  }
0xb5: {  	v1 =	vld [tilespmem:s26+$0x60]  }
0xb6: {  	v2 =	vld [tilespmem:s26+$0x1460];
	_ =	sdelay $0x6  }
0xb7: {  	v1 =	vld.idx.msk [tilespmem:v1+s24+$0x0], $0xffff  }
0xb8: {  	v2 =	vld.idx.msk [tilespmem:v2+s25+$0x0], $0xffff;
	_ =	sdelay $0x4  }
0xb9: {  	v1 =	vadd.f32 v2, v1;
	_ =	sdelay $0x1  }
0xba: {  	v1 =	vsub.f32 $0.0e+00, v1;
	_ =	sdelay $0x1  }
0xbb: {  	v1 =	vmul.f32 $1.442695020e+00, v1;
	_ =	sdelay $0x1  }
0xbc: {  	(erf) = vpow2.f32 v1;
	_ =	sdelay $0x8  }
0xbd: {  	v1 =	vpop (erf)  }
0xbe: {  	v1 =	vadd.f32 $1.000000000e+00, v1;
	_ =	sdelay $0x1  }
0xbf: {  	(erf) = vrcp.f32 v1;
	_ =	sdelay $0x4  }
0xc0: {  	v1 =	vld [tilespmem:$0x2860];
	_ =	sdelay $0x3  }
0xc1: {  	v2 =	vpop (erf)  }
0xc2: {  	v1 =	vmul.f32 v2, v1;
	_ =	sdelay $0x1  }
0xc3: {  	[tilespmem:$0x28E0] =	vst v1  }
0xc4: {  	v1 =	vld [tilespmem:s26+$0x70]  }
0xc5: {  	v2 =	vld [tilespmem:s26+$0x1470];
	_ =	sdelay $0x6  }
0xc6: {  	v1 =	vld.idx.msk [tilespmem:v1+s24+$0x0], $0xffff  }
0xc7: {  	v2 =	vld.idx.msk [tilespmem:v2+s25+$0x0], $0xffff;
	_ =	sdelay $0x4  }
0xc8: {  	v1 =	vadd.f32 v2, v1;
	_ =	sdelay $0x1  }
0xc9: {  	v1 =	vsub.f32 $0.0e+00, v1;
	_ =	sdelay $0x1  }
0xca: {  	v1 =	vmul.f32 $1.442695020e+00, v1;
	_ =	sdelay $0x1  }
0xcb: {  	(erf) = vpow2.f32 v1;
	_ =	sdelay $0x8  }
0xcc: {  	v1 =	vpop (erf)  }
0xcd: {  	v1 =	vadd.f32 $1.000000000e+00, v1;
	_ =	sdelay $0x1  }
0xce: {  	(erf) = vrcp.f32 v1;
	_ =	sdelay $0x4  }
0xcf: {  	v1 =	vld [tilespmem:$0x2870];
	_ =	sdelay $0x3  }
0xd0: {  	v2 =	vpop (erf)  }
0xd1: {  	v1 =	vmul.f32 v2, v1  }
0xd2: {  	v2 =	vmov s2  }
0xd3: {  	s7 =	simm.s32 $0x2940;
	[tilespmem:$0x28F0] =	vst v1  }
0xd4: {  	v5 =	vld [tilespmem:s7+$0x30]  }
0xd5: {  	v8 =	vld [tilespmem:s7+$0x10]  }
0xd6: {  	v6 =	vld [tilespmem:s7+$0xFFFFFFC0]  }
0xd7: {  	v2 =	vld.idx.msk [tilespmem:v2+s31+$0x0], $0xffff  }
0xd8: {  	v10 =	vld [tilespmem:s7+$0xFFFFFFE0]  }
0xd9: {  	v1 =	vld [tilespmem:s7+$0xFFFFFFF0]  }
0xda: {  	v3 =	vld [tilespmem:s7+$0x20]  }
0xdb: {  	v4 =	vld [tilespmem:s7+$0xFFFFFFD0]  }
0xdc: {  	v9 =	vmul.f32 v5, v2;
	v5 =	vld [tilespmem:s7+$0x0]  }
0xdd: {  	v7 =	vmul.f32 v6, v2  }
0xde: {  	s15 =	simm.s32 $0x2940;
	s14 =	simm.s32 $0x1;
	s26 =	sadd.s32 $0x1400, s26;
	v6 =	vmul.f32 v10, v2;
	v8 =	vmul.f32 v8, v2  }
.LBB2_5:
0xdf: {  	p0 =	sne.s32 s14, $0x7F  }
0xe0: {  	v4 =	vmul.f32 v4, v2;
	v3 =	vmul.f32 v3, v2;
	[tilespmem:s7+$0x30] =	vst v9;
	s15 =	sadd.s32 $0x80, s15;
	s16 =	smov.u32 s14;
	s14 =	sadd.s32 $0x1, s14  }
0xe1: {  	[tilespmem:s7+$0xFFFFFFC0] =	vst v7;
	v7 =	vmul.f32 v1, v2;
	v2 =	vmul.f32 v5, v2  }
0xe2: {  	[tilespmem:s7+$0x10] =	vst v8  }
0xe3: {  	v5 =	vmov s16;
	[tilespmem:s7+$0xFFFFFFE0] =	vst v6  }
0xe4: {  	v1 =	vld [tilespmem:s15+$0xFFFFFFF0];
	[tilespmem:s7+$0xFFFFFFF0] =	vst v7  }
0xe5: {  	v6 =	vld [tilespmem:s15+$0x30];
	[tilespmem:s7+$0x0] =	vst v2  }
0xe6: {  	v8 =	vld [tilespmem:s15+$0x10];
	[tilespmem:s7+$0x20] =	vst v3  }
0xe7: {  	v7 =	vld [tilespmem:s15+$0xFFFFFFC0];
	[tilespmem:s7+$0xFFFFFFD0] =	vst v4;
	s7 =	smov.u32 s15  }
0xe8: {  	v2 =	vld.idx.msk [tilespmem:v5+s31+$0x0], $0xffff  }
0xe9: {  	v10 =	vld [tilespmem:s15+$0xFFFFFFE0]  }
0xea: {  	v3 =	vld [tilespmem:s15+$0x20]  }
.Ltmp1:
0xeb: {  	v4 =	vld [tilespmem:s15+$0xFFFFFFD0];
	(pc) =	sbr.rel @p0 .LBB2_5-.Ltmp1, $3  }
0xec: {  	v5 =	vld [tilespmem:s15+$0x0];
	_ =	sdelay $0x1  }
0xed: {  	v7 =	vmul.f32 v7, v2;
	v9 =	vmul.f32 v6, v2  }
0xee: {  	v8 =	vmul.f32 v8, v2;
	v6 =	vmul.f32 v10, v2  }
0xef: {  	[tilespmem:s7+$0x30] =	vst v9  }
0xf0: {  	[tilespmem:s7+$0xFFFFFFC0] =	vst v7  }
0xf1: {  	v1 =	vmul.f32 v1, v2;
	[tilespmem:s7+$0x10] =	vst v8  }
0xf2: {  	v3 =	vmul.f32 v3, v2;
	[tilespmem:s7+$0xFFFFFFE0] =	vst v6  }
0xf3: {  	v5 =	vmul.f32 v5, v2;
	[tilespmem:s7+$0xFFFFFFF0] =	vst v1  }
0xf4: {  	s0 =	sadd.s32 $0x1, s0;
	v1 =	vmul.f32 v4, v2;
	[tilespmem:s7+$0x20] =	vst v3  }
0xf5: {  	p0 =	sne.s32 s0, $0x28;
	[tilespmem:s7+$0x0] =	vst v5  }
.Ltmp2:
0xf6: {  	[tilespmem:s7+$0xFFFFFFD0] =	vst v1;
	(pc) =	sbr.rel @p0 .LBB2_4-.Ltmp2, $4  }
0xf7: {  	[spmem:s4] =	stream.indirect.scatter.add.f32 [tilespmem:s22], [sflag:$0x2], $0x80, s26, s29, $0xb8;
	[tilespmem:$0x1F800] =	vst v63  }
0xf8: {  	_ =	swait.ge [sflag:s23], $0x4000  }
0xf9: {  	[sflag:s23] =	ssyncset.done $0x0  }
0xfa: {  	[sflag:s23] =	ssyncadd.s32 $0xFFFFC000  }
0xfb: {  	[bflag:$0x0] =	sbarrier.arrive $0xFFFF  }
0xfc: {  	[tilespmem:s22], [sflag:$0x2] =	stream.linear.gather [spmem:s8], $0x4000, $0x38;
	[tilespmem:$0x1F800] =	vst v63  }
0xfd: {  	_ =	swait.ge [sflag:s23], $0x4000  }
0xfe: {  	[sflag:s23] =	ssyncset.done $0x0  }
0xff: {  	s0 =	rddreg [dreg:$0x7];
	[sflag:s23] =	ssyncadd.s32 $0xFFFFC000  }
0x100: {  	[hbm4b:s0+s5] =	stream.linear.scatter [tilespmem:s22], [sflag:$0x2], $0x4000, $0x38;
	[tilespmem:$0x1F800] =	vst v63  }
0x101: {  	_ =	swait.ge [sflag:s23], $0x4000  }
0x102: {  	[sflag:s23] =	ssyncset.done $0x0  }
0x103: {  	[sflag:s23] =	ssyncadd.s32 $0xFFFFC000  }
0x104: {  	[tilespmem:s22], [sflag:$0x2] =	stream.linear.gather [spmem:s9], $0x4000, $0x38;
	[tilespmem:$0x1F800] =	vst v63  }
0x105: {  	_ =	swait.ge [sflag:s23], $0x4000  }
0x106: {  	[sflag:s23] =	ssyncset.done $0x0  }
0x107: {  	[sflag:s23] =	ssyncadd.s32 $0xFFFFC000  }
0x108: {  	[hbm4b:s17+s5] =	stream.linear.scatter [tilespmem:s22], [sflag:$0x2], $0x4000, $0x38;
	[tilespmem:$0x1F800] =	vst v63  }
0x109: {  	_ =	swait.ge [sflag:s23], $0x4000  }
0x10a: {  	[sflag:s23] =	ssyncset.done $0x0  }
0x10b: {  	[sflag:s23] =	ssyncadd.s32 $0xFFFFC000  }
0x10c: {  	[tilespmem:s22], [sflag:$0x2] =	stream.linear.gather [spmem:s10], $0x4000, $0x38;
	[tilespmem:$0x1F800] =	vst v63  }
0x10d: {  	_ =	swait.ge [sflag:s23], $0x4000  }
0x10e: {  	[sflag:s23] =	ssyncset.done $0x0  }
0x10f: {  	[sflag:s23] =	ssyncadd.s32 $0xFFFFC000  }
0x110: {  	[hbm4b:s18+s5] =	stream.linear.scatter [tilespmem:s22], [sflag:$0x2], $0x4000, $0x38;
	[tilespmem:$0x1F800] =	vst v63  }
0x111: {  	_ =	swait.ge [sflag:s23], $0x4000  }
0x112: {  	[sflag:s23] =	ssyncset.done $0x0  }
0x113: {  	[sflag:s23] =	ssyncadd.s32 $0xFFFFC000  }
0x114: {  	[tilespmem:s22], [sflag:$0x2] =	stream.linear.gather [spmem:s11], $0x4000, $0x38;
	[tilespmem:$0x1F800] =	vst v63  }
0x115: {  	_ =	swait.ge [sflag:s23], $0x4000  }
0x116: {  	[sflag:s23] =	ssyncset.done $0x0  }
0x117: {  	[sflag:s23] =	ssyncadd.s32 $0xFFFFC000  }
0x118: {  	[hbm4b:s19+s5] =	stream.linear.scatter [tilespmem:s22], [sflag:$0x2], $0x4000, $0x38;
	[tilespmem:$0x1F800] =	vst v63  }
0x119: {  	_ =	swait.ge [sflag:s23], $0x4000  }
0x11a: {  	[sflag:s23] =	ssyncset.done $0x0  }
0x11b: {  	[sflag:s23] =	ssyncadd.s32 $0xFFFFC000  }
0x11c: {  	[tilespmem:s22], [sflag:$0x2] =	stream.linear.gather [spmem:s12], $0x4000, $0x38;
	[tilespmem:$0x1F800] =	vst v63  }
0x11d: {  	s1 =	sadd.s32 $0x1, s1;
	_ =	swait.ge [sflag:s23], $0x4000  }
0x11e: {  	p0 =	sne.s32 s1, s21;
	[sflag:s23] =	ssyncset.done $0x0  }
.Ltmp3:
0x11f: {  	[sflag:s23] =	ssyncadd.s32 $0xFFFFC000;
	(pc) =	sbr.rel @p0 .LBB2_1-.Ltmp3, $4  }
0x120: {  	[hbm4b:s20+s5] =	stream.linear.scatter [tilespmem:s22], [sflag:$0x2], $0x4000, $0x38;
	[tilespmem:$0x1F800] =	vst v63  }
0x121: {  	_ =	swait.ge [sflag:s23], $0x4000  }
0x122: {  	[sflag:s23] =	ssyncset.done $0x0  }
0x123: {  	[sflag:s23] =	ssyncadd.s32 $0xFFFFC000  }
0x124: {  	_ =	sfence.sel $0x180000  }
0x125: {  	[bflag:$0x0] =	sbarrier.arrive $0xFFFF  }
0x126: {  	_ =	strace $0x9000004A  }
0x127: {  	s0 =	stileid.u32;
	[bflag:$0x2] =	sbarrier.arrive $0xFFFF  }
0x128: {  	p0 =	sne.s32 s0, $0x0;
	s0 =	rddreg [dreg:$0x3]  }
0x129: {  	s0 =	sadd.s32 @!p0 $0x100000, s0  }
0x12a: {  	[sflag:s0] =	ssyncadd.tile.s32 @!p0 $0x1;
	_ =	shalt  }
.Lfunc_end2:
_tile_overlayer_lowered:
.L_overlay_start_2:
0x12b: {  	(tag) =	ssettag $0x2  }
0x12c: {  	s0 =	rddreg [dreg:$0x0];
	s2 =	stileid.u32  }
0x12d: {  	s1 =	rddreg [dreg:$0x1];
	p0 =	sne.s32 s2, $0x0  }
0x12e: {  	s3 =	rddreg [dreg:$0x2];
	[bflag:$0x3] =	sbarrier.arrive $0xFFFF;
	s2 =	simm.s32 @!p0 $0x1C02  }
0x12f: {  	[timem:s3], [sflag:s2] =	dma.local @!p0 [hbm:s0], s1  }
0x130: {  	s0 =	simm.s32 @!p0 $0x2  }
0x131: {  	_ =	swait.ge @!p0 [sflag:s0], s1  }
0x132: {  	s1 =	ssub.s32 @!p0 $0x0, s1;
	[sflag:s0] =	ssyncset.done @!p0 $0x0  }
0x133: {  	[sflag:s0] =	ssyncadd.s32 @!p0 s1  }
0x134: {  	[bflag:$0x3] =	sbarrier.arrive $0xFFFF  }
0x135: {  	_ =	shalt  }

// kernel: kernel.15.cloned.1.call-start
scs
__scs_entry_jumppad:
0x0: {  	(pc) =	sbr.rel $0x88, $3  }
0x1: {  	(tag) =	ssettag $0x0;
	lr =	simm.s32 $0x1  }
0x2: {  	[smem:$0x3F92] =	sst lr;
	_ =	strace $0xD0000000  }
0x3: {  	_ = 	snop  }
0x4: {  	_ = 	snop  }
0x5: {  	_ = 	snop  }
0x6: {  	_ = 	snop  }
0x7: {  	_ = 	snop  }
__scs_overlays_trampoline_lowered:
0x8: {  	[smem:$0x3FA1] =	sst s0  }
0x9: {  	[smem:$0x3FA2] =	sst s1  }
0xa: {  	[smem:$0x3FA3] =	sst s2  }
0xb: {  	[smem:$0x3FA4] =	sst s3  }
0xc: {  	[smem:$0x3FA5] =	sst s4  }
0xd: {  	[smem:$0x3FA6] =	sst s5  }
0xe: {  	[smem:$0x3FA7] =	sst s6  }
0xf: {  	[smem:$0x3FA8] =	sst s7  }
0x10: {  	[smem:$0x3FA9] =	sst s8  }
0x11: {  	[smem:$0x3FAA] =	sst s9;
	s0 =	simm.s32 @!p0 $0x0  }
0x12: {  	s1 =	sld [smem:$0x3F90];
	s0 =	simm.s32 @p0 $0x1  }
0x13: {  	[smem:$0x3FAB] =	sst s0;
	s0 =	simm.s32 @!p1 $0x0  }
0x14: {  	s2 =	sld [smem:$0x3F8F];
	s0 =	simm.s32 @p1 $0x1  }
0x15: {  	[smem:$0x3FAC] =	sst s0;
	s0 =	simm.s32 @!p2 $0x0  }
0x16: {  	s3 =	sld [smem:$0x3FDB];
	s0 =	simm.s32 @p2 $0x1  }
0x17: {  	s4 =	simm.s32 $0x1BF5;
	[smem:$0x3FAE] =	sst s0  }
0x18: {  	s0 =	sld [smem:$0x3F91];
	_ =	swait.ge [sflag:s4], $0x0  }
0x19: {  	s7 =	sld [smem:$0x3F92]  }
0x1a: {  	s8 =	sadd.s32 $0xFFFFE003, lr  }
0x1b: {  	s9 =	sadd.s32 $0xFFFFFEF7, lr;
	s5 =	simm.s32 $0xFFFFFFFF;
	p2 =	slt.u32 s8, $0xFFFFF086  }
0x1c: {  	p1 =	slt.u32 s9, $0xF7A;
	s5 =	simm.s32 @!p2 $0x0  }
0x1d: {  	s5 =	simm.s32 @p1 $0x1;
	p0 =	seq.s32 s7, s2  }
0x1e: {  	s7 =	smul.u32 @!p0 $0xF7A, s2;
	p2 =	seq.s32 @!p0 s5, $0x0  }
0x1f: {  	s9 =	smul.u32 $0xF7A, s1;
	s8 =	simm.s32 @!p0 $0x1BF5;
	p2 =	por !p2, p0  }
0x20: {  	[sflag:s8] =	ssyncset.s32 @!p0 $0xFFFFF086;
	s6 =	sadd.s32 @!p0 s3, s7;
	s7 =	simm.s32 @!p0 $0x108  }
0x21: {  	s3 =	sadd.s32 s3, s9;
	s6 =	sadd.s32 @!p0 $0x88, s6;
	s7 =	simm.s32 @p2 $0x1082  }
0x22: {  	[simem:s7], [sflag:s8] =	dma.local @!p0 [hbm:s6], $0xF7A  }
0x23: {  	s9 =	sor.u32 $0xD0000000, s2;
	s6 =	simm.s32 $0x108;
	_ =	swait.ge @!p0 [sflag:s8], $0x0  }
0x24: {  	s3 =	sadd.s32 $0x88, s3;
	s6 =	simm.s32 @!p1 $0x1082;
	[sflag:s4] =	ssyncset.s32 $0xFFFFF086  }
0x25: {  	[simem:s6], [sflag:s4] =	dma.local [hbm:s3], $0xF7A  }
0x26: {  	[smem:$0x3F92] =	sst s1;
	(tag) =	ssettag s2;
	_ =	strace s9  }
0x27: {  	s1 =	sld [smem:$0x3FA2]  }
0x28: {  	s2 =	sld [smem:$0x3FA3]  }
0x29: {  	s4 =	sld [smem:$0x3FA5]  }
0x2a: {  	p0 =	seq.s32 s5, $0x0;
	s5 =	sld [smem:$0x3FA6]  }
0x2b: {  	s6 =	sld [smem:$0x3FA7]  }
0x2c: {  	s7 =	sld [smem:$0x3FA8]  }
0x2d: {  	s3 =	simm.s32 $0x108;
	s8 =	sld [smem:$0x3FA9]  }
0x2e: {  	s3 =	simm.s32 @!p0 $0x1082;
	s9 =	sld [smem:$0x3FAA]  }
0x2f: {  	lr =	sadd.s32 s0, s3;
	s0 =	sld [smem:$0x3FA1]  }
0x30: {  	s3 =	sld [smem:$0x3FA4]  }
0x31: {  	[smem:$0x3FAD] =	sst s10  }
0x32: {  	s10 =	sld [smem:$0x3FAB];
	_ =	sdelay $0x3  }
0x33: {  	p0 =	seq.s32 s10, $0x1;
	s10 =	sld [smem:$0x3FAD];
	_ =	sdelay $0x3  }
0x34: {  	[smem:$0x3FAD] =	sst s10  }
0x35: {  	s10 =	sld [smem:$0x3FAC];
	_ =	sdelay $0x3  }
0x36: {  	p1 =	seq.s32 s10, $0x1;
	s10 =	sld [smem:$0x3FAD];
	_ =	sdelay $0x3  }
0x37: {  	[smem:$0x3FAD] =	sst s10  }
0x38: {  	s10 =	sld [smem:$0x3FAE]  }
0x39: {  	_ = 	snop;
	(pc) =	sbr.ind lr, $3  }
0x3a: {  	_ = 	snop  }
0x3b: {  	_ = 	snop  }
0x3c: {  	p2 =	seq.s32 s10, $0x1;
	s10 =	sld [smem:$0x3FAD]  }
0x3d: {  	_ =	shalt  }
0x3e: {  	_ =	shalt  }
0x3f: {  	_ =	shalt  }
0x40: {  	_ =	shalt  }
0x41: {  	_ =	shalt  }
0x42: {  	_ =	shalt  }
0x43: {  	_ =	shalt  }
0x44: {  	_ =	shalt  }
0x45: {  	_ =	shalt  }
0x46: {  	_ =	shalt  }
0x47: {  	_ =	shalt  }
0x48: {  	_ =	shalt  }
0x49: {  	_ =	shalt  }
0x4a: {  	_ =	shalt  }
0x4b: {  	_ =	shalt  }
0x4c: {  	_ =	shalt  }
0x4d: {  	_ =	shalt  }
0x4e: {  	_ =	shalt  }
0x4f: {  	_ =	shalt  }
0x50: {  	_ =	shalt  }
0x51: {  	_ =	shalt  }
0x52: {  	_ =	shalt  }
0x53: {  	_ =	shalt  }
0x54: {  	_ =	shalt  }
0x55: {  	_ =	shalt  }
0x56: {  	_ =	shalt  }
0x57: {  	_ =	shalt  }
0x58: {  	_ =	shalt  }
0x59: {  	_ =	shalt  }
0x5a: {  	_ =	shalt  }
0x5b: {  	_ =	shalt  }
0x5c: {  	_ =	shalt  }
0x5d: {  	_ =	shalt  }
0x5e: {  	_ =	shalt  }
0x5f: {  	_ =	shalt  }
0x60: {  	_ =	shalt  }
0x61: {  	_ =	shalt  }
0x62: {  	_ =	shalt  }
0x63: {  	_ =	shalt  }
0x64: {  	_ =	shalt  }
0x65: {  	_ =	shalt  }
0x66: {  	_ =	shalt  }
0x67: {  	_ =	shalt  }
0x68: {  	_ =	shalt  }
0x69: {  	_ =	shalt  }
0x6a: {  	_ =	shalt  }
0x6b: {  	_ =	shalt  }
0x6c: {  	_ =	shalt  }
0x6d: {  	_ =	shalt  }
0x6e: {  	_ =	shalt  }
0x6f: {  	_ =	shalt  }
0x70: {  	_ =	shalt  }
0x71: {  	_ =	shalt  }
0x72: {  	_ =	shalt  }
0x73: {  	_ =	shalt  }
0x74: {  	_ =	shalt  }
0x75: {  	_ =	shalt  }
0x76: {  	_ =	shalt  }
0x77: {  	_ =	shalt  }
0x78: {  	_ =	shalt  }
0x79: {  	_ =	shalt  }
0x7a: {  	_ =	shalt  }
0x7b: {  	_ =	shalt  }
0x7c: {  	_ =	shalt  }
0x7d: {  	_ =	shalt  }
0x7e: {  	_ =	shalt  }
0x7f: {  	_ =	shalt  }
0x80: {  	_ =	shalt  }
0x81: {  	_ =	shalt  }
0x82: {  	_ =	shalt  }
0x83: {  	_ =	shalt  }
0x84: {  	_ =	shalt  }
0x85: {  	_ =	shalt  }
0x86: {  	_ =	shalt  }
0x87: {  	_ =	shalt  }
.Lfunc_end0:
.L_simem_size_0:
called_computation.2_lowered:
.L_overlay_start_0:
0x88: {  	s2 =	sld [smem:$0x3FD9]  }
0x89: {  	s3 =	sld [smem:$0x3FFE];
	_ =	sdelay $0x1  }
0x8a: {  	s1 =	srdreg.scid  }
0x8b: {  	s0 =	sand.u32 $0x1, s1  }
0x8c: {  	s14 =	sshll.u32 s0, $0xA;
	s2 =	sadd.s32 s3, s2  }
0x8d: {  	s2 =	sadd.s32 s2, s14  }
0x8e: {  	[smem:$0x3FB9] =	sst s2  }
0x8f: {  	_ = 	snop  }
0x90: {  	s2 =	sld [smem:$0x3FD0];
	_ =	sdelay $0x2  }
0x91: {  	s15 =	simm.s32 $0xA;
	s4 =	simm.s32 $0x10  }
0x92: {  	[smem:s4], [sflag:s15] =	dma.local [hbm:s2], $0x1  }
0x93: {  	_ =	swait.eq [sflag:s15], $0x1  }
0x94: {  	[sflag:s15] =	ssyncset.done $0x0  }
0x95: {  	[sflag:s15] =	ssyncadd.s32 $0xFFFFFFFF  }
0x96: {  	s16 =	sld [smem:$0x11];
	(tm) =	ssettm $0x1  }
0x97: {  	s17 =	sld [smem:$0x3FFB];
	_ =	sdelay $0x3  }
0x98: {  	_ =	strace s17  }
0x99: {  	s3 =	sld [smem:$0x3FFC];
	_ =	sdelay $0x3  }
0x9a: {  	_ =	strace s3  }
0x9b: {  	s3 =	sld [smem:$0x3FFD];
	_ =	sdelay $0x3  }
0x9c: {  	_ =	strace s3  }
0x9d: {  	_ =	strace $0x8FFFFFFF  }
0x9e: {  	s18 =	sld [smem:$0x3FDB];
	_ =	sdelay $0x1  }
0x9f: {  	s19 =	simm.s32 $_scs_section_size  }
0xa0: {  	s5 =	simm.s32 $_size__tile_overlayer_lowered;
	s6 =	simm.s32 $_tile_overlayer_lowered  }
0xa1: {  	s22 =	simm.s32 $0x1BFF;
	s21 =	sshll.u32 s6, $0x1;
	s3 =	sadd.s32 s19, s18  }
0xa2: {  	s7 =	simm.s32 $0x0;
	s20 =	sshll.u32 s5, $0x1;
	s5 =	sadd.s32 s21, s3  }
0xa3: {  	[timem:s7], [sflag:s22] =	dma.local [hbm:s5], s20  }
0xa4: {  	_ =	swait.ge [sflag:s22], s20  }
0xa5: {  	s4 =	ssub.s32 $0x0, s20;
	[sflag:s22] =	ssyncset.done $0x0  }
0xa6: {  	[sflag:s22] =	ssyncadd.s32 s4;
	_ =	sdelay $0x1  }
0xa7: {  	s23 =	simm.s32 $0x1B8B  }
0xa8: {  	_ =	swait.ge [sflag:s23], $0x1  }
0xa9: {  	[sflag:s23] =	ssyncset.done $0x0  }
0xaa: {  	s25 =	simm.s32 $0x1B8E;
	s24 =	sld [smem:$0x3FFE];
	[sflag:s23] =	ssyncadd.s32 $0xFFFFFFFF  }
0xab: {  	s26 =	simm.s32 $execute0_lowered;
	[smem:$0x3FD2] =	sst s25  }
0xac: {  	s5 =	sshll.u32 s26, $0x1;
	_ =	strace $0x8000004C;
	[dreg:$0x1] =	wrdreg $0xFFFFFFFF  }
0xad: {  	s28 =	simm.s32 $_size_execute0_lowered;
	s3 =	sadd.s32 s3, s5;
	[dreg:$0x0] =	wrdreg $0x0  }
0xae: {  	s5 =	sshll.u32 s28, $0x1;
	[dreg:$0x2] =	wrdreg s3  }
0xaf: {  	[dreg:$0x3] =	wrdreg s5  }
0xb0: {  	[dreg:$0x4] =	wrdreg $0xC0  }
0xb1: {  	_ =	task [dreg:s7], $0x5FFFF  }
0xb2: {  	[dreg:$0x1] =	wrdreg $0xFFFFFFFF  }
0xb3: {  	[dreg:$0x0] =	wrdreg $0x60  }
0xb4: {  	[dreg:$0x2] =	wrdreg s24  }
0xb5: {  	[dreg:$0x3] =	wrdreg s16  }
0xb6: {  	[dreg:$0x4] =	wrdreg $0xB8000  }
0xb7: {  	[dreg:$0x5] =	wrdreg $0x9  }
0xb8: {  	_ =	task.clear_ibuf [dreg:s7], $0x6FFFF;
	_ =	strace $0x9000004C  }
0xb9: {  	s29 =	simm.s32 $0x9;
	_ =	strace $0x8000004E  }
0xba: {  	_ =	swait.ge [sflag:s29], $0x1  }
0xbb: {  	[sflag:s29] =	ssyncadd.s32 $0xFFFFFFFF  }
0xbc: {  	_ =	strace $0x9000004E  }
0xbd: {  	_ =	sfence  }
0xbe: {  	s30 =	sld [smem:$0x0];
	_ =	sdelay $0x2  }
0xbf: {  	s31 =	sshll.u32 s1, $0xD;
	s1 =	sshrl.u32 s1, $0x2  }
0xc0: {  	s3 =	sand.u32 $0x4000, s31;
	s1 =	sadd.s32 s1, s30  }
0xc1: {  	s0 =	sor.u32 s3, s0;
	s1 =	sshll.u32 s1, $0x11  }
0xc2: {  	s0 =	sor.u32 s1, s0  }
0xc3: {  	s0 =	sadd.s32 $0x8F2B, s0  }
0xc4: {  	[sflag:s0] =	ssyncadd.remote.s32 $0x1  }
0xc5: {  	_ =	sfence.sel $0xFFFF  }
0xc6: {  	[dreg:$0x0] =	wrdreg $0xFFFFFFFF;
	(pc) =	sbr.abs _section_cstart, $3  }
0xc7: {  	[dreg:$0x1] =	wrdreg $0xFFFFFFFF  }
0xc8: {  	_ =	task.clear_ibuf [dreg:s7], $0x2FFFF;
	_ =	strace $0x9FFFFFFF  }
0xc9: {  	(tm) =	ssettm $0x7FFFFFFF  }
tec
execute0_lowered:
.L_overlay_start_1:
0x0: {  	(tag) =	ssettag $0x1  }
0x1: {  	s8 =	rddreg [dreg:$0x0]  }
0x2: {  	s3 =	rddreg [dreg:$0x1]  }
0x3: {  	s0 =	srdreg.scid;
	s4 =	rddreg [dreg:$0x2]  }
0x4: {  	s9 =	stileid.u32;
	s5 =	simm.s32 $0x0;
	s28 =	simm.s32 $0x2800  }
0x5: {  	s29 =	simm.s32 $0x80;
	s30 =	simm.s32 $0x1;
	s31 =	simm.s32 $0x2880  }
0x6: {  	s0 =	sand.u32 $0x1, s0;
	[smem:$0x7FF] =	sst s5;
	s7 =	smul.u32 $0x50000, s9  }
0x7: {  	s6 =	sadd.s32 $0xC00, s8;
	s14 =	smul.u32 $0x14000, s9;
	s23 =	sadd.s32 $0x600, s8  }
0x8: {  	s15 =	sadd.s32 $0xFC00, s8;
	s1 =	sshll.u32 s0, $0x4;
	_ =	strace $0x8000004D  }
0x9: {  	[dreg:$0x4] =	wrdreg s23;
	s24 =	ssub.s32 $0x2, s0;
	s0 =	smul.u32 $0x140000, s0  }
0xa: {  	s1 =	sor.u32 s9, s1;
	s25 =	sshrl.u32 s24, $0x1;
	s7 =	sshrl.u32 s7, $0x2  }
0xb: {  	s16 =	sadd.s32 $0x4000, s14;
	s26 =	sadd.s32 $0x8000, s14;
	s18 =	sadd.s32 $0xC000, s14  }
0xc: {  	s19 =	sadd.s32 $0x10000, s14;
	s2 =	smul.u32 $0x280, s1;
	s21 =	ssub.s32 s24, s25  }
0xd: {  	s9 =	sadd.s32 s16, s4;
	s10 =	sadd.s32 s26, s4;
	s11 =	sadd.s32 s18, s4  }
0xe: {  	s12 =	sadd.s32 s19, s4;
	s13 =	smul.u32 $0x28, s1;
	s20 =	sadd.s32 s14, s0  }
0xf: {  	s23 =	sadd.s32 s0, s16;
	s25 =	sadd.s32 s0, s26;
	s26 =	sadd.s32 s0, s18  }
0x10: {  	s0 =	sadd.s32 s0, s19;
	s1 =	sshrl.u32 s20, $0x3;
	s24 =	sshrl.u32 s23, $0x3  }
0x11: {  	s0 =	sshrl.u32 s0, $0x3;
	s21 =	smax.u32 s21, $0x1;
	s23 =	simm.s32 $0x2  }
0x12: {  	s2 =	sadd.s32 s2, s8;
	s8 =	sadd.s32 s7, s4;
	s1 =	sadd.s32 s15, s1  }
0x13: {  	s17 =	sadd.s32 s15, s24;
	s20 =	sadd.s32 s15, s0;
	s24 =	simm.s32 $0x6900  }
0x14: {  	s22 =	sadd.s32 $0xAC00, s2;
	s2 =	sadd.s32 $0x5C00, s2;
	[dreg:$0x7] =	wrdreg s1  }
0x15: {  	s1 =	sshrl.u32 s25, $0x3;
	s25 =	simm.s32 $0x9080;
	[dreg:$0x5] =	wrdreg s22  }
0x16: {  	[dreg:$0x6] =	wrdreg s2;
	s2 =	sshrl.u32 s26, $0x3;
	s18 =	sadd.s32 s15, s1  }
0x17: {  	v0 =	vimm.f32 $0.0e+00;
	s22 =	simm.s32 $0x2900;
	s1 =	simm.s32 $0x0;
	s19 =	sadd.s32 s15, s2  }
.LBB2_1:
0x18: {  	s0 =	simm.s32 $0x0;
	s2 =	simm.s32 $0x200  }
.LBB2_2:
0x19: {  	p0 =	sne.s32 s2, $0xFE00;
	[tilespmem:s0+$0x2970] =	vst v0  }
0x1a: {  	[tilespmem:s0+$0x2900] =	vst v0  }
0x1b: {  	[tilespmem:s0+$0x2910] =	vst v0  }
.Ltmp0:
0x1c: {  	[tilespmem:s0+$0x2920] =	vst v0;
	(pc) =	sbr.rel @p0 .LBB2_2-.Ltmp0, $4  }
0x1d: {  	[tilespmem:s0+$0x2930] =	vst v0  }
0x1e: {  	[tilespmem:s0+$0x2940] =	vst v0  }
0x1f: {  	[tilespmem:s0+$0x2950] =	vst v0  }
0x20: {  	[tilespmem:s0+$0x2960] =	vst v0;
	s0 =	sshra.s32 s2, $0x2;
	s2 =	sadd.s32 $0x200, s2  }
0x21: {  	[tilespmem:s0+$0x2970] =	vst v0  }
0x22: {  	[tilespmem:s0+$0x2900] =	vst v0  }
0x23: {  	[tilespmem:s0+$0x2910] =	vst v0  }
0x24: {  	[tilespmem:s0+$0x2920] =	vst v0  }
0x25: {  	[tilespmem:s0+$0x2930] =	vst v0  }
0x26: {  	[tilespmem:s0+$0x2940] =	vst v0  }
0x27: {  	[tilespmem:s0+$0x2950] =	vst v0  }
0x28: {  	[tilespmem:s0+$0x2960] =	vst v0  }
0x29: {  	[spmem:s8] =	stream.linear.scatter [tilespmem:s22], [sflag:$0x2], $0x4000, $0x38;
	[tilespmem:$0x1F800] =	vst v63  }
0x2a: {  	_ =	swait.ge [sflag:s23], $0x4000  }
0x2b: {  	[sflag:s23] =	ssyncset.done $0x0  }
0x2c: {  	[sflag:s23] =	ssyncadd.s32 $0xFFFFC000  }
0x2d: {  	[spmem:s9] =	stream.linear.scatter [tilespmem:s22], [sflag:$0x2], $0x4000, $0x38;
	[tilespmem:$0x1F800] =	vst v63  }
0x2e: {  	_ =	swait.ge [sflag:s23], $0x4000  }
0x2f: {  	[sflag:s23] =	ssyncset.done $0x0  }
0x30: {  	[sflag:s23] =	ssyncadd.s32 $0xFFFFC000  }
0x31: {  	[spmem:s10] =	stream.linear.scatter [tilespmem:s22], [sflag:$0x2], $0x4000, $0x38;
	[tilespmem:$0x1F800] =	vst v63  }
0x32: {  	_ =	swait.ge [sflag:s23], $0x4000  }
0x33: {  	[sflag:s23] =	ssyncset.done $0x0  }
0x34: {  	[sflag:s23] =	ssyncadd.s32 $0xFFFFC000  }
0x35: {  	[spmem:s11] =	stream.linear.scatter [tilespmem:s22], [sflag:$0x2], $0x4000, $0x38;
	[tilespmem:$0x1F800] =	vst v63  }
0x36: {  	_ =	swait.ge [sflag:s23], $0x4000  }
0x37: {  	[sflag:s23] =	ssyncset.done $0x0  }
0x38: {  	[sflag:s23] =	ssyncadd.s32 $0xFFFFC000  }
0x39: {  	[spmem:s12] =	stream.linear.scatter [tilespmem:s22], [sflag:$0x2], $0x4000, $0x38;
	[tilespmem:$0x1F800] =	vst v63  }
0x3a: {  	_ =	swait.ge [sflag:s23], $0x4000  }
0x3b: {  	[sflag:s23] =	ssyncset.done $0x0  }
0x3c: {  	s2 =	simm.s32 $0x0;
	s14 =	rddreg [dreg:$0x4];
	[sflag:s23] =	ssyncadd.s32 $0xFFFFC000  }
0x3d: {  	[tilespmem:s24], [sflag:$0x2] =	stream.linear.gather [hbm4b:s14+s2], $0x2780, $0x38;
	[tilespmem:$0x1F800] =	vst v63  }
0x3e: {  	_ =	swait.ge [sflag:s23], $0x2780  }
0x3f: {  	[sflag:s23] =	ssyncset.done $0x0  }
0x40: {  	[sflag:s23] =	ssyncadd.s32 $0xFFFFD880  }
0x41: {  	s15 =	rddreg [dreg:$0x0]  }
0x42: {  	[tilespmem:s25], [sflag:$0x2] =	stream.linear.gather [hbm4b:s15+s2], $0x2780, $0x38;
	[tilespmem:$0x1F800] =	vst v63  }
0x43: {  	_ =	swait.ge [sflag:s23], $0x2780  }
0x44: {  	[sflag:s23] =	ssyncset.done $0x0  }
0x45: {  	s16 =	rddreg [dreg:$0x5];
	[sflag:s23] =	ssyncadd.s32 $0xFFFFD880  }
0x46: {  	[tilespmem:s2], [sflag:$0x2] =	stream.linear.gather [hbm4b:s16+s2], $0x1400, $0x38;
	[tilespmem:$0x1F800] =	vst v63  }
0x47: {  	_ =	swait.ge [sflag:s23], $0x1400  }
0x48: {  	[sflag:s23] =	ssyncset.done $0x0  }
0x49: {  	s7 =	simm.s32 $0x1400;
	s26 =	rddreg [dreg:$0x6];
	[sflag:s23] =	ssyncadd.s32 $0xFFFFEC00  }
0x4a: {  	[tilespmem:s7], [sflag:$0x2] =	stream.linear.gather [hbm4b:s26+s2], $0x1400, $0x38;
	[tilespmem:$0x1F800] =	vst v63  }
0x4b: {  	_ =	swait.ge [sflag:s23], $0x1400  }
0x4c: {  	[sflag:s23] =	ssyncset.done $0x0  }
0x4d: {  	[sflag:s23] =	ssyncadd.s32 $0xFFFFEC00  }
0x4e: {  	s0 =	simm.s32 $0x0;
	[bflag:$0x0] =	sbarrier.arrive $0xFFFF  }
.LBB2_4:
0x4f: {  	s7 =	sadd.s32 s13, s0;
	s14 =	sshll.u32 s0, $0x4  }
0x50: {  	s7 =	sshll.u32 s7, $0x4;
	s14 =	sand.u32 $0x70, s14  }
0x51: {  	s7 =	sand.u32 $0xFFFFF80, s7;
	s14 =	sadd.s32 s6, s14  }
0x52: {  	s7 =	sadd.s32 s7, s14  }
0x53: {  	[tilespmem:s28], [sflag:$0x2] =	stream.linear.gather [hbm4b:s7+s2], $0x80, $0x38;
	[tilespmem:$0x1F800] =	vst v63  }
0x54: {  	_ =	swait.ge [sflag:s23], $0x80  }
0x55: {  	[sflag:s23] =	ssyncset.done $0x0  }
0x56: {  	s26 =	sshll.u32 s0, $0x7;
	[sflag:s23] =	ssyncadd.s32 $0xFFFFFF80  }
0x57: {  	[tilespmem:s22], [sflag:$0x1] =	stream.indirect.gather [hbm4b:s3+s29], $0x80, s26, s29, $0xb8;
	[tilespmem:$0x1F800] =	vst v63  }
0x58: {  	_ =	swait.ge [sflag:s30], $0x4000  }
0x59: {  	[sflag:s30] =	ssyncset.done $0x0  }
0x5a: {  	[sflag:s30] =	ssyncadd.s32 $0xFFFFC000  }
0x5b: {  	v1 =	vld [tilespmem:s26+$0x0]  }
0x5c: {  	v2 =	vld [tilespmem:s26+$0x1400];
	_ =	sdelay $0x6  }
0x5d: {  	v1 =	vld.idx.msk [tilespmem:v1+s24+$0x0], $0xffff  }
0x5e: {  	v2 =	vld.idx.msk [tilespmem:v2+s25+$0x0], $0xffff;
	_ =	sdelay $0x4  }
0x5f: {  	v1 =	vadd.f32 v2, v1;
	_ =	sdelay $0x1  }
0x60: {  	v1 =	vsub.f32 $0.0e+00, v1;
	_ =	sdelay $0x1  }
0x61: {  	v1 =	vmul.f32 $1.442695020e+00, v1;
	_ =	sdelay $0x1  }
0x62: {  	(erf) = vpow2.f32 v1;
	_ =	sdelay $0x8  }
0x63: {  	v1 =	vpop (erf)  }
0x64: {  	v1 =	vadd.f32 $1.000000000e+00, v1;
	_ =	sdelay $0x1  }
0x65: {  	(erf) = vrcp.f32 v1;
	_ =	sdelay $0x4  }
0x66: {  	v1 =	vld [tilespmem:$0x2800];
	_ =	sdelay $0x3  }
0x67: {  	v2 =	vpop (erf)  }
0x68: {  	v1 =	vmul.f32 v2, v1;
	_ =	sdelay $0x1  }
0x69: {  	[tilespmem:$0x2880] =	vst v1  }
0x6a: {  	v1 =	vld [tilespmem:s26+$0x10]  }
0x6b: {  	v2 =	vld [tilespmem:s26+$0x1410];
	_ =	sdelay $0x6  }
0x6c: {  	v1 =	vld.idx.msk [tilespmem:v1+s24+$0x0], $0xffff  }
0x6d: {  	v2 =	vld.idx.msk [tilespmem:v2+s25+$0x0], $0xffff;
	_ =	sdelay $0x4  }
0x6e: {  	v1 =	vadd.f32 v2, v1;
	_ =	sdelay $0x1  }
0x6f: {  	v1 =	vsub.f32 $0.0e+00, v1;
	_ =	sdelay $0x1  }
0x70: {  	v1 =	vmul.f32 $1.442695020e+00, v1;
	_ =	sdelay $0x1  }
0x71: {  	(erf) = vpow2.f32 v1;
	_ =	sdelay $0x8  }
0x72: {  	v1 =	vpop (erf)  }
0x73: {  	v1 =	vadd.f32 $1.000000000e+00, v1;
	_ =	sdelay $0x1  }
0x74: {  	(erf) = vrcp.f32 v1;
	_ =	sdelay $0x4  }
0x75: {  	v1 =	vld [tilespmem:$0x2810];
	_ =	sdelay $0x3  }
0x76: {  	v2 =	vpop (erf)  }
0x77: {  	v1 =	vmul.f32 v2, v1;
	_ =	sdelay $0x1  }
0x78: {  	[tilespmem:$0x2890] =	vst v1  }
0x79: {  	v1 =	vld [tilespmem:s26+$0x20]  }
0x7a: {  	v2 =	vld [tilespmem:s26+$0x1420];
	_ =	sdelay $0x6  }
0x7b: {  	v1 =	vld.idx.msk [tilespmem:v1+s24+$0x0], $0xffff  }
0x7c: {  	v2 =	vld.idx.msk [tilespmem:v2+s25+$0x0], $0xffff;
	_ =	sdelay $0x4  }
0x7d: {  	v1 =	vadd.f32 v2, v1;
	_ =	sdelay $0x1  }
0x7e: {  	v1 =	vsub.f32 $0.0e+00, v1;
	_ =	sdelay $0x1  }
0x7f: {  	v1 =	vmul.f32 $1.442695020e+00, v1;
	_ =	sdelay $0x1  }
0x80: {  	(erf) = vpow2.f32 v1;
	_ =	sdelay $0x8  }
0x81: {  	v1 =	vpop (erf)  }
0x82: {  	v1 =	vadd.f32 $1.000000000e+00, v1;
	_ =	sdelay $0x1  }
0x83: {  	(erf) = vrcp.f32 v1;
	_ =	sdelay $0x4  }
0x84: {  	v1 =	vld [tilespmem:$0x2820];
	_ =	sdelay $0x3  }
0x85: {  	v2 =	vpop (erf)  }
0x86: {  	v1 =	vmul.f32 v2, v1;
	_ =	sdelay $0x1  }
0x87: {  	[tilespmem:$0x28A0] =	vst v1  }
0x88: {  	v1 =	vld [tilespmem:s26+$0x30]  }
0x89: {  	v2 =	vld [tilespmem:s26+$0x1430];
	_ =	sdelay $0x6  }
0x8a: {  	v1 =	vld.idx.msk [tilespmem:v1+s24+$0x0], $0xffff  }
0x8b: {  	v2 =	vld.idx.msk [tilespmem:v2+s25+$0x0], $0xffff;
	_ =	sdelay $0x4  }
0x8c: {  	v1 =	vadd.f32 v2, v1;
	_ =	sdelay $0x1  }
0x8d: {  	v1 =	vsub.f32 $0.0e+00, v1;
	_ =	sdelay $0x1  }
0x8e: {  	v1 =	vmul.f32 $1.442695020e+00, v1;
	_ =	sdelay $0x1  }
0x8f: {  	(erf) = vpow2.f32 v1;
	_ =	sdelay $0x8  }
0x90: {  	v1 =	vpop (erf)  }
0x91: {  	v1 =	vadd.f32 $1.000000000e+00, v1;
	_ =	sdelay $0x1  }
0x92: {  	(erf) = vrcp.f32 v1;
	_ =	sdelay $0x4  }
0x93: {  	v1 =	vld [tilespmem:$0x2830];
	_ =	sdelay $0x3  }
0x94: {  	v2 =	vpop (erf)  }
0x95: {  	v1 =	vmul.f32 v2, v1;
	_ =	sdelay $0x1  }
0x96: {  	[tilespmem:$0x28B0] =	vst v1  }
0x97: {  	v1 =	vld [tilespmem:s26+$0x40]  }
0x98: {  	v2 =	vld [tilespmem:s26+$0x1440];
	_ =	sdelay $0x6  }
0x99: {  	v1 =	vld.idx.msk [tilespmem:v1+s24+$0x0], $0xffff  }
0x9a: {  	v2 =	vld.idx.msk [tilespmem:v2+s25+$0x0], $0xffff;
	_ =	sdelay $0x4  }
0x9b: {  	v1 =	vadd.f32 v2, v1;
	_ =	sdelay $0x1  }
0x9c: {  	v1 =	vsub.f32 $0.0e+00, v1;
	_ =	sdelay $0x1  }
0x9d: {  	v1 =	vmul.f32 $1.442695020e+00, v1;
	_ =	sdelay $0x1  }
0x9e: {  	(erf) = vpow2.f32 v1;
	_ =	sdelay $0x8  }
0x9f: {  	v1 =	vpop (erf)  }
0xa0: {  	v1 =	vadd.f32 $1.000000000e+00, v1;
	_ =	sdelay $0x1  }
0xa1: {  	(erf) = vrcp.f32 v1;
	_ =	sdelay $0x4  }
0xa2: {  	v1 =	vld [tilespmem:$0x2840];
	_ =	sdelay $0x3  }
0xa3: {  	v2 =	vpop (erf)  }
0xa4: {  	v1 =	vmul.f32 v2, v1;
	_ =	sdelay $0x1  }
0xa5: {  	[tilespmem:$0x28C0] =	vst v1  }
0xa6: {  	v1 =	vld [tilespmem:s26+$0x50]  }
0xa7: {  	v2 =	vld [tilespmem:s26+$0x1450];
	_ =	sdelay $0x6  }
0xa8: {  	v1 =	vld.idx.msk [tilespmem:v1+s24+$0x0], $0xffff  }
0xa9: {  	v2 =	vld.idx.msk [tilespmem:v2+s25+$0x0], $0xffff;
	_ =	sdelay $0x4  }
0xaa: {  	v1 =	vadd.f32 v2, v1;
	_ =	sdelay $0x1  }
0xab: {  	v1 =	vsub.f32 $0.0e+00, v1;
	_ =	sdelay $0x1  }
0xac: {  	v1 =	vmul.f32 $1.442695020e+00, v1;
	_ =	sdelay $0x1  }
0xad: {  	(erf) = vpow2.f32 v1;
	_ =	sdelay $0x8  }
0xae: {  	v1 =	vpop (erf)  }
0xaf: {  	v1 =	vadd.f32 $1.000000000e+00, v1;
	_ =	sdelay $0x1  }
0xb0: {  	(erf) = vrcp.f32 v1;
	_ =	sdelay $0x4  }
0xb1: {  	v1 =	vld [tilespmem:$0x2850];
	_ =	sdelay $0x3  }
0xb2: {  	v2 =	vpop (erf)  }
0xb3: {  	v1 =	vmul.f32 v2, v1;
	_ =	sdelay $0x1  }
0xb4: {  	[tilespmem:$0x28D0] =	vst v1  }
0xb5: {  	v1 =	vld [tilespmem:s26+$0x60]  }
0xb6: {  	v2 =	vld [tilespmem:s26+$0x1460];
	_ =	sdelay $0x6  }
0xb7: {  	v1 =	vld.idx.msk [tilespmem:v1+s24+$0x0], $0xffff  }
0xb8: {  	v2 =	vld.idx.msk [tilespmem:v2+s25+$0x0], $0xffff;
	_ =	sdelay $0x4  }
0xb9: {  	v1 =	vadd.f32 v2, v1;
	_ =	sdelay $0x1  }
0xba: {  	v1 =	vsub.f32 $0.0e+00, v1;
	_ =	sdelay $0x1  }
0xbb: {  	v1 =	vmul.f32 $1.442695020e+00, v1;
	_ =	sdelay $0x1  }
0xbc: {  	(erf) = vpow2.f32 v1;
	_ =	sdelay $0x8  }
0xbd: {  	v1 =	vpop (erf)  }
0xbe: {  	v1 =	vadd.f32 $1.000000000e+00, v1;
	_ =	sdelay $0x1  }
0xbf: {  	(erf) = vrcp.f32 v1;
	_ =	sdelay $0x4  }
0xc0: {  	v1 =	vld [tilespmem:$0x2860];
	_ =	sdelay $0x3  }
0xc1: {  	v2 =	vpop (erf)  }
0xc2: {  	v1 =	vmul.f32 v2, v1;
	_ =	sdelay $0x1  }
0xc3: {  	[tilespmem:$0x28E0] =	vst v1  }
0xc4: {  	v1 =	vld [tilespmem:s26+$0x70]  }
0xc5: {  	v2 =	vld [tilespmem:s26+$0x1470];
	_ =	sdelay $0x6  }
0xc6: {  	v1 =	vld.idx.msk [tilespmem:v1+s24+$0x0], $0xffff  }
0xc7: {  	v2 =	vld.idx.msk [tilespmem:v2+s25+$0x0], $0xffff;
	_ =	sdelay $0x4  }
0xc8: {  	v1 =	vadd.f32 v2, v1;
	_ =	sdelay $0x1  }
0xc9: {  	v1 =	vsub.f32 $0.0e+00, v1;
	_ =	sdelay $0x1  }
0xca: {  	v1 =	vmul.f32 $1.442695020e+00, v1;
	_ =	sdelay $0x1  }
0xcb: {  	(erf) = vpow2.f32 v1;
	_ =	sdelay $0x8  }
0xcc: {  	v1 =	vpop (erf)  }
0xcd: {  	v1 =	vadd.f32 $1.000000000e+00, v1;
	_ =	sdelay $0x1  }
0xce: {  	(erf) = vrcp.f32 v1;
	_ =	sdelay $0x4  }
0xcf: {  	v1 =	vld [tilespmem:$0x2870];
	_ =	sdelay $0x3  }
0xd0: {  	v2 =	vpop (erf)  }
0xd1: {  	v1 =	vmul.f32 v2, v1  }
0xd2: {  	v2 =	vmov s2  }
0xd3: {  	s7 =	simm.s32 $0x2940;
	[tilespmem:$0x28F0] =	vst v1  }
0xd4: {  	v5 =	vld [tilespmem:s7+$0x30]  }
0xd5: {  	v8 =	vld [tilespmem:s7+$0x10]  }
0xd6: {  	v6 =	vld [tilespmem:s7+$0xFFFFFFC0]  }
0xd7: {  	v2 =	vld.idx.msk [tilespmem:v2+s31+$0x0], $0xffff  }
0xd8: {  	v10 =	vld [tilespmem:s7+$0xFFFFFFE0]  }
0xd9: {  	v1 =	vld [tilespmem:s7+$0xFFFFFFF0]  }
0xda: {  	v3 =	vld [tilespmem:s7+$0x20]  }
0xdb: {  	v4 =	vld [tilespmem:s7+$0xFFFFFFD0]  }
0xdc: {  	v9 =	vmul.f32 v5, v2;
	v5 =	vld [tilespmem:s7+$0x0]  }
0xdd: {  	v7 =	vmul.f32 v6, v2  }
0xde: {  	s15 =	simm.s32 $0x2940;
	s14 =	simm.s32 $0x1;
	s26 =	sadd.s32 $0x1400, s26;
	v6 =	vmul.f32 v10, v2;
	v8 =	vmul.f32 v8, v2  }
.LBB2_5:
0xdf: {  	p0 =	sne.s32 s14, $0x7F  }
0xe0: {  	v4 =	vmul.f32 v4, v2;
	v3 =	vmul.f32 v3, v2;
	[tilespmem:s7+$0x30] =	vst v9;
	s15 =	sadd.s32 $0x80, s15;
	s16 =	smov.u32 s14;
	s14 =	sadd.s32 $0x1, s14  }
0xe1: {  	[tilespmem:s7+$0xFFFFFFC0] =	vst v7;
	v7 =	vmul.f32 v1, v2;
	v2 =	vmul.f32 v5, v2  }
0xe2: {  	[tilespmem:s7+$0x10] =	vst v8  }
0xe3: {  	v5 =	vmov s16;
	[tilespmem:s7+$0xFFFFFFE0] =	vst v6  }
0xe4: {  	v1 =	vld [tilespmem:s15+$0xFFFFFFF0];
	[tilespmem:s7+$0xFFFFFFF0] =	vst v7  }
0xe5: {  	v6 =	vld [tilespmem:s15+$0x30];
	[tilespmem:s7+$0x0] =	vst v2  }
0xe6: {  	v8 =	vld [tilespmem:s15+$0x10];
	[tilespmem:s7+$0x20] =	vst v3  }
0xe7: {  	v7 =	vld [tilespmem:s15+$0xFFFFFFC0];
	[tilespmem:s7+$0xFFFFFFD0] =	vst v4;
	s7 =	smov.u32 s15  }
0xe8: {  	v2 =	vld.idx.msk [tilespmem:v5+s31+$0x0], $0xffff  }
0xe9: {  	v10 =	vld [tilespmem:s15+$0xFFFFFFE0]  }
0xea: {  	v3 =	vld [tilespmem:s15+$0x20]  }
.Ltmp1:
0xeb: {  	v4 =	vld [tilespmem:s15+$0xFFFFFFD0];
	(pc) =	sbr.rel @p0 .LBB2_5-.Ltmp1, $3  }
0xec: {  	v5 =	vld [tilespmem:s15+$0x0];
	_ =	sdelay $0x1  }
0xed: {  	v7 =	vmul.f32 v7, v2;
	v9 =	vmul.f32 v6, v2  }
0xee: {  	v8 =	vmul.f32 v8, v2;
	v6 =	vmul.f32 v10, v2  }
0xef: {  	[tilespmem:s7+$0x30] =	vst v9  }
0xf0: {  	[tilespmem:s7+$0xFFFFFFC0] =	vst v7  }
0xf1: {  	v1 =	vmul.f32 v1, v2;
	[tilespmem:s7+$0x10] =	vst v8  }
0xf2: {  	v3 =	vmul.f32 v3, v2;
	[tilespmem:s7+$0xFFFFFFE0] =	vst v6  }
0xf3: {  	v5 =	vmul.f32 v5, v2;
	[tilespmem:s7+$0xFFFFFFF0] =	vst v1  }
0xf4: {  	s0 =	sadd.s32 $0x1, s0;
	v1 =	vmul.f32 v4, v2;
	[tilespmem:s7+$0x20] =	vst v3  }
0xf5: {  	p0 =	sne.s32 s0, $0x28;
	[tilespmem:s7+$0x0] =	vst v5  }
.Ltmp2:
0xf6: {  	[tilespmem:s7+$0xFFFFFFD0] =	vst v1;
	(pc) =	sbr.rel @p0 .LBB2_4-.Ltmp2, $4  }
0xf7: {  	[spmem:s4] =	stream.indirect.scatter.add.f32 [tilespmem:s22], [sflag:$0x2], $0x80, s26, s29, $0xb8;
	[tilespmem:$0x1F800] =	vst v63  }
0xf8: {  	_ =	swait.ge [sflag:s23], $0x4000  }
0xf9: {  	[sflag:s23] =	ssyncset.done $0x0  }
0xfa: {  	[sflag:s23] =	ssyncadd.s32 $0xFFFFC000  }
0xfb: {  	[bflag:$0x0] =	sbarrier.arrive $0xFFFF  }
0xfc: {  	[tilespmem:s22], [sflag:$0x2] =	stream.linear.gather [spmem:s8], $0x4000, $0x38;
	[tilespmem:$0x1F800] =	vst v63  }
0xfd: {  	_ =	swait.ge [sflag:s23], $0x4000  }
0xfe: {  	[sflag:s23] =	ssyncset.done $0x0  }
0xff: {  	s0 =	rddreg [dreg:$0x7];
	[sflag:s23] =	ssyncadd.s32 $0xFFFFC000  }
0x100: {  	[hbm4b:s0+s5] =	stream.linear.scatter [tilespmem:s22], [sflag:$0x2], $0x4000, $0x38;
	[tilespmem:$0x1F800] =	vst v63  }
0x101: {  	_ =	swait.ge [sflag:s23], $0x4000  }
0x102: {  	[sflag:s23] =	ssyncset.done $0x0  }
0x103: {  	[sflag:s23] =	ssyncadd.s32 $0xFFFFC000  }
0x104: {  	[tilespmem:s22], [sflag:$0x2] =	stream.linear.gather [spmem:s9], $0x4000, $0x38;
	[tilespmem:$0x1F800] =	vst v63  }
0x105: {  	_ =	swait.ge [sflag:s23], $0x4000  }
0x106: {  	[sflag:s23] =	ssyncset.done $0x0  }
0x107: {  	[sflag:s23] =	ssyncadd.s32 $0xFFFFC000  }
0x108: {  	[hbm4b:s17+s5] =	stream.linear.scatter [tilespmem:s22], [sflag:$0x2], $0x4000, $0x38;
	[tilespmem:$0x1F800] =	vst v63  }
0x109: {  	_ =	swait.ge [sflag:s23], $0x4000  }
0x10a: {  	[sflag:s23] =	ssyncset.done $0x0  }
0x10b: {  	[sflag:s23] =	ssyncadd.s32 $0xFFFFC000  }
0x10c: {  	[tilespmem:s22], [sflag:$0x2] =	stream.linear.gather [spmem:s10], $0x4000, $0x38;
	[tilespmem:$0x1F800] =	vst v63  }
0x10d: {  	_ =	swait.ge [sflag:s23], $0x4000  }
0x10e: {  	[sflag:s23] =	ssyncset.done $0x0  }
0x10f: {  	[sflag:s23] =	ssyncadd.s32 $0xFFFFC000  }
0x110: {  	[hbm4b:s18+s5] =	stream.linear.scatter [tilespmem:s22], [sflag:$0x2], $0x4000, $0x38;
	[tilespmem:$0x1F800] =	vst v63  }
0x111: {  	_ =	swait.ge [sflag:s23], $0x4000  }
0x112: {  	[sflag:s23] =	ssyncset.done $0x0  }
0x113: {  	[sflag:s23] =	ssyncadd.s32 $0xFFFFC000  }
0x114: {  	[tilespmem:s22], [sflag:$0x2] =	stream.linear.gather [spmem:s11], $0x4000, $0x38;
	[tilespmem:$0x1F800] =	vst v63  }
0x115: {  	_ =	swait.ge [sflag:s23], $0x4000  }
0x116: {  	[sflag:s23] =	ssyncset.done $0x0  }
0x117: {  	[sflag:s23] =	ssyncadd.s32 $0xFFFFC000  }
0x118: {  	[hbm4b:s19+s5] =	stream.linear.scatter [tilespmem:s22], [sflag:$0x2], $0x4000, $0x38;
	[tilespmem:$0x1F800] =	vst v63  }
0x119: {  	_ =	swait.ge [sflag:s23], $0x4000  }
0x11a: {  	[sflag:s23] =	ssyncset.done $0x0  }
0x11b: {  	[sflag:s23] =	ssyncadd.s32 $0xFFFFC000  }
0x11c: {  	[tilespmem:s22], [sflag:$0x2] =	stream.linear.gather [spmem:s12], $0x4000, $0x38;
	[tilespmem:$0x1F800] =	vst v63  }
0x11d: {  	s1 =	sadd.s32 $0x1, s1;
	_ =	swait.ge [sflag:s23], $0x4000  }
0x11e: {  	p0 =	sne.s32 s1, s21;
	[sflag:s23] =	ssyncset.done $0x0  }
.Ltmp3:
0x11f: {  	[sflag:s23] =	ssyncadd.s32 $0xFFFFC000;
	(pc) =	sbr.rel @p0 .LBB2_1-.Ltmp3, $4  }
0x120: {  	[hbm4b:s20+s5] =	stream.linear.scatter [tilespmem:s22], [sflag:$0x2], $0x4000, $0x38;
	[tilespmem:$0x1F800] =	vst v63  }
0x121: {  	_ =	swait.ge [sflag:s23], $0x4000  }
0x122: {  	[sflag:s23] =	ssyncset.done $0x0  }
0x123: {  	[sflag:s23] =	ssyncadd.s32 $0xFFFFC000  }
0x124: {  	_ =	sfence.sel $0x180000  }
0x125: {  	[bflag:$0x0] =	sbarrier.arrive $0xFFFF  }
0x126: {  	_ =	strace $0x9000004D  }
0x127: {  	s0 =	stileid.u32;
	[bflag:$0x2] =	sbarrier.arrive $0xFFFF  }
0x128: {  	p0 =	sne.s32 s0, $0x0;
	s0 =	rddreg [dreg:$0x3]  }
0x129: {  	s0 =	sadd.s32 @!p0 $0x100000, s0  }
0x12a: {  	[sflag:s0] =	ssyncadd.tile.s32 @!p0 $0x1;
	_ =	shalt  }
.Lfunc_end2:
_tile_overlayer_lowered:
.L_overlay_start_2:
0x12b: {  	(tag) =	ssettag $0x2  }
0x12c: {  	s0 =	rddreg [dreg:$0x0];
	s2 =	stileid.u32  }
0x12d: {  	s1 =	rddreg [dreg:$0x1];
	p0 =	sne.s32 s2, $0x0  }
0x12e: {  	s3 =	rddreg [dreg:$0x2];
	[bflag:$0x3] =	sbarrier.arrive $0xFFFF;
	s2 =	simm.s32 @!p0 $0x1C02  }
0x12f: {  	[timem:s3], [sflag:s2] =	dma.local @!p0 [hbm:s0], s1  }
0x130: {  	s0 =	simm.s32 @!p0 $0x2  }
0x131: {  	_ =	swait.ge @!p0 [sflag:s0], s1  }
0x132: {  	s1 =	ssub.s32 @!p0 $0x0, s1;
	[sflag:s0] =	ssyncset.done @!p0 $0x0  }
0x133: {  	[sflag:s0] =	ssyncadd.s32 @!p0 s1  }
0x134: {  	[bflag:$0x3] =	sbarrier.arrive $0xFFFF  }
0x135: {  	_ =	shalt  }

// kernel: kernel.9.cloned.1.call-start
scs
__scs_entry_jumppad:
0x0: {  	(pc) =	sbr.rel $0x88, $3  }
0x1: {  	(tag) =	ssettag $0x0;
	lr =	simm.s32 $0x1  }
0x2: {  	[smem:$0x3F92] =	sst lr;
	_ =	strace $0xD0000000  }
0x3: {  	_ = 	snop  }
0x4: {  	_ = 	snop  }
0x5: {  	_ = 	snop  }
0x6: {  	_ = 	snop  }
0x7: {  	_ = 	snop  }
__scs_overlays_trampoline_lowered:
0x8: {  	[smem:$0x3FA1] =	sst s0  }
0x9: {  	[smem:$0x3FA2] =	sst s1  }
0xa: {  	[smem:$0x3FA3] =	sst s2  }
0xb: {  	[smem:$0x3FA4] =	sst s3  }
0xc: {  	[smem:$0x3FA5] =	sst s4  }
0xd: {  	[smem:$0x3FA6] =	sst s5  }
0xe: {  	[smem:$0x3FA7] =	sst s6  }
0xf: {  	[smem:$0x3FA8] =	sst s7  }
0x10: {  	[smem:$0x3FA9] =	sst s8  }
0x11: {  	[smem:$0x3FAA] =	sst s9;
	s0 =	simm.s32 @!p0 $0x0  }
0x12: {  	s1 =	sld [smem:$0x3F90];
	s0 =	simm.s32 @p0 $0x1  }
0x13: {  	[smem:$0x3FAB] =	sst s0;
	s0 =	simm.s32 @!p1 $0x0  }
0x14: {  	s2 =	sld [smem:$0x3F8F];
	s0 =	simm.s32 @p1 $0x1  }
0x15: {  	[smem:$0x3FAC] =	sst s0;
	s0 =	simm.s32 @!p2 $0x0  }
0x16: {  	s3 =	sld [smem:$0x3FDB];
	s0 =	simm.s32 @p2 $0x1  }
0x17: {  	s4 =	simm.s32 $0x1BF5;
	[smem:$0x3FAE] =	sst s0  }
0x18: {  	s0 =	sld [smem:$0x3F91];
	_ =	swait.ge [sflag:s4], $0x0  }
0x19: {  	s7 =	sld [smem:$0x3F92]  }
0x1a: {  	s8 =	sadd.s32 $0xFFFFE003, lr  }
0x1b: {  	s9 =	sadd.s32 $0xFFFFFEF7, lr;
	s5 =	simm.s32 $0xFFFFFFFF;
	p2 =	slt.u32 s8, $0xFFFFF086  }
0x1c: {  	p1 =	slt.u32 s9, $0xF7A;
	s5 =	simm.s32 @!p2 $0x0  }
0x1d: {  	s5 =	simm.s32 @p1 $0x1;
	p0 =	seq.s32 s7, s2  }
0x1e: {  	s7 =	smul.u32 @!p0 $0xF7A, s2;
	p2 =	seq.s32 @!p0 s5, $0x0  }
0x1f: {  	s9 =	smul.u32 $0xF7A, s1;
	s8 =	simm.s32 @!p0 $0x1BF5;
	p2 =	por !p2, p0  }
0x20: {  	[sflag:s8] =	ssyncset.s32 @!p0 $0xFFFFF086;
	s6 =	sadd.s32 @!p0 s3, s7;
	s7 =	simm.s32 @!p0 $0x108  }
0x21: {  	s3 =	sadd.s32 s3, s9;
	s6 =	sadd.s32 @!p0 $0x88, s6;
	s7 =	simm.s32 @p2 $0x1082  }
0x22: {  	[simem:s7], [sflag:s8] =	dma.local @!p0 [hbm:s6], $0xF7A  }
0x23: {  	s9 =	sor.u32 $0xD0000000, s2;
	s6 =	simm.s32 $0x108;
	_ =	swait.ge @!p0 [sflag:s8], $0x0  }
0x24: {  	s3 =	sadd.s32 $0x88, s3;
	s6 =	simm.s32 @!p1 $0x1082;
	[sflag:s4] =	ssyncset.s32 $0xFFFFF086  }
0x25: {  	[simem:s6], [sflag:s4] =	dma.local [hbm:s3], $0xF7A  }
0x26: {  	[smem:$0x3F92] =	sst s1;
	(tag) =	ssettag s2;
	_ =	strace s9  }
0x27: {  	s1 =	sld [smem:$0x3FA2]  }
0x28: {  	s2 =	sld [smem:$0x3FA3]  }
0x29: {  	s4 =	sld [smem:$0x3FA5]  }
0x2a: {  	p0 =	seq.s32 s5, $0x0;
	s5 =	sld [smem:$0x3FA6]  }
0x2b: {  	s6 =	sld [smem:$0x3FA7]  }
0x2c: {  	s7 =	sld [smem:$0x3FA8]  }
0x2d: {  	s3 =	simm.s32 $0x108;
	s8 =	sld [smem:$0x3FA9]  }
0x2e: {  	s3 =	simm.s32 @!p0 $0x1082;
	s9 =	sld [smem:$0x3FAA]  }
0x2f: {  	lr =	sadd.s32 s0, s3;
	s0 =	sld [smem:$0x3FA1]  }
0x30: {  	s3 =	sld [smem:$0x3FA4]  }
0x31: {  	[smem:$0x3FAD] =	sst s10  }
0x32: {  	s10 =	sld [smem:$0x3FAB];
	_ =	sdelay $0x3  }
0x33: {  	p0 =	seq.s32 s10, $0x1;
	s10 =	sld [smem:$0x3FAD];
	_ =	sdelay $0x3  }
0x34: {  	[smem:$0x3FAD] =	sst s10  }
0x35: {  	s10 =	sld [smem:$0x3FAC];
	_ =	sdelay $0x3  }
0x36: {  	p1 =	seq.s32 s10, $0x1;
	s10 =	sld [smem:$0x3FAD];
	_ =	sdelay $0x3  }
0x37: {  	[smem:$0x3FAD] =	sst s10  }
0x38: {  	s10 =	sld [smem:$0x3FAE]  }
0x39: {  	_ = 	snop;
	(pc) =	sbr.ind lr, $3  }
0x3a: {  	_ = 	snop  }
0x3b: {  	_ = 	snop  }
0x3c: {  	p2 =	seq.s32 s10, $0x1;
	s10 =	sld [smem:$0x3FAD]  }
0x3d: {  	_ =	shalt  }
0x3e: {  	_ =	shalt  }
0x3f: {  	_ =	shalt  }
0x40: {  	_ =	shalt  }
0x41: {  	_ =	shalt  }
0x42: {  	_ =	shalt  }
0x43: {  	_ =	shalt  }
0x44: {  	_ =	shalt  }
0x45: {  	_ =	shalt  }
0x46: {  	_ =	shalt  }
0x47: {  	_ =	shalt  }
0x48: {  	_ =	shalt  }
0x49: {  	_ =	shalt  }
0x4a: {  	_ =	shalt  }
0x4b: {  	_ =	shalt  }
0x4c: {  	_ =	shalt  }
0x4d: {  	_ =	shalt  }
0x4e: {  	_ =	shalt  }
0x4f: {  	_ =	shalt  }
0x50: {  	_ =	shalt  }
0x51: {  	_ =	shalt  }
0x52: {  	_ =	shalt  }
0x53: {  	_ =	shalt  }
0x54: {  	_ =	shalt  }
0x55: {  	_ =	shalt  }
0x56: {  	_ =	shalt  }
0x57: {  	_ =	shalt  }
0x58: {  	_ =	shalt  }
0x59: {  	_ =	shalt  }
0x5a: {  	_ =	shalt  }
0x5b: {  	_ =	shalt  }
0x5c: {  	_ =	shalt  }
0x5d: {  	_ =	shalt  }
0x5e: {  	_ =	shalt  }
0x5f: {  	_ =	shalt  }
0x60: {  	_ =	shalt  }
0x61: {  	_ =	shalt  }
0x62: {  	_ =	shalt  }
0x63: {  	_ =	shalt  }
0x64: {  	_ =	shalt  }
0x65: {  	_ =	shalt  }
0x66: {  	_ =	shalt  }
0x67: {  	_ =	shalt  }
0x68: {  	_ =	shalt  }
0x69: {  	_ =	shalt  }
0x6a: {  	_ =	shalt  }
0x6b: {  	_ =	shalt  }
0x6c: {  	_ =	shalt  }
0x6d: {  	_ =	shalt  }
0x6e: {  	_ =	shalt  }
0x6f: {  	_ =	shalt  }
0x70: {  	_ =	shalt  }
0x71: {  	_ =	shalt  }
0x72: {  	_ =	shalt  }
0x73: {  	_ =	shalt  }
0x74: {  	_ =	shalt  }
0x75: {  	_ =	shalt  }
0x76: {  	_ =	shalt  }
0x77: {  	_ =	shalt  }
0x78: {  	_ =	shalt  }
0x79: {  	_ =	shalt  }
0x7a: {  	_ =	shalt  }
0x7b: {  	_ =	shalt  }
0x7c: {  	_ =	shalt  }
0x7d: {  	_ =	shalt  }
0x7e: {  	_ =	shalt  }
0x7f: {  	_ =	shalt  }
0x80: {  	_ =	shalt  }
0x81: {  	_ =	shalt  }
0x82: {  	_ =	shalt  }
0x83: {  	_ =	shalt  }
0x84: {  	_ =	shalt  }
0x85: {  	_ =	shalt  }
0x86: {  	_ =	shalt  }
0x87: {  	_ =	shalt  }
.Lfunc_end0:
.L_simem_size_0:
called_computation_lowered:
.L_overlay_start_0:
0x88: {  	s2 =	sld [smem:$0x3FD9]  }
0x89: {  	s3 =	sld [smem:$0x3FFE];
	_ =	sdelay $0x1  }
0x8a: {  	s1 =	srdreg.scid  }
0x8b: {  	s0 =	sand.u32 $0x1, s1  }
0x8c: {  	s14 =	sshll.u32 s0, $0xA;
	s2 =	sadd.s32 s3, s2  }
0x8d: {  	s2 =	sadd.s32 s2, s14  }
0x8e: {  	[smem:$0x3FB9] =	sst s2  }
0x8f: {  	_ = 	snop  }
0x90: {  	s2 =	sld [smem:$0x3FD0];
	_ =	sdelay $0x2  }
0x91: {  	s15 =	simm.s32 $0xA;
	s4 =	simm.s32 $0x10  }
0x92: {  	[smem:s4], [sflag:s15] =	dma.local [hbm:s2], $0x1  }
0x93: {  	_ =	swait.eq [sflag:s15], $0x1  }
0x94: {  	[sflag:s15] =	ssyncset.done $0x0  }
0x95: {  	[sflag:s15] =	ssyncadd.s32 $0xFFFFFFFF  }
0x96: {  	s16 =	sld [smem:$0x11];
	(tm) =	ssettm $0x1  }
0x97: {  	s17 =	sld [smem:$0x3FFB];
	_ =	sdelay $0x3  }
0x98: {  	_ =	strace s17  }
0x99: {  	s3 =	sld [smem:$0x3FFC];
	_ =	sdelay $0x3  }
0x9a: {  	_ =	strace s3  }
0x9b: {  	s3 =	sld [smem:$0x3FFD];
	_ =	sdelay $0x3  }
0x9c: {  	_ =	strace s3  }
0x9d: {  	_ =	strace $0x8FFFFFFF  }
0x9e: {  	s18 =	sld [smem:$0x3FDB];
	_ =	sdelay $0x1  }
0x9f: {  	s19 =	simm.s32 $_scs_section_size  }
0xa0: {  	s5 =	simm.s32 $_size__tile_overlayer_lowered;
	s6 =	simm.s32 $_tile_overlayer_lowered  }
0xa1: {  	s22 =	simm.s32 $0x1BFF;
	s21 =	sshll.u32 s6, $0x1;
	s3 =	sadd.s32 s19, s18  }
0xa2: {  	s7 =	simm.s32 $0x0;
	s20 =	sshll.u32 s5, $0x1;
	s5 =	sadd.s32 s21, s3  }
0xa3: {  	[timem:s7], [sflag:s22] =	dma.local [hbm:s5], s20  }
0xa4: {  	_ =	swait.ge [sflag:s22], s20  }
0xa5: {  	s4 =	ssub.s32 $0x0, s20;
	[sflag:s22] =	ssyncset.done $0x0  }
0xa6: {  	[sflag:s22] =	ssyncadd.s32 s4;
	_ =	sdelay $0x1  }
0xa7: {  	s23 =	simm.s32 $0x1B8B  }
0xa8: {  	_ =	swait.ge [sflag:s23], $0x1  }
0xa9: {  	[sflag:s23] =	ssyncset.done $0x0  }
0xaa: {  	s25 =	simm.s32 $0x1B8E;
	s24 =	sld [smem:$0x3FFE];
	[sflag:s23] =	ssyncadd.s32 $0xFFFFFFFF  }
0xab: {  	s26 =	simm.s32 $execute0_lowered;
	[smem:$0x3FD2] =	sst s25  }
0xac: {  	s5 =	sshll.u32 s26, $0x1;
	_ =	strace $0x80000046;
	[dreg:$0x1] =	wrdreg $0xFFFFFFFF  }
0xad: {  	s28 =	simm.s32 $_size_execute0_lowered;
	s3 =	sadd.s32 s3, s5;
	[dreg:$0x0] =	wrdreg $0x0  }
0xae: {  	s5 =	sshll.u32 s28, $0x1;
	[dreg:$0x2] =	wrdreg s3  }
0xaf: {  	[dreg:$0x3] =	wrdreg s5  }
0xb0: {  	[dreg:$0x4] =	wrdreg $0xC0  }
0xb1: {  	_ =	task [dreg:s7], $0x5FFFF  }
0xb2: {  	[dreg:$0x1] =	wrdreg $0xFFFFFFFF  }
0xb3: {  	[dreg:$0x0] =	wrdreg $0x60  }
0xb4: {  	[dreg:$0x2] =	wrdreg s24  }
0xb5: {  	[dreg:$0x3] =	wrdreg s16  }
0xb6: {  	[dreg:$0x4] =	wrdreg $0xB8000  }
0xb7: {  	[dreg:$0x5] =	wrdreg $0x9  }
0xb8: {  	_ =	task.clear_ibuf [dreg:s7], $0x6FFFF;
	_ =	strace $0x90000046  }
0xb9: {  	s29 =	simm.s32 $0x9;
	_ =	strace $0x80000048  }
0xba: {  	_ =	swait.ge [sflag:s29], $0x1  }
0xbb: {  	[sflag:s29] =	ssyncadd.s32 $0xFFFFFFFF  }
0xbc: {  	_ =	strace $0x90000048  }
0xbd: {  	_ =	sfence  }
0xbe: {  	s30 =	sld [smem:$0x0];
	_ =	sdelay $0x2  }
0xbf: {  	s31 =	sshll.u32 s1, $0xD;
	s1 =	sshrl.u32 s1, $0x2  }
0xc0: {  	s3 =	sand.u32 $0x4000, s31;
	s1 =	sadd.s32 s1, s30  }
0xc1: {  	s0 =	sor.u32 s3, s0;
	s1 =	sshll.u32 s1, $0x11  }
0xc2: {  	s0 =	sor.u32 s1, s0  }
0xc3: {  	s0 =	sadd.s32 $0x8F2B, s0  }
0xc4: {  	[sflag:s0] =	ssyncadd.remote.s32 $0x1  }
0xc5: {  	_ =	sfence.sel $0xFFFF  }
0xc6: {  	[dreg:$0x0] =	wrdreg $0xFFFFFFFF;
	(pc) =	sbr.abs _section_cstart, $3  }
0xc7: {  	[dreg:$0x1] =	wrdreg $0xFFFFFFFF  }
0xc8: {  	_ =	task.clear_ibuf [dreg:s7], $0x2FFFF;
	_ =	strace $0x9FFFFFFF  }
0xc9: {  	(tm) =	ssettm $0x7FFFFFFF  }
tec
execute0_lowered:
.L_overlay_start_1:
0x0: {  	(tag) =	ssettag $0x1  }
0x1: {  	s8 =	rddreg [dreg:$0x0]  }
0x2: {  	s3 =	rddreg [dreg:$0x1]  }
0x3: {  	s0 =	srdreg.scid;
	s4 =	rddreg [dreg:$0x2]  }
0x4: {  	s9 =	stileid.u32;
	s5 =	simm.s32 $0x0;
	s28 =	simm.s32 $0x2800  }
0x5: {  	s29 =	simm.s32 $0x80;
	s30 =	simm.s32 $0x1;
	s31 =	simm.s32 $0x2880  }
0x6: {  	s0 =	sand.u32 $0x1, s0;
	[smem:$0x7FF] =	sst s5;
	s7 =	smul.u32 $0x50000, s9  }
0x7: {  	s6 =	sadd.s32 $0xC00, s8;
	s14 =	smul.u32 $0x14000, s9;
	s23 =	sadd.s32 $0x600, s8  }
0x8: {  	s15 =	sadd.s32 $0xFC00, s8;
	s1 =	sshll.u32 s0, $0x4;
	_ =	strace $0x80000047  }
0x9: {  	[dreg:$0x4] =	wrdreg s23;
	s24 =	ssub.s32 $0x2, s0;
	s0 =	smul.u32 $0x140000, s0  }
0xa: {  	s1 =	sor.u32 s9, s1;
	s25 =	sshrl.u32 s24, $0x1;
	s7 =	sshrl.u32 s7, $0x2  }
0xb: {  	s16 =	sadd.s32 $0x4000, s14;
	s26 =	sadd.s32 $0x8000, s14;
	s18 =	sadd.s32 $0xC000, s14  }
0xc: {  	s19 =	sadd.s32 $0x10000, s14;
	s2 =	smul.u32 $0x280, s1;
	s21 =	ssub.s32 s24, s25  }
0xd: {  	s9 =	sadd.s32 s16, s4;
	s10 =	sadd.s32 s26, s4;
	s11 =	sadd.s32 s18, s4  }
0xe: {  	s12 =	sadd.s32 s19, s4;
	s13 =	smul.u32 $0x28, s1;
	s20 =	sadd.s32 s14, s0  }
0xf: {  	s23 =	sadd.s32 s0, s16;
	s25 =	sadd.s32 s0, s26;
	s26 =	sadd.s32 s0, s18  }
0x10: {  	s0 =	sadd.s32 s0, s19;
	s1 =	sshrl.u32 s20, $0x3;
	s24 =	sshrl.u32 s23, $0x3  }
0x11: {  	s0 =	sshrl.u32 s0, $0x3;
	s21 =	smax.u32 s21, $0x1;
	s23 =	simm.s32 $0x2  }
0x12: {  	s2 =	sadd.s32 s2, s8;
	s8 =	sadd.s32 s7, s4;
	s1 =	sadd.s32 s15, s1  }
0x13: {  	s17 =	sadd.s32 s15, s24;
	s20 =	sadd.s32 s15, s0;
	s24 =	simm.s32 $0x6900  }
0x14: {  	s22 =	sadd.s32 $0xAC00, s2;
	s2 =	sadd.s32 $0x5C00, s2;
	[dreg:$0x7] =	wrdreg s1  }
0x15: {  	s1 =	sshrl.u32 s25, $0x3;
	s25 =	simm.s32 $0x9080;
	[dreg:$0x5] =	wrdreg s22  }
0x16: {  	[dreg:$0x6] =	wrdreg s2;
	s2 =	sshrl.u32 s26, $0x3;
	s18 =	sadd.s32 s15, s1  }
0x17: {  	v0 =	vimm.f32 $0.0e+00;
	s22 =	simm.s32 $0x2900;
	s1 =	simm.s32 $0x0;
	s19 =	sadd.s32 s15, s2  }
.LBB2_1:
0x18: {  	s0 =	simm.s32 $0x0;
	s2 =	simm.s32 $0x200  }
.LBB2_2:
0x19: {  	p0 =	sne.s32 s2, $0xFE00;
	[tilespmem:s0+$0x2970] =	vst v0  }
0x1a: {  	[tilespmem:s0+$0x2900] =	vst v0  }
0x1b: {  	[tilespmem:s0+$0x2910] =	vst v0  }
.Ltmp0:
0x1c: {  	[tilespmem:s0+$0x2920] =	vst v0;
	(pc) =	sbr.rel @p0 .LBB2_2-.Ltmp0, $4  }
0x1d: {  	[tilespmem:s0+$0x2930] =	vst v0  }
0x1e: {  	[tilespmem:s0+$0x2940] =	vst v0  }
0x1f: {  	[tilespmem:s0+$0x2950] =	vst v0  }
0x20: {  	[tilespmem:s0+$0x2960] =	vst v0;
	s0 =	sshra.s32 s2, $0x2;
	s2 =	sadd.s32 $0x200, s2  }
0x21: {  	[tilespmem:s0+$0x2970] =	vst v0  }
0x22: {  	[tilespmem:s0+$0x2900] =	vst v0  }
0x23: {  	[tilespmem:s0+$0x2910] =	vst v0  }
0x24: {  	[tilespmem:s0+$0x2920] =	vst v0  }
0x25: {  	[tilespmem:s0+$0x2930] =	vst v0  }
0x26: {  	[tilespmem:s0+$0x2940] =	vst v0  }
0x27: {  	[tilespmem:s0+$0x2950] =	vst v0  }
0x28: {  	[tilespmem:s0+$0x2960] =	vst v0  }
0x29: {  	[spmem:s8] =	stream.linear.scatter [tilespmem:s22], [sflag:$0x2], $0x4000, $0x38;
	[tilespmem:$0x1F800] =	vst v63  }
0x2a: {  	_ =	swait.ge [sflag:s23], $0x4000  }
0x2b: {  	[sflag:s23] =	ssyncset.done $0x0  }
0x2c: {  	[sflag:s23] =	ssyncadd.s32 $0xFFFFC000  }
0x2d: {  	[spmem:s9] =	stream.linear.scatter [tilespmem:s22], [sflag:$0x2], $0x4000, $0x38;
	[tilespmem:$0x1F800] =	vst v63  }
0x2e: {  	_ =	swait.ge [sflag:s23], $0x4000  }
0x2f: {  	[sflag:s23] =	ssyncset.done $0x0  }
0x30: {  	[sflag:s23] =	ssyncadd.s32 $0xFFFFC000  }
0x31: {  	[spmem:s10] =	stream.linear.scatter [tilespmem:s22], [sflag:$0x2], $0x4000, $0x38;
	[tilespmem:$0x1F800] =	vst v63  }
0x32: {  	_ =	swait.ge [sflag:s23], $0x4000  }
0x33: {  	[sflag:s23] =	ssyncset.done $0x0  }
0x34: {  	[sflag:s23] =	ssyncadd.s32 $0xFFFFC000  }
0x35: {  	[spmem:s11] =	stream.linear.scatter [tilespmem:s22], [sflag:$0x2], $0x4000, $0x38;
	[tilespmem:$0x1F800] =	vst v63  }
0x36: {  	_ =	swait.ge [sflag:s23], $0x4000  }
0x37: {  	[sflag:s23] =	ssyncset.done $0x0  }
0x38: {  	[sflag:s23] =	ssyncadd.s32 $0xFFFFC000  }
0x39: {  	[spmem:s12] =	stream.linear.scatter [tilespmem:s22], [sflag:$0x2], $0x4000, $0x38;
	[tilespmem:$0x1F800] =	vst v63  }
0x3a: {  	_ =	swait.ge [sflag:s23], $0x4000  }
0x3b: {  	[sflag:s23] =	ssyncset.done $0x0  }
0x3c: {  	s2 =	simm.s32 $0x0;
	s14 =	rddreg [dreg:$0x4];
	[sflag:s23] =	ssyncadd.s32 $0xFFFFC000  }
0x3d: {  	[tilespmem:s24], [sflag:$0x2] =	stream.linear.gather [hbm4b:s14+s2], $0x2780, $0x38;
	[tilespmem:$0x1F800] =	vst v63  }
0x3e: {  	_ =	swait.ge [sflag:s23], $0x2780  }
0x3f: {  	[sflag:s23] =	ssyncset.done $0x0  }
0x40: {  	[sflag:s23] =	ssyncadd.s32 $0xFFFFD880  }
0x41: {  	s15 =	rddreg [dreg:$0x0]  }
0x42: {  	[tilespmem:s25], [sflag:$0x2] =	stream.linear.gather [hbm4b:s15+s2], $0x2780, $0x38;
	[tilespmem:$0x1F800] =	vst v63  }
0x43: {  	_ =	swait.ge [sflag:s23], $0x2780  }
0x44: {  	[sflag:s23] =	ssyncset.done $0x0  }
0x45: {  	s16 =	rddreg [dreg:$0x5];
	[sflag:s23] =	ssyncadd.s32 $0xFFFFD880  }
0x46: {  	[tilespmem:s2], [sflag:$0x2] =	stream.linear.gather [hbm4b:s16+s2], $0x1400, $0x38;
	[tilespmem:$0x1F800] =	vst v63  }
0x47: {  	_ =	swait.ge [sflag:s23], $0x1400  }
0x48: {  	[sflag:s23] =	ssyncset.done $0x0  }
0x49: {  	s7 =	simm.s32 $0x1400;
	s26 =	rddreg [dreg:$0x6];
	[sflag:s23] =	ssyncadd.s32 $0xFFFFEC00  }
0x4a: {  	[tilespmem:s7], [sflag:$0x2] =	stream.linear.gather [hbm4b:s26+s2], $0x1400, $0x38;
	[tilespmem:$0x1F800] =	vst v63  }
0x4b: {  	_ =	swait.ge [sflag:s23], $0x1400  }
0x4c: {  	[sflag:s23] =	ssyncset.done $0x0  }
0x4d: {  	[sflag:s23] =	ssyncadd.s32 $0xFFFFEC00  }
0x4e: {  	s0 =	simm.s32 $0x0;
	[bflag:$0x0] =	sbarrier.arrive $0xFFFF  }
.LBB2_4:
0x4f: {  	s7 =	sadd.s32 s13, s0;
	s14 =	sshll.u32 s0, $0x4  }
0x50: {  	s7 =	sshll.u32 s7, $0x4;
	s14 =	sand.u32 $0x70, s14  }
0x51: {  	s7 =	sand.u32 $0xFFFFF80, s7;
	s14 =	sadd.s32 s6, s14  }
0x52: {  	s7 =	sadd.s32 s7, s14  }
0x53: {  	[tilespmem:s28], [sflag:$0x2] =	stream.linear.gather [hbm4b:s7+s2], $0x80, $0x38;
	[tilespmem:$0x1F800] =	vst v63  }
0x54: {  	_ =	swait.ge [sflag:s23], $0x80  }
0x55: {  	[sflag:s23] =	ssyncset.done $0x0  }
0x56: {  	s26 =	sshll.u32 s0, $0x7;
	[sflag:s23] =	ssyncadd.s32 $0xFFFFFF80  }
0x57: {  	[tilespmem:s22], [sflag:$0x1] =	stream.indirect.gather [hbm4b:s3+s29], $0x80, s26, s29, $0xb8;
	[tilespmem:$0x1F800] =	vst v63  }
0x58: {  	_ =	swait.ge [sflag:s30], $0x4000  }
0x59: {  	[sflag:s30] =	ssyncset.done $0x0  }
0x5a: {  	[sflag:s30] =	ssyncadd.s32 $0xFFFFC000  }
0x5b: {  	v1 =	vld [tilespmem:s26+$0x0]  }
0x5c: {  	v2 =	vld [tilespmem:s26+$0x1400];
	_ =	sdelay $0x6  }
0x5d: {  	v1 =	vld.idx.msk [tilespmem:v1+s24+$0x0], $0xffff  }
0x5e: {  	v2 =	vld.idx.msk [tilespmem:v2+s25+$0x0], $0xffff;
	_ =	sdelay $0x4  }
0x5f: {  	v1 =	vadd.f32 v2, v1;
	_ =	sdelay $0x1  }
0x60: {  	v1 =	vsub.f32 $0.0e+00, v1;
	_ =	sdelay $0x1  }
0x61: {  	v1 =	vmul.f32 $1.442695020e+00, v1;
	_ =	sdelay $0x1  }
0x62: {  	(erf) = vpow2.f32 v1;
	_ =	sdelay $0x8  }
0x63: {  	v1 =	vpop (erf)  }
0x64: {  	v1 =	vadd.f32 $1.000000000e+00, v1;
	_ =	sdelay $0x1  }
0x65: {  	(erf) = vrcp.f32 v1;
	_ =	sdelay $0x4  }
0x66: {  	v1 =	vld [tilespmem:$0x2800];
	_ =	sdelay $0x3  }
0x67: {  	v2 =	vpop (erf)  }
0x68: {  	v1 =	vmul.f32 v2, v1;
	_ =	sdelay $0x1  }
0x69: {  	[tilespmem:$0x2880] =	vst v1  }
0x6a: {  	v1 =	vld [tilespmem:s26+$0x10]  }
0x6b: {  	v2 =	vld [tilespmem:s26+$0x1410];
	_ =	sdelay $0x6  }
0x6c: {  	v1 =	vld.idx.msk [tilespmem:v1+s24+$0x0], $0xffff  }
0x6d: {  	v2 =	vld.idx.msk [tilespmem:v2+s25+$0x0], $0xffff;
	_ =	sdelay $0x4  }
0x6e: {  	v1 =	vadd.f32 v2, v1;
	_ =	sdelay $0x1  }
0x6f: {  	v1 =	vsub.f32 $0.0e+00, v1;
	_ =	sdelay $0x1  }
0x70: {  	v1 =	vmul.f32 $1.442695020e+00, v1;
	_ =	sdelay $0x1  }
0x71: {  	(erf) = vpow2.f32 v1;
	_ =	sdelay $0x8  }
0x72: {  	v1 =	vpop (erf)  }
0x73: {  	v1 =	vadd.f32 $1.000000000e+00, v1;
	_ =	sdelay $0x1  }
0x74: {  	(erf) = vrcp.f32 v1;
	_ =	sdelay $0x4  }
0x75: {  	v1 =	vld [tilespmem:$0x2810];
	_ =	sdelay $0x3  }
0x76: {  	v2 =	vpop (erf)  }
0x77: {  	v1 =	vmul.f32 v2, v1;
	_ =	sdelay $0x1  }
0x78: {  	[tilespmem:$0x2890] =	vst v1  }
0x79: {  	v1 =	vld [tilespmem:s26+$0x20]  }
0x7a: {  	v2 =	vld [tilespmem:s26+$0x1420];
	_ =	sdelay $0x6  }
0x7b: {  	v1 =	vld.idx.msk [tilespmem:v1+s24+$0x0], $0xffff  }
0x7c: {  	v2 =	vld.idx.msk [tilespmem:v2+s25+$0x0], $0xffff;
	_ =	sdelay $0x4  }
0x7d: {  	v1 =	vadd.f32 v2, v1;
	_ =	sdelay $0x1  }
0x7e: {  	v1 =	vsub.f32 $0.0e+00, v1;
	_ =	sdelay $0x1  }
0x7f: {  	v1 =	vmul.f32 $1.442695020e+00, v1;
	_ =	sdelay $0x1  }
0x80: {  	(erf) = vpow2.f32 v1;
	_ =	sdelay $0x8  }
0x81: {  	v1 =	vpop (erf)  }
0x82: {  	v1 =	vadd.f32 $1.000000000e+00, v1;
	_ =	sdelay $0x1  }
0x83: {  	(erf) = vrcp.f32 v1;
	_ =	sdelay $0x4  }
0x84: {  	v1 =	vld [tilespmem:$0x2820];
	_ =	sdelay $0x3  }
0x85: {  	v2 =	vpop (erf)  }
0x86: {  	v1 =	vmul.f32 v2, v1;
	_ =	sdelay $0x1  }
0x87: {  	[tilespmem:$0x28A0] =	vst v1  }
0x88: {  	v1 =	vld [tilespmem:s26+$0x30]  }
0x89: {  	v2 =	vld [tilespmem:s26+$0x1430];
	_ =	sdelay $0x6  }
0x8a: {  	v1 =	vld.idx.msk [tilespmem:v1+s24+$0x0], $0xffff  }
0x8b: {  	v2 =	vld.idx.msk [tilespmem:v2+s25+$0x0], $0xffff;
	_ =	sdelay $0x4  }
0x8c: {  	v1 =	vadd.f32 v2, v1;
	_ =	sdelay $0x1  }
0x8d: {  	v1 =	vsub.f32 $0.0e+00, v1;
	_ =	sdelay $0x1  }
0x8e: {  	v1 =	vmul.f32 $1.442695020e+00, v1;
	_ =	sdelay $0x1  }
0x8f: {  	(erf) = vpow2.f32 v1;
	_ =	sdelay $0x8  }
0x90: {  	v1 =	vpop (erf)  }
0x91: {  	v1 =	vadd.f32 $1.000000000e+00, v1;
	_ =	sdelay $0x1  }
0x92: {  	(erf) = vrcp.f32 v1;
	_ =	sdelay $0x4  }
0x93: {  	v1 =	vld [tilespmem:$0x2830];
	_ =	sdelay $0x3  }
0x94: {  	v2 =	vpop (erf)  }
0x95: {  	v1 =	vmul.f32 v2, v1;
	_ =	sdelay $0x1  }
0x96: {  	[tilespmem:$0x28B0] =	vst v1  }
0x97: {  	v1 =	vld [tilespmem:s26+$0x40]  }
0x98: {  	v2 =	vld [tilespmem:s26+$0x1440];
	_ =	sdelay $0x6  }
0x99: {  	v1 =	vld.idx.msk [tilespmem:v1+s24+$0x0], $0xffff  }
0x9a: {  	v2 =	vld.idx.msk [tilespmem:v2+s25+$0x0], $0xffff;
	_ =	sdelay $0x4  }
0x9b: {  	v1 =	vadd.f32 v2, v1;
	_ =	sdelay $0x1  }
0x9c: {  	v1 =	vsub.f32 $0.0e+00, v1;
	_ =	sdelay $0x1  }
0x9d: {  	v1 =	vmul.f32 $1.442695020e+00, v1;
	_ =	sdelay $0x1  }
0x9e: {  	(erf) = vpow2.f32 v1;
	_ =	sdelay $0x8  }
0x9f: {  	v1 =	vpop (erf)  }
0xa0: {  	v1 =	vadd.f32 $1.000000000e+00, v1;
	_ =	sdelay $0x1  }
0xa1: {  	(erf) = vrcp.f32 v1;
	_ =	sdelay $0x4  }
0xa2: {  	v1 =	vld [tilespmem:$0x2840];
	_ =	sdelay $0x3  }
0xa3: {  	v2 =	vpop (erf)  }
0xa4: {  	v1 =	vmul.f32 v2, v1;
	_ =	sdelay $0x1  }
0xa5: {  	[tilespmem:$0x28C0] =	vst v1  }
0xa6: {  	v1 =	vld [tilespmem:s26+$0x50]  }
0xa7: {  	v2 =	vld [tilespmem:s26+$0x1450];
	_ =	sdelay $0x6  }
0xa8: {  	v1 =	vld.idx.msk [tilespmem:v1+s24+$0x0], $0xffff  }
0xa9: {  	v2 =	vld.idx.msk [tilespmem:v2+s25+$0x0], $0xffff;
	_ =	sdelay $0x4  }
0xaa: {  	v1 =	vadd.f32 v2, v1;
	_ =	sdelay $0x1  }
0xab: {  	v1 =	vsub.f32 $0.0e+00, v1;
	_ =	sdelay $0x1  }
0xac: {  	v1 =	vmul.f32 $1.442695020e+00, v1;
	_ =	sdelay $0x1  }
0xad: {  	(erf) = vpow2.f32 v1;
	_ =	sdelay $0x8  }
0xae: {  	v1 =	vpop (erf)  }
0xaf: {  	v1 =	vadd.f32 $1.000000000e+00, v1;
	_ =	sdelay $0x1  }
0xb0: {  	(erf) = vrcp.f32 v1;
	_ =	sdelay $0x4  }
0xb1: {  	v1 =	vld [tilespmem:$0x2850];
	_ =	sdelay $0x3  }
0xb2: {  	v2 =	vpop (erf)  }
0xb3: {  	v1 =	vmul.f32 v2, v1;
	_ =	sdelay $0x1  }
0xb4: {  	[tilespmem:$0x28D0] =	vst v1  }
0xb5: {  	v1 =	vld [tilespmem:s26+$0x60]  }
0xb6: {  	v2 =	vld [tilespmem:s26+$0x1460];
	_ =	sdelay $0x6  }
0xb7: {  	v1 =	vld.idx.msk [tilespmem:v1+s24+$0x0], $0xffff  }
0xb8: {  	v2 =	vld.idx.msk [tilespmem:v2+s25+$0x0], $0xffff;
	_ =	sdelay $0x4  }
0xb9: {  	v1 =	vadd.f32 v2, v1;
	_ =	sdelay $0x1  }
0xba: {  	v1 =	vsub.f32 $0.0e+00, v1;
	_ =	sdelay $0x1  }
0xbb: {  	v1 =	vmul.f32 $1.442695020e+00, v1;
	_ =	sdelay $0x1  }
0xbc: {  	(erf) = vpow2.f32 v1;
	_ =	sdelay $0x8  }
0xbd: {  	v1 =	vpop (erf)  }
0xbe: {  	v1 =	vadd.f32 $1.000000000e+00, v1;
	_ =	sdelay $0x1  }
0xbf: {  	(erf) = vrcp.f32 v1;
	_ =	sdelay $0x4  }
0xc0: {  	v1 =	vld [tilespmem:$0x2860];
	_ =	sdelay $0x3  }
0xc1: {  	v2 =	vpop (erf)  }
0xc2: {  	v1 =	vmul.f32 v2, v1;
	_ =	sdelay $0x1  }
0xc3: {  	[tilespmem:$0x28E0] =	vst v1  }
0xc4: {  	v1 =	vld [tilespmem:s26+$0x70]  }
0xc5: {  	v2 =	vld [tilespmem:s26+$0x1470];
	_ =	sdelay $0x6  }
0xc6: {  	v1 =	vld.idx.msk [tilespmem:v1+s24+$0x0], $0xffff  }
0xc7: {  	v2 =	vld.idx.msk [tilespmem:v2+s25+$0x0], $0xffff;
	_ =	sdelay $0x4  }
0xc8: {  	v1 =	vadd.f32 v2, v1;
	_ =	sdelay $0x1  }
0xc9: {  	v1 =	vsub.f32 $0.0e+00, v1;
	_ =	sdelay $0x1  }
0xca: {  	v1 =	vmul.f32 $1.442695020e+00, v1;
	_ =	sdelay $0x1  }
0xcb: {  	(erf) = vpow2.f32 v1;
	_ =	sdelay $0x8  }
0xcc: {  	v1 =	vpop (erf)  }
0xcd: {  	v1 =	vadd.f32 $1.000000000e+00, v1;
	_ =	sdelay $0x1  }
0xce: {  	(erf) = vrcp.f32 v1;
	_ =	sdelay $0x4  }
0xcf: {  	v1 =	vld [tilespmem:$0x2870];
	_ =	sdelay $0x3  }
0xd0: {  	v2 =	vpop (erf)  }
0xd1: {  	v1 =	vmul.f32 v2, v1  }
0xd2: {  	v2 =	vmov s2  }
0xd3: {  	s7 =	simm.s32 $0x2940;
	[tilespmem:$0x28F0] =	vst v1  }
0xd4: {  	v5 =	vld [tilespmem:s7+$0x30]  }
0xd5: {  	v8 =	vld [tilespmem:s7+$0x10]  }
0xd6: {  	v6 =	vld [tilespmem:s7+$0xFFFFFFC0]  }
0xd7: {  	v2 =	vld.idx.msk [tilespmem:v2+s31+$0x0], $0xffff  }
0xd8: {  	v10 =	vld [tilespmem:s7+$0xFFFFFFE0]  }
0xd9: {  	v1 =	vld [tilespmem:s7+$0xFFFFFFF0]  }
0xda: {  	v3 =	vld [tilespmem:s7+$0x20]  }
0xdb: {  	v4 =	vld [tilespmem:s7+$0xFFFFFFD0]  }
0xdc: {  	v9 =	vmul.f32 v5, v2;
	v5 =	vld [tilespmem:s7+$0x0]  }
0xdd: {  	v7 =	vmul.f32 v6, v2  }
0xde: {  	s15 =	simm.s32 $0x2940;
	s14 =	simm.s32 $0x1;
	s26 =	sadd.s32 $0x1400, s26;
	v6 =	vmul.f32 v10, v2;
	v8 =	vmul.f32 v8, v2  }
.LBB2_5:
0xdf: {  	p0 =	sne.s32 s14, $0x7F  }
0xe0: {  	v4 =	vmul.f32 v4, v2;
	v3 =	vmul.f32 v3, v2;
	[tilespmem:s7+$0x30] =	vst v9;
	s15 =	sadd.s32 $0x80, s15;
	s16 =	smov.u32 s14;
	s14 =	sadd.s32 $0x1, s14  }
0xe1: {  	[tilespmem:s7+$0xFFFFFFC0] =	vst v7;
	v7 =	vmul.f32 v1, v2;
	v2 =	vmul.f32 v5, v2  }
0xe2: {  	[tilespmem:s7+$0x10] =	vst v8  }
0xe3: {  	v5 =	vmov s16;
	[tilespmem:s7+$0xFFFFFFE0] =	vst v6  }
0xe4: {  	v1 =	vld [tilespmem:s15+$0xFFFFFFF0];
	[tilespmem:s7+$0xFFFFFFF0] =	vst v7  }
0xe5: {  	v6 =	vld [tilespmem:s15+$0x30];
	[tilespmem:s7+$0x0] =	vst v2  }
0xe6: {  	v8 =	vld [tilespmem:s15+$0x10];
	[tilespmem:s7+$0x20] =	vst v3  }
0xe7: {  	v7 =	vld [tilespmem:s15+$0xFFFFFFC0];
	[tilespmem:s7+$0xFFFFFFD0] =	vst v4;
	s7 =	smov.u32 s15  }
0xe8: {  	v2 =	vld.idx.msk [tilespmem:v5+s31+$0x0], $0xffff  }
0xe9: {  	v10 =	vld [tilespmem:s15+$0xFFFFFFE0]  }
0xea: {  	v3 =	vld [tilespmem:s15+$0x20]  }
.Ltmp1:
0xeb: {  	v4 =	vld [tilespmem:s15+$0xFFFFFFD0];
	(pc) =	sbr.rel @p0 .LBB2_5-.Ltmp1, $3  }
0xec: {  	v5 =	vld [tilespmem:s15+$0x0];
	_ =	sdelay $0x1  }
0xed: {  	v7 =	vmul.f32 v7, v2;
	v9 =	vmul.f32 v6, v2  }
0xee: {  	v8 =	vmul.f32 v8, v2;
	v6 =	vmul.f32 v10, v2  }
0xef: {  	[tilespmem:s7+$0x30] =	vst v9  }
0xf0: {  	[tilespmem:s7+$0xFFFFFFC0] =	vst v7  }
0xf1: {  	v1 =	vmul.f32 v1, v2;
	[tilespmem:s7+$0x10] =	vst v8  }
0xf2: {  	v3 =	vmul.f32 v3, v2;
	[tilespmem:s7+$0xFFFFFFE0] =	vst v6  }
0xf3: {  	v5 =	vmul.f32 v5, v2;
	[tilespmem:s7+$0xFFFFFFF0] =	vst v1  }
0xf4: {  	s0 =	sadd.s32 $0x1, s0;
	v1 =	vmul.f32 v4, v2;
	[tilespmem:s7+$0x20] =	vst v3  }
0xf5: {  	p0 =	sne.s32 s0, $0x28;
	[tilespmem:s7+$0x0] =	vst v5  }
.Ltmp2:
0xf6: {  	[tilespmem:s7+$0xFFFFFFD0] =	vst v1;
	(pc) =	sbr.rel @p0 .LBB2_4-.Ltmp2, $4  }
0xf7: {  	[spmem:s4] =	stream.indirect.scatter.add.f32 [tilespmem:s22], [sflag:$0x2], $0x80, s26, s29, $0xb8;
	[tilespmem:$0x1F800] =	vst v63  }
0xf8: {  	_ =	swait.ge [sflag:s23], $0x4000  }
0xf9: {  	[sflag:s23] =	ssyncset.done $0x0  }
0xfa: {  	[sflag:s23] =	ssyncadd.s32 $0xFFFFC000  }
0xfb: {  	[bflag:$0x0] =	sbarrier.arrive $0xFFFF  }
0xfc: {  	[tilespmem:s22], [sflag:$0x2] =	stream.linear.gather [spmem:s8], $0x4000, $0x38;
	[tilespmem:$0x1F800] =	vst v63  }
0xfd: {  	_ =	swait.ge [sflag:s23], $0x4000  }
0xfe: {  	[sflag:s23] =	ssyncset.done $0x0  }
0xff: {  	s0 =	rddreg [dreg:$0x7];
	[sflag:s23] =	ssyncadd.s32 $0xFFFFC000  }
0x100: {  	[hbm4b:s0+s5] =	stream.linear.scatter [tilespmem:s22], [sflag:$0x2], $0x4000, $0x38;
	[tilespmem:$0x1F800] =	vst v63  }
0x101: {  	_ =	swait.ge [sflag:s23], $0x4000  }
0x102: {  	[sflag:s23] =	ssyncset.done $0x0  }
0x103: {  	[sflag:s23] =	ssyncadd.s32 $0xFFFFC000  }
0x104: {  	[tilespmem:s22], [sflag:$0x2] =	stream.linear.gather [spmem:s9], $0x4000, $0x38;
	[tilespmem:$0x1F800] =	vst v63  }
0x105: {  	_ =	swait.ge [sflag:s23], $0x4000  }
0x106: {  	[sflag:s23] =	ssyncset.done $0x0  }
0x107: {  	[sflag:s23] =	ssyncadd.s32 $0xFFFFC000  }
0x108: {  	[hbm4b:s17+s5] =	stream.linear.scatter [tilespmem:s22], [sflag:$0x2], $0x4000, $0x38;
	[tilespmem:$0x1F800] =	vst v63  }
0x109: {  	_ =	swait.ge [sflag:s23], $0x4000  }
0x10a: {  	[sflag:s23] =	ssyncset.done $0x0  }
0x10b: {  	[sflag:s23] =	ssyncadd.s32 $0xFFFFC000  }
0x10c: {  	[tilespmem:s22], [sflag:$0x2] =	stream.linear.gather [spmem:s10], $0x4000, $0x38;
	[tilespmem:$0x1F800] =	vst v63  }
0x10d: {  	_ =	swait.ge [sflag:s23], $0x4000  }
0x10e: {  	[sflag:s23] =	ssyncset.done $0x0  }
0x10f: {  	[sflag:s23] =	ssyncadd.s32 $0xFFFFC000  }
0x110: {  	[hbm4b:s18+s5] =	stream.linear.scatter [tilespmem:s22], [sflag:$0x2], $0x4000, $0x38;
	[tilespmem:$0x1F800] =	vst v63  }
0x111: {  	_ =	swait.ge [sflag:s23], $0x4000  }
0x112: {  	[sflag:s23] =	ssyncset.done $0x0  }
0x113: {  	[sflag:s23] =	ssyncadd.s32 $0xFFFFC000  }
0x114: {  	[tilespmem:s22], [sflag:$0x2] =	stream.linear.gather [spmem:s11], $0x4000, $0x38;
	[tilespmem:$0x1F800] =	vst v63  }
0x115: {  	_ =	swait.ge [sflag:s23], $0x4000  }
0x116: {  	[sflag:s23] =	ssyncset.done $0x0  }
0x117: {  	[sflag:s23] =	ssyncadd.s32 $0xFFFFC000  }
0x118: {  	[hbm4b:s19+s5] =	stream.linear.scatter [tilespmem:s22], [sflag:$0x2], $0x4000, $0x38;
	[tilespmem:$0x1F800] =	vst v63  }
0x119: {  	_ =	swait.ge [sflag:s23], $0x4000  }
0x11a: {  	[sflag:s23] =	ssyncset.done $0x0  }
0x11b: {  	[sflag:s23] =	ssyncadd.s32 $0xFFFFC000  }
0x11c: {  	[tilespmem:s22], [sflag:$0x2] =	stream.linear.gather [spmem:s12], $0x4000, $0x38;
	[tilespmem:$0x1F800] =	vst v63  }
0x11d: {  	s1 =	sadd.s32 $0x1, s1;
	_ =	swait.ge [sflag:s23], $0x4000  }
0x11e: {  	p0 =	sne.s32 s1, s21;
	[sflag:s23] =	ssyncset.done $0x0  }
.Ltmp3:
0x11f: {  	[sflag:s23] =	ssyncadd.s32 $0xFFFFC000;
	(pc) =	sbr.rel @p0 .LBB2_1-.Ltmp3, $4  }
0x120: {  	[hbm4b:s20+s5] =	stream.linear.scatter [tilespmem:s22], [sflag:$0x2], $0x4000, $0x38;
	[tilespmem:$0x1F800] =	vst v63  }
0x121: {  	_ =	swait.ge [sflag:s23], $0x4000  }
0x122: {  	[sflag:s23] =	ssyncset.done $0x0  }
0x123: {  	[sflag:s23] =	ssyncadd.s32 $0xFFFFC000  }
0x124: {  	_ =	sfence.sel $0x180000  }
0x125: {  	[bflag:$0x0] =	sbarrier.arrive $0xFFFF  }
0x126: {  	_ =	strace $0x90000047  }
0x127: {  	s0 =	stileid.u32;
	[bflag:$0x2] =	sbarrier.arrive $0xFFFF  }
0x128: {  	p0 =	sne.s32 s0, $0x0;
	s0 =	rddreg [dreg:$0x3]  }
0x129: {  	s0 =	sadd.s32 @!p0 $0x100000, s0  }
0x12a: {  	[sflag:s0] =	ssyncadd.tile.s32 @!p0 $0x1;
	_ =	shalt  }
.Lfunc_end2:
_tile_overlayer_lowered:
.L_overlay_start_2:
0x12b: {  	(tag) =	ssettag $0x2  }
0x12c: {  	s0 =	rddreg [dreg:$0x0];
	s2 =	stileid.u32  }
0x12d: {  	s1 =	rddreg [dreg:$0x1];
	p0 =	sne.s32 s2, $0x0  }
0x12e: {  	s3 =	rddreg [dreg:$0x2];
	[bflag:$0x3] =	sbarrier.arrive $0xFFFF;
	s2 =	simm.s32 @!p0 $0x1C02  }
0x12f: {  	[timem:s3], [sflag:s2] =	dma.local @!p0 [hbm:s0], s1  }
0x130: {  	s0 =	simm.s32 @!p0 $0x2  }
0x131: {  	_ =	swait.ge @!p0 [sflag:s0], s1  }
0x132: {  	s1 =	ssub.s32 @!p0 $0x0, s1;
	[sflag:s0] =	ssyncset.done @!p0 $0x0  }
0x133: {  	[sflag:s0] =	ssyncadd.s32 @!p0 s1  }
0x134: {  	[bflag:$0x3] =	sbarrier.arrive $0xFFFF  }
0x135: {  	_ =	shalt  }

</sc_bundles>
